<compile_context>
chip_gen: v7x
topology: tpu7x:2x2x1
jax: 0.10.2.dev20260603
libtpu: 0.0.44.dev20260713+nightly
codegen_flags: <defaults>
</compile_context>

<pallas_src>
import functools

import jax
import jax.numpy as jnp
from jax import lax
from jax.experimental import pallas as pl
from jax.experimental.pallas import tpu as pltpu
from jax.experimental.pallas import tpu_sc as plsc

F32 = jnp.float32
NC = 2
NS = 16
LANES = 16
H = 64


def _silu(x):
    xc = jnp.maximum(x, -30.0)
    d = 1.0 + jnp.exp(-xc)
    y = 1.0 / d
    y = y * (2.0 - d * y)
    return xc * y


def _tc_ab(x, w, b, block_rows=1000):
    n = x.shape[0]

    def body(x_ref, w_ref, b_ref, a_ref, b_out_ref):
        ab = jnp.dot(x_ref[...], w_ref[...], preferred_element_type=F32)
        ab = ab + b_ref[...]
        a_ref[...] = ab[:, :H]
        b_out_ref[...] = ab[:, H:]

    grid = (n // block_rows,)
    return pl.pallas_call(
        body,
        grid=grid,
        in_specs=[
            pl.BlockSpec((block_rows, x.shape[1]), lambda i: (i, 0)),
            pl.BlockSpec(w.shape, lambda i: (0, 0)),
            pl.BlockSpec((1, 2 * H), lambda i: (0, 0)),
        ],
        out_specs=[
            pl.BlockSpec((block_rows, H), lambda i: (i, 0)),
            pl.BlockSpec((block_rows, H), lambda i: (i, 0)),
        ],
        out_shape=[
            jax.ShapeDtypeStruct((n, H), F32),
            jax.ShapeDtypeStruct((n, H), F32),
        ],
    )(x, w, b.reshape(1, 2 * H))


def _tc_update(h, agg0, agg1, wut, wub, bu, wn, bn, block_rows=1000):
    n = h.shape[0]

    def body(h_ref, a0_ref, a1_ref, wut_ref, wub_ref, bu_ref, wn_ref, bn_ref,
             hn_ref, a_ref, b_ref):
        agg = a0_ref[...] + a1_ref[...]
        hu = (jnp.dot(h_ref[...], wut_ref[...], preferred_element_type=F32)
              + jnp.dot(agg, wub_ref[...], preferred_element_type=F32)
              + bu_ref[...])
        hn = jax.nn.silu(hu)
        hn_ref[...] = hn
        ab = jnp.dot(hn, wn_ref[...], preferred_element_type=F32) + bn_ref[...]
        a_ref[...] = ab[:, :H]
        b_ref[...] = ab[:, H:]

    grid = (n // block_rows,)
    bs_rows = lambda w: pl.BlockSpec((block_rows, w), lambda i: (i, 0))
    bs_full = lambda a: pl.BlockSpec(a.shape, lambda i: (0, 0))
    return pl.pallas_call(
        body,
        grid=grid,
        in_specs=[
            bs_rows(H), bs_rows(H), bs_rows(H),
            bs_full(wut), bs_full(wub),
            pl.BlockSpec((1, H), lambda i: (0, 0)),
            bs_full(wn),
            pl.BlockSpec((1, 2 * H), lambda i: (0, 0)),
        ],
        out_specs=[bs_rows(H), bs_rows(H), bs_rows(H)],
        out_shape=[
            jax.ShapeDtypeStruct((n, H), F32),
            jax.ShapeDtypeStruct((n, H), F32),
            jax.ShapeDtypeStruct((n, H), F32),
        ],
    )(h, agg0, agg1, wut, wub, bu.reshape(1, H), wn, bn.reshape(1, 2 * H))


def _sc_edge(a_tab, b_tab, src3d, dst3d):
    n = a_tab.shape[0]
    _, nch, c_sz = src3d.shape
    rpt = n // NS

    mesh = plsc.VectorSubcoreMesh(core_axis_name="c", subcore_axis_name="s")

    @functools.partial(
        pl.kernel,
        out_type=(jax.ShapeDtypeStruct((NS, rpt, H), F32),
                  jax.ShapeDtypeStruct((NS, rpt, H), F32)),
        mesh=mesh,
        compiler_params=pltpu.CompilerParams(use_tc_tiling_on_sc=False),
        scratch_types=[
            pltpu.VMEM((nch, c_sz), jnp.int32),
            pltpu.VMEM((nch, c_sz), jnp.int32),
            pltpu.VMEM((c_sz, H), F32),
            pltpu.VMEM((c_sz, H), F32),
            pltpu.VMEM((c_sz, H), F32),
            pltpu.VMEM((rpt // 5, H), F32),
            pltpu.VMEM_SHARED((n, H), F32),
            pltpu.SemaphoreType.DMA,
            pltpu.SemaphoreType.DMA,
        ],
    )
    def k(a_hbm, b_hbm, src_hbm, dst_hbm, out0, out1,
          srcv, dstv, av, bv, mv, stage, aggsh, sem1, sem2):
        c = lax.axis_index("c")
        s = lax.axis_index("s")
        g = c * NS + s

        q_sz = rpt // 5
        def zrow(i, _):
            for j in range(H // LANES):
                stage[i, pl.ds(j * LANES, LANES)] = jnp.zeros((LANES,), F32)
            return 0
        lax.fori_loop(0, q_sz, zrow, 0)
        def zq(q, _):
            pltpu.sync_copy(stage, aggsh.at[pl.ds(s * rpt + q * q_sz, q_sz)])
            return 0
        lax.fori_loop(0, 5, zq, 0)

        pltpu.sync_copy(src_hbm.at[g], srcv)
        pltpu.sync_copy(dst_hbm.at[g], dstv)
        plsc.subcore_barrier()

        def chunk(kk, _):
            cp1 = pltpu.async_copy(a_hbm.at[srcv.at[kk]], av, sem1)
            cp2 = pltpu.async_copy(b_hbm.at[dstv.at[kk]], bv, sem2)
            cp1.wait()
            cp2.wait()

            def ebody(i, _):
                for j in range(H // LANES):
                    sl = pl.ds(j * LANES, LANES)
                    x = av[i, sl] + bv[i, sl]
                    mv[i, sl] = _silu(x)
                return 0
            lax.fori_loop(0, c_sz, ebody, 0)
            pltpu.sync_copy(mv, aggsh.at[dstv.at[kk]], add=True)
            return 0
        lax.fori_loop(0, nch, chunk, 0)

        plsc.subcore_barrier()

        def cq(q, _):
            pltpu.sync_copy(aggsh.at[pl.ds(s * rpt + q * q_sz, q_sz)], stage)

            @pl.when(c == 0)
            def _():
                pltpu.sync_copy(stage, out0.at[s, pl.ds(q * q_sz, q_sz)])

            @pl.when(c == 1)
            def _():
                pltpu.sync_copy(stage, out1.at[s, pl.ds(q * q_sz, q_sz)])
            return 0
        lax.fori_loop(0, 5, cq, 0)

    return k(a_tab, b_tab, src3d, dst3d)


def _sc_edge_final(p_tab, q_tab, src3d, dst3d):
    _, nch, c_sz = src3d.shape
    ept = nch * c_sz
    e = NC * NS * ept

    mesh = plsc.VectorSubcoreMesh(core_axis_name="c", subcore_axis_name="s")

    @functools.partial(
        pl.kernel,
        out_type=jax.ShapeDtypeStruct((e, H), F32),
        mesh=mesh,
        compiler_params=pltpu.CompilerParams(use_tc_tiling_on_sc=False),
        scratch_types=[
            pltpu.VMEM((nch, c_sz), jnp.int32),
            pltpu.VMEM((nch, c_sz), jnp.int32),
            pltpu.VMEM((c_sz, H), F32),
            pltpu.VMEM((c_sz, H), F32),
            pltpu.VMEM((c_sz, H), F32),
            pltpu.SemaphoreType.DMA,
            pltpu.SemaphoreType.DMA,
        ],
    )
    def k(p_hbm, q_hbm, src_hbm, dst_hbm, uout,
          srcv, dstv, av, bv, uv, sem1, sem2):
        c = lax.axis_index("c")
        s = lax.axis_index("s")
        g = c * NS + s

        pltpu.sync_copy(src_hbm.at[g], srcv)
        pltpu.sync_copy(dst_hbm.at[g], dstv)

        def chunk(kk, _):
            cp1 = pltpu.async_copy(p_hbm.at[srcv.at[kk]], av, sem1)
            cp2 = pltpu.async_copy(q_hbm.at[dstv.at[kk]], bv, sem2)
            cp1.wait()
            cp2.wait()

            def ebody(i, _):
                for j in range(H // LANES):
                    sl = pl.ds(j * LANES, LANES)
                    x = av[i, sl] + bv[i, sl]
                    uv[i, sl] = _silu(x)
                return 0
            lax.fori_loop(0, c_sz, ebody, 0)
            pltpu.sync_copy(uv, uout.at[pl.ds(g * ept + kk * c_sz, c_sz)])
            return 0
        lax.fori_loop(0, nch, chunk, 0)

    return k(p_tab, q_tab, src3d, dst3d)


def _tc_rate(u, w2, b2, block_rows=8000):
    e = u.shape[0]

    def body(u_ref, w2_ref, b2_ref, r_ref):
        z = jnp.dot(u_ref[...], w2_ref[...], preferred_element_type=F32)
        r_ref[...] = jax.nn.softplus(z + b2_ref[...])

    return pl.pallas_call(
        body,
        grid=(e // block_rows,),
        in_specs=[
            pl.BlockSpec((block_rows, H), lambda i: (i, 0)),
            pl.BlockSpec((H, 1), lambda i: (0, 0)),
            pl.BlockSpec((1, 1), lambda i: (0, 0)),
        ],
        out_specs=pl.BlockSpec((block_rows, 1), lambda i: (i, 0)),
        out_shape=jax.ShapeDtypeStruct((e, 1), F32),
    )(u, w2, b2.reshape(1, 1))


def _sc_matrix(src4d, dst4d, r4d, n):
    _, nhalf, half, c_sz = src4d.shape
    nn = n * n
    zpt = nn // (NC * NS)
    zbuf = 25000
    nzcp = zpt // zbuf

    ZU = 5
    mesh = plsc.VectorSubcoreMesh(core_axis_name="c", subcore_axis_name="s")

    @functools.partial(
        pl.kernel,
        out_type=jax.ShapeDtypeStruct((nn,), F32),
        mesh=mesh,
        compiler_params=pltpu.CompilerParams(use_tc_tiling_on_sc=False),
        scratch_types=[
            pltpu.VMEM((half, c_sz), jnp.int32),
            pltpu.VMEM((half, c_sz), jnp.int32),
            pltpu.VMEM((half, c_sz), F32),
            pltpu.VMEM((2, c_sz), jnp.int32),
            pltpu.VMEM((zbuf,), F32),
            pltpu.SemaphoreType.DMA,
            pltpu.SemaphoreType.DMA,
            pltpu.SemaphoreType.DMA,
            pltpu.SemaphoreType.DMA,
            pltpu.SemaphoreType.DMA,
        ],
    )
    def k(src_hbm, dst_hbm, r_hbm, m_out, srcv, dstv, rv, idxv, zv,
          z0, z1, z2, z3, z4):
        c = lax.axis_index("c")
        s = lax.axis_index("s")
        g = c * NS + s

        def zfill(i, _):
            zv[pl.ds(i * LANES, LANES)] = jnp.zeros((LANES,), F32)
            return 0
        lax.fori_loop(0, zbuf // LANES, zfill, 0)
        if zbuf % LANES:
            zv[pl.ds(zbuf - LANES, LANES)] = jnp.zeros((LANES,), F32)

        zsems = (z0, z1, z2, z3, z4)

        def zout(i, _):
            base = g * zpt + i * (ZU * zbuf)
            cps = []
            for u in range(ZU):
                off = pl.multiple_of(base + u * zbuf, 8)
                cps.append(pltpu.async_copy(
                    zv, m_out.at[pl.ds(off, zbuf)], zsems[u]))
            for cp in cps:
                cp.wait()
            return 0
        lax.fori_loop(0, nzcp // ZU, zout, 0)
        plsc.subcore_barrier()

        for h in range(nhalf):
            pltpu.sync_copy(src_hbm.at[s, h], srcv)
            pltpu.sync_copy(dst_hbm.at[s, h], dstv)
            pltpu.sync_copy(r_hbm.at[s, h], rv)

            def chunk2(kk, _):
                def ib0(j, _):
                    sl = pl.ds(j * LANES, LANES)
                    idxv[0, sl] = srcv[2 * kk, sl] * n + dstv[2 * kk, sl]
                    return 0
                lax.fori_loop(0, c_sz // LANES, ib0, 0)
                cp0 = pltpu.async_copy(rv.at[2 * kk], m_out.at[idxv.at[0]], z0)

                def ib1(j, _):
                    sl = pl.ds(j * LANES, LANES)
                    idxv[1, sl] = (srcv[2 * kk + 1, sl] * n
                                   + dstv[2 * kk + 1, sl])
                    return 0
                lax.fori_loop(0, c_sz // LANES, ib1, 0)
                cp1 = pltpu.async_copy(rv.at[2 * kk + 1],
                                       m_out.at[idxv.at[1]], z1)
                cp0.wait()
                cp1.wait()
                return 0
            lax.fori_loop(0, half // 2, chunk2, 0)

    return k(src4d, dst4d, r4d)


def _tc_diag(m, block_rows=128):
    n = m.shape[0]

    def body(m_ref, tile_ref, out_ref):
        rowsum = jnp.sum(m_ref[...], axis=1)
        rr = lax.broadcasted_iota(jnp.int32, (block_rows, block_rows), 0)
        cc = lax.broadcasted_iota(jnp.int32, (block_rows, block_rows), 1)
        out_ref[...] = jnp.where(rr == cc, -rowsum[:, None], tile_ref[...])

    return pl.pallas_call(
        body,
        grid=(pl.cdiv(n, block_rows),),
        in_specs=[
            pl.BlockSpec((block_rows, n), lambda i: (i, 0)),
            pl.BlockSpec((block_rows, block_rows), lambda i: (i, i)),
        ],
        out_specs=pl.BlockSpec((block_rows, block_rows), lambda i: (i, i)),
        out_shape=jax.ShapeDtypeStruct((n, n), F32),
        input_output_aliases={0: 0},
    )(m, m)


def kernel(mu, t, context, edge_index, mp_params, edge_mlp_params):
    n = mu.shape[0]
    e = edge_index.shape[1]
    c_sz = 160

    src = edge_index[0].astype(jnp.int32)
    dst = edge_index[1].astype(jnp.int32)
    nw = NC * NS
    nch = e // (nw * c_sz)
    src3d = src.reshape(nw, nch, c_sz)
    dst3d = dst.reshape(nw, nch, c_sz)
    half9 = e // (NS * 2 * c_sz)
    src4d = src.reshape(NS, 2, half9, c_sz)
    dst4d = dst.reshape(NS, 2, half9, c_sz)

    ctx = context.astype(F32)
    d0 = 2 + ctx.shape[1]
    h0 = jnp.concatenate(
        [mu.reshape(n, 1), jnp.broadcast_to(t.reshape(1, 1), (n, 1)), ctx,
         jnp.zeros((n, H - d0), F32)], axis=1)

    def pad_rows(w):
        return jnp.concatenate(
            [w, jnp.zeros((H - w.shape[0], w.shape[1]), F32)], axis=0)

    w1, b1, w2, b2 = edge_mlp_params
    msg_w, msg_b, upd_wt, upd_wb, upd_b = [], [], [], [], []
    for (wm, bm, wu, bu) in mp_params:
        d = wm.shape[0] // 2
        msg_w.append(jnp.concatenate(
            [pad_rows(wm[:d]), pad_rows(wm[d:])], axis=1))
        msg_b.append(jnp.concatenate([bm, jnp.zeros((H,), F32)]))
        upd_wt.append(pad_rows(wu[:d]))
        upd_wb.append(wu[d:])
        upd_b.append(bu)
    msg_w.append(jnp.concatenate([w1[:H], w1[H:]], axis=1))
    msg_b.append(jnp.concatenate([b1, jnp.zeros((H,), F32)]))

    a_tab, b_tab = _tc_ab(h0, msg_w[0], msg_b[0])
    h = h0
    for l in range(len(mp_params)):
        agg0, agg1 = _sc_edge(a_tab, b_tab, src3d, dst3d)
        agg0 = agg0.reshape(n, H)
        agg1 = agg1.reshape(n, H)
        h, a_tab, b_tab = _tc_update(
            h, agg0, agg1, upd_wt[l], upd_wb[l], upd_b[l],
            msg_w[l + 1], msg_b[l + 1])

    u = _sc_edge_final(a_tab, b_tab, src3d, dst3d)
    r = _tc_rate(u, w2, b2).reshape(e)
    m_flat = _sc_matrix(src4d, dst4d, r.reshape(NS, 2, half9, c_sz), n)
    return _tc_diag(m_flat.reshape(n, n))

# --- scband reference (transcript-rebuilt; emitter-appended) ---
"""Pipeline reference for scband-flexible-conditional-gnnrate-matrix-predictor-88940182765951 (READ-ONLY COPY).

The authoritative reference and input builder live on the scoring server;
editing this copy changes nothing except your own understanding.
"""

import jax, jax.numpy as jnp
import numpy as np

N = 10000
E = 640000
CTX = 2
H = 64
L = 4


def _glorot(k, shape):
    lim = 1.0 / np.sqrt(shape[0])
    return jax.random.uniform(k, shape, minval=-lim, maxval=lim, dtype=jnp.float32)


def setup_inputs(seed: int = 0) -> dict:
    key = jax.random.key(seed)
    ks = jax.random.split(key, 32)
    mu = jax.random.uniform(ks[0], (N,), dtype=jnp.float32)
    t = jax.random.uniform(ks[1], (1,), dtype=jnp.float32)
    context = jax.random.normal(ks[2], (N, CTX), dtype=jnp.float32)
    edge_index = jax.random.randint(ks[3], (2, E), 0, N)
    in_dims = [2 + CTX] + [H] * (L - 1)
    mp_params = []
    ki = 4
    for d in in_dims:
        Wm = _glorot(ks[ki], (2 * d, H)); ki += 1
        bm = jnp.zeros((H,), dtype=jnp.float32)
        Wu = _glorot(ks[ki], (d + H, H)); ki += 1
        bu = jnp.zeros((H,), dtype=jnp.float32)
        mp_params.append((Wm, bm, Wu, bu))
    W1 = _glorot(ks[ki], (2 * H, H)); ki += 1
    b1 = jnp.zeros((H,), dtype=jnp.float32)
    W2 = _glorot(ks[ki], (H, 1)); ki += 1
    b2 = jnp.zeros((1,), dtype=jnp.float32)
    edge_mlp_params = (W1, b1, W2, b2)
    return {"mu": mu, "t": t, "context": context, "edge_index": edge_index,
            "mp_params": mp_params, "edge_mlp_params": edge_mlp_params}


def reference(mu, t, context, edge_index, mp_params, edge_mlp_params):
    n = mu.shape[0]
    t_exp = jnp.broadcast_to(t.reshape(1), (n,))
    base = jnp.stack([mu, t_exp], axis=-1)
    h = jnp.concatenate([base, context], axis=-1)
    src, dst = edge_index[0], edge_index[1]
    for (Wm, bm, Wu, bu) in mp_params:
        msg_in = jnp.concatenate([h[src], h[dst]], axis=-1)
        m = jax.nn.silu(msg_in @ Wm + bm)
        agg = jnp.zeros((n, Wm.shape[1]), dtype=h.dtype).at[dst].add(m)
        h = jax.nn.silu(jnp.concatenate([h, agg], axis=-1) @ Wu + bu)
    W1, b1, W2, b2 = edge_mlp_params
    edge_features = jnp.concatenate([h[src], h[dst]], axis=-1)
    edge_rates = jax.nn.softplus((jax.nn.silu(edge_features @ W1 + b1) @ W2 + b2).squeeze(-1))
    rate_matrix = jnp.zeros((n, n), dtype=jnp.float32).at[src, dst].set(edge_rates)
    ar = jnp.arange(n)
    rate_matrix = rate_matrix.at[ar, ar].set(-rate_matrix.sum(axis=-1))
    return rate_matrix

if __name__ == "__main__":
    import jax
    _d = setup_inputs()
    print(jax.jit(kernel)(*tuple(_d.values())))

</pallas_src>

<mosaic_0001>
#map = affine_map<(d0, d1) -> (0, 0)>
#map1 = affine_map<(d0, d1) -> (0, 0, 0)>
module attributes {stable_mosaic.version = 14 : i64} {
  func.func @k(%arg0: i32, %arg1: i32, %arg2: memref<10000x64xf32, #tpu.memory_space<hbm>>, %arg3: memref<10000x64xf32, #tpu.memory_space<hbm>>, %arg4: memref<32x125x160xi32, #tpu.memory_space<hbm>>, %arg5: memref<32x125x160xi32, #tpu.memory_space<hbm>>, %arg6: memref<16x625x64xf32, #tpu.memory_space<hbm>>, %arg7: memref<16x625x64xf32, #tpu.memory_space<hbm>>, %arg8: memref<125x160xi32, #tpu.memory_space<vmem>>, %arg9: memref<125x160xi32, #tpu.memory_space<vmem>>, %arg10: memref<160x64xf32, #tpu.memory_space<vmem>>, %arg11: memref<160x64xf32, #tpu.memory_space<vmem>>, %arg12: memref<160x64xf32, #tpu.memory_space<vmem>>, %arg13: memref<125x64xf32, #tpu.memory_space<vmem>>, %arg14: memref<10000x64xf32, #tpu.memory_space<vmem_shared>>, %arg15: memref<!tpu.dma_semaphore, #tpu.memory_space<semaphore_mem>>, %arg16: memref<!tpu.dma_semaphore, #tpu.memory_space<semaphore_mem>>) attributes {dimension_semantics = [#tpu.dimension_semantics<core_parallel>, #tpu.dimension_semantics<subcore_parallel>], iteration_bounds = array<i64: 2, 16>, scalar_prefetch = 0 : i64, scratch_operands = 9 : i64, tpu.core_type = #tpu.core_type<sc_vector_subcore>, window_params = [{transform_indices = #map}, {transform_indices = #map}, {transform_indices = #map1}, {transform_indices = #map1}, {transform_indices = #map1}, {transform_indices = #map1}]} {
    %mul3A = arith.constant 16 : i32
    %mul3A_0 = arith.muli %arg0, %mul3A : i32
    %add3A = arith.addi %mul3A_0, %arg1 : i32
    %scan3A = arith.constant 0 : i32
    %scan3A_1 = arith.constant 0 : i32
    %scan3A_2 = arith.constant 125 : i32
    %scan3A_3 = arith.addi %scan3A_1, %scan3A_2 : i32
    %scan3A_4 = arith.constant 1 : i32
    %scan3A_5 = scf.for %scan3A_29 = %scan3A_1 to %scan3A_3 step %scan3A_4 iter_args(%scan3A_30 = %scan3A) -> (i32)  : i32 {
      %broadcast_in_dim3A = arith.constant 0.000000e+00 : f32
      %broadcast_in_dim3A_31 = vector.broadcast %broadcast_in_dim3A : f32 to vector<16xf32>
      %swap3A = arith.index_cast %scan3A_29 : i32 to index
      %swap3A_32 = arith.constant 0 : index
      %swap3A_33 = tpu.vector_load %arg13[%swap3A, %swap3A_32] {strides = array<i32>} : memref<125x64xf32, #tpu.memory_space<vmem>>, vector<1x16xf32>,
      %swap3A_34 = vector.shape_cast %swap3A_33 : vector<1x16xf32> to vector<16xf32>
      %swap3A_35 = vector.shape_cast %broadcast_in_dim3A_31 : vector<16xf32> to vector<1x16xf32>
      tpu.vector_store %arg13[%swap3A, %swap3A_32], %swap3A_35 {strides = array<i32>} : memref<125x64xf32, #tpu.memory_space<vmem>>, vector<1x16xf32>,
      %broadcast_in_dim3A_36 = arith.constant 0.000000e+00 : f32
      %broadcast_in_dim3A_37 = vector.broadcast %broadcast_in_dim3A_36 : f32 to vector<16xf32>
      %swap3A_38 = arith.index_cast %scan3A_29 : i32 to index
      %swap3A_39 = arith.constant 16 : index
      %swap3A_40 = tpu.vector_load %arg13[%swap3A_38, %swap3A_39] {strides = array<i32>} : memref<125x64xf32, #tpu.memory_space<vmem>>, vector<1x16xf32>,
      %swap3A_41 = vector.shape_cast %swap3A_40 : vector<1x16xf32> to vector<16xf32>
      %swap3A_42 = vector.shape_cast %broadcast_in_dim3A_37 : vector<16xf32> to vector<1x16xf32>
      tpu.vector_store %arg13[%swap3A_38, %swap3A_39], %swap3A_42 {strides = array<i32>} : memref<125x64xf32, #tpu.memory_space<vmem>>, vector<1x16xf32>,
      %broadcast_in_dim3A_43 = arith.constant 0.000000e+00 : f32
      %broadcast_in_dim3A_44 = vector.broadcast %broadcast_in_dim3A_43 : f32 to vector<16xf32>
      %swap3A_45 = arith.index_cast %scan3A_29 : i32 to index
      %swap3A_46 = arith.constant 32 : index
      %swap3A_47 = tpu.vector_load %arg13[%swap3A_45, %swap3A_46] {strides = array<i32>} : memref<125x64xf32, #tpu.memory_space<vmem>>, vector<1x16xf32>,
      %swap3A_48 = vector.shape_cast %swap3A_47 : vector<1x16xf32> to vector<16xf32>
      %swap3A_49 = vector.shape_cast %broadcast_in_dim3A_44 : vector<16xf32> to vector<1x16xf32>
      tpu.vector_store %arg13[%swap3A_45, %swap3A_46], %swap3A_49 {strides = array<i32>} : memref<125x64xf32, #tpu.memory_space<vmem>>, vector<1x16xf32>,
      %broadcast_in_dim3A_50 = arith.constant 0.000000e+00 : f32
      %broadcast_in_dim3A_51 = vector.broadcast %broadcast_in_dim3A_50 : f32 to vector<16xf32>
      %swap3A_52 = arith.index_cast %scan3A_29 : i32 to index
      %swap3A_53 = arith.constant 48 : index
      %swap3A_54 = tpu.vector_load %arg13[%swap3A_52, %swap3A_53] {strides = array<i32>} : memref<125x64xf32, #tpu.memory_space<vmem>>, vector<1x16xf32>,
      %swap3A_55 = vector.shape_cast %swap3A_54 : vector<1x16xf32> to vector<16xf32>
      %swap3A_56 = vector.shape_cast %broadcast_in_dim3A_51 : vector<16xf32> to vector<1x16xf32>
      tpu.vector_store %arg13[%swap3A_52, %swap3A_53], %swap3A_56 {strides = array<i32>} : memref<125x64xf32, #tpu.memory_space<vmem>>, vector<1x16xf32>,
      %scan3A_57 = arith.constant 0 : i32
      scf.yield %scan3A_57 : i32
    }
    %scan3A_6 = arith.constant 125 : i32
    %scan3A_7 = arith.constant 0 : i32
    %scan3A_8 = arith.constant 0 : i32
    %scan3A_9 = arith.constant 5 : i32
    %scan3A_10 = arith.addi %scan3A_8, %scan3A_9 : i32
    %scan3A_11 = arith.constant 1 : i32
    %scan3A_12 = scf.for %scan3A_29 = %scan3A_8 to %scan3A_10 step %scan3A_11 iter_args(%scan3A_30 = %scan3A_7) -> (i32)  : i32 {
      %mul3A_31 = arith.constant 625 : i32
      %mul3A_32 = arith.muli %arg1, %mul3A_31 : i32
      %mul3A_33 = arith.constant 125 : i32
      %mul3A_34 = arith.muli %scan3A_29, %mul3A_33 : i32
      %add3A_35 = arith.addi %mul3A_32, %mul3A_34 : i32
      "tpu.region"() ({
        %run_scoped3A = tpu.sem_alloc : memref<!tpu.dma_semaphore, #tpu.memory_space<semaphore_mem>>
        %dma_start3A = arith.constant 0 : i32
        %dma_start3A_37 = tpu.memref_slice %arg14[%add3A_35, %dma_start3A] : memref<10000x64xf32, #tpu.memory_space<vmem_shared>> -> memref<125x64xf32, #tpu.memory_space<vmem_shared>>
        %dma_start3A_38 = arith.constant 0 : i32
        %dma_start3A_39 = tpu.memref_slice %arg14[%add3A_35, %dma_start3A_38] : memref<10000x64xf32, #tpu.memory_space<vmem_shared>> -> memref<125x64xf32, #tpu.memory_space<vmem_shared>>
        tpu.enqueue_dma source(%arg13 : memref<125x64xf32, #tpu.memory_space<vmem>>) target(%dma_start3A_39 : memref<125x64xf32, #tpu.memory_space<vmem_shared>>) target_semaphore(%run_scoped3A : memref<!tpu.dma_semaphore, #tpu.memory_space<semaphore_mem>>)
        %dma_wait3A = arith.constant 0 : i32
        %dma_wait3A_40 = tpu.memref_slice %arg14[%add3A_35, %dma_wait3A] : memref<10000x64xf32, #tpu.memory_space<vmem_shared>> -> memref<125x64xf32, #tpu.memory_space<vmem_shared>>
        %dma_wait3A_41 = arith.constant 0 : i32
        %dma_wait3A_42 = tpu.memref_slice %arg14[%add3A_35, %dma_wait3A_41] : memref<10000x64xf32, #tpu.memory_space<vmem_shared>> -> memref<125x64xf32, #tpu.memory_space<vmem_shared>>
        tpu.wait_dma2 semaphore(%run_scoped3A : memref<!tpu.dma_semaphore, #tpu.memory_space<semaphore_mem>>) src(%arg13 : memref<125x64xf32, #tpu.memory_space<vmem>>) dst(%dma_wait3A_42 : memref<125x64xf32, #tpu.memory_space<vmem_shared>>)
        tpu.yield
      }) : () -> ()
      %scan3A_36 = arith.constant 0 : i32
      scf.yield %scan3A_36 : i32
    }
    %scan3A_13 = arith.constant 5 : i32
    "tpu.region"() ({
      %run_scoped3A = tpu.sem_alloc : memref<!tpu.dma_semaphore, #tpu.memory_space<semaphore_mem>>
      %dma_start3A = arith.constant 0 : i32
      %dma_start3A_29 = arith.constant 0 : i32
      %dma_start3A_30 = tpu.memref_slice %arg4[%add3A, %dma_start3A, %dma_start3A_29] : memref<32x125x160xi32, #tpu.memory_space<hbm>> -> memref<1x125x160xi32, #tpu.memory_space<hbm>>
      %dma_start3A_31 = tpu.memref_squeeze %dma_start3A_30 : memref<1x125x160xi32, #tpu.memory_space<hbm>> -> memref<125x160xi32, #tpu.memory_space<hbm>>
      %dma_start3A_32 = arith.constant 0 : i32
      %dma_start3A_33 = arith.constant 0 : i32
      %dma_start3A_34 = tpu.memref_slice %arg4[%add3A, %dma_start3A_32, %dma_start3A_33] : memref<32x125x160xi32, #tpu.memory_space<hbm>> -> memref<1x125x160xi32, #tpu.memory_space<hbm>>
      %dma_start3A_35 = tpu.memref_squeeze %dma_start3A_34 : memref<1x125x160xi32, #tpu.memory_space<hbm>> -> memref<125x160xi32, #tpu.memory_space<hbm>>
      tpu.enqueue_dma source(%dma_start3A_35 : memref<125x160xi32, #tpu.memory_space<hbm>>) target(%arg8 : memref<125x160xi32, #tpu.memory_space<vmem>>) target_semaphore(%run_scoped3A : memref<!tpu.dma_semaphore, #tpu.memory_space<semaphore_mem>>)
      %dma_wait3A = arith.constant 0 : i32
      %dma_wait3A_36 = arith.constant 0 : i32
      %dma_wait3A_37 = tpu.memref_slice %arg4[%add3A, %dma_wait3A, %dma_wait3A_36] : memref<32x125x160xi32, #tpu.memory_space<hbm>> -> memref<1x125x160xi32, #tpu.memory_space<hbm>>
      %dma_wait3A_38 = tpu.memref_squeeze %dma_wait3A_37 : memref<1x125x160xi32, #tpu.memory_space<hbm>> -> memref<125x160xi32, #tpu.memory_space<hbm>>
      %dma_wait3A_39 = arith.constant 0 : i32
      %dma_wait3A_40 = arith.constant 0 : i32
      %dma_wait3A_41 = tpu.memref_slice %arg4[%add3A, %dma_wait3A_39, %dma_wait3A_40] : memref<32x125x160xi32, #tpu.memory_space<hbm>> -> memref<1x125x160xi32, #tpu.memory_space<hbm>>
      %dma_wait3A_42 = tpu.memref_squeeze %dma_wait3A_41 : memref<1x125x160xi32, #tpu.memory_space<hbm>> -> memref<125x160xi32, #tpu.memory_space<hbm>>
      tpu.wait_dma2 semaphore(%run_scoped3A : memref<!tpu.dma_semaphore, #tpu.memory_space<semaphore_mem>>) src(%dma_wait3A_42 : memref<125x160xi32, #tpu.memory_space<hbm>>) dst(%arg8 : memref<125x160xi32, #tpu.memory_space<vmem>>)
      tpu.yield
    }) : () -> ()
    "tpu.region"() ({
      %run_scoped3A = tpu.sem_alloc : memref<!tpu.dma_semaphore, #tpu.memory_space<semaphore_mem>>
      %dma_start3A = arith.constant 0 : i32
      %dma_start3A_29 = arith.constant 0 : i32
      %dma_start3A_30 = tpu.memref_slice %arg5[%add3A, %dma_start3A, %dma_start3A_29] : memref<32x125x160xi32, #tpu.memory_space<hbm>> -> memref<1x125x160xi32, #tpu.memory_space<hbm>>
      %dma_start3A_31 = tpu.memref_squeeze %dma_start3A_30 : memref<1x125x160xi32, #tpu.memory_space<hbm>> -> memref<125x160xi32, #tpu.memory_space<hbm>>
      %dma_start3A_32 = arith.constant 0 : i32
      %dma_start3A_33 = arith.constant 0 : i32
      %dma_start3A_34 = tpu.memref_slice %arg5[%add3A, %dma_start3A_32, %dma_start3A_33] : memref<32x125x160xi32, #tpu.memory_space<hbm>> -> memref<1x125x160xi32, #tpu.memory_space<hbm>>
      %dma_start3A_35 = tpu.memref_squeeze %dma_start3A_34 : memref<1x125x160xi32, #tpu.memory_space<hbm>> -> memref<125x160xi32, #tpu.memory_space<hbm>>
      tpu.enqueue_dma source(%dma_start3A_35 : memref<125x160xi32, #tpu.memory_space<hbm>>) target(%arg9 : memref<125x160xi32, #tpu.memory_space<vmem>>) target_semaphore(%run_scoped3A : memref<!tpu.dma_semaphore, #tpu.memory_space<semaphore_mem>>)
      %dma_wait3A = arith.constant 0 : i32
      %dma_wait3A_36 = arith.constant 0 : i32
      %dma_wait3A_37 = tpu.memref_slice %arg5[%add3A, %dma_wait3A, %dma_wait3A_36] : memref<32x125x160xi32, #tpu.memory_space<hbm>> -> memref<1x125x160xi32, #tpu.memory_space<hbm>>
      %dma_wait3A_38 = tpu.memref_squeeze %dma_wait3A_37 : memref<1x125x160xi32, #tpu.memory_space<hbm>> -> memref<125x160xi32, #tpu.memory_space<hbm>>
      %dma_wait3A_39 = arith.constant 0 : i32
      %dma_wait3A_40 = arith.constant 0 : i32
      %dma_wait3A_41 = tpu.memref_slice %arg5[%add3A, %dma_wait3A_39, %dma_wait3A_40] : memref<32x125x160xi32, #tpu.memory_space<hbm>> -> memref<1x125x160xi32, #tpu.memory_space<hbm>>
      %dma_wait3A_42 = tpu.memref_squeeze %dma_wait3A_41 : memref<1x125x160xi32, #tpu.memory_space<hbm>> -> memref<125x160xi32, #tpu.memory_space<hbm>>
      tpu.wait_dma2 semaphore(%run_scoped3A : memref<!tpu.dma_semaphore, #tpu.memory_space<semaphore_mem>>) src(%dma_wait3A_42 : memref<125x160xi32, #tpu.memory_space<hbm>>) dst(%arg9 : memref<125x160xi32, #tpu.memory_space<vmem>>)
      tpu.yield
    }) : () -> ()
    %barrier3A = arith.constant 0 : index
    tpu.barrier barrier_id(%barrier3A)
    %scan3A_14 = arith.constant 0 : i32
    %scan3A_15 = arith.constant 0 : i32
    %scan3A_16 = arith.constant 125 : i32
    %scan3A_17 = arith.addi %scan3A_15, %scan3A_16 : i32
    %scan3A_18 = arith.constant 1 : i32
    %scan3A_19 = scf.for %scan3A_29 = %scan3A_15 to %scan3A_17 step %scan3A_18 iter_args(%scan3A_30 = %scan3A_14) -> (i32)  : i32 {
      %dma_start3A = arith.constant 0 : i32
      %dma_start3A_31 = tpu.memref_slice %arg8[%scan3A_29, %dma_start3A] : memref<125x160xi32, #tpu.memory_space<vmem>> -> memref<1x160xi32, #tpu.memory_space<vmem>>
      %dma_start3A_32 = tpu.memref_squeeze %dma_start3A_31 : memref<1x160xi32, #tpu.memory_space<vmem>> -> memref<160xi32, #tpu.memory_space<vmem>>
      %dma_start3A_33 = arith.constant 0 : i32
      %dma_start3A_34 = arith.constant 0 : i32
      %dma_start3A_35 = tpu.memref_slice %arg2[%dma_start3A_33, %dma_start3A_34] : memref<10000x64xf32, #tpu.memory_space<hbm>> -> memref<10000x64xf32, #tpu.memory_space<hbm>>
      tpu.enqueue_indirect_dma source(%dma_start3A_35 : memref<10000x64xf32, #tpu.memory_space<hbm>>) target(%arg10 : memref<160x64xf32, #tpu.memory_space<vmem>>) offsets(%dma_start3A_32 : memref<160xi32, #tpu.memory_space<vmem>>) semaphore(%arg15 : memref<!tpu.dma_semaphore, #tpu.memory_space<semaphore_mem>>)
      %dma_start3A_36 = arith.constant 0 : i32
      %dma_start3A_37 = tpu.memref_slice %arg9[%scan3A_29, %dma_start3A_36] : memref<125x160xi32, #tpu.memory_space<vmem>> -> memref<1x160xi32, #tpu.memory_space<vmem>>
      %dma_start3A_38 = tpu.memref_squeeze %dma_start3A_37 : memref<1x160xi32, #tpu.memory_space<vmem>> -> memref<160xi32, #tpu.memory_space<vmem>>
      %dma_start3A_39 = arith.constant 0 : i32
      %dma_start3A_40 = arith.constant 0 : i32
      %dma_start3A_41 = tpu.memref_slice %arg3[%dma_start3A_39, %dma_start3A_40] : memref<10000x64xf32, #tpu.memory_space<hbm>> -> memref<10000x64xf32, #tpu.memory_space<hbm>>
      tpu.enqueue_indirect_dma source(%dma_start3A_41 : memref<10000x64xf32, #tpu.memory_space<hbm>>) target(%arg11 : memref<160x64xf32, #tpu.memory_space<vmem>>) offsets(%dma_start3A_38 : memref<160xi32, #tpu.memory_space<vmem>>) semaphore(%arg16 : memref<!tpu.dma_semaphore, #tpu.memory_space<semaphore_mem>>)
      %dma_wait3A = arith.constant 0 : i32
      %dma_wait3A_42 = tpu.memref_slice %arg8[%scan3A_29, %dma_wait3A] : memref<125x160xi32, #tpu.memory_space<vmem>> -> memref<1x160xi32, #tpu.memory_space<vmem>>
      %dma_wait3A_43 = tpu.memref_squeeze %dma_wait3A_42 : memref<1x160xi32, #tpu.memory_space<vmem>> -> memref<160xi32, #tpu.memory_space<vmem>>
      %dma_wait3A_44 = arith.constant 0 : i32
      %dma_wait3A_45 = arith.constant 0 : i32
      %dma_wait3A_46 = tpu.memref_slice %arg2[%dma_wait3A_44, %dma_wait3A_45] : memref<10000x64xf32, #tpu.memory_space<hbm>> -> memref<10000x64xf32, #tpu.memory_space<hbm>>
      tpu.wait_indirect_dma semaphore(%arg15 : memref<!tpu.dma_semaphore, #tpu.memory_space<semaphore_mem>>) src(%dma_wait3A_46 : memref<10000x64xf32, #tpu.memory_space<hbm>>) dst(%arg10 : memref<160x64xf32, #tpu.memory_space<vmem>>)
      %dma_wait3A_47 = arith.constant 0 : i32
      %dma_wait3A_48 = tpu.memref_slice %arg9[%scan3A_29, %dma_wait3A_47] : memref<125x160xi32, #tpu.memory_space<vmem>> -> memref<1x160xi32, #tpu.memory_space<vmem>>
      %dma_wait3A_49 = tpu.memref_squeeze %dma_wait3A_48 : memref<1x160xi32, #tpu.memory_space<vmem>> -> memref<160xi32, #tpu.memory_space<vmem>>
      %dma_wait3A_50 = arith.constant 0 : i32
      %dma_wait3A_51 = arith.constant 0 : i32
      %dma_wait3A_52 = tpu.memref_slice %arg3[%dma_wait3A_50, %dma_wait3A_51] : memref<10000x64xf32, #tpu.memory_space<hbm>> -> memref<10000x64xf32, #tpu.memory_space<hbm>>
      tpu.wait_indirect_dma semaphore(%arg16 : memref<!tpu.dma_semaphore, #tpu.memory_space<semaphore_mem>>) src(%dma_wait3A_52 : memref<10000x64xf32, #tpu.memory_space<hbm>>) dst(%arg11 : memref<160x64xf32, #tpu.memory_space<vmem>>)
      %scan3A_53 = arith.constant 0 : i32
      %scan3A_54 = arith.constant 0 : i32
      %scan3A_55 = arith.constant 160 : i32
      %scan3A_56 = arith.addi %scan3A_54, %scan3A_55 : i32
      %scan3A_57 = arith.constant 1 : i32
      %scan3A_58 = scf.for %scan3A_61 = %scan3A_54 to %scan3A_56 step %scan3A_57 iter_args(%scan3A_62 = %scan3A_53) -> (i32)  : i32 {
        %get3A = arith.index_cast %scan3A_61 : i32 to index
        %get3A_63 = arith.constant 0 : index
        %get3A_64 = tpu.vector_load %arg10[%get3A, %get3A_63] {strides = array<i32>} : memref<160x64xf32, #tpu.memory_space<vmem>>, vector<1x16xf32>,
        %get3A_65 = vector.shape_cast %get3A_64 : vector<1x16xf32> to vector<16xf32>
        %get3A_66 = arith.index_cast %scan3A_61 : i32 to index
        %get3A_67 = arith.constant 0 : index
        %get3A_68 = tpu.vector_load %arg11[%get3A_66, %get3A_67] {strides = array<i32>} : memref<160x64xf32, #tpu.memory_space<vmem>>, vector<1x16xf32>,
        %get3A_69 = vector.shape_cast %get3A_68 : vector<1x16xf32> to vector<16xf32>
        %add3A_70 = arith.addf %get3A_65, %get3A_69 : vector<16xf32>
        %max3A = arith.constant -3.000000e+01 : f32
        %max3A_71 = vector.broadcast %max3A : f32 to vector<16xf32>
        %max3A_72 = arith.maximumf %add3A_70, %max3A_71 : vector<16xf32>
        %neg3A = arith.constant 0.000000e+00 : f32
        %neg3A_73 = vector.broadcast %neg3A : f32 to vector<16xf32>
        %neg3A_74 = arith.subf %neg3A_73, %max3A_72 : vector<16xf32>
        %exp3A = math.exp %neg3A_74 : vector<16xf32>
        %add3A_75 = arith.constant 1.000000e+00 : f32
        %add3A_76 = vector.broadcast %add3A_75 : f32 to vector<16xf32>
        %add3A_77 = arith.addf %add3A_76, %exp3A : vector<16xf32>
        %div3A = arith.constant 1.000000e+00 : f32
        %div3A_78 = vector.broadcast %div3A : f32 to vector<16xf32>
        %div3A_79 = arith.divf %div3A_78, %add3A_77 : vector<16xf32>
        %mul3A_80 = arith.mulf %add3A_77, %div3A_79 : vector<16xf32>
        %sub3A = arith.constant 2.000000e+00 : f32
        %sub3A_81 = vector.broadcast %sub3A : f32 to vector<16xf32>
        %sub3A_82 = arith.subf %sub3A_81, %mul3A_80 : vector<16xf32>
        %mul3A_83 = arith.mulf %div3A_79, %sub3A_82 : vector<16xf32>
        %mul3A_84 = arith.mulf %max3A_72, %mul3A_83 : vector<16xf32>
        %swap3A = arith.index_cast %scan3A_61 : i32 to index
        %swap3A_85 = arith.constant 0 : index
        %swap3A_86 = tpu.vector_load %arg12[%swap3A, %swap3A_85] {strides = array<i32>} : memref<160x64xf32, #tpu.memory_space<vmem>>, vector<1x16xf32>,
        %swap3A_87 = vector.shape_cast %swap3A_86 : vector<1x16xf32> to vector<16xf32>
        %swap3A_88 = vector.shape_cast %mul3A_84 : vector<16xf32> to vector<1x16xf32>
        tpu.vector_store %arg12[%swap3A, %swap3A_85], %swap3A_88 {strides = array<i32>} : memref<160x64xf32, #tpu.memory_space<vmem>>, vector<1x16xf32>,
        %get3A_89 = arith.index_cast %scan3A_61 : i32 to index
        %get3A_90 = arith.constant 16 : index
        %get3A_91 = tpu.vector_load %arg10[%get3A_89, %get3A_90] {strides = array<i32>} : memref<160x64xf32, #tpu.memory_space<vmem>>, vector<1x16xf32>,
        %get3A_92 = vector.shape_cast %get3A_91 : vector<1x16xf32> to vector<16xf32>
        %get3A_93 = arith.index_cast %scan3A_61 : i32 to index
        %get3A_94 = arith.constant 16 : index
        %get3A_95 = tpu.vector_load %arg11[%get3A_93, %get3A_94] {strides = array<i32>} : memref<160x64xf32, #tpu.memory_space<vmem>>, vector<1x16xf32>,
        %get3A_96 = vector.shape_cast %get3A_95 : vector<1x16xf32> to vector<16xf32>
        %add3A_97 = arith.addf %get3A_92, %get3A_96 : vector<16xf32>
        %max3A_98 = arith.constant -3.000000e+01 : f32
        %max3A_99 = vector.broadcast %max3A_98 : f32 to vector<16xf32>
        %max3A_100 = arith.maximumf %add3A_97, %max3A_99 : vector<16xf32>
        %neg3A_101 = arith.constant 0.000000e+00 : f32
        %neg3A_102 = vector.broadcast %neg3A_101 : f32 to vector<16xf32>
        %neg3A_103 = arith.subf %neg3A_102, %max3A_100 : vector<16xf32>
        %exp3A_104 = math.exp %neg3A_103 : vector<16xf32>
        %add3A_105 = arith.constant 1.000000e+00 : f32
        %add3A_106 = vector.broadcast %add3A_105 : f32 to vector<16xf32>
        %add3A_107 = arith.addf %add3A_106, %exp3A_104 : vector<16xf32>
        %div3A_108 = arith.constant 1.000000e+00 : f32
        %div3A_109 = vector.broadcast %div3A_108 : f32 to vector<16xf32>
        %div3A_110 = arith.divf %div3A_109, %add3A_107 : vector<16xf32>
        %mul3A_111 = arith.mulf %add3A_107, %div3A_110 : vector<16xf32>
        %sub3A_112 = arith.constant 2.000000e+00 : f32
        %sub3A_113 = vector.broadcast %sub3A_112 : f32 to vector<16xf32>
        %sub3A_114 = arith.subf %sub3A_113, %mul3A_111 : vector<16xf32>
        %mul3A_115 = arith.mulf %div3A_110, %sub3A_114 : vector<16xf32>
        %mul3A_116 = arith.mulf %max3A_100, %mul3A_115 : vector<16xf32>
        %swap3A_117 = arith.index_cast %scan3A_61 : i32 to index
        %swap3A_118 = arith.constant 16 : index
        %swap3A_119 = tpu.vector_load %arg12[%swap3A_117, %swap3A_118] {strides = array<i32>} : memref<160x64xf32, #tpu.memory_space<vmem>>, vector<1x16xf32>,
        %swap3A_120 = vector.shape_cast %swap3A_119 : vector<1x16xf32> to vector<16xf32>
        %swap3A_121 = vector.shape_cast %mul3A_116 : vector<16xf32> to vector<1x16xf32>
        tpu.vector_store %arg12[%swap3A_117, %swap3A_118], %swap3A_121 {strides = array<i32>} : memref<160x64xf32, #tpu.memory_space<vmem>>, vector<1x16xf32>,
        %get3A_122 = arith.index_cast %scan3A_61 : i32 to index
        %get3A_123 = arith.constant 32 : index
        %get3A_124 = tpu.vector_load %arg10[%get3A_122, %get3A_123] {strides = array<i32>} : memref<160x64xf32, #tpu.memory_space<vmem>>, vector<1x16xf32>,
        %get3A_125 = vector.shape_cast %get3A_124 : vector<1x16xf32> to vector<16xf32>
        %get3A_126 = arith.index_cast %scan3A_61 : i32 to index
        %get3A_127 = arith.constant 32 : index
        %get3A_128 = tpu.vector_load %arg11[%get3A_126, %get3A_127] {strides = array<i32>} : memref<160x64xf32, #tpu.memory_space<vmem>>, vector<1x16xf32>,
        %get3A_129 = vector.shape_cast %get3A_128 : vector<1x16xf32> to vector<16xf32>
        %add3A_130 = arith.addf %get3A_125, %get3A_129 : vector<16xf32>
        %max3A_131 = arith.constant -3.000000e+01 : f32
        %max3A_132 = vector.broadcast %max3A_131 : f32 to vector<16xf32>
        %max3A_133 = arith.maximumf %add3A_130, %max3A_132 : vector<16xf32>
        %neg3A_134 = arith.constant 0.000000e+00 : f32
        %neg3A_135 = vector.broadcast %neg3A_134 : f32 to vector<16xf32>
        %neg3A_136 = arith.subf %neg3A_135, %max3A_133 : vector<16xf32>
        %exp3A_137 = math.exp %neg3A_136 : vector<16xf32>
        %add3A_138 = arith.constant 1.000000e+00 : f32
        %add3A_139 = vector.broadcast %add3A_138 : f32 to vector<16xf32>
        %add3A_140 = arith.addf %add3A_139, %exp3A_137 : vector<16xf32>
        %div3A_141 = arith.constant 1.000000e+00 : f32
        %div3A_142 = vector.broadcast %div3A_141 : f32 to vector<16xf32>
        %div3A_143 = arith.divf %div3A_142, %add3A_140 : vector<16xf32>
        %mul3A_144 = arith.mulf %add3A_140, %div3A_143 : vector<16xf32>
        %sub3A_145 = arith.constant 2.000000e+00 : f32
        %sub3A_146 = vector.broadcast %sub3A_145 : f32 to vector<16xf32>
        %sub3A_147 = arith.subf %sub3A_146, %mul3A_144 : vector<16xf32>
        %mul3A_148 = arith.mulf %div3A_143, %sub3A_147 : vector<16xf32>
        %mul3A_149 = arith.mulf %max3A_133, %mul3A_148 : vector<16xf32>
        %swap3A_150 = arith.index_cast %scan3A_61 : i32 to index
        %swap3A_151 = arith.constant 32 : index
        %swap3A_152 = tpu.vector_load %arg12[%swap3A_150, %swap3A_151] {strides = array<i32>} : memref<160x64xf32, #tpu.memory_space<vmem>>, vector<1x16xf32>,
        %swap3A_153 = vector.shape_cast %swap3A_152 : vector<1x16xf32> to vector<16xf32>
        %swap3A_154 = vector.shape_cast %mul3A_149 : vector<16xf32> to vector<1x16xf32>
        tpu.vector_store %arg12[%swap3A_150, %swap3A_151], %swap3A_154 {strides = array<i32>} : memref<160x64xf32, #tpu.memory_space<vmem>>, vector<1x16xf32>,
        %get3A_155 = arith.index_cast %scan3A_61 : i32 to index
        %get3A_156 = arith.constant 48 : index
        %get3A_157 = tpu.vector_load %arg10[%get3A_155, %get3A_156] {strides = array<i32>} : memref<160x64xf32, #tpu.memory_space<vmem>>, vector<1x16xf32>,
        %get3A_158 = vector.shape_cast %get3A_157 : vector<1x16xf32> to vector<16xf32>
        %get3A_159 = arith.index_cast %scan3A_61 : i32 to index
        %get3A_160 = arith.constant 48 : index
        %get3A_161 = tpu.vector_load %arg11[%get3A_159, %get3A_160] {strides = array<i32>} : memref<160x64xf32, #tpu.memory_space<vmem>>, vector<1x16xf32>,
        %get3A_162 = vector.shape_cast %get3A_161 : vector<1x16xf32> to vector<16xf32>
        %add3A_163 = arith.addf %get3A_158, %get3A_162 : vector<16xf32>
        %max3A_164 = arith.constant -3.000000e+01 : f32
        %max3A_165 = vector.broadcast %max3A_164 : f32 to vector<16xf32>
        %max3A_166 = arith.maximumf %add3A_163, %max3A_165 : vector<16xf32>
        %neg3A_167 = arith.constant 0.000000e+00 : f32
        %neg3A_168 = vector.broadcast %neg3A_167 : f32 to vector<16xf32>
        %neg3A_169 = arith.subf %neg3A_168, %max3A_166 : vector<16xf32>
        %exp3A_170 = math.exp %neg3A_169 : vector<16xf32>
        %add3A_171 = arith.constant 1.000000e+00 : f32
        %add3A_172 = vector.broadcast %add3A_171 : f32 to vector<16xf32>
        %add3A_173 = arith.addf %add3A_172, %exp3A_170 : vector<16xf32>
        %div3A_174 = arith.constant 1.000000e+00 : f32
        %div3A_175 = vector.broadcast %div3A_174 : f32 to vector<16xf32>
        %div3A_176 = arith.divf %div3A_175, %add3A_173 : vector<16xf32>
        %mul3A_177 = arith.mulf %add3A_173, %div3A_176 : vector<16xf32>
        %sub3A_178 = arith.constant 2.000000e+00 : f32
        %sub3A_179 = vector.broadcast %sub3A_178 : f32 to vector<16xf32>
        %sub3A_180 = arith.subf %sub3A_179, %mul3A_177 : vector<16xf32>
        %mul3A_181 = arith.mulf %div3A_176, %sub3A_180 : vector<16xf32>
        %mul3A_182 = arith.mulf %max3A_166, %mul3A_181 : vector<16xf32>
        %swap3A_183 = arith.index_cast %scan3A_61 : i32 to index
        %swap3A_184 = arith.constant 48 : index
        %swap3A_185 = tpu.vector_load %arg12[%swap3A_183, %swap3A_184] {strides = array<i32>} : memref<160x64xf32, #tpu.memory_space<vmem>>, vector<1x16xf32>,
        %swap3A_186 = vector.shape_cast %swap3A_185 : vector<1x16xf32> to vector<16xf32>
        %swap3A_187 = vector.shape_cast %mul3A_182 : vector<16xf32> to vector<1x16xf32>
        tpu.vector_store %arg12[%swap3A_183, %swap3A_184], %swap3A_187 {strides = array<i32>} : memref<160x64xf32, #tpu.memory_space<vmem>>, vector<1x16xf32>,
        %scan3A_188 = arith.constant 0 : i32
        scf.yield %scan3A_188 : i32
      }
      %scan3A_59 = arith.constant 160 : i32
      "tpu.region"() ({
        %run_scoped3A = tpu.sem_alloc : memref<!tpu.dma_semaphore, #tpu.memory_space<semaphore_mem>>
        %dma_start3A_61 = arith.constant 0 : i32
        %dma_start3A_62 = tpu.memref_slice %arg9[%scan3A_29, %dma_start3A_61] : memref<125x160xi32, #tpu.memory_space<vmem>> -> memref<1x160xi32, #tpu.memory_space<vmem>>
        %dma_start3A_63 = tpu.memref_squeeze %dma_start3A_62 : memref<1x160xi32, #tpu.memory_space<vmem>> -> memref<160xi32, #tpu.memory_space<vmem>>
        %dma_start3A_64 = arith.constant 0 : i32
        %dma_start3A_65 = arith.constant 0 : i32
        %dma_start3A_66 = tpu.memref_slice %arg14[%dma_start3A_64, %dma_start3A_65] : memref<10000x64xf32, #tpu.memory_space<vmem_shared>> -> memref<10000x64xf32, #tpu.memory_space<vmem_shared>>
        tpu.enqueue_indirect_dma source(%arg12 : memref<160x64xf32, #tpu.memory_space<vmem>>) target(%dma_start3A_66 : memref<10000x64xf32, #tpu.memory_space<vmem_shared>>) offsets(%dma_start3A_63 : memref<160xi32, #tpu.memory_space<vmem>>) semaphore(%run_scoped3A : memref<!tpu.dma_semaphore, #tpu.memory_space<semaphore_mem>>) {add = true}
        %dma_wait3A_67 = arith.constant 0 : i32
        %dma_wait3A_68 = tpu.memref_slice %arg9[%scan3A_29, %dma_wait3A_67] : memref<125x160xi32, #tpu.memory_space<vmem>> -> memref<1x160xi32, #tpu.memory_space<vmem>>
        %dma_wait3A_69 = tpu.memref_squeeze %dma_wait3A_68 : memref<1x160xi32, #tpu.memory_space<vmem>> -> memref<160xi32, #tpu.memory_space<vmem>>
        %dma_wait3A_70 = arith.constant 0 : i32
        %dma_wait3A_71 = arith.constant 0 : i32
        %dma_wait3A_72 = tpu.memref_slice %arg14[%dma_wait3A_70, %dma_wait3A_71] : memref<10000x64xf32, #tpu.memory_space<vmem_shared>> -> memref<10000x64xf32, #tpu.memory_space<vmem_shared>>
        tpu.wait_indirect_dma semaphore(%run_scoped3A : memref<!tpu.dma_semaphore, #tpu.memory_space<semaphore_mem>>) src(%arg12 : memref<160x64xf32, #tpu.memory_space<vmem>>) dst(%dma_wait3A_72 : memref<10000x64xf32, #tpu.memory_space<vmem_shared>>)
        tpu.yield
      }) : () -> ()
      %scan3A_60 = arith.constant 0 : i32
      scf.yield %scan3A_60 : i32
    }
    %scan3A_20 = arith.constant 125 : i32
    %barrier3A_21 = arith.constant 0 : index
    tpu.barrier barrier_id(%barrier3A_21)
    %scan3A_22 = arith.constant 0 : i32
    %scan3A_23 = arith.constant 0 : i32
    %scan3A_24 = arith.constant 5 : i32
    %scan3A_25 = arith.addi %scan3A_23, %scan3A_24 : i32
    %scan3A_26 = arith.constant 1 : i32
    %scan3A_27 = scf.for %scan3A_29 = %scan3A_23 to %scan3A_25 step %scan3A_26 iter_args(%scan3A_30 = %scan3A_22) -> (i32)  : i32 {
      %mul3A_31 = arith.constant 625 : i32
      %mul3A_32 = arith.muli %arg1, %mul3A_31 : i32
      %mul3A_33 = arith.constant 125 : i32
      %mul3A_34 = arith.muli %scan3A_29, %mul3A_33 : i32
      %add3A_35 = arith.addi %mul3A_32, %mul3A_34 : i32
      "tpu.region"() ({
        %run_scoped3A = tpu.sem_alloc : memref<!tpu.dma_semaphore, #tpu.memory_space<semaphore_mem>>
        %dma_start3A = arith.constant 0 : i32
        %dma_start3A_44 = tpu.memref_slice %arg14[%add3A_35, %dma_start3A] : memref<10000x64xf32, #tpu.memory_space<vmem_shared>> -> memref<125x64xf32, #tpu.memory_space<vmem_shared>>
        %dma_start3A_45 = arith.constant 0 : i32
        %dma_start3A_46 = tpu.memref_slice %arg14[%add3A_35, %dma_start3A_45] : memref<10000x64xf32, #tpu.memory_space<vmem_shared>> -> memref<125x64xf32, #tpu.memory_space<vmem_shared>>
        tpu.enqueue_dma source(%dma_start3A_46 : memref<125x64xf32, #tpu.memory_space<vmem_shared>>) target(%arg13 : memref<125x64xf32, #tpu.memory_space<vmem>>) target_semaphore(%run_scoped3A : memref<!tpu.dma_semaphore, #tpu.memory_space<semaphore_mem>>)
        %dma_wait3A = arith.constant 0 : i32
        %dma_wait3A_47 = tpu.memref_slice %arg14[%add3A_35, %dma_wait3A] : memref<10000x64xf32, #tpu.memory_space<vmem_shared>> -> memref<125x64xf32, #tpu.memory_space<vmem_shared>>
        %dma_wait3A_48 = arith.constant 0 : i32
        %dma_wait3A_49 = tpu.memref_slice %arg14[%add3A_35, %dma_wait3A_48] : memref<10000x64xf32, #tpu.memory_space<vmem_shared>> -> memref<125x64xf32, #tpu.memory_space<vmem_shared>>
        tpu.wait_dma2 semaphore(%run_scoped3A : memref<!tpu.dma_semaphore, #tpu.memory_space<semaphore_mem>>) src(%dma_wait3A_49 : memref<125x64xf32, #tpu.memory_space<vmem_shared>>) dst(%arg13 : memref<125x64xf32, #tpu.memory_space<vmem>>)
        tpu.yield
      }) : () -> ()
      %eq3A = arith.constant 0 : i32
      %eq3A_36 = arith.cmpi eq, %arg0, %eq3A : i32
      %convert_element_type3A = arith.extui %eq3A_36 : i1 to i32
      %cond3A = arith.constant 0 : i32
      %cond3A_37 = arith.cmpi ne, %convert_element_type3A, %cond3A : i32
      scf.if %cond3A_37 {
        %mul3A_44 = arith.constant 125 : i32
        %mul3A_45 = arith.muli %scan3A_29, %mul3A_44 : i32
        "tpu.region"() ({
          %run_scoped3A = tpu.sem_alloc : memref<!tpu.dma_semaphore, #tpu.memory_space<semaphore_mem>>
          %dma_start3A = arith.constant 0 : i32
          %dma_start3A_46 = tpu.memref_slice %arg6[%arg1, %mul3A_45, %dma_start3A] : memref<16x625x64xf32, #tpu.memory_space<hbm>> -> memref<1x125x64xf32, #tpu.memory_space<hbm>>
          %dma_start3A_47 = tpu.memref_squeeze %dma_start3A_46 : memref<1x125x64xf32, #tpu.memory_space<hbm>> -> memref<125x64xf32, #tpu.memory_space<hbm>>
          %dma_start3A_48 = arith.constant 0 : i32
          %dma_start3A_49 = tpu.memref_slice %arg6[%arg1, %mul3A_45, %dma_start3A_48] : memref<16x625x64xf32, #tpu.memory_space<hbm>> -> memref<1x125x64xf32, #tpu.memory_space<hbm>>
          %dma_start3A_50 = tpu.memref_squeeze %dma_start3A_49 : memref<1x125x64xf32, #tpu.memory_space<hbm>> -> memref<125x64xf32, #tpu.memory_space<hbm>>
          tpu.enqueue_dma source(%arg13 : memref<125x64xf32, #tpu.memory_space<vmem>>) target(%dma_start3A_50 : memref<125x64xf32, #tpu.memory_space<hbm>>) target_semaphore(%run_scoped3A : memref<!tpu.dma_semaphore, #tpu.memory_space<semaphore_mem>>)
          %dma_wait3A = arith.constant 0 : i32
          %dma_wait3A_51 = tpu.memref_slice %arg6[%arg1, %mul3A_45, %dma_wait3A] : memref<16x625x64xf32, #tpu.memory_space<hbm>> -> memref<1x125x64xf32, #tpu.memory_space<hbm>>
          %dma_wait3A_52 = tpu.memref_squeeze %dma_wait3A_51 : memref<1x125x64xf32, #tpu.memory_space<hbm>> -> memref<125x64xf32, #tpu.memory_space<hbm>>
          %dma_wait3A_53 = arith.constant 0 : i32
          %dma_wait3A_54 = tpu.memref_slice %arg6[%arg1, %mul3A_45, %dma_wait3A_53] : memref<16x625x64xf32, #tpu.memory_space<hbm>> -> memref<1x125x64xf32, #tpu.memory_space<hbm>>
          %dma_wait3A_55 = tpu.memref_squeeze %dma_wait3A_54 : memref<1x125x64xf32, #tpu.memory_space<hbm>> -> memref<125x64xf32, #tpu.memory_space<hbm>>
          tpu.wait_dma2 semaphore(%run_scoped3A : memref<!tpu.dma_semaphore, #tpu.memory_space<semaphore_mem>>) src(%arg13 : memref<125x64xf32, #tpu.memory_space<vmem>>) dst(%dma_wait3A_55 : memref<125x64xf32, #tpu.memory_space<hbm>>)
          tpu.yield
        }) : () -> ()
      } else {
      }
      %eq3A_38 = arith.constant 1 : i32
      %eq3A_39 = arith.cmpi eq, %arg0, %eq3A_38 : i32
      %convert_element_type3A_40 = arith.extui %eq3A_39 : i1 to i32
      %cond3A_41 = arith.constant 0 : i32
      %cond3A_42 = arith.cmpi ne, %convert_element_type3A_40, %cond3A_41 : i32
      scf.if %cond3A_42 {
        %mul3A_44 = arith.constant 125 : i32
        %mul3A_45 = arith.muli %scan3A_29, %mul3A_44 : i32
        "tpu.region"() ({
          %run_scoped3A = tpu.sem_alloc : memref<!tpu.dma_semaphore, #tpu.memory_space<semaphore_mem>>
          %dma_start3A = arith.constant 0 : i32
          %dma_start3A_46 = tpu.memref_slice %arg7[%arg1, %mul3A_45, %dma_start3A] : memref<16x625x64xf32, #tpu.memory_space<hbm>> -> memref<1x125x64xf32, #tpu.memory_space<hbm>>
          %dma_start3A_47 = tpu.memref_squeeze %dma_start3A_46 : memref<1x125x64xf32, #tpu.memory_space<hbm>> -> memref<125x64xf32, #tpu.memory_space<hbm>>
          %dma_start3A_48 = arith.constant 0 : i32
          %dma_start3A_49 = tpu.memref_slice %arg7[%arg1, %mul3A_45, %dma_start3A_48] : memref<16x625x64xf32, #tpu.memory_space<hbm>> -> memref<1x125x64xf32, #tpu.memory_space<hbm>>
          %dma_start3A_50 = tpu.memref_squeeze %dma_start3A_49 : memref<1x125x64xf32, #tpu.memory_space<hbm>> -> memref<125x64xf32, #tpu.memory_space<hbm>>
          tpu.enqueue_dma source(%arg13 : memref<125x64xf32, #tpu.memory_space<vmem>>) target(%dma_start3A_50 : memref<125x64xf32, #tpu.memory_space<hbm>>) target_semaphore(%run_scoped3A : memref<!tpu.dma_semaphore, #tpu.memory_space<semaphore_mem>>)
          %dma_wait3A = arith.constant 0 : i32
          %dma_wait3A_51 = tpu.memref_slice %arg7[%arg1, %mul3A_45, %dma_wait3A] : memref<16x625x64xf32, #tpu.memory_space<hbm>> -> memref<1x125x64xf32, #tpu.memory_space<hbm>>
          %dma_wait3A_52 = tpu.memref_squeeze %dma_wait3A_51 : memref<1x125x64xf32, #tpu.memory_space<hbm>> -> memref<125x64xf32, #tpu.memory_space<hbm>>
          %dma_wait3A_53 = arith.constant 0 : i32
          %dma_wait3A_54 = tpu.memref_slice %arg7[%arg1, %mul3A_45, %dma_wait3A_53] : memref<16x625x64xf32, #tpu.memory_space<hbm>> -> memref<1x125x64xf32, #tpu.memory_space<hbm>>
          %dma_wait3A_55 = tpu.memref_squeeze %dma_wait3A_54 : memref<1x125x64xf32, #tpu.memory_space<hbm>> -> memref<125x64xf32, #tpu.memory_space<hbm>>
          tpu.wait_dma2 semaphore(%run_scoped3A : memref<!tpu.dma_semaphore, #tpu.memory_space<semaphore_mem>>) src(%arg13 : memref<125x64xf32, #tpu.memory_space<vmem>>) dst(%dma_wait3A_55 : memref<125x64xf32, #tpu.memory_space<hbm>>)
          tpu.yield
        }) : () -> ()
      } else {
      }
      %scan3A_43 = arith.constant 0 : i32
      scf.yield %scan3A_43 : i32
    }
    %scan3A_28 = arith.constant 5 : i32
    return
  }
}

#map = affine_map<(d0, d1) -> (0, 0)>
#map1 = affine_map<(d0, d1) -> (0, 0, 0)>
module attributes {stable_mosaic.version = 14 : i64} {
  func.func @k(%arg0: i32, %arg1: i32, %arg2: memref<10000x64xf32, #tpu.memory_space<hbm>>, %arg3: memref<10000x64xf32, #tpu.memory_space<hbm>>, %arg4: memref<32x125x160xi32, #tpu.memory_space<hbm>>, %arg5: memref<32x125x160xi32, #tpu.memory_space<hbm>>, %arg6: memref<16x625x64xf32, #tpu.memory_space<hbm>>, %arg7: memref<16x625x64xf32, #tpu.memory_space<hbm>>, %arg8: memref<125x160xi32, #tpu.memory_space<vmem>>, %arg9: memref<125x160xi32, #tpu.memory_space<vmem>>, %arg10: memref<160x64xf32, #tpu.memory_space<vmem>>, %arg11: memref<160x64xf32, #tpu.memory_space<vmem>>, %arg12: memref<160x64xf32, #tpu.memory_space<vmem>>, %arg13: memref<125x64xf32, #tpu.memory_space<vmem>>, %arg14: memref<10000x64xf32, #tpu.memory_space<vmem_shared>>, %arg15: memref<!tpu.dma_semaphore, #tpu.memory_space<semaphore_mem>>, %arg16: memref<!tpu.dma_semaphore, #tpu.memory_space<semaphore_mem>>) attributes {dimension_semantics = [#tpu.dimension_semantics<core_parallel>, #tpu.dimension_semantics<subcore_parallel>], iteration_bounds = array<i64: 2, 16>, scalar_prefetch = 0 : i64, scratch_operands = 9 : i64, tpu.core_type = #tpu.core_type<sc_vector_subcore>, window_params = [{transform_indices = #map}, {transform_indices = #map}, {transform_indices = #map1}, {transform_indices = #map1}, {transform_indices = #map1}, {transform_indices = #map1}]} {
    %mul3A = arith.constant 16 : i32
    %mul3A_0 = arith.muli %arg0, %mul3A : i32
    %add3A = arith.addi %mul3A_0, %arg1 : i32
    %scan3A = arith.constant 0 : i32
    %scan3A_1 = arith.constant 0 : i32
    %scan3A_2 = arith.constant 125 : i32
    %scan3A_3 = arith.addi %scan3A_1, %scan3A_2 : i32
    %scan3A_4 = arith.constant 1 : i32
    %scan3A_5 = scf.for %scan3A_29 = %scan3A_1 to %scan3A_3 step %scan3A_4 iter_args(%scan3A_30 = %scan3A) -> (i32)  : i32 {
      %broadcast_in_dim3A = arith.constant 0.000000e+00 : f32
      %broadcast_in_dim3A_31 = vector.broadcast %broadcast_in_dim3A : f32 to vector<16xf32>
      %swap3A = arith.index_cast %scan3A_29 : i32 to index
      %swap3A_32 = arith.constant 0 : index
      %swap3A_33 = tpu.vector_load %arg13[%swap3A, %swap3A_32] {strides = array<i32>} : memref<125x64xf32, #tpu.memory_space<vmem>>, vector<1x16xf32>,
      %swap3A_34 = vector.shape_cast %swap3A_33 : vector<1x16xf32> to vector<16xf32>
      %swap3A_35 = vector.shape_cast %broadcast_in_dim3A_31 : vector<16xf32> to vector<1x16xf32>
      tpu.vector_store %arg13[%swap3A, %swap3A_32], %swap3A_35 {strides = array<i32>} : memref<125x64xf32, #tpu.memory_space<vmem>>, vector<1x16xf32>,
      %broadcast_in_dim3A_36 = arith.constant 0.000000e+00 : f32
      %broadcast_in_dim3A_37 = vector.broadcast %broadcast_in_dim3A_36 : f32 to vector<16xf32>
      %swap3A_38 = arith.index_cast %scan3A_29 : i32 to index
      %swap3A_39 = arith.constant 16 : index
      %swap3A_40 = tpu.vector_load %arg13[%swap3A_38, %swap3A_39] {strides = array<i32>} : memref<125x64xf32, #tpu.memory_space<vmem>>, vector<1x16xf32>,
      %swap3A_41 = vector.shape_cast %swap3A_40 : vector<1x16xf32> to vector<16xf32>
      %swap3A_42 = vector.shape_cast %broadcast_in_dim3A_37 : vector<16xf32> to vector<1x16xf32>
      tpu.vector_store %arg13[%swap3A_38, %swap3A_39], %swap3A_42 {strides = array<i32>} : memref<125x64xf32, #tpu.memory_space<vmem>>, vector<1x16xf32>,
      %broadcast_in_dim3A_43 = arith.constant 0.000000e+00 : f32
      %broadcast_in_dim3A_44 = vector.broadcast %broadcast_in_dim3A_43 : f32 to vector<16xf32>
      %swap3A_45 = arith.index_cast %scan3A_29 : i32 to index
      %swap3A_46 = arith.constant 32 : index
      %swap3A_47 = tpu.vector_load %arg13[%swap3A_45, %swap3A_46] {strides = array<i32>} : memref<125x64xf32, #tpu.memory_space<vmem>>, vector<1x16xf32>,
      %swap3A_48 = vector.shape_cast %swap3A_47 : vector<1x16xf32> to vector<16xf32>
      %swap3A_49 = vector.shape_cast %broadcast_in_dim3A_44 : vector<16xf32> to vector<1x16xf32>
      tpu.vector_store %arg13[%swap3A_45, %swap3A_46], %swap3A_49 {strides = array<i32>} : memref<125x64xf32, #tpu.memory_space<vmem>>, vector<1x16xf32>,
      %broadcast_in_dim3A_50 = arith.constant 0.000000e+00 : f32
      %broadcast_in_dim3A_51 = vector.broadcast %broadcast_in_dim3A_50 : f32 to vector<16xf32>
      %swap3A_52 = arith.index_cast %scan3A_29 : i32 to index
      %swap3A_53 = arith.constant 48 : index
      %swap3A_54 = tpu.vector_load %arg13[%swap3A_52, %swap3A_53] {strides = array<i32>} : memref<125x64xf32, #tpu.memory_space<vmem>>, vector<1x16xf32>,
      %swap3A_55 = vector.shape_cast %swap3A_54 : vector<1x16xf32> to vector<16xf32>
      %swap3A_56 = vector.shape_cast %broadcast_in_dim3A_51 : vector<16xf32> to vector<1x16xf32>
      tpu.vector_store %arg13[%swap3A_52, %swap3A_53], %swap3A_56 {strides = array<i32>} : memref<125x64xf32, #tpu.memory_space<vmem>>, vector<1x16xf32>,
      %scan3A_57 = arith.constant 0 : i32
      scf.yield %scan3A_57 : i32
    }
    %scan3A_6 = arith.constant 125 : i32
    %scan3A_7 = arith.constant 0 : i32
    %scan3A_8 = arith.constant 0 : i32
    %scan3A_9 = arith.constant 5 : i32
    %scan3A_10 = arith.addi %scan3A_8, %scan3A_9 : i32
    %scan3A_11 = arith.constant 1 : i32
    %scan3A_12 = scf.for %scan3A_29 = %scan3A_8 to %scan3A_10 step %scan3A_11 iter_args(%scan3A_30 = %scan3A_7) -> (i32)  : i32 {
      %mul3A_31 = arith.constant 625 : i32
      %mul3A_32 = arith.muli %arg1, %mul3A_31 : i32
      %mul3A_33 = arith.constant 125 : i32
      %mul3A_34 = arith.muli %scan3A_29, %mul3A_33 : i32
      %add3A_35 = arith.addi %mul3A_32, %mul3A_34 : i32
      "tpu.region"() ({
        %run_scoped3A = tpu.sem_alloc : memref<!tpu.dma_semaphore, #tpu.memory_space<semaphore_mem>>
        %dma_start3A = arith.constant 0 : i32
        %dma_start3A_37 = tpu.memref_slice %arg14[%add3A_35, %dma_start3A] : memref<10000x64xf32, #tpu.memory_space<vmem_shared>> -> memref<125x64xf32, #tpu.memory_space<vmem_shared>>
        %dma_start3A_38 = arith.constant 0 : i32
        %dma_start3A_39 = tpu.memref_slice %arg14[%add3A_35, %dma_start3A_38] : memref<10000x64xf32, #tpu.memory_space<vmem_shared>> -> memref<125x64xf32, #tpu.memory_space<vmem_shared>>
        tpu.enqueue_dma source(%arg13 : memref<125x64xf32, #tpu.memory_space<vmem>>) target(%dma_start3A_39 : memref<125x64xf32, #tpu.memory_space<vmem_shared>>) target_semaphore(%run_scoped3A : memref<!tpu.dma_semaphore, #tpu.memory_space<semaphore_mem>>)
        %dma_wait3A = arith.constant 0 : i32
        %dma_wait3A_40 = tpu.memref_slice %arg14[%add3A_35, %dma_wait3A] : memref<10000x64xf32, #tpu.memory_space<vmem_shared>> -> memref<125x64xf32, #tpu.memory_space<vmem_shared>>
        %dma_wait3A_41 = arith.constant 0 : i32
        %dma_wait3A_42 = tpu.memref_slice %arg14[%add3A_35, %dma_wait3A_41] : memref<10000x64xf32, #tpu.memory_space<vmem_shared>> -> memref<125x64xf32, #tpu.memory_space<vmem_shared>>
        tpu.wait_dma2 semaphore(%run_scoped3A : memref<!tpu.dma_semaphore, #tpu.memory_space<semaphore_mem>>) src(%arg13 : memref<125x64xf32, #tpu.memory_space<vmem>>) dst(%dma_wait3A_42 : memref<125x64xf32, #tpu.memory_space<vmem_shared>>)
        tpu.yield
      }) : () -> ()
      %scan3A_36 = arith.constant 0 : i32
      scf.yield %scan3A_36 : i32
    }
    %scan3A_13 = arith.constant 5 : i32
    "tpu.region"() ({
      %run_scoped3A = tpu.sem_alloc : memref<!tpu.dma_semaphore, #tpu.memory_space<semaphore_mem>>
      %dma_start3A = arith.constant 0 : i32
      %dma_start3A_29 = arith.constant 0 : i32
      %dma_start3A_30 = tpu.memref_slice %arg4[%add3A, %dma_start3A, %dma_start3A_29] : memref<32x125x160xi32, #tpu.memory_space<hbm>> -> memref<1x125x160xi32, #tpu.memory_space<hbm>>
      %dma_start3A_31 = tpu.memref_squeeze %dma_start3A_30 : memref<1x125x160xi32, #tpu.memory_space<hbm>> -> memref<125x160xi32, #tpu.memory_space<hbm>>
      %dma_start3A_32 = arith.constant 0 : i32
      %dma_start3A_33 = arith.constant 0 : i32
      %dma_start3A_34 = tpu.memref_slice %arg4[%add3A, %dma_start3A_32, %dma_start3A_33] : memref<32x125x160xi32, #tpu.memory_space<hbm>> -> memref<1x125x160xi32, #tpu.memory_space<hbm>>
      %dma_start3A_35 = tpu.memref_squeeze %dma_start3A_34 : memref<1x125x160xi32, #tpu.memory_space<hbm>> -> memref<125x160xi32, #tpu.memory_space<hbm>>
      tpu.enqueue_dma source(%dma_start3A_35 : memref<125x160xi32, #tpu.memory_space<hbm>>) target(%arg8 : memref<125x160xi32, #tpu.memory_space<vmem>>) target_semaphore(%run_scoped3A : memref<!tpu.dma_semaphore, #tpu.memory_space<semaphore_mem>>)
      %dma_wait3A = arith.constant 0 : i32
      %dma_wait3A_36 = arith.constant 0 : i32
      %dma_wait3A_37 = tpu.memref_slice %arg4[%add3A, %dma_wait3A, %dma_wait3A_36] : memref<32x125x160xi32, #tpu.memory_space<hbm>> -> memref<1x125x160xi32, #tpu.memory_space<hbm>>
      %dma_wait3A_38 = tpu.memref_squeeze %dma_wait3A_37 : memref<1x125x160xi32, #tpu.memory_space<hbm>> -> memref<125x160xi32, #tpu.memory_space<hbm>>
      %dma_wait3A_39 = arith.constant 0 : i32
      %dma_wait3A_40 = arith.constant 0 : i32
      %dma_wait3A_41 = tpu.memref_slice %arg4[%add3A, %dma_wait3A_39, %dma_wait3A_40] : memref<32x125x160xi32, #tpu.memory_space<hbm>> -> memref<1x125x160xi32, #tpu.memory_space<hbm>>
      %dma_wait3A_42 = tpu.memref_squeeze %dma_wait3A_41 : memref<1x125x160xi32, #tpu.memory_space<hbm>> -> memref<125x160xi32, #tpu.memory_space<hbm>>
      tpu.wait_dma2 semaphore(%run_scoped3A : memref<!tpu.dma_semaphore, #tpu.memory_space<semaphore_mem>>) src(%dma_wait3A_42 : memref<125x160xi32, #tpu.memory_space<hbm>>) dst(%arg8 : memref<125x160xi32, #tpu.memory_space<vmem>>)
      tpu.yield
    }) : () -> ()
    "tpu.region"() ({
      %run_scoped3A = tpu.sem_alloc : memref<!tpu.dma_semaphore, #tpu.memory_space<semaphore_mem>>
      %dma_start3A = arith.constant 0 : i32
      %dma_start3A_29 = arith.constant 0 : i32
      %dma_start3A_30 = tpu.memref_slice %arg5[%add3A, %dma_start3A, %dma_start3A_29] : memref<32x125x160xi32, #tpu.memory_space<hbm>> -> memref<1x125x160xi32, #tpu.memory_space<hbm>>
      %dma_start3A_31 = tpu.memref_squeeze %dma_start3A_30 : memref<1x125x160xi32, #tpu.memory_space<hbm>> -> memref<125x160xi32, #tpu.memory_space<hbm>>
      %dma_start3A_32 = arith.constant 0 : i32
      %dma_start3A_33 = arith.constant 0 : i32
      %dma_start3A_34 = tpu.memref_slice %arg5[%add3A, %dma_start3A_32, %dma_start3A_33] : memref<32x125x160xi32, #tpu.memory_space<hbm>> -> memref<1x125x160xi32, #tpu.memory_space<hbm>>
      %dma_start3A_35 = tpu.memref_squeeze %dma_start3A_34 : memref<1x125x160xi32, #tpu.memory_space<hbm>> -> memref<125x160xi32, #tpu.memory_space<hbm>>
      tpu.enqueue_dma source(%dma_start3A_35 : memref<125x160xi32, #tpu.memory_space<hbm>>) target(%arg9 : memref<125x160xi32, #tpu.memory_space<vmem>>) target_semaphore(%run_scoped3A : memref<!tpu.dma_semaphore, #tpu.memory_space<semaphore_mem>>)
      %dma_wait3A = arith.constant 0 : i32
      %dma_wait3A_36 = arith.constant 0 : i32
      %dma_wait3A_37 = tpu.memref_slice %arg5[%add3A, %dma_wait3A, %dma_wait3A_36] : memref<32x125x160xi32, #tpu.memory_space<hbm>> -> memref<1x125x160xi32, #tpu.memory_space<hbm>>
      %dma_wait3A_38 = tpu.memref_squeeze %dma_wait3A_37 : memref<1x125x160xi32, #tpu.memory_space<hbm>> -> memref<125x160xi32, #tpu.memory_space<hbm>>
      %dma_wait3A_39 = arith.constant 0 : i32
      %dma_wait3A_40 = arith.constant 0 : i32
      %dma_wait3A_41 = tpu.memref_slice %arg5[%add3A, %dma_wait3A_39, %dma_wait3A_40] : memref<32x125x160xi32, #tpu.memory_space<hbm>> -> memref<1x125x160xi32, #tpu.memory_space<hbm>>
      %dma_wait3A_42 = tpu.memref_squeeze %dma_wait3A_41 : memref<1x125x160xi32, #tpu.memory_space<hbm>> -> memref<125x160xi32, #tpu.memory_space<hbm>>
      tpu.wait_dma2 semaphore(%run_scoped3A : memref<!tpu.dma_semaphore, #tpu.memory_space<semaphore_mem>>) src(%dma_wait3A_42 : memref<125x160xi32, #tpu.memory_space<hbm>>) dst(%arg9 : memref<125x160xi32, #tpu.memory_space<vmem>>)
      tpu.yield
    }) : () -> ()
    %barrier3A = arith.constant 0 : index
    tpu.barrier barrier_id(%barrier3A)
    %scan3A_14 = arith.constant 0 : i32
    %scan3A_15 = arith.constant 0 : i32
    %scan3A_16 = arith.constant 125 : i32
    %scan3A_17 = arith.addi %scan3A_15, %scan3A_16 : i32
    %scan3A_18 = arith.constant 1 : i32
    %scan3A_19 = scf.for %scan3A_29 = %scan3A_15 to %scan3A_17 step %scan3A_18 iter_args(%scan3A_30 = %scan3A_14) -> (i32)  : i32 {
      %dma_start3A = arith.constant 0 : i32
      %dma_start3A_31 = tpu.memref_slice %arg8[%scan3A_29, %dma_start3A] : memref<125x160xi32, #tpu.memory_space<vmem>> -> memref<1x160xi32, #tpu.memory_space<vmem>>
      %dma_start3A_32 = tpu.memref_squeeze %dma_start3A_31 : memref<1x160xi32, #tpu.memory_space<vmem>> -> memref<160xi32, #tpu.memory_space<vmem>>
      %dma_start3A_33 = arith.constant 0 : i32
      %dma_start3A_34 = arith.constant 0 : i32
      %dma_start3A_35 = tpu.memref_slice %arg2[%dma_start3A_33, %dma_start3A_34] : memref<10000x64xf32, #tpu.memory_space<hbm>> -> memref<10000x64xf32, #tpu.memory_space<hbm>>
      tpu.enqueue_indirect_dma source(%dma_start3A_35 : memref<10000x64xf32, #tpu.memory_space<hbm>>) target(%arg10 : memref<160x64xf32, #tpu.memory_space<vmem>>) offsets(%dma_start3A_32 : memref<160xi32, #tpu.memory_space<vmem>>) semaphore(%arg15 : memref<!tpu.dma_semaphore, #tpu.memory_space<semaphore_mem>>)
      %dma_start3A_36 = arith.constant 0 : i32
      %dma_start3A_37 = tpu.memref_slice %arg9[%scan3A_29, %dma_start3A_36] : memref<125x160xi32, #tpu.memory_space<vmem>> -> memref<1x160xi32, #tpu.memory_space<vmem>>
      %dma_start3A_38 = tpu.memref_squeeze %dma_start3A_37 : memref<1x160xi32, #tpu.memory_space<vmem>> -> memref<160xi32, #tpu.memory_space<vmem>>
      %dma_start3A_39 = arith.constant 0 : i32
      %dma_start3A_40 = arith.constant 0 : i32
      %dma_start3A_41 = tpu.memref_slice %arg3[%dma_start3A_39, %dma_start3A_40] : memref<10000x64xf32, #tpu.memory_space<hbm>> -> memref<10000x64xf32, #tpu.memory_space<hbm>>
      tpu.enqueue_indirect_dma source(%dma_start3A_41 : memref<10000x64xf32, #tpu.memory_space<hbm>>) target(%arg11 : memref<160x64xf32, #tpu.memory_space<vmem>>) offsets(%dma_start3A_38 : memref<160xi32, #tpu.memory_space<vmem>>) semaphore(%arg16 : memref<!tpu.dma_semaphore, #tpu.memory_space<semaphore_mem>>)
      %dma_wait3A = arith.constant 0 : i32
      %dma_wait3A_42 = tpu.memref_slice %arg8[%scan3A_29, %dma_wait3A] : memref<125x160xi32, #tpu.memory_space<vmem>> -> memref<1x160xi32, #tpu.memory_space<vmem>>
      %dma_wait3A_43 = tpu.memref_squeeze %dma_wait3A_42 : memref<1x160xi32, #tpu.memory_space<vmem>> -> memref<160xi32, #tpu.memory_space<vmem>>
      %dma_wait3A_44 = arith.constant 0 : i32
      %dma_wait3A_45 = arith.constant 0 : i32
      %dma_wait3A_46 = tpu.memref_slice %arg2[%dma_wait3A_44, %dma_wait3A_45] : memref<10000x64xf32, #tpu.memory_space<hbm>> -> memref<10000x64xf32, #tpu.memory_space<hbm>>
      tpu.wait_indirect_dma semaphore(%arg15 : memref<!tpu.dma_semaphore, #tpu.memory_space<semaphore_mem>>) src(%dma_wait3A_46 : memref<10000x64xf32, #tpu.memory_space<hbm>>) dst(%arg10 : memref<160x64xf32, #tpu.memory_space<vmem>>)
      %dma_wait3A_47 = arith.constant 0 : i32
      %dma_wait3A_48 = tpu.memref_slice %arg9[%scan3A_29, %dma_wait3A_47] : memref<125x160xi32, #tpu.memory_space<vmem>> -> memref<1x160xi32, #tpu.memory_space<vmem>>
      %dma_wait3A_49 = tpu.memref_squeeze %dma_wait3A_48 : memref<1x160xi32, #tpu.memory_space<vmem>> -> memref<160xi32, #tpu.memory_space<vmem>>
      %dma_wait3A_50 = arith.constant 0 : i32
      %dma_wait3A_51 = arith.constant 0 : i32
      %dma_wait3A_52 = tpu.memref_slice %arg3[%dma_wait3A_50, %dma_wait3A_51] : memref<10000x64xf32, #tpu.memory_space<hbm>> -> memref<10000x64xf32, #tpu.memory_space<hbm>>
      tpu.wait_indirect_dma semaphore(%arg16 : memref<!tpu.dma_semaphore, #tpu.memory_space<semaphore_mem>>) src(%dma_wait3A_52 : memref<10000x64xf32, #tpu.memory_space<hbm>>) dst(%arg11 : memref<160x64xf32, #tpu.memory_space<vmem>>)
      %scan3A_53 = arith.constant 0 : i32
      %scan3A_54 = arith.constant 0 : i32
      %scan3A_55 = arith.constant 160 : i32
      %scan3A_56 = arith.addi %scan3A_54, %scan3A_55 : i32
      %scan3A_57 = arith.constant 1 : i32
      %scan3A_58 = scf.for %scan3A_61 = %scan3A_54 to %scan3A_56 step %scan3A_57 iter_args(%scan3A_62 = %scan3A_53) -> (i32)  : i32 {
        %get3A = arith.index_cast %scan3A_61 : i32 to index
        %get3A_63 = arith.constant 0 : index
        %get3A_64 = tpu.vector_load %arg10[%get3A, %get3A_63] {strides = array<i32>} : memref<160x64xf32, #tpu.memory_space<vmem>>, vector<1x16xf32>,
        %get3A_65 = vector.shape_cast %get3A_64 : vector<1x16xf32> to vector<16xf32>
        %get3A_66 = arith.index_cast %scan3A_61 : i32 to index
        %get3A_67 = arith.constant 0 : index
        %get3A_68 = tpu.vector_load %arg11[%get3A_66, %get3A_67] {strides = array<i32>} : memref<160x64xf32, #tpu.memory_space<vmem>>, vector<1x16xf32>,
        %get3A_69 = vector.shape_cast %get3A_68 : vector<1x16xf32> to vector<16xf32>
        %add3A_70 = arith.addf %get3A_65, %get3A_69 : vector<16xf32>
        %max3A = arith.constant -3.000000e+01 : f32
        %max3A_71 = vector.broadcast %max3A : f32 to vector<16xf32>
        %max3A_72 = arith.maximumf %add3A_70, %max3A_71 : vector<16xf32>
        %neg3A = arith.constant 0.000000e+00 : f32
        %neg3A_73 = vector.broadcast %neg3A : f32 to vector<16xf32>
        %neg3A_74 = arith.subf %neg3A_73, %max3A_72 : vector<16xf32>
        %exp3A = math.exp %neg3A_74 : vector<16xf32>
        %add3A_75 = arith.constant 1.000000e+00 : f32
        %add3A_76 = vector.broadcast %add3A_75 : f32 to vector<16xf32>
        %add3A_77 = arith.addf %add3A_76, %exp3A : vector<16xf32>
        %div3A = arith.constant 1.000000e+00 : f32
        %div3A_78 = vector.broadcast %div3A : f32 to vector<16xf32>
        %div3A_79 = arith.divf %div3A_78, %add3A_77 : vector<16xf32>
        %mul3A_80 = arith.mulf %add3A_77, %div3A_79 : vector<16xf32>
        %sub3A = arith.constant 2.000000e+00 : f32
        %sub3A_81 = vector.broadcast %sub3A : f32 to vector<16xf32>
        %sub3A_82 = arith.subf %sub3A_81, %mul3A_80 : vector<16xf32>
        %mul3A_83 = arith.mulf %div3A_79, %sub3A_82 : vector<16xf32>
        %mul3A_84 = arith.mulf %max3A_72, %mul3A_83 : vector<16xf32>
        %swap3A = arith.index_cast %scan3A_61 : i32 to index
        %swap3A_85 = arith.constant 0 : index
        %swap3A_86 = tpu.vector_load %arg12[%swap3A, %swap3A_85] {strides = array<i32>} : memref<160x64xf32, #tpu.memory_space<vmem>>, vector<1x16xf32>,
        %swap3A_87 = vector.shape_cast %swap3A_86 : vector<1x16xf32> to vector<16xf32>
        %swap3A_88 = vector.shape_cast %mul3A_84 : vector<16xf32> to vector<1x16xf32>
        tpu.vector_store %arg12[%swap3A, %swap3A_85], %swap3A_88 {strides = array<i32>} : memref<160x64xf32, #tpu.memory_space<vmem>>, vector<1x16xf32>,
        %get3A_89 = arith.index_cast %scan3A_61 : i32 to index
        %get3A_90 = arith.constant 16 : index
        %get3A_91 = tpu.vector_load %arg10[%get3A_89, %get3A_90] {strides = array<i32>} : memref<160x64xf32, #tpu.memory_space<vmem>>, vector<1x16xf32>,
        %get3A_92 = vector.shape_cast %get3A_91 : vector<1x16xf32> to vector<16xf32>
        %get3A_93 = arith.index_cast %scan3A_61 : i32 to index
        %get3A_94 = arith.constant 16 : index
        %get3A_95 = tpu.vector_load %arg11[%get3A_93, %get3A_94] {strides = array<i32>} : memref<160x64xf32, #tpu.memory_space<vmem>>, vector<1x16xf32>,
        %get3A_96 = vector.shape_cast %get3A_95 : vector<1x16xf32> to vector<16xf32>
        %add3A_97 = arith.addf %get3A_92, %get3A_96 : vector<16xf32>
        %max3A_98 = arith.constant -3.000000e+01 : f32
        %max3A_99 = vector.broadcast %max3A_98 : f32 to vector<16xf32>
        %max3A_100 = arith.maximumf %add3A_97, %max3A_99 : vector<16xf32>
        %neg3A_101 = arith.constant 0.000000e+00 : f32
        %neg3A_102 = vector.broadcast %neg3A_101 : f32 to vector<16xf32>
        %neg3A_103 = arith.subf %neg3A_102, %max3A_100 : vector<16xf32>
        %exp3A_104 = math.exp %neg3A_103 : vector<16xf32>
        %add3A_105 = arith.constant 1.000000e+00 : f32
        %add3A_106 = vector.broadcast %add3A_105 : f32 to vector<16xf32>
        %add3A_107 = arith.addf %add3A_106, %exp3A_104 : vector<16xf32>
        %div3A_108 = arith.constant 1.000000e+00 : f32
        %div3A_109 = vector.broadcast %div3A_108 : f32 to vector<16xf32>
        %div3A_110 = arith.divf %div3A_109, %add3A_107 : vector<16xf32>
        %mul3A_111 = arith.mulf %add3A_107, %div3A_110 : vector<16xf32>
        %sub3A_112 = arith.constant 2.000000e+00 : f32
        %sub3A_113 = vector.broadcast %sub3A_112 : f32 to vector<16xf32>
        %sub3A_114 = arith.subf %sub3A_113, %mul3A_111 : vector<16xf32>
        %mul3A_115 = arith.mulf %div3A_110, %sub3A_114 : vector<16xf32>
        %mul3A_116 = arith.mulf %max3A_100, %mul3A_115 : vector<16xf32>
        %swap3A_117 = arith.index_cast %scan3A_61 : i32 to index
        %swap3A_118 = arith.constant 16 : index
        %swap3A_119 = tpu.vector_load %arg12[%swap3A_117, %swap3A_118] {strides = array<i32>} : memref<160x64xf32, #tpu.memory_space<vmem>>, vector<1x16xf32>,
        %swap3A_120 = vector.shape_cast %swap3A_119 : vector<1x16xf32> to vector<16xf32>
        %swap3A_121 = vector.shape_cast %mul3A_116 : vector<16xf32> to vector<1x16xf32>
        tpu.vector_store %arg12[%swap3A_117, %swap3A_118], %swap3A_121 {strides = array<i32>} : memref<160x64xf32, #tpu.memory_space<vmem>>, vector<1x16xf32>,
        %get3A_122 = arith.index_cast %scan3A_61 : i32 to index
        %get3A_123 = arith.constant 32 : index
        %get3A_124 = tpu.vector_load %arg10[%get3A_122, %get3A_123] {strides = array<i32>} : memref<160x64xf32, #tpu.memory_space<vmem>>, vector<1x16xf32>,
        %get3A_125 = vector.shape_cast %get3A_124 : vector<1x16xf32> to vector<16xf32>
        %get3A_126 = arith.index_cast %scan3A_61 : i32 to index
        %get3A_127 = arith.constant 32 : index
        %get3A_128 = tpu.vector_load %arg11[%get3A_126, %get3A_127] {strides = array<i32>} : memref<160x64xf32, #tpu.memory_space<vmem>>, vector<1x16xf32>,
        %get3A_129 = vector.shape_cast %get3A_128 : vector<1x16xf32> to vector<16xf32>
        %add3A_130 = arith.addf %get3A_125, %get3A_129 : vector<16xf32>
        %max3A_131 = arith.constant -3.000000e+01 : f32
        %max3A_132 = vector.broadcast %max3A_131 : f32 to vector<16xf32>
        %max3A_133 = arith.maximumf %add3A_130, %max3A_132 : vector<16xf32>
        %neg3A_134 = arith.constant 0.000000e+00 : f32
        %neg3A_135 = vector.broadcast %neg3A_134 : f32 to vector<16xf32>
        %neg3A_136 = arith.subf %neg3A_135, %max3A_133 : vector<16xf32>
        %exp3A_137 = math.exp %neg3A_136 : vector<16xf32>
        %add3A_138 = arith.constant 1.000000e+00 : f32
        %add3A_139 = vector.broadcast %add3A_138 : f32 to vector<16xf32>
        %add3A_140 = arith.addf %add3A_139, %exp3A_137 : vector<16xf32>
        %div3A_141 = arith.constant 1.000000e+00 : f32
        %div3A_142 = vector.broadcast %div3A_141 : f32 to vector<16xf32>
        %div3A_143 = arith.divf %div3A_142, %add3A_140 : vector<16xf32>
        %mul3A_144 = arith.mulf %add3A_140, %div3A_143 : vector<16xf32>
        %sub3A_145 = arith.constant 2.000000e+00 : f32
        %sub3A_146 = vector.broadcast %sub3A_145 : f32 to vector<16xf32>
        %sub3A_147 = arith.subf %sub3A_146, %mul3A_144 : vector<16xf32>
        %mul3A_148 = arith.mulf %div3A_143, %sub3A_147 : vector<16xf32>
        %mul3A_149 = arith.mulf %max3A_133, %mul3A_148 : vector<16xf32>
        %swap3A_150 = arith.index_cast %scan3A_61 : i32 to index
        %swap3A_151 = arith.constant 32 : index
        %swap3A_152 = tpu.vector_load %arg12[%swap3A_150, %swap3A_151] {strides = array<i32>} : memref<160x64xf32, #tpu.memory_space<vmem>>, vector<1x16xf32>,
        %swap3A_153 = vector.shape_cast %swap3A_152 : vector<1x16xf32> to vector<16xf32>
        %swap3A_154 = vector.shape_cast %mul3A_149 : vector<16xf32> to vector<1x16xf32>
        tpu.vector_store %arg12[%swap3A_150, %swap3A_151], %swap3A_154 {strides = array<i32>} : memref<160x64xf32, #tpu.memory_space<vmem>>, vector<1x16xf32>,
        %get3A_155 = arith.index_cast %scan3A_61 : i32 to index
        %get3A_156 = arith.constant 48 : index
        %get3A_157 = tpu.vector_load %arg10[%get3A_155, %get3A_156] {strides = array<i32>} : memref<160x64xf32, #tpu.memory_space<vmem>>, vector<1x16xf32>,
        %get3A_158 = vector.shape_cast %get3A_157 : vector<1x16xf32> to vector<16xf32>
        %get3A_159 = arith.index_cast %scan3A_61 : i32 to index
        %get3A_160 = arith.constant 48 : index
        %get3A_161 = tpu.vector_load %arg11[%get3A_159, %get3A_160] {strides = array<i32>} : memref<160x64xf32, #tpu.memory_space<vmem>>, vector<1x16xf32>,
        %get3A_162 = vector.shape_cast %get3A_161 : vector<1x16xf32> to vector<16xf32>
        %add3A_163 = arith.addf %get3A_158, %get3A_162 : vector<16xf32>
        %max3A_164 = arith.constant -3.000000e+01 : f32
        %max3A_165 = vector.broadcast %max3A_164 : f32 to vector<16xf32>
        %max3A_166 = arith.maximumf %add3A_163, %max3A_165 : vector<16xf32>
        %neg3A_167 = arith.constant 0.000000e+00 : f32
        %neg3A_168 = vector.broadcast %neg3A_167 : f32 to vector<16xf32>
        %neg3A_169 = arith.subf %neg3A_168, %max3A_166 : vector<16xf32>
        %exp3A_170 = math.exp %neg3A_169 : vector<16xf32>
        %add3A_171 = arith.constant 1.000000e+00 : f32
        %add3A_172 = vector.broadcast %add3A_171 : f32 to vector<16xf32>
        %add3A_173 = arith.addf %add3A_172, %exp3A_170 : vector<16xf32>
        %div3A_174 = arith.constant 1.000000e+00 : f32
        %div3A_175 = vector.broadcast %div3A_174 : f32 to vector<16xf32>
        %div3A_176 = arith.divf %div3A_175, %add3A_173 : vector<16xf32>
        %mul3A_177 = arith.mulf %add3A_173, %div3A_176 : vector<16xf32>
        %sub3A_178 = arith.constant 2.000000e+00 : f32
        %sub3A_179 = vector.broadcast %sub3A_178 : f32 to vector<16xf32>
        %sub3A_180 = arith.subf %sub3A_179, %mul3A_177 : vector<16xf32>
        %mul3A_181 = arith.mulf %div3A_176, %sub3A_180 : vector<16xf32>
        %mul3A_182 = arith.mulf %max3A_166, %mul3A_181 : vector<16xf32>
        %swap3A_183 = arith.index_cast %scan3A_61 : i32 to index
        %swap3A_184 = arith.constant 48 : index
        %swap3A_185 = tpu.vector_load %arg12[%swap3A_183, %swap3A_184] {strides = array<i32>} : memref<160x64xf32, #tpu.memory_space<vmem>>, vector<1x16xf32>,
        %swap3A_186 = vector.shape_cast %swap3A_185 : vector<1x16xf32> to vector<16xf32>
        %swap3A_187 = vector.shape_cast %mul3A_182 : vector<16xf32> to vector<1x16xf32>
        tpu.vector_store %arg12[%swap3A_183, %swap3A_184], %swap3A_187 {strides = array<i32>} : memref<160x64xf32, #tpu.memory_space<vmem>>, vector<1x16xf32>,
        %scan3A_188 = arith.constant 0 : i32
        scf.yield %scan3A_188 : i32
      }
      %scan3A_59 = arith.constant 160 : i32
      "tpu.region"() ({
        %run_scoped3A = tpu.sem_alloc : memref<!tpu.dma_semaphore, #tpu.memory_space<semaphore_mem>>
        %dma_start3A_61 = arith.constant 0 : i32
        %dma_start3A_62 = tpu.memref_slice %arg9[%scan3A_29, %dma_start3A_61] : memref<125x160xi32, #tpu.memory_space<vmem>> -> memref<1x160xi32, #tpu.memory_space<vmem>>
        %dma_start3A_63 = tpu.memref_squeeze %dma_start3A_62 : memref<1x160xi32, #tpu.memory_space<vmem>> -> memref<160xi32, #tpu.memory_space<vmem>>
        %dma_start3A_64 = arith.constant 0 : i32
        %dma_start3A_65 = arith.constant 0 : i32
        %dma_start3A_66 = tpu.memref_slice %arg14[%dma_start3A_64, %dma_start3A_65] : memref<10000x64xf32, #tpu.memory_space<vmem_shared>> -> memref<10000x64xf32, #tpu.memory_space<vmem_shared>>
        tpu.enqueue_indirect_dma source(%arg12 : memref<160x64xf32, #tpu.memory_space<vmem>>) target(%dma_start3A_66 : memref<10000x64xf32, #tpu.memory_space<vmem_shared>>) offsets(%dma_start3A_63 : memref<160xi32, #tpu.memory_space<vmem>>) semaphore(%run_scoped3A : memref<!tpu.dma_semaphore, #tpu.memory_space<semaphore_mem>>) {add = true}
        %dma_wait3A_67 = arith.constant 0 : i32
        %dma_wait3A_68 = tpu.memref_slice %arg9[%scan3A_29, %dma_wait3A_67] : memref<125x160xi32, #tpu.memory_space<vmem>> -> memref<1x160xi32, #tpu.memory_space<vmem>>
        %dma_wait3A_69 = tpu.memref_squeeze %dma_wait3A_68 : memref<1x160xi32, #tpu.memory_space<vmem>> -> memref<160xi32, #tpu.memory_space<vmem>>
        %dma_wait3A_70 = arith.constant 0 : i32
        %dma_wait3A_71 = arith.constant 0 : i32
        %dma_wait3A_72 = tpu.memref_slice %arg14[%dma_wait3A_70, %dma_wait3A_71] : memref<10000x64xf32, #tpu.memory_space<vmem_shared>> -> memref<10000x64xf32, #tpu.memory_space<vmem_shared>>
        tpu.wait_indirect_dma semaphore(%run_scoped3A : memref<!tpu.dma_semaphore, #tpu.memory_space<semaphore_mem>>) src(%arg12 : memref<160x64xf32, #tpu.memory_space<vmem>>) dst(%dma_wait3A_72 : memref<10000x64xf32, #tpu.memory_space<vmem_shared>>)
        tpu.yield
      }) : () -> ()
      %scan3A_60 = arith.constant 0 : i32
      scf.yield %scan3A_60 : i32
    }
    %scan3A_20 = arith.constant 125 : i32
    %barrier3A_21 = arith.constant 0 : index
    tpu.barrier barrier_id(%barrier3A_21)
    %scan3A_22 = arith.constant 0 : i32
    %scan3A_23 = arith.constant 0 : i32
    %scan3A_24 = arith.constant 5 : i32
    %scan3A_25 = arith.addi %scan3A_23, %scan3A_24 : i32
    %scan3A_26 = arith.constant 1 : i32
    %scan3A_27 = scf.for %scan3A_29 = %scan3A_23 to %scan3A_25 step %scan3A_26 iter_args(%scan3A_30 = %scan3A_22) -> (i32)  : i32 {
      %mul3A_31 = arith.constant 625 : i32
      %mul3A_32 = arith.muli %arg1, %mul3A_31 : i32
      %mul3A_33 = arith.constant 125 : i32
      %mul3A_34 = arith.muli %scan3A_29, %mul3A_33 : i32
      %add3A_35 = arith.addi %mul3A_32, %mul3A_34 : i32
      "tpu.region"() ({
        %run_scoped3A = tpu.sem_alloc : memref<!tpu.dma_semaphore, #tpu.memory_space<semaphore_mem>>
        %dma_start3A = arith.constant 0 : i32
        %dma_start3A_44 = tpu.memref_slice %arg14[%add3A_35, %dma_start3A] : memref<10000x64xf32, #tpu.memory_space<vmem_shared>> -> memref<125x64xf32, #tpu.memory_space<vmem_shared>>
        %dma_start3A_45 = arith.constant 0 : i32
        %dma_start3A_46 = tpu.memref_slice %arg14[%add3A_35, %dma_start3A_45] : memref<10000x64xf32, #tpu.memory_space<vmem_shared>> -> memref<125x64xf32, #tpu.memory_space<vmem_shared>>
        tpu.enqueue_dma source(%dma_start3A_46 : memref<125x64xf32, #tpu.memory_space<vmem_shared>>) target(%arg13 : memref<125x64xf32, #tpu.memory_space<vmem>>) target_semaphore(%run_scoped3A : memref<!tpu.dma_semaphore, #tpu.memory_space<semaphore_mem>>)
        %dma_wait3A = arith.constant 0 : i32
        %dma_wait3A_47 = tpu.memref_slice %arg14[%add3A_35, %dma_wait3A] : memref<10000x64xf32, #tpu.memory_space<vmem_shared>> -> memref<125x64xf32, #tpu.memory_space<vmem_shared>>
        %dma_wait3A_48 = arith.constant 0 : i32
        %dma_wait3A_49 = tpu.memref_slice %arg14[%add3A_35, %dma_wait3A_48] : memref<10000x64xf32, #tpu.memory_space<vmem_shared>> -> memref<125x64xf32, #tpu.memory_space<vmem_shared>>
        tpu.wait_dma2 semaphore(%run_scoped3A : memref<!tpu.dma_semaphore, #tpu.memory_space<semaphore_mem>>) src(%dma_wait3A_49 : memref<125x64xf32, #tpu.memory_space<vmem_shared>>) dst(%arg13 : memref<125x64xf32, #tpu.memory_space<vmem>>)
        tpu.yield
      }) : () -> ()
      %eq3A = arith.constant 0 : i32
      %eq3A_36 = arith.cmpi eq, %arg0, %eq3A : i32
      %convert_element_type3A = arith.extui %eq3A_36 : i1 to i32
      %cond3A = arith.constant 0 : i32
      %cond3A_37 = arith.cmpi ne, %convert_element_type3A, %cond3A : i32
      scf.if %cond3A_37 {
        %mul3A_44 = arith.constant 125 : i32
        %mul3A_45 = arith.muli %scan3A_29, %mul3A_44 : i32
        "tpu.region"() ({
          %run_scoped3A = tpu.sem_alloc : memref<!tpu.dma_semaphore, #tpu.memory_space<semaphore_mem>>
          %dma_start3A = arith.constant 0 : i32
          %dma_start3A_46 = tpu.memref_slice %arg6[%arg1, %mul3A_45, %dma_start3A] : memref<16x625x64xf32, #tpu.memory_space<hbm>> -> memref<1x125x64xf32, #tpu.memory_space<hbm>>
          %dma_start3A_47 = tpu.memref_squeeze %dma_start3A_46 : memref<1x125x64xf32, #tpu.memory_space<hbm>> -> memref<125x64xf32, #tpu.memory_space<hbm>>
          %dma_start3A_48 = arith.constant 0 : i32
          %dma_start3A_49 = tpu.memref_slice %arg6[%arg1, %mul3A_45, %dma_start3A_48] : memref<16x625x64xf32, #tpu.memory_space<hbm>> -> memref<1x125x64xf32, #tpu.memory_space<hbm>>
          %dma_start3A_50 = tpu.memref_squeeze %dma_start3A_49 : memref<1x125x64xf32, #tpu.memory_space<hbm>> -> memref<125x64xf32, #tpu.memory_space<hbm>>
          tpu.enqueue_dma source(%arg13 : memref<125x64xf32, #tpu.memory_space<vmem>>) target(%dma_start3A_50 : memref<125x64xf32, #tpu.memory_space<hbm>>) target_semaphore(%run_scoped3A : memref<!tpu.dma_semaphore, #tpu.memory_space<semaphore_mem>>)
          %dma_wait3A = arith.constant 0 : i32
          %dma_wait3A_51 = tpu.memref_slice %arg6[%arg1, %mul3A_45, %dma_wait3A] : memref<16x625x64xf32, #tpu.memory_space<hbm>> -> memref<1x125x64xf32, #tpu.memory_space<hbm>>
          %dma_wait3A_52 = tpu.memref_squeeze %dma_wait3A_51 : memref<1x125x64xf32, #tpu.memory_space<hbm>> -> memref<125x64xf32, #tpu.memory_space<hbm>>
          %dma_wait3A_53 = arith.constant 0 : i32
          %dma_wait3A_54 = tpu.memref_slice %arg6[%arg1, %mul3A_45, %dma_wait3A_53] : memref<16x625x64xf32, #tpu.memory_space<hbm>> -> memref<1x125x64xf32, #tpu.memory_space<hbm>>
          %dma_wait3A_55 = tpu.memref_squeeze %dma_wait3A_54 : memref<1x125x64xf32, #tpu.memory_space<hbm>> -> memref<125x64xf32, #tpu.memory_space<hbm>>
          tpu.wait_dma2 semaphore(%run_scoped3A : memref<!tpu.dma_semaphore, #tpu.memory_space<semaphore_mem>>) src(%arg13 : memref<125x64xf32, #tpu.memory_space<vmem>>) dst(%dma_wait3A_55 : memref<125x64xf32, #tpu.memory_space<hbm>>)
          tpu.yield
        }) : () -> ()
      } else {
      }
      %eq3A_38 = arith.constant 1 : i32
      %eq3A_39 = arith.cmpi eq, %arg0, %eq3A_38 : i32
      %convert_element_type3A_40 = arith.extui %eq3A_39 : i1 to i32
      %cond3A_41 = arith.constant 0 : i32
      %cond3A_42 = arith.cmpi ne, %convert_element_type3A_40, %cond3A_41 : i32
      scf.if %cond3A_42 {
        %mul3A_44 = arith.constant 125 : i32
        %mul3A_45 = arith.muli %scan3A_29, %mul3A_44 : i32
        "tpu.region"() ({
          %run_scoped3A = tpu.sem_alloc : memref<!tpu.dma_semaphore, #tpu.memory_space<semaphore_mem>>
          %dma_start3A = arith.constant 0 : i32
          %dma_start3A_46 = tpu.memref_slice %arg7[%arg1, %mul3A_45, %dma_start3A] : memref<16x625x64xf32, #tpu.memory_space<hbm>> -> memref<1x125x64xf32, #tpu.memory_space<hbm>>
          %dma_start3A_47 = tpu.memref_squeeze %dma_start3A_46 : memref<1x125x64xf32, #tpu.memory_space<hbm>> -> memref<125x64xf32, #tpu.memory_space<hbm>>
          %dma_start3A_48 = arith.constant 0 : i32
          %dma_start3A_49 = tpu.memref_slice %arg7[%arg1, %mul3A_45, %dma_start3A_48] : memref<16x625x64xf32, #tpu.memory_space<hbm>> -> memref<1x125x64xf32, #tpu.memory_space<hbm>>
          %dma_start3A_50 = tpu.memref_squeeze %dma_start3A_49 : memref<1x125x64xf32, #tpu.memory_space<hbm>> -> memref<125x64xf32, #tpu.memory_space<hbm>>
          tpu.enqueue_dma source(%arg13 : memref<125x64xf32, #tpu.memory_space<vmem>>) target(%dma_start3A_50 : memref<125x64xf32, #tpu.memory_space<hbm>>) target_semaphore(%run_scoped3A : memref<!tpu.dma_semaphore, #tpu.memory_space<semaphore_mem>>)
          %dma_wait3A = arith.constant 0 : i32
          %dma_wait3A_51 = tpu.memref_slice %arg7[%arg1, %mul3A_45, %dma_wait3A] : memref<16x625x64xf32, #tpu.memory_space<hbm>> -> memref<1x125x64xf32, #tpu.memory_space<hbm>>
          %dma_wait3A_52 = tpu.memref_squeeze %dma_wait3A_51 : memref<1x125x64xf32, #tpu.memory_space<hbm>> -> memref<125x64xf32, #tpu.memory_space<hbm>>
          %dma_wait3A_53 = arith.constant 0 : i32
          %dma_wait3A_54 = tpu.memref_slice %arg7[%arg1, %mul3A_45, %dma_wait3A_53] : memref<16x625x64xf32, #tpu.memory_space<hbm>> -> memref<1x125x64xf32, #tpu.memory_space<hbm>>
          %dma_wait3A_55 = tpu.memref_squeeze %dma_wait3A_54 : memref<1x125x64xf32, #tpu.memory_space<hbm>> -> memref<125x64xf32, #tpu.memory_space<hbm>>
          tpu.wait_dma2 semaphore(%run_scoped3A : memref<!tpu.dma_semaphore, #tpu.memory_space<semaphore_mem>>) src(%arg13 : memref<125x64xf32, #tpu.memory_space<vmem>>) dst(%dma_wait3A_55 : memref<125x64xf32, #tpu.memory_space<hbm>>)
          tpu.yield
        }) : () -> ()
      } else {
      }
      %scan3A_43 = arith.constant 0 : i32
      scf.yield %scan3A_43 : i32
    }
    %scan3A_28 = arith.constant 5 : i32
    return
  }
}

#map = affine_map<(d0, d1) -> (0, 0)>
#map1 = affine_map<(d0, d1) -> (0, 0, 0)>
module attributes {stable_mosaic.version = 14 : i64} {
  func.func @k(%arg0: i32, %arg1: i32, %arg2: memref<10000x64xf32, #tpu.memory_space<hbm>>, %arg3: memref<10000x64xf32, #tpu.memory_space<hbm>>, %arg4: memref<32x125x160xi32, #tpu.memory_space<hbm>>, %arg5: memref<32x125x160xi32, #tpu.memory_space<hbm>>, %arg6: memref<16x625x64xf32, #tpu.memory_space<hbm>>, %arg7: memref<16x625x64xf32, #tpu.memory_space<hbm>>, %arg8: memref<125x160xi32, #tpu.memory_space<vmem>>, %arg9: memref<125x160xi32, #tpu.memory_space<vmem>>, %arg10: memref<160x64xf32, #tpu.memory_space<vmem>>, %arg11: memref<160x64xf32, #tpu.memory_space<vmem>>, %arg12: memref<160x64xf32, #tpu.memory_space<vmem>>, %arg13: memref<125x64xf32, #tpu.memory_space<vmem>>, %arg14: memref<10000x64xf32, #tpu.memory_space<vmem_shared>>, %arg15: memref<!tpu.dma_semaphore, #tpu.memory_space<semaphore_mem>>, %arg16: memref<!tpu.dma_semaphore, #tpu.memory_space<semaphore_mem>>) attributes {dimension_semantics = [#tpu.dimension_semantics<core_parallel>, #tpu.dimension_semantics<subcore_parallel>], iteration_bounds = array<i64: 2, 16>, scalar_prefetch = 0 : i64, scratch_operands = 9 : i64, tpu.core_type = #tpu.core_type<sc_vector_subcore>, window_params = [{transform_indices = #map}, {transform_indices = #map}, {transform_indices = #map1}, {transform_indices = #map1}, {transform_indices = #map1}, {transform_indices = #map1}]} {
    %mul3A = arith.constant 16 : i32
    %mul3A_0 = arith.muli %arg0, %mul3A : i32
    %add3A = arith.addi %mul3A_0, %arg1 : i32
    %scan3A = arith.constant 0 : i32
    %scan3A_1 = arith.constant 0 : i32
    %scan3A_2 = arith.constant 125 : i32
    %scan3A_3 = arith.addi %scan3A_1, %scan3A_2 : i32
    %scan3A_4 = arith.constant 1 : i32
    %scan3A_5 = scf.for %scan3A_29 = %scan3A_1 to %scan3A_3 step %scan3A_4 iter_args(%scan3A_30 = %scan3A) -> (i32)  : i32 {
      %broadcast_in_dim3A = arith.constant 0.000000e+00 : f32
      %broadcast_in_dim3A_31 = vector.broadcast %broadcast_in_dim3A : f32 to vector<16xf32>
      %swap3A = arith.index_cast %scan3A_29 : i32 to index
      %swap3A_32 = arith.constant 0 : index
      %swap3A_33 = tpu.vector_load %arg13[%swap3A, %swap3A_32] {strides = array<i32>} : memref<125x64xf32, #tpu.memory_space<vmem>>, vector<1x16xf32>,
      %swap3A_34 = vector.shape_cast %swap3A_33 : vector<1x16xf32> to vector<16xf32>
      %swap3A_35 = vector.shape_cast %broadcast_in_dim3A_31 : vector<16xf32> to vector<1x16xf32>
      tpu.vector_store %arg13[%swap3A, %swap3A_32], %swap3A_35 {strides = array<i32>} : memref<125x64xf32, #tpu.memory_space<vmem>>, vector<1x16xf32>,
      %broadcast_in_dim3A_36 = arith.constant 0.000000e+00 : f32
      %broadcast_in_dim3A_37 = vector.broadcast %broadcast_in_dim3A_36 : f32 to vector<16xf32>
      %swap3A_38 = arith.index_cast %scan3A_29 : i32 to index
      %swap3A_39 = arith.constant 16 : index
      %swap3A_40 = tpu.vector_load %arg13[%swap3A_38, %swap3A_39] {strides = array<i32>} : memref<125x64xf32, #tpu.memory_space<vmem>>, vector<1x16xf32>,
      %swap3A_41 = vector.shape_cast %swap3A_40 : vector<1x16xf32> to vector<16xf32>
      %swap3A_42 = vector.shape_cast %broadcast_in_dim3A_37 : vector<16xf32> to vector<1x16xf32>
      tpu.vector_store %arg13[%swap3A_38, %swap3A_39], %swap3A_42 {strides = array<i32>} : memref<125x64xf32, #tpu.memory_space<vmem>>, vector<1x16xf32>,
      %broadcast_in_dim3A_43 = arith.constant 0.000000e+00 : f32
      %broadcast_in_dim3A_44 = vector.broadcast %broadcast_in_dim3A_43 : f32 to vector<16xf32>
      %swap3A_45 = arith.index_cast %scan3A_29 : i32 to index
      %swap3A_46 = arith.constant 32 : index
      %swap3A_47 = tpu.vector_load %arg13[%swap3A_45, %swap3A_46] {strides = array<i32>} : memref<125x64xf32, #tpu.memory_space<vmem>>, vector<1x16xf32>,
      %swap3A_48 = vector.shape_cast %swap3A_47 : vector<1x16xf32> to vector<16xf32>
      %swap3A_49 = vector.shape_cast %broadcast_in_dim3A_44 : vector<16xf32> to vector<1x16xf32>
      tpu.vector_store %arg13[%swap3A_45, %swap3A_46], %swap3A_49 {strides = array<i32>} : memref<125x64xf32, #tpu.memory_space<vmem>>, vector<1x16xf32>,
      %broadcast_in_dim3A_50 = arith.constant 0.000000e+00 : f32
      %broadcast_in_dim3A_51 = vector.broadcast %broadcast_in_dim3A_50 : f32 to vector<16xf32>
      %swap3A_52 = arith.index_cast %scan3A_29 : i32 to index
      %swap3A_53 = arith.constant 48 : index
      %swap3A_54 = tpu.vector_load %arg13[%swap3A_52, %swap3A_53] {strides = array<i32>} : memref<125x64xf32, #tpu.memory_space<vmem>>, vector<1x16xf32>,
      %swap3A_55 = vector.shape_cast %swap3A_54 : vector<1x16xf32> to vector<16xf32>
      %swap3A_56 = vector.shape_cast %broadcast_in_dim3A_51 : vector<16xf32> to vector<1x16xf32>
      tpu.vector_store %arg13[%swap3A_52, %swap3A_53], %swap3A_56 {strides = array<i32>} : memref<125x64xf32, #tpu.memory_space<vmem>>, vector<1x16xf32>,
      %scan3A_57 = arith.constant 0 : i32
      scf.yield %scan3A_57 : i32
    }
    %scan3A_6 = arith.constant 125 : i32
    %scan3A_7 = arith.constant 0 : i32
    %scan3A_8 = arith.constant 0 : i32
    %scan3A_9 = arith.constant 5 : i32
    %scan3A_10 = arith.addi %scan3A_8, %scan3A_9 : i32
    %scan3A_11 = arith.constant 1 : i32
    %scan3A_12 = scf.for %scan3A_29 = %scan3A_8 to %scan3A_10 step %scan3A_11 iter_args(%scan3A_30 = %scan3A_7) -> (i32)  : i32 {
      %mul3A_31 = arith.constant 625 : i32
      %mul3A_32 = arith.muli %arg1, %mul3A_31 : i32
      %mul3A_33 = arith.constant 125 : i32
      %mul3A_34 = arith.muli %scan3A_29, %mul3A_33 : i32
      %add3A_35 = arith.addi %mul3A_32, %mul3A_34 : i32
      "tpu.region"() ({
        %run_scoped3A = tpu.sem_alloc : memref<!tpu.dma_semaphore, #tpu.memory_space<semaphore_mem>>
        %dma_start3A = arith.constant 0 : i32
        %dma_start3A_37 = tpu.memref_slice %arg14[%add3A_35, %dma_start3A] : memref<10000x64xf32, #tpu.memory_space<vmem_shared>> -> memref<125x64xf32, #tpu.memory_space<vmem_shared>>
        %dma_start3A_38 = arith.constant 0 : i32
        %dma_start3A_39 = tpu.memref_slice %arg14[%add3A_35, %dma_start3A_38] : memref<10000x64xf32, #tpu.memory_space<vmem_shared>> -> memref<125x64xf32, #tpu.memory_space<vmem_shared>>
        tpu.enqueue_dma source(%arg13 : memref<125x64xf32, #tpu.memory_space<vmem>>) target(%dma_start3A_39 : memref<125x64xf32, #tpu.memory_space<vmem_shared>>) target_semaphore(%run_scoped3A : memref<!tpu.dma_semaphore, #tpu.memory_space<semaphore_mem>>)
        %dma_wait3A = arith.constant 0 : i32
        %dma_wait3A_40 = tpu.memref_slice %arg14[%add3A_35, %dma_wait3A] : memref<10000x64xf32, #tpu.memory_space<vmem_shared>> -> memref<125x64xf32, #tpu.memory_space<vmem_shared>>
        %dma_wait3A_41 = arith.constant 0 : i32
        %dma_wait3A_42 = tpu.memref_slice %arg14[%add3A_35, %dma_wait3A_41] : memref<10000x64xf32, #tpu.memory_space<vmem_shared>> -> memref<125x64xf32, #tpu.memory_space<vmem_shared>>
        tpu.wait_dma2 semaphore(%run_scoped3A : memref<!tpu.dma_semaphore, #tpu.memory_space<semaphore_mem>>) src(%arg13 : memref<125x64xf32, #tpu.memory_space<vmem>>) dst(%dma_wait3A_42 : memref<125x64xf32, #tpu.memory_space<vmem_shared>>)
        tpu.yield
      }) : () -> ()
      %scan3A_36 = arith.constant 0 : i32
      scf.yield %scan3A_36 : i32
    }
    %scan3A_13 = arith.constant 5 : i32
    "tpu.region"() ({
      %run_scoped3A = tpu.sem_alloc : memref<!tpu.dma_semaphore, #tpu.memory_space<semaphore_mem>>
      %dma_start3A = arith.constant 0 : i32
      %dma_start3A_29 = arith.constant 0 : i32
      %dma_start3A_30 = tpu.memref_slice %arg4[%add3A, %dma_start3A, %dma_start3A_29] : memref<32x125x160xi32, #tpu.memory_space<hbm>> -> memref<1x125x160xi32, #tpu.memory_space<hbm>>
      %dma_start3A_31 = tpu.memref_squeeze %dma_start3A_30 : memref<1x125x160xi32, #tpu.memory_space<hbm>> -> memref<125x160xi32, #tpu.memory_space<hbm>>
      %dma_start3A_32 = arith.constant 0 : i32
      %dma_start3A_33 = arith.constant 0 : i32
      %dma_start3A_34 = tpu.memref_slice %arg4[%add3A, %dma_start3A_32, %dma_start3A_33] : memref<32x125x160xi32, #tpu.memory_space<hbm>> -> memref<1x125x160xi32, #tpu.memory_space<hbm>>
      %dma_start3A_35 = tpu.memref_squeeze %dma_start3A_34 : memref<1x125x160xi32, #tpu.memory_space<hbm>> -> memref<125x160xi32, #tpu.memory_space<hbm>>
      tpu.enqueue_dma source(%dma_start3A_35 : memref<125x160xi32, #tpu.memory_space<hbm>>) target(%arg8 : memref<125x160xi32, #tpu.memory_space<vmem>>) target_semaphore(%run_scoped3A : memref<!tpu.dma_semaphore, #tpu.memory_space<semaphore_mem>>)
      %dma_wait3A = arith.constant 0 : i32
      %dma_wait3A_36 = arith.constant 0 : i32
      %dma_wait3A_37 = tpu.memref_slice %arg4[%add3A, %dma_wait3A, %dma_wait3A_36] : memref<32x125x160xi32, #tpu.memory_space<hbm>> -> memref<1x125x160xi32, #tpu.memory_space<hbm>>
      %dma_wait3A_38 = tpu.memref_squeeze %dma_wait3A_37 : memref<1x125x160xi32, #tpu.memory_space<hbm>> -> memref<125x160xi32, #tpu.memory_space<hbm>>
      %dma_wait3A_39 = arith.constant 0 : i32
      %dma_wait3A_40 = arith.constant 0 : i32
      %dma_wait3A_41 = tpu.memref_slice %arg4[%add3A, %dma_wait3A_39, %dma_wait3A_40] : memref<32x125x160xi32, #tpu.memory_space<hbm>> -> memref<1x125x160xi32, #tpu.memory_space<hbm>>
      %dma_wait3A_42 = tpu.memref_squeeze %dma_wait3A_41 : memref<1x125x160xi32, #tpu.memory_space<hbm>> -> memref<125x160xi32, #tpu.memory_space<hbm>>
      tpu.wait_dma2 semaphore(%run_scoped3A : memref<!tpu.dma_semaphore, #tpu.memory_space<semaphore_mem>>) src(%dma_wait3A_42 : memref<125x160xi32, #tpu.memory_space<hbm>>) dst(%arg8 : memref<125x160xi32, #tpu.memory_space<vmem>>)
      tpu.yield
    }) : () -> ()
    "tpu.region"() ({
      %run_scoped3A = tpu.sem_alloc : memref<!tpu.dma_semaphore, #tpu.memory_space<semaphore_mem>>
      %dma_start3A = arith.constant 0 : i32
      %dma_start3A_29 = arith.constant 0 : i32
      %dma_start3A_30 = tpu.memref_slice %arg5[%add3A, %dma_start3A, %dma_start3A_29] : memref<32x125x160xi32, #tpu.memory_space<hbm>> -> memref<1x125x160xi32, #tpu.memory_space<hbm>>
      %dma_start3A_31 = tpu.memref_squeeze %dma_start3A_30 : memref<1x125x160xi32, #tpu.memory_space<hbm>> -> memref<125x160xi32, #tpu.memory_space<hbm>>
      %dma_start3A_32 = arith.constant 0 : i32
      %dma_start3A_33 = arith.constant 0 : i32
      %dma_start3A_34 = tpu.memref_slice %arg5[%add3A, %dma_start3A_32, %dma_start3A_33] : memref<32x125x160xi32, #tpu.memory_space<hbm>> -> memref<1x125x160xi32, #tpu.memory_space<hbm>>
      %dma_start3A_35 = tpu.memref_squeeze %dma_start3A_34 : memref<1x125x160xi32, #tpu.memory_space<hbm>> -> memref<125x160xi32, #tpu.memory_space<hbm>>
      tpu.enqueue_dma source(%dma_start3A_35 : memref<125x160xi32, #tpu.memory_space<hbm>>) target(%arg9 : memref<125x160xi32, #tpu.memory_space<vmem>>) target_semaphore(%run_scoped3A : memref<!tpu.dma_semaphore, #tpu.memory_space<semaphore_mem>>)
      %dma_wait3A = arith.constant 0 : i32
      %dma_wait3A_36 = arith.constant 0 : i32
      %dma_wait3A_37 = tpu.memref_slice %arg5[%add3A, %dma_wait3A, %dma_wait3A_36] : memref<32x125x160xi32, #tpu.memory_space<hbm>> -> memref<1x125x160xi32, #tpu.memory_space<hbm>>
      %dma_wait3A_38 = tpu.memref_squeeze %dma_wait3A_37 : memref<1x125x160xi32, #tpu.memory_space<hbm>> -> memref<125x160xi32, #tpu.memory_space<hbm>>
      %dma_wait3A_39 = arith.constant 0 : i32
      %dma_wait3A_40 = arith.constant 0 : i32
      %dma_wait3A_41 = tpu.memref_slice %arg5[%add3A, %dma_wait3A_39, %dma_wait3A_40] : memref<32x125x160xi32, #tpu.memory_space<hbm>> -> memref<1x125x160xi32, #tpu.memory_space<hbm>>
      %dma_wait3A_42 = tpu.memref_squeeze %dma_wait3A_41 : memref<1x125x160xi32, #tpu.memory_space<hbm>> -> memref<125x160xi32, #tpu.memory_space<hbm>>
      tpu.wait_dma2 semaphore(%run_scoped3A : memref<!tpu.dma_semaphore, #tpu.memory_space<semaphore_mem>>) src(%dma_wait3A_42 : memref<125x160xi32, #tpu.memory_space<hbm>>) dst(%arg9 : memref<125x160xi32, #tpu.memory_space<vmem>>)
      tpu.yield
    }) : () -> ()
    %barrier3A = arith.constant 0 : index
    tpu.barrier barrier_id(%barrier3A)
    %scan3A_14 = arith.constant 0 : i32
    %scan3A_15 = arith.constant 0 : i32
    %scan3A_16 = arith.constant 125 : i32
    %scan3A_17 = arith.addi %scan3A_15, %scan3A_16 : i32
    %scan3A_18 = arith.constant 1 : i32
    %scan3A_19 = scf.for %scan3A_29 = %scan3A_15 to %scan3A_17 step %scan3A_18 iter_args(%scan3A_30 = %scan3A_14) -> (i32)  : i32 {
      %dma_start3A = arith.constant 0 : i32
      %dma_start3A_31 = tpu.memref_slice %arg8[%scan3A_29, %dma_start3A] : memref<125x160xi32, #tpu.memory_space<vmem>> -> memref<1x160xi32, #tpu.memory_space<vmem>>
      %dma_start3A_32 = tpu.memref_squeeze %dma_start3A_31 : memref<1x160xi32, #tpu.memory_space<vmem>> -> memref<160xi32, #tpu.memory_space<vmem>>
      %dma_start3A_33 = arith.constant 0 : i32
      %dma_start3A_34 = arith.constant 0 : i32
      %dma_start3A_35 = tpu.memref_slice %arg2[%dma_start3A_33, %dma_start3A_34] : memref<10000x64xf32, #tpu.memory_space<hbm>> -> memref<10000x64xf32, #tpu.memory_space<hbm>>
      tpu.enqueue_indirect_dma source(%dma_start3A_35 : memref<10000x64xf32, #tpu.memory_space<hbm>>) target(%arg10 : memref<160x64xf32, #tpu.memory_space<vmem>>) offsets(%dma_start3A_32 : memref<160xi32, #tpu.memory_space<vmem>>) semaphore(%arg15 : memref<!tpu.dma_semaphore, #tpu.memory_space<semaphore_mem>>)
      %dma_start3A_36 = arith.constant 0 : i32
      %dma_start3A_37 = tpu.memref_slice %arg9[%scan3A_29, %dma_start3A_36] : memref<125x160xi32, #tpu.memory_space<vmem>> -> memref<1x160xi32, #tpu.memory_space<vmem>>
      %dma_start3A_38 = tpu.memref_squeeze %dma_start3A_37 : memref<1x160xi32, #tpu.memory_space<vmem>> -> memref<160xi32, #tpu.memory_space<vmem>>
      %dma_start3A_39 = arith.constant 0 : i32
      %dma_start3A_40 = arith.constant 0 : i32
      %dma_start3A_41 = tpu.memref_slice %arg3[%dma_start3A_39, %dma_start3A_40] : memref<10000x64xf32, #tpu.memory_space<hbm>> -> memref<10000x64xf32, #tpu.memory_space<hbm>>
      tpu.enqueue_indirect_dma source(%dma_start3A_41 : memref<10000x64xf32, #tpu.memory_space<hbm>>) target(%arg11 : memref<160x64xf32, #tpu.memory_space<vmem>>) offsets(%dma_start3A_38 : memref<160xi32, #tpu.memory_space<vmem>>) semaphore(%arg16 : memref<!tpu.dma_semaphore, #tpu.memory_space<semaphore_mem>>)
      %dma_wait3A = arith.constant 0 : i32
      %dma_wait3A_42 = tpu.memref_slice %arg8[%scan3A_29, %dma_wait3A] : memref<125x160xi32, #tpu.memory_space<vmem>> -> memref<1x160xi32, #tpu.memory_space<vmem>>
      %dma_wait3A_43 = tpu.memref_squeeze %dma_wait3A_42 : memref<1x160xi32, #tpu.memory_space<vmem>> -> memref<160xi32, #tpu.memory_space<vmem>>
      %dma_wait3A_44 = arith.constant 0 : i32
      %dma_wait3A_45 = arith.constant 0 : i32
      %dma_wait3A_46 = tpu.memref_slice %arg2[%dma_wait3A_44, %dma_wait3A_45] : memref<10000x64xf32, #tpu.memory_space<hbm>> -> memref<10000x64xf32, #tpu.memory_space<hbm>>
      tpu.wait_indirect_dma semaphore(%arg15 : memref<!tpu.dma_semaphore, #tpu.memory_space<semaphore_mem>>) src(%dma_wait3A_46 : memref<10000x64xf32, #tpu.memory_space<hbm>>) dst(%arg10 : memref<160x64xf32, #tpu.memory_space<vmem>>)
      %dma_wait3A_47 = arith.constant 0 : i32
      %dma_wait3A_48 = tpu.memref_slice %arg9[%scan3A_29, %dma_wait3A_47] : memref<125x160xi32, #tpu.memory_space<vmem>> -> memref<1x160xi32, #tpu.memory_space<vmem>>
      %dma_wait3A_49 = tpu.memref_squeeze %dma_wait3A_48 : memref<1x160xi32, #tpu.memory_space<vmem>> -> memref<160xi32, #tpu.memory_space<vmem>>
      %dma_wait3A_50 = arith.constant 0 : i32
      %dma_wait3A_51 = arith.constant 0 : i32
      %dma_wait3A_52 = tpu.memref_slice %arg3[%dma_wait3A_50, %dma_wait3A_51] : memref<10000x64xf32, #tpu.memory_space<hbm>> -> memref<10000x64xf32, #tpu.memory_space<hbm>>
      tpu.wait_indirect_dma semaphore(%arg16 : memref<!tpu.dma_semaphore, #tpu.memory_space<semaphore_mem>>) src(%dma_wait3A_52 : memref<10000x64xf32, #tpu.memory_space<hbm>>) dst(%arg11 : memref<160x64xf32, #tpu.memory_space<vmem>>)
      %scan3A_53 = arith.constant 0 : i32
      %scan3A_54 = arith.constant 0 : i32
      %scan3A_55 = arith.constant 160 : i32
      %scan3A_56 = arith.addi %scan3A_54, %scan3A_55 : i32
      %scan3A_57 = arith.constant 1 : i32
      %scan3A_58 = scf.for %scan3A_61 = %scan3A_54 to %scan3A_56 step %scan3A_57 iter_args(%scan3A_62 = %scan3A_53) -> (i32)  : i32 {
        %get3A = arith.index_cast %scan3A_61 : i32 to index
        %get3A_63 = arith.constant 0 : index
        %get3A_64 = tpu.vector_load %arg10[%get3A, %get3A_63] {strides = array<i32>} : memref<160x64xf32, #tpu.memory_space<vmem>>, vector<1x16xf32>,
        %get3A_65 = vector.shape_cast %get3A_64 : vector<1x16xf32> to vector<16xf32>
        %get3A_66 = arith.index_cast %scan3A_61 : i32 to index
        %get3A_67 = arith.constant 0 : index
        %get3A_68 = tpu.vector_load %arg11[%get3A_66, %get3A_67] {strides = array<i32>} : memref<160x64xf32, #tpu.memory_space<vmem>>, vector<1x16xf32>,
        %get3A_69 = vector.shape_cast %get3A_68 : vector<1x16xf32> to vector<16xf32>
        %add3A_70 = arith.addf %get3A_65, %get3A_69 : vector<16xf32>
        %max3A = arith.constant -3.000000e+01 : f32
        %max3A_71 = vector.broadcast %max3A : f32 to vector<16xf32>
        %max3A_72 = arith.maximumf %add3A_70, %max3A_71 : vector<16xf32>
        %neg3A = arith.constant 0.000000e+00 : f32
        %neg3A_73 = vector.broadcast %neg3A : f32 to vector<16xf32>
        %neg3A_74 = arith.subf %neg3A_73, %max3A_72 : vector<16xf32>
        %exp3A = math.exp %neg3A_74 : vector<16xf32>
        %add3A_75 = arith.constant 1.000000e+00 : f32
        %add3A_76 = vector.broadcast %add3A_75 : f32 to vector<16xf32>
        %add3A_77 = arith.addf %add3A_76, %exp3A : vector<16xf32>
        %div3A = arith.constant 1.000000e+00 : f32
        %div3A_78 = vector.broadcast %div3A : f32 to vector<16xf32>
        %div3A_79 = arith.divf %div3A_78, %add3A_77 : vector<16xf32>
        %mul3A_80 = arith.mulf %add3A_77, %div3A_79 : vector<16xf32>
        %sub3A = arith.constant 2.000000e+00 : f32
        %sub3A_81 = vector.broadcast %sub3A : f32 to vector<16xf32>
        %sub3A_82 = arith.subf %sub3A_81, %mul3A_80 : vector<16xf32>
        %mul3A_83 = arith.mulf %div3A_79, %sub3A_82 : vector<16xf32>
        %mul3A_84 = arith.mulf %max3A_72, %mul3A_83 : vector<16xf32>
        %swap3A = arith.index_cast %scan3A_61 : i32 to index
        %swap3A_85 = arith.constant 0 : index
        %swap3A_86 = tpu.vector_load %arg12[%swap3A, %swap3A_85] {strides = array<i32>} : memref<160x64xf32, #tpu.memory_space<vmem>>, vector<1x16xf32>,
        %swap3A_87 = vector.shape_cast %swap3A_86 : vector<1x16xf32> to vector<16xf32>
        %swap3A_88 = vector.shape_cast %mul3A_84 : vector<16xf32> to vector<1x16xf32>
        tpu.vector_store %arg12[%swap3A, %swap3A_85], %swap3A_88 {strides = array<i32>} : memref<160x64xf32, #tpu.memory_space<vmem>>, vector<1x16xf32>,
        %get3A_89 = arith.index_cast %scan3A_61 : i32 to index
        %get3A_90 = arith.constant 16 : index
        %get3A_91 = tpu.vector_load %arg10[%get3A_89, %get3A_90] {strides = array<i32>} : memref<160x64xf32, #tpu.memory_space<vmem>>, vector<1x16xf32>,
        %get3A_92 = vector.shape_cast %get3A_91 : vector<1x16xf32> to vector<16xf32>
        %get3A_93 = arith.index_cast %scan3A_61 : i32 to index
        %get3A_94 = arith.constant 16 : index
        %get3A_95 = tpu.vector_load %arg11[%get3A_93, %get3A_94] {strides = array<i32>} : memref<160x64xf32, #tpu.memory_space<vmem>>, vector<1x16xf32>,
        %get3A_96 = vector.shape_cast %get3A_95 : vector<1x16xf32> to vector<16xf32>
        %add3A_97 = arith.addf %get3A_92, %get3A_96 : vector<16xf32>
        %max3A_98 = arith.constant -3.000000e+01 : f32
        %max3A_99 = vector.broadcast %max3A_98 : f32 to vector<16xf32>
        %max3A_100 = arith.maximumf %add3A_97, %max3A_99 : vector<16xf32>
        %neg3A_101 = arith.constant 0.000000e+00 : f32
        %neg3A_102 = vector.broadcast %neg3A_101 : f32 to vector<16xf32>
        %neg3A_103 = arith.subf %neg3A_102, %max3A_100 : vector<16xf32>
        %exp3A_104 = math.exp %neg3A_103 : vector<16xf32>
        %add3A_105 = arith.constant 1.000000e+00 : f32
        %add3A_106 = vector.broadcast %add3A_105 : f32 to vector<16xf32>
        %add3A_107 = arith.addf %add3A_106, %exp3A_104 : vector<16xf32>
        %div3A_108 = arith.constant 1.000000e+00 : f32
        %div3A_109 = vector.broadcast %div3A_108 : f32 to vector<16xf32>
        %div3A_110 = arith.divf %div3A_109, %add3A_107 : vector<16xf32>
        %mul3A_111 = arith.mulf %add3A_107, %div3A_110 : vector<16xf32>
        %sub3A_112 = arith.constant 2.000000e+00 : f32
        %sub3A_113 = vector.broadcast %sub3A_112 : f32 to vector<16xf32>
        %sub3A_114 = arith.subf %sub3A_113, %mul3A_111 : vector<16xf32>
        %mul3A_115 = arith.mulf %div3A_110, %sub3A_114 : vector<16xf32>
        %mul3A_116 = arith.mulf %max3A_100, %mul3A_115 : vector<16xf32>
        %swap3A_117 = arith.index_cast %scan3A_61 : i32 to index
        %swap3A_118 = arith.constant 16 : index
        %swap3A_119 = tpu.vector_load %arg12[%swap3A_117, %swap3A_118] {strides = array<i32>} : memref<160x64xf32, #tpu.memory_space<vmem>>, vector<1x16xf32>,
        %swap3A_120 = vector.shape_cast %swap3A_119 : vector<1x16xf32> to vector<16xf32>
        %swap3A_121 = vector.shape_cast %mul3A_116 : vector<16xf32> to vector<1x16xf32>
        tpu.vector_store %arg12[%swap3A_117, %swap3A_118], %swap3A_121 {strides = array<i32>} : memref<160x64xf32, #tpu.memory_space<vmem>>, vector<1x16xf32>,
        %get3A_122 = arith.index_cast %scan3A_61 : i32 to index
        %get3A_123 = arith.constant 32 : index
        %get3A_124 = tpu.vector_load %arg10[%get3A_122, %get3A_123] {strides = array<i32>} : memref<160x64xf32, #tpu.memory_space<vmem>>, vector<1x16xf32>,
        %get3A_125 = vector.shape_cast %get3A_124 : vector<1x16xf32> to vector<16xf32>
        %get3A_126 = arith.index_cast %scan3A_61 : i32 to index
        %get3A_127 = arith.constant 32 : index
        %get3A_128 = tpu.vector_load %arg11[%get3A_126, %get3A_127] {strides = array<i32>} : memref<160x64xf32, #tpu.memory_space<vmem>>, vector<1x16xf32>,
        %get3A_129 = vector.shape_cast %get3A_128 : vector<1x16xf32> to vector<16xf32>
        %add3A_130 = arith.addf %get3A_125, %get3A_129 : vector<16xf32>
        %max3A_131 = arith.constant -3.000000e+01 : f32
        %max3A_132 = vector.broadcast %max3A_131 : f32 to vector<16xf32>
        %max3A_133 = arith.maximumf %add3A_130, %max3A_132 : vector<16xf32>
        %neg3A_134 = arith.constant 0.000000e+00 : f32
        %neg3A_135 = vector.broadcast %neg3A_134 : f32 to vector<16xf32>
        %neg3A_136 = arith.subf %neg3A_135, %max3A_133 : vector<16xf32>
        %exp3A_137 = math.exp %neg3A_136 : vector<16xf32>
        %add3A_138 = arith.constant 1.000000e+00 : f32
        %add3A_139 = vector.broadcast %add3A_138 : f32 to vector<16xf32>
        %add3A_140 = arith.addf %add3A_139, %exp3A_137 : vector<16xf32>
        %div3A_141 = arith.constant 1.000000e+00 : f32
        %div3A_142 = vector.broadcast %div3A_141 : f32 to vector<16xf32>
        %div3A_143 = arith.divf %div3A_142, %add3A_140 : vector<16xf32>
        %mul3A_144 = arith.mulf %add3A_140, %div3A_143 : vector<16xf32>
        %sub3A_145 = arith.constant 2.000000e+00 : f32
        %sub3A_146 = vector.broadcast %sub3A_145 : f32 to vector<16xf32>
        %sub3A_147 = arith.subf %sub3A_146, %mul3A_144 : vector<16xf32>
        %mul3A_148 = arith.mulf %div3A_143, %sub3A_147 : vector<16xf32>
        %mul3A_149 = arith.mulf %max3A_133, %mul3A_148 : vector<16xf32>
        %swap3A_150 = arith.index_cast %scan3A_61 : i32 to index
        %swap3A_151 = arith.constant 32 : index
        %swap3A_152 = tpu.vector_load %arg12[%swap3A_150, %swap3A_151] {strides = array<i32>} : memref<160x64xf32, #tpu.memory_space<vmem>>, vector<1x16xf32>,
        %swap3A_153 = vector.shape_cast %swap3A_152 : vector<1x16xf32> to vector<16xf32>
        %swap3A_154 = vector.shape_cast %mul3A_149 : vector<16xf32> to vector<1x16xf32>
        tpu.vector_store %arg12[%swap3A_150, %swap3A_151], %swap3A_154 {strides = array<i32>} : memref<160x64xf32, #tpu.memory_space<vmem>>, vector<1x16xf32>,
        %get3A_155 = arith.index_cast %scan3A_61 : i32 to index
        %get3A_156 = arith.constant 48 : index
        %get3A_157 = tpu.vector_load %arg10[%get3A_155, %get3A_156] {strides = array<i32>} : memref<160x64xf32, #tpu.memory_space<vmem>>, vector<1x16xf32>,
        %get3A_158 = vector.shape_cast %get3A_157 : vector<1x16xf32> to vector<16xf32>
        %get3A_159 = arith.index_cast %scan3A_61 : i32 to index
        %get3A_160 = arith.constant 48 : index
        %get3A_161 = tpu.vector_load %arg11[%get3A_159, %get3A_160] {strides = array<i32>} : memref<160x64xf32, #tpu.memory_space<vmem>>, vector<1x16xf32>,
        %get3A_162 = vector.shape_cast %get3A_161 : vector<1x16xf32> to vector<16xf32>
        %add3A_163 = arith.addf %get3A_158, %get3A_162 : vector<16xf32>
        %max3A_164 = arith.constant -3.000000e+01 : f32
        %max3A_165 = vector.broadcast %max3A_164 : f32 to vector<16xf32>
        %max3A_166 = arith.maximumf %add3A_163, %max3A_165 : vector<16xf32>
        %neg3A_167 = arith.constant 0.000000e+00 : f32
        %neg3A_168 = vector.broadcast %neg3A_167 : f32 to vector<16xf32>
        %neg3A_169 = arith.subf %neg3A_168, %max3A_166 : vector<16xf32>
        %exp3A_170 = math.exp %neg3A_169 : vector<16xf32>
        %add3A_171 = arith.constant 1.000000e+00 : f32
        %add3A_172 = vector.broadcast %add3A_171 : f32 to vector<16xf32>
        %add3A_173 = arith.addf %add3A_172, %exp3A_170 : vector<16xf32>
        %div3A_174 = arith.constant 1.000000e+00 : f32
        %div3A_175 = vector.broadcast %div3A_174 : f32 to vector<16xf32>
        %div3A_176 = arith.divf %div3A_175, %add3A_173 : vector<16xf32>
        %mul3A_177 = arith.mulf %add3A_173, %div3A_176 : vector<16xf32>
        %sub3A_178 = arith.constant 2.000000e+00 : f32
        %sub3A_179 = vector.broadcast %sub3A_178 : f32 to vector<16xf32>
        %sub3A_180 = arith.subf %sub3A_179, %mul3A_177 : vector<16xf32>
        %mul3A_181 = arith.mulf %div3A_176, %sub3A_180 : vector<16xf32>
        %mul3A_182 = arith.mulf %max3A_166, %mul3A_181 : vector<16xf32>
        %swap3A_183 = arith.index_cast %scan3A_61 : i32 to index
        %swap3A_184 = arith.constant 48 : index
        %swap3A_185 = tpu.vector_load %arg12[%swap3A_183, %swap3A_184] {strides = array<i32>} : memref<160x64xf32, #tpu.memory_space<vmem>>, vector<1x16xf32>,
        %swap3A_186 = vector.shape_cast %swap3A_185 : vector<1x16xf32> to vector<16xf32>
        %swap3A_187 = vector.shape_cast %mul3A_182 : vector<16xf32> to vector<1x16xf32>
        tpu.vector_store %arg12[%swap3A_183, %swap3A_184], %swap3A_187 {strides = array<i32>} : memref<160x64xf32, #tpu.memory_space<vmem>>, vector<1x16xf32>,
        %scan3A_188 = arith.constant 0 : i32
        scf.yield %scan3A_188 : i32
      }
      %scan3A_59 = arith.constant 160 : i32
      "tpu.region"() ({
        %run_scoped3A = tpu.sem_alloc : memref<!tpu.dma_semaphore, #tpu.memory_space<semaphore_mem>>
        %dma_start3A_61 = arith.constant 0 : i32
        %dma_start3A_62 = tpu.memref_slice %arg9[%scan3A_29, %dma_start3A_61] : memref<125x160xi32, #tpu.memory_space<vmem>> -> memref<1x160xi32, #tpu.memory_space<vmem>>
        %dma_start3A_63 = tpu.memref_squeeze %dma_start3A_62 : memref<1x160xi32, #tpu.memory_space<vmem>> -> memref<160xi32, #tpu.memory_space<vmem>>
        %dma_start3A_64 = arith.constant 0 : i32
        %dma_start3A_65 = arith.constant 0 : i32
        %dma_start3A_66 = tpu.memref_slice %arg14[%dma_start3A_64, %dma_start3A_65] : memref<10000x64xf32, #tpu.memory_space<vmem_shared>> -> memref<10000x64xf32, #tpu.memory_space<vmem_shared>>
        tpu.enqueue_indirect_dma source(%arg12 : memref<160x64xf32, #tpu.memory_space<vmem>>) target(%dma_start3A_66 : memref<10000x64xf32, #tpu.memory_space<vmem_shared>>) offsets(%dma_start3A_63 : memref<160xi32, #tpu.memory_space<vmem>>) semaphore(%run_scoped3A : memref<!tpu.dma_semaphore, #tpu.memory_space<semaphore_mem>>) {add = true}
        %dma_wait3A_67 = arith.constant 0 : i32
        %dma_wait3A_68 = tpu.memref_slice %arg9[%scan3A_29, %dma_wait3A_67] : memref<125x160xi32, #tpu.memory_space<vmem>> -> memref<1x160xi32, #tpu.memory_space<vmem>>
        %dma_wait3A_69 = tpu.memref_squeeze %dma_wait3A_68 : memref<1x160xi32, #tpu.memory_space<vmem>> -> memref<160xi32, #tpu.memory_space<vmem>>
        %dma_wait3A_70 = arith.constant 0 : i32
        %dma_wait3A_71 = arith.constant 0 : i32
        %dma_wait3A_72 = tpu.memref_slice %arg14[%dma_wait3A_70, %dma_wait3A_71] : memref<10000x64xf32, #tpu.memory_space<vmem_shared>> -> memref<10000x64xf32, #tpu.memory_space<vmem_shared>>
        tpu.wait_indirect_dma semaphore(%run_scoped3A : memref<!tpu.dma_semaphore, #tpu.memory_space<semaphore_mem>>) src(%arg12 : memref<160x64xf32, #tpu.memory_space<vmem>>) dst(%dma_wait3A_72 : memref<10000x64xf32, #tpu.memory_space<vmem_shared>>)
        tpu.yield
      }) : () -> ()
      %scan3A_60 = arith.constant 0 : i32
      scf.yield %scan3A_60 : i32
    }
    %scan3A_20 = arith.constant 125 : i32
    %barrier3A_21 = arith.constant 0 : index
    tpu.barrier barrier_id(%barrier3A_21)
    %scan3A_22 = arith.constant 0 : i32
    %scan3A_23 = arith.constant 0 : i32
    %scan3A_24 = arith.constant 5 : i32
    %scan3A_25 = arith.addi %scan3A_23, %scan3A_24 : i32
    %scan3A_26 = arith.constant 1 : i32
    %scan3A_27 = scf.for %scan3A_29 = %scan3A_23 to %scan3A_25 step %scan3A_26 iter_args(%scan3A_30 = %scan3A_22) -> (i32)  : i32 {
      %mul3A_31 = arith.constant 625 : i32
      %mul3A_32 = arith.muli %arg1, %mul3A_31 : i32
      %mul3A_33 = arith.constant 125 : i32
      %mul3A_34 = arith.muli %scan3A_29, %mul3A_33 : i32
      %add3A_35 = arith.addi %mul3A_32, %mul3A_34 : i32
      "tpu.region"() ({
        %run_scoped3A = tpu.sem_alloc : memref<!tpu.dma_semaphore, #tpu.memory_space<semaphore_mem>>
        %dma_start3A = arith.constant 0 : i32
        %dma_start3A_44 = tpu.memref_slice %arg14[%add3A_35, %dma_start3A] : memref<10000x64xf32, #tpu.memory_space<vmem_shared>> -> memref<125x64xf32, #tpu.memory_space<vmem_shared>>
        %dma_start3A_45 = arith.constant 0 : i32
        %dma_start3A_46 = tpu.memref_slice %arg14[%add3A_35, %dma_start3A_45] : memref<10000x64xf32, #tpu.memory_space<vmem_shared>> -> memref<125x64xf32, #tpu.memory_space<vmem_shared>>
        tpu.enqueue_dma source(%dma_start3A_46 : memref<125x64xf32, #tpu.memory_space<vmem_shared>>) target(%arg13 : memref<125x64xf32, #tpu.memory_space<vmem>>) target_semaphore(%run_scoped3A : memref<!tpu.dma_semaphore, #tpu.memory_space<semaphore_mem>>)
        %dma_wait3A = arith.constant 0 : i32
        %dma_wait3A_47 = tpu.memref_slice %arg14[%add3A_35, %dma_wait3A] : memref<10000x64xf32, #tpu.memory_space<vmem_shared>> -> memref<125x64xf32, #tpu.memory_space<vmem_shared>>
        %dma_wait3A_48 = arith.constant 0 : i32
        %dma_wait3A_49 = tpu.memref_slice %arg14[%add3A_35, %dma_wait3A_48] : memref<10000x64xf32, #tpu.memory_space<vmem_shared>> -> memref<125x64xf32, #tpu.memory_space<vmem_shared>>
        tpu.wait_dma2 semaphore(%run_scoped3A : memref<!tpu.dma_semaphore, #tpu.memory_space<semaphore_mem>>) src(%dma_wait3A_49 : memref<125x64xf32, #tpu.memory_space<vmem_shared>>) dst(%arg13 : memref<125x64xf32, #tpu.memory_space<vmem>>)
        tpu.yield
      }) : () -> ()
      %eq3A = arith.constant 0 : i32
      %eq3A_36 = arith.cmpi eq, %arg0, %eq3A : i32
      %convert_element_type3A = arith.extui %eq3A_36 : i1 to i32
      %cond3A = arith.constant 0 : i32
      %cond3A_37 = arith.cmpi ne, %convert_element_type3A, %cond3A : i32
      scf.if %cond3A_37 {
        %mul3A_44 = arith.constant 125 : i32
        %mul3A_45 = arith.muli %scan3A_29, %mul3A_44 : i32
        "tpu.region"() ({
          %run_scoped3A = tpu.sem_alloc : memref<!tpu.dma_semaphore, #tpu.memory_space<semaphore_mem>>
          %dma_start3A = arith.constant 0 : i32
          %dma_start3A_46 = tpu.memref_slice %arg6[%arg1, %mul3A_45, %dma_start3A] : memref<16x625x64xf32, #tpu.memory_space<hbm>> -> memref<1x125x64xf32, #tpu.memory_space<hbm>>
          %dma_start3A_47 = tpu.memref_squeeze %dma_start3A_46 : memref<1x125x64xf32, #tpu.memory_space<hbm>> -> memref<125x64xf32, #tpu.memory_space<hbm>>
          %dma_start3A_48 = arith.constant 0 : i32
          %dma_start3A_49 = tpu.memref_slice %arg6[%arg1, %mul3A_45, %dma_start3A_48] : memref<16x625x64xf32, #tpu.memory_space<hbm>> -> memref<1x125x64xf32, #tpu.memory_space<hbm>>
          %dma_start3A_50 = tpu.memref_squeeze %dma_start3A_49 : memref<1x125x64xf32, #tpu.memory_space<hbm>> -> memref<125x64xf32, #tpu.memory_space<hbm>>
          tpu.enqueue_dma source(%arg13 : memref<125x64xf32, #tpu.memory_space<vmem>>) target(%dma_start3A_50 : memref<125x64xf32, #tpu.memory_space<hbm>>) target_semaphore(%run_scoped3A : memref<!tpu.dma_semaphore, #tpu.memory_space<semaphore_mem>>)
          %dma_wait3A = arith.constant 0 : i32
          %dma_wait3A_51 = tpu.memref_slice %arg6[%arg1, %mul3A_45, %dma_wait3A] : memref<16x625x64xf32, #tpu.memory_space<hbm>> -> memref<1x125x64xf32, #tpu.memory_space<hbm>>
          %dma_wait3A_52 = tpu.memref_squeeze %dma_wait3A_51 : memref<1x125x64xf32, #tpu.memory_space<hbm>> -> memref<125x64xf32, #tpu.memory_space<hbm>>
          %dma_wait3A_53 = arith.constant 0 : i32
          %dma_wait3A_54 = tpu.memref_slice %arg6[%arg1, %mul3A_45, %dma_wait3A_53] : memref<16x625x64xf32, #tpu.memory_space<hbm>> -> memref<1x125x64xf32, #tpu.memory_space<hbm>>
          %dma_wait3A_55 = tpu.memref_squeeze %dma_wait3A_54 : memref<1x125x64xf32, #tpu.memory_space<hbm>> -> memref<125x64xf32, #tpu.memory_space<hbm>>
          tpu.wait_dma2 semaphore(%run_scoped3A : memref<!tpu.dma_semaphore, #tpu.memory_space<semaphore_mem>>) src(%arg13 : memref<125x64xf32, #tpu.memory_space<vmem>>) dst(%dma_wait3A_55 : memref<125x64xf32, #tpu.memory_space<hbm>>)
          tpu.yield
        }) : () -> ()
      } else {
      }
      %eq3A_38 = arith.constant 1 : i32
      %eq3A_39 = arith.cmpi eq, %arg0, %eq3A_38 : i32
      %convert_element_type3A_40 = arith.extui %eq3A_39 : i1 to i32
      %cond3A_41 = arith.constant 0 : i32
      %cond3A_42 = arith.cmpi ne, %convert_element_type3A_40, %cond3A_41 : i32
      scf.if %cond3A_42 {
        %mul3A_44 = arith.constant 125 : i32
        %mul3A_45 = arith.muli %scan3A_29, %mul3A_44 : i32
        "tpu.region"() ({
          %run_scoped3A = tpu.sem_alloc : memref<!tpu.dma_semaphore, #tpu.memory_space<semaphore_mem>>
          %dma_start3A = arith.constant 0 : i32
          %dma_start3A_46 = tpu.memref_slice %arg7[%arg1, %mul3A_45, %dma_start3A] : memref<16x625x64xf32, #tpu.memory_space<hbm>> -> memref<1x125x64xf32, #tpu.memory_space<hbm>>
          %dma_start3A_47 = tpu.memref_squeeze %dma_start3A_46 : memref<1x125x64xf32, #tpu.memory_space<hbm>> -> memref<125x64xf32, #tpu.memory_space<hbm>>
          %dma_start3A_48 = arith.constant 0 : i32
          %dma_start3A_49 = tpu.memref_slice %arg7[%arg1, %mul3A_45, %dma_start3A_48] : memref<16x625x64xf32, #tpu.memory_space<hbm>> -> memref<1x125x64xf32, #tpu.memory_space<hbm>>
          %dma_start3A_50 = tpu.memref_squeeze %dma_start3A_49 : memref<1x125x64xf32, #tpu.memory_space<hbm>> -> memref<125x64xf32, #tpu.memory_space<hbm>>
          tpu.enqueue_dma source(%arg13 : memref<125x64xf32, #tpu.memory_space<vmem>>) target(%dma_start3A_50 : memref<125x64xf32, #tpu.memory_space<hbm>>) target_semaphore(%run_scoped3A : memref<!tpu.dma_semaphore, #tpu.memory_space<semaphore_mem>>)
          %dma_wait3A = arith.constant 0 : i32
          %dma_wait3A_51 = tpu.memref_slice %arg7[%arg1, %mul3A_45, %dma_wait3A] : memref<16x625x64xf32, #tpu.memory_space<hbm>> -> memref<1x125x64xf32, #tpu.memory_space<hbm>>
          %dma_wait3A_52 = tpu.memref_squeeze %dma_wait3A_51 : memref<1x125x64xf32, #tpu.memory_space<hbm>> -> memref<125x64xf32, #tpu.memory_space<hbm>>
          %dma_wait3A_53 = arith.constant 0 : i32
          %dma_wait3A_54 = tpu.memref_slice %arg7[%arg1, %mul3A_45, %dma_wait3A_53] : memref<16x625x64xf32, #tpu.memory_space<hbm>> -> memref<1x125x64xf32, #tpu.memory_space<hbm>>
          %dma_wait3A_55 = tpu.memref_squeeze %dma_wait3A_54 : memref<1x125x64xf32, #tpu.memory_space<hbm>> -> memref<125x64xf32, #tpu.memory_space<hbm>>
          tpu.wait_dma2 semaphore(%run_scoped3A : memref<!tpu.dma_semaphore, #tpu.memory_space<semaphore_mem>>) src(%arg13 : memref<125x64xf32, #tpu.memory_space<vmem>>) dst(%dma_wait3A_55 : memref<125x64xf32, #tpu.memory_space<hbm>>)
          tpu.yield
        }) : () -> ()
      } else {
      }
      %scan3A_43 = arith.constant 0 : i32
      scf.yield %scan3A_43 : i32
    }
    %scan3A_28 = arith.constant 5 : i32
    return
  }
}

#map = affine_map<(d0, d1) -> (0, 0)>
#map1 = affine_map<(d0, d1) -> (0, 0, 0)>
module attributes {stable_mosaic.version = 14 : i64} {
  func.func @k(%arg0: i32, %arg1: i32, %arg2: memref<10000x64xf32, #tpu.memory_space<hbm>>, %arg3: memref<10000x64xf32, #tpu.memory_space<hbm>>, %arg4: memref<32x125x160xi32, #tpu.memory_space<hbm>>, %arg5: memref<32x125x160xi32, #tpu.memory_space<hbm>>, %arg6: memref<16x625x64xf32, #tpu.memory_space<hbm>>, %arg7: memref<16x625x64xf32, #tpu.memory_space<hbm>>, %arg8: memref<125x160xi32, #tpu.memory_space<vmem>>, %arg9: memref<125x160xi32, #tpu.memory_space<vmem>>, %arg10: memref<160x64xf32, #tpu.memory_space<vmem>>, %arg11: memref<160x64xf32, #tpu.memory_space<vmem>>, %arg12: memref<160x64xf32, #tpu.memory_space<vmem>>, %arg13: memref<125x64xf32, #tpu.memory_space<vmem>>, %arg14: memref<10000x64xf32, #tpu.memory_space<vmem_shared>>, %arg15: memref<!tpu.dma_semaphore, #tpu.memory_space<semaphore_mem>>, %arg16: memref<!tpu.dma_semaphore, #tpu.memory_space<semaphore_mem>>) attributes {dimension_semantics = [#tpu.dimension_semantics<core_parallel>, #tpu.dimension_semantics<subcore_parallel>], iteration_bounds = array<i64: 2, 16>, scalar_prefetch = 0 : i64, scratch_operands = 9 : i64, tpu.core_type = #tpu.core_type<sc_vector_subcore>, window_params = [{transform_indices = #map}, {transform_indices = #map}, {transform_indices = #map1}, {transform_indices = #map1}, {transform_indices = #map1}, {transform_indices = #map1}]} {
    %mul3A = arith.constant 16 : i32
    %mul3A_0 = arith.muli %arg0, %mul3A : i32
    %add3A = arith.addi %mul3A_0, %arg1 : i32
    %scan3A = arith.constant 0 : i32
    %scan3A_1 = arith.constant 0 : i32
    %scan3A_2 = arith.constant 125 : i32
    %scan3A_3 = arith.addi %scan3A_1, %scan3A_2 : i32
    %scan3A_4 = arith.constant 1 : i32
    %scan3A_5 = scf.for %scan3A_29 = %scan3A_1 to %scan3A_3 step %scan3A_4 iter_args(%scan3A_30 = %scan3A) -> (i32)  : i32 {
      %broadcast_in_dim3A = arith.constant 0.000000e+00 : f32
      %broadcast_in_dim3A_31 = vector.broadcast %broadcast_in_dim3A : f32 to vector<16xf32>
      %swap3A = arith.index_cast %scan3A_29 : i32 to index
      %swap3A_32 = arith.constant 0 : index
      %swap3A_33 = tpu.vector_load %arg13[%swap3A, %swap3A_32] {strides = array<i32>} : memref<125x64xf32, #tpu.memory_space<vmem>>, vector<1x16xf32>,
      %swap3A_34 = vector.shape_cast %swap3A_33 : vector<1x16xf32> to vector<16xf32>
      %swap3A_35 = vector.shape_cast %broadcast_in_dim3A_31 : vector<16xf32> to vector<1x16xf32>
      tpu.vector_store %arg13[%swap3A, %swap3A_32], %swap3A_35 {strides = array<i32>} : memref<125x64xf32, #tpu.memory_space<vmem>>, vector<1x16xf32>,
      %broadcast_in_dim3A_36 = arith.constant 0.000000e+00 : f32
      %broadcast_in_dim3A_37 = vector.broadcast %broadcast_in_dim3A_36 : f32 to vector<16xf32>
      %swap3A_38 = arith.index_cast %scan3A_29 : i32 to index
      %swap3A_39 = arith.constant 16 : index
      %swap3A_40 = tpu.vector_load %arg13[%swap3A_38, %swap3A_39] {strides = array<i32>} : memref<125x64xf32, #tpu.memory_space<vmem>>, vector<1x16xf32>,
      %swap3A_41 = vector.shape_cast %swap3A_40 : vector<1x16xf32> to vector<16xf32>
      %swap3A_42 = vector.shape_cast %broadcast_in_dim3A_37 : vector<16xf32> to vector<1x16xf32>
      tpu.vector_store %arg13[%swap3A_38, %swap3A_39], %swap3A_42 {strides = array<i32>} : memref<125x64xf32, #tpu.memory_space<vmem>>, vector<1x16xf32>,
      %broadcast_in_dim3A_43 = arith.constant 0.000000e+00 : f32
      %broadcast_in_dim3A_44 = vector.broadcast %broadcast_in_dim3A_43 : f32 to vector<16xf32>
      %swap3A_45 = arith.index_cast %scan3A_29 : i32 to index
      %swap3A_46 = arith.constant 32 : index
      %swap3A_47 = tpu.vector_load %arg13[%swap3A_45, %swap3A_46] {strides = array<i32>} : memref<125x64xf32, #tpu.memory_space<vmem>>, vector<1x16xf32>,
      %swap3A_48 = vector.shape_cast %swap3A_47 : vector<1x16xf32> to vector<16xf32>
      %swap3A_49 = vector.shape_cast %broadcast_in_dim3A_44 : vector<16xf32> to vector<1x16xf32>
      tpu.vector_store %arg13[%swap3A_45, %swap3A_46], %swap3A_49 {strides = array<i32>} : memref<125x64xf32, #tpu.memory_space<vmem>>, vector<1x16xf32>,
      %broadcast_in_dim3A_50 = arith.constant 0.000000e+00 : f32
      %broadcast_in_dim3A_51 = vector.broadcast %broadcast_in_dim3A_50 : f32 to vector<16xf32>
      %swap3A_52 = arith.index_cast %scan3A_29 : i32 to index
      %swap3A_53 = arith.constant 48 : index
      %swap3A_54 = tpu.vector_load %arg13[%swap3A_52, %swap3A_53] {strides = array<i32>} : memref<125x64xf32, #tpu.memory_space<vmem>>, vector<1x16xf32>,
      %swap3A_55 = vector.shape_cast %swap3A_54 : vector<1x16xf32> to vector<16xf32>
      %swap3A_56 = vector.shape_cast %broadcast_in_dim3A_51 : vector<16xf32> to vector<1x16xf32>
      tpu.vector_store %arg13[%swap3A_52, %swap3A_53], %swap3A_56 {strides = array<i32>} : memref<125x64xf32, #tpu.memory_space<vmem>>, vector<1x16xf32>,
      %scan3A_57 = arith.constant 0 : i32
      scf.yield %scan3A_57 : i32
    }
    %scan3A_6 = arith.constant 125 : i32
    %scan3A_7 = arith.constant 0 : i32
    %scan3A_8 = arith.constant 0 : i32
    %scan3A_9 = arith.constant 5 : i32
    %scan3A_10 = arith.addi %scan3A_8, %scan3A_9 : i32
    %scan3A_11 = arith.constant 1 : i32
    %scan3A_12 = scf.for %scan3A_29 = %scan3A_8 to %scan3A_10 step %scan3A_11 iter_args(%scan3A_30 = %scan3A_7) -> (i32)  : i32 {
      %mul3A_31 = arith.constant 625 : i32
      %mul3A_32 = arith.muli %arg1, %mul3A_31 : i32
      %mul3A_33 = arith.constant 125 : i32
      %mul3A_34 = arith.muli %scan3A_29, %mul3A_33 : i32
      %add3A_35 = arith.addi %mul3A_32, %mul3A_34 : i32
      "tpu.region"() ({
        %run_scoped3A = tpu.sem_alloc : memref<!tpu.dma_semaphore, #tpu.memory_space<semaphore_mem>>
        %dma_start3A = arith.constant 0 : i32
        %dma_start3A_37 = tpu.memref_slice %arg14[%add3A_35, %dma_start3A] : memref<10000x64xf32, #tpu.memory_space<vmem_shared>> -> memref<125x64xf32, #tpu.memory_space<vmem_shared>>
        %dma_start3A_38 = arith.constant 0 : i32
        %dma_start3A_39 = tpu.memref_slice %arg14[%add3A_35, %dma_start3A_38] : memref<10000x64xf32, #tpu.memory_space<vmem_shared>> -> memref<125x64xf32, #tpu.memory_space<vmem_shared>>
        tpu.enqueue_dma source(%arg13 : memref<125x64xf32, #tpu.memory_space<vmem>>) target(%dma_start3A_39 : memref<125x64xf32, #tpu.memory_space<vmem_shared>>) target_semaphore(%run_scoped3A : memref<!tpu.dma_semaphore, #tpu.memory_space<semaphore_mem>>)
        %dma_wait3A = arith.constant 0 : i32
        %dma_wait3A_40 = tpu.memref_slice %arg14[%add3A_35, %dma_wait3A] : memref<10000x64xf32, #tpu.memory_space<vmem_shared>> -> memref<125x64xf32, #tpu.memory_space<vmem_shared>>
        %dma_wait3A_41 = arith.constant 0 : i32
        %dma_wait3A_42 = tpu.memref_slice %arg14[%add3A_35, %dma_wait3A_41] : memref<10000x64xf32, #tpu.memory_space<vmem_shared>> -> memref<125x64xf32, #tpu.memory_space<vmem_shared>>
        tpu.wait_dma2 semaphore(%run_scoped3A : memref<!tpu.dma_semaphore, #tpu.memory_space<semaphore_mem>>) src(%arg13 : memref<125x64xf32, #tpu.memory_space<vmem>>) dst(%dma_wait3A_42 : memref<125x64xf32, #tpu.memory_space<vmem_shared>>)
        tpu.yield
      }) : () -> ()
      %scan3A_36 = arith.constant 0 : i32
      scf.yield %scan3A_36 : i32
    }
    %scan3A_13 = arith.constant 5 : i32
    "tpu.region"() ({
      %run_scoped3A = tpu.sem_alloc : memref<!tpu.dma_semaphore, #tpu.memory_space<semaphore_mem>>
      %dma_start3A = arith.constant 0 : i32
      %dma_start3A_29 = arith.constant 0 : i32
      %dma_start3A_30 = tpu.memref_slice %arg4[%add3A, %dma_start3A, %dma_start3A_29] : memref<32x125x160xi32, #tpu.memory_space<hbm>> -> memref<1x125x160xi32, #tpu.memory_space<hbm>>
      %dma_start3A_31 = tpu.memref_squeeze %dma_start3A_30 : memref<1x125x160xi32, #tpu.memory_space<hbm>> -> memref<125x160xi32, #tpu.memory_space<hbm>>
      %dma_start3A_32 = arith.constant 0 : i32
      %dma_start3A_33 = arith.constant 0 : i32
      %dma_start3A_34 = tpu.memref_slice %arg4[%add3A, %dma_start3A_32, %dma_start3A_33] : memref<32x125x160xi32, #tpu.memory_space<hbm>> -> memref<1x125x160xi32, #tpu.memory_space<hbm>>
      %dma_start3A_35 = tpu.memref_squeeze %dma_start3A_34 : memref<1x125x160xi32, #tpu.memory_space<hbm>> -> memref<125x160xi32, #tpu.memory_space<hbm>>
      tpu.enqueue_dma source(%dma_start3A_35 : memref<125x160xi32, #tpu.memory_space<hbm>>) target(%arg8 : memref<125x160xi32, #tpu.memory_space<vmem>>) target_semaphore(%run_scoped3A : memref<!tpu.dma_semaphore, #tpu.memory_space<semaphore_mem>>)
      %dma_wait3A = arith.constant 0 : i32
      %dma_wait3A_36 = arith.constant 0 : i32
      %dma_wait3A_37 = tpu.memref_slice %arg4[%add3A, %dma_wait3A, %dma_wait3A_36] : memref<32x125x160xi32, #tpu.memory_space<hbm>> -> memref<1x125x160xi32, #tpu.memory_space<hbm>>
      %dma_wait3A_38 = tpu.memref_squeeze %dma_wait3A_37 : memref<1x125x160xi32, #tpu.memory_space<hbm>> -> memref<125x160xi32, #tpu.memory_space<hbm>>
      %dma_wait3A_39 = arith.constant 0 : i32
      %dma_wait3A_40 = arith.constant 0 : i32
      %dma_wait3A_41 = tpu.memref_slice %arg4[%add3A, %dma_wait3A_39, %dma_wait3A_40] : memref<32x125x160xi32, #tpu.memory_space<hbm>> -> memref<1x125x160xi32, #tpu.memory_space<hbm>>
      %dma_wait3A_42 = tpu.memref_squeeze %dma_wait3A_41 : memref<1x125x160xi32, #tpu.memory_space<hbm>> -> memref<125x160xi32, #tpu.memory_space<hbm>>
      tpu.wait_dma2 semaphore(%run_scoped3A : memref<!tpu.dma_semaphore, #tpu.memory_space<semaphore_mem>>) src(%dma_wait3A_42 : memref<125x160xi32, #tpu.memory_space<hbm>>) dst(%arg8 : memref<125x160xi32, #tpu.memory_space<vmem>>)
      tpu.yield
    }) : () -> ()
    "tpu.region"() ({
      %run_scoped3A = tpu.sem_alloc : memref<!tpu.dma_semaphore, #tpu.memory_space<semaphore_mem>>
      %dma_start3A = arith.constant 0 : i32
      %dma_start3A_29 = arith.constant 0 : i32
      %dma_start3A_30 = tpu.memref_slice %arg5[%add3A, %dma_start3A, %dma_start3A_29] : memref<32x125x160xi32, #tpu.memory_space<hbm>> -> memref<1x125x160xi32, #tpu.memory_space<hbm>>
      %dma_start3A_31 = tpu.memref_squeeze %dma_start3A_30 : memref<1x125x160xi32, #tpu.memory_space<hbm>> -> memref<125x160xi32, #tpu.memory_space<hbm>>
      %dma_start3A_32 = arith.constant 0 : i32
      %dma_start3A_33 = arith.constant 0 : i32
      %dma_start3A_34 = tpu.memref_slice %arg5[%add3A, %dma_start3A_32, %dma_start3A_33] : memref<32x125x160xi32, #tpu.memory_space<hbm>> -> memref<1x125x160xi32, #tpu.memory_space<hbm>>
      %dma_start3A_35 = tpu.memref_squeeze %dma_start3A_34 : memref<1x125x160xi32, #tpu.memory_space<hbm>> -> memref<125x160xi32, #tpu.memory_space<hbm>>
      tpu.enqueue_dma source(%dma_start3A_35 : memref<125x160xi32, #tpu.memory_space<hbm>>) target(%arg9 : memref<125x160xi32, #tpu.memory_space<vmem>>) target_semaphore(%run_scoped3A : memref<!tpu.dma_semaphore, #tpu.memory_space<semaphore_mem>>)
      %dma_wait3A = arith.constant 0 : i32
      %dma_wait3A_36 = arith.constant 0 : i32
      %dma_wait3A_37 = tpu.memref_slice %arg5[%add3A, %dma_wait3A, %dma_wait3A_36] : memref<32x125x160xi32, #tpu.memory_space<hbm>> -> memref<1x125x160xi32, #tpu.memory_space<hbm>>
      %dma_wait3A_38 = tpu.memref_squeeze %dma_wait3A_37 : memref<1x125x160xi32, #tpu.memory_space<hbm>> -> memref<125x160xi32, #tpu.memory_space<hbm>>
      %dma_wait3A_39 = arith.constant 0 : i32
      %dma_wait3A_40 = arith.constant 0 : i32
      %dma_wait3A_41 = tpu.memref_slice %arg5[%add3A, %dma_wait3A_39, %dma_wait3A_40] : memref<32x125x160xi32, #tpu.memory_space<hbm>> -> memref<1x125x160xi32, #tpu.memory_space<hbm>>
      %dma_wait3A_42 = tpu.memref_squeeze %dma_wait3A_41 : memref<1x125x160xi32, #tpu.memory_space<hbm>> -> memref<125x160xi32, #tpu.memory_space<hbm>>
      tpu.wait_dma2 semaphore(%run_scoped3A : memref<!tpu.dma_semaphore, #tpu.memory_space<semaphore_mem>>) src(%dma_wait3A_42 : memref<125x160xi32, #tpu.memory_space<hbm>>) dst(%arg9 : memref<125x160xi32, #tpu.memory_space<vmem>>)
      tpu.yield
    }) : () -> ()
    %barrier3A = arith.constant 0 : index
    tpu.barrier barrier_id(%barrier3A)
    %scan3A_14 = arith.constant 0 : i32
    %scan3A_15 = arith.constant 0 : i32
    %scan3A_16 = arith.constant 125 : i32
    %scan3A_17 = arith.addi %scan3A_15, %scan3A_16 : i32
    %scan3A_18 = arith.constant 1 : i32
    %scan3A_19 = scf.for %scan3A_29 = %scan3A_15 to %scan3A_17 step %scan3A_18 iter_args(%scan3A_30 = %scan3A_14) -> (i32)  : i32 {
      %dma_start3A = arith.constant 0 : i32
      %dma_start3A_31 = tpu.memref_slice %arg8[%scan3A_29, %dma_start3A] : memref<125x160xi32, #tpu.memory_space<vmem>> -> memref<1x160xi32, #tpu.memory_space<vmem>>
      %dma_start3A_32 = tpu.memref_squeeze %dma_start3A_31 : memref<1x160xi32, #tpu.memory_space<vmem>> -> memref<160xi32, #tpu.memory_space<vmem>>
      %dma_start3A_33 = arith.constant 0 : i32
      %dma_start3A_34 = arith.constant 0 : i32
      %dma_start3A_35 = tpu.memref_slice %arg2[%dma_start3A_33, %dma_start3A_34] : memref<10000x64xf32, #tpu.memory_space<hbm>> -> memref<10000x64xf32, #tpu.memory_space<hbm>>
      tpu.enqueue_indirect_dma source(%dma_start3A_35 : memref<10000x64xf32, #tpu.memory_space<hbm>>) target(%arg10 : memref<160x64xf32, #tpu.memory_space<vmem>>) offsets(%dma_start3A_32 : memref<160xi32, #tpu.memory_space<vmem>>) semaphore(%arg15 : memref<!tpu.dma_semaphore, #tpu.memory_space<semaphore_mem>>)
      %dma_start3A_36 = arith.constant 0 : i32
      %dma_start3A_37 = tpu.memref_slice %arg9[%scan3A_29, %dma_start3A_36] : memref<125x160xi32, #tpu.memory_space<vmem>> -> memref<1x160xi32, #tpu.memory_space<vmem>>
      %dma_start3A_38 = tpu.memref_squeeze %dma_start3A_37 : memref<1x160xi32, #tpu.memory_space<vmem>> -> memref<160xi32, #tpu.memory_space<vmem>>
      %dma_start3A_39 = arith.constant 0 : i32
      %dma_start3A_40 = arith.constant 0 : i32
      %dma_start3A_41 = tpu.memref_slice %arg3[%dma_start3A_39, %dma_start3A_40] : memref<10000x64xf32, #tpu.memory_space<hbm>> -> memref<10000x64xf32, #tpu.memory_space<hbm>>
      tpu.enqueue_indirect_dma source(%dma_start3A_41 : memref<10000x64xf32, #tpu.memory_space<hbm>>) target(%arg11 : memref<160x64xf32, #tpu.memory_space<vmem>>) offsets(%dma_start3A_38 : memref<160xi32, #tpu.memory_space<vmem>>) semaphore(%arg16 : memref<!tpu.dma_semaphore, #tpu.memory_space<semaphore_mem>>)
      %dma_wait3A = arith.constant 0 : i32
      %dma_wait3A_42 = tpu.memref_slice %arg8[%scan3A_29, %dma_wait3A] : memref<125x160xi32, #tpu.memory_space<vmem>> -> memref<1x160xi32, #tpu.memory_space<vmem>>
      %dma_wait3A_43 = tpu.memref_squeeze %dma_wait3A_42 : memref<1x160xi32, #tpu.memory_space<vmem>> -> memref<160xi32, #tpu.memory_space<vmem>>
      %dma_wait3A_44 = arith.constant 0 : i32
      %dma_wait3A_45 = arith.constant 0 : i32
      %dma_wait3A_46 = tpu.memref_slice %arg2[%dma_wait3A_44, %dma_wait3A_45] : memref<10000x64xf32, #tpu.memory_space<hbm>> -> memref<10000x64xf32, #tpu.memory_space<hbm>>
      tpu.wait_indirect_dma semaphore(%arg15 : memref<!tpu.dma_semaphore, #tpu.memory_space<semaphore_mem>>) src(%dma_wait3A_46 : memref<10000x64xf32, #tpu.memory_space<hbm>>) dst(%arg10 : memref<160x64xf32, #tpu.memory_space<vmem>>)
      %dma_wait3A_47 = arith.constant 0 : i32
      %dma_wait3A_48 = tpu.memref_slice %arg9[%scan3A_29, %dma_wait3A_47] : memref<125x160xi32, #tpu.memory_space<vmem>> -> memref<1x160xi32, #tpu.memory_space<vmem>>
      %dma_wait3A_49 = tpu.memref_squeeze %dma_wait3A_48 : memref<1x160xi32, #tpu.memory_space<vmem>> -> memref<160xi32, #tpu.memory_space<vmem>>
      %dma_wait3A_50 = arith.constant 0 : i32
      %dma_wait3A_51 = arith.constant 0 : i32
      %dma_wait3A_52 = tpu.memref_slice %arg3[%dma_wait3A_50, %dma_wait3A_51] : memref<10000x64xf32, #tpu.memory_space<hbm>> -> memref<10000x64xf32, #tpu.memory_space<hbm>>
      tpu.wait_indirect_dma semaphore(%arg16 : memref<!tpu.dma_semaphore, #tpu.memory_space<semaphore_mem>>) src(%dma_wait3A_52 : memref<10000x64xf32, #tpu.memory_space<hbm>>) dst(%arg11 : memref<160x64xf32, #tpu.memory_space<vmem>>)
      %scan3A_53 = arith.constant 0 : i32
      %scan3A_54 = arith.constant 0 : i32
      %scan3A_55 = arith.constant 160 : i32
      %scan3A_56 = arith.addi %scan3A_54, %scan3A_55 : i32
      %scan3A_57 = arith.constant 1 : i32
      %scan3A_58 = scf.for %scan3A_61 = %scan3A_54 to %scan3A_56 step %scan3A_57 iter_args(%scan3A_62 = %scan3A_53) -> (i32)  : i32 {
        %get3A = arith.index_cast %scan3A_61 : i32 to index
        %get3A_63 = arith.constant 0 : index
        %get3A_64 = tpu.vector_load %arg10[%get3A, %get3A_63] {strides = array<i32>} : memref<160x64xf32, #tpu.memory_space<vmem>>, vector<1x16xf32>,
        %get3A_65 = vector.shape_cast %get3A_64 : vector<1x16xf32> to vector<16xf32>
        %get3A_66 = arith.index_cast %scan3A_61 : i32 to index
        %get3A_67 = arith.constant 0 : index
        %get3A_68 = tpu.vector_load %arg11[%get3A_66, %get3A_67] {strides = array<i32>} : memref<160x64xf32, #tpu.memory_space<vmem>>, vector<1x16xf32>,
        %get3A_69 = vector.shape_cast %get3A_68 : vector<1x16xf32> to vector<16xf32>
        %add3A_70 = arith.addf %get3A_65, %get3A_69 : vector<16xf32>
        %max3A = arith.constant -3.000000e+01 : f32
        %max3A_71 = vector.broadcast %max3A : f32 to vector<16xf32>
        %max3A_72 = arith.maximumf %add3A_70, %max3A_71 : vector<16xf32>
        %neg3A = arith.constant 0.000000e+00 : f32
        %neg3A_73 = vector.broadcast %neg3A : f32 to vector<16xf32>
        %neg3A_74 = arith.subf %neg3A_73, %max3A_72 : vector<16xf32>
        %exp3A = math.exp %neg3A_74 : vector<16xf32>
        %add3A_75 = arith.constant 1.000000e+00 : f32
        %add3A_76 = vector.broadcast %add3A_75 : f32 to vector<16xf32>
        %add3A_77 = arith.addf %add3A_76, %exp3A : vector<16xf32>
        %div3A = arith.constant 1.000000e+00 : f32
        %div3A_78 = vector.broadcast %div3A : f32 to vector<16xf32>
        %div3A_79 = arith.divf %div3A_78, %add3A_77 : vector<16xf32>
        %mul3A_80 = arith.mulf %add3A_77, %div3A_79 : vector<16xf32>
        %sub3A = arith.constant 2.000000e+00 : f32
        %sub3A_81 = vector.broadcast %sub3A : f32 to vector<16xf32>
        %sub3A_82 = arith.subf %sub3A_81, %mul3A_80 : vector<16xf32>
        %mul3A_83 = arith.mulf %div3A_79, %sub3A_82 : vector<16xf32>
        %mul3A_84 = arith.mulf %max3A_72, %mul3A_83 : vector<16xf32>
        %swap3A = arith.index_cast %scan3A_61 : i32 to index
        %swap3A_85 = arith.constant 0 : index
        %swap3A_86 = tpu.vector_load %arg12[%swap3A, %swap3A_85] {strides = array<i32>} : memref<160x64xf32, #tpu.memory_space<vmem>>, vector<1x16xf32>,
        %swap3A_87 = vector.shape_cast %swap3A_86 : vector<1x16xf32> to vector<16xf32>
        %swap3A_88 = vector.shape_cast %mul3A_84 : vector<16xf32> to vector<1x16xf32>
        tpu.vector_store %arg12[%swap3A, %swap3A_85], %swap3A_88 {strides = array<i32>} : memref<160x64xf32, #tpu.memory_space<vmem>>, vector<1x16xf32>,
        %get3A_89 = arith.index_cast %scan3A_61 : i32 to index
        %get3A_90 = arith.constant 16 : index
        %get3A_91 = tpu.vector_load %arg10[%get3A_89, %get3A_90] {strides = array<i32>} : memref<160x64xf32, #tpu.memory_space<vmem>>, vector<1x16xf32>,
        %get3A_92 = vector.shape_cast %get3A_91 : vector<1x16xf32> to vector<16xf32>
        %get3A_93 = arith.index_cast %scan3A_61 : i32 to index
        %get3A_94 = arith.constant 16 : index
        %get3A_95 = tpu.vector_load %arg11[%get3A_93, %get3A_94] {strides = array<i32>} : memref<160x64xf32, #tpu.memory_space<vmem>>, vector<1x16xf32>,
        %get3A_96 = vector.shape_cast %get3A_95 : vector<1x16xf32> to vector<16xf32>
        %add3A_97 = arith.addf %get3A_92, %get3A_96 : vector<16xf32>
        %max3A_98 = arith.constant -3.000000e+01 : f32
        %max3A_99 = vector.broadcast %max3A_98 : f32 to vector<16xf32>
        %max3A_100 = arith.maximumf %add3A_97, %max3A_99 : vector<16xf32>
        %neg3A_101 = arith.constant 0.000000e+00 : f32
        %neg3A_102 = vector.broadcast %neg3A_101 : f32 to vector<16xf32>
        %neg3A_103 = arith.subf %neg3A_102, %max3A_100 : vector<16xf32>
        %exp3A_104 = math.exp %neg3A_103 : vector<16xf32>
        %add3A_105 = arith.constant 1.000000e+00 : f32
        %add3A_106 = vector.broadcast %add3A_105 : f32 to vector<16xf32>
        %add3A_107 = arith.addf %add3A_106, %exp3A_104 : vector<16xf32>
        %div3A_108 = arith.constant 1.000000e+00 : f32
        %div3A_109 = vector.broadcast %div3A_108 : f32 to vector<16xf32>
        %div3A_110 = arith.divf %div3A_109, %add3A_107 : vector<16xf32>
        %mul3A_111 = arith.mulf %add3A_107, %div3A_110 : vector<16xf32>
        %sub3A_112 = arith.constant 2.000000e+00 : f32
        %sub3A_113 = vector.broadcast %sub3A_112 : f32 to vector<16xf32>
        %sub3A_114 = arith.subf %sub3A_113, %mul3A_111 : vector<16xf32>
        %mul3A_115 = arith.mulf %div3A_110, %sub3A_114 : vector<16xf32>
        %mul3A_116 = arith.mulf %max3A_100, %mul3A_115 : vector<16xf32>
        %swap3A_117 = arith.index_cast %scan3A_61 : i32 to index
        %swap3A_118 = arith.constant 16 : index
        %swap3A_119 = tpu.vector_load %arg12[%swap3A_117, %swap3A_118] {strides = array<i32>} : memref<160x64xf32, #tpu.memory_space<vmem>>, vector<1x16xf32>,
        %swap3A_120 = vector.shape_cast %swap3A_119 : vector<1x16xf32> to vector<16xf32>
        %swap3A_121 = vector.shape_cast %mul3A_116 : vector<16xf32> to vector<1x16xf32>
        tpu.vector_store %arg12[%swap3A_117, %swap3A_118], %swap3A_121 {strides = array<i32>} : memref<160x64xf32, #tpu.memory_space<vmem>>, vector<1x16xf32>,
        %get3A_122 = arith.index_cast %scan3A_61 : i32 to index
        %get3A_123 = arith.constant 32 : index
        %get3A_124 = tpu.vector_load %arg10[%get3A_122, %get3A_123] {strides = array<i32>} : memref<160x64xf32, #tpu.memory_space<vmem>>, vector<1x16xf32>,
        %get3A_125 = vector.shape_cast %get3A_124 : vector<1x16xf32> to vector<16xf32>
        %get3A_126 = arith.index_cast %scan3A_61 : i32 to index
        %get3A_127 = arith.constant 32 : index
        %get3A_128 = tpu.vector_load %arg11[%get3A_126, %get3A_127] {strides = array<i32>} : memref<160x64xf32, #tpu.memory_space<vmem>>, vector<1x16xf32>,
        %get3A_129 = vector.shape_cast %get3A_128 : vector<1x16xf32> to vector<16xf32>
        %add3A_130 = arith.addf %get3A_125, %get3A_129 : vector<16xf32>
        %max3A_131 = arith.constant -3.000000e+01 : f32
        %max3A_132 = vector.broadcast %max3A_131 : f32 to vector<16xf32>
        %max3A_133 = arith.maximumf %add3A_130, %max3A_132 : vector<16xf32>
        %neg3A_134 = arith.constant 0.000000e+00 : f32
        %neg3A_135 = vector.broadcast %neg3A_134 : f32 to vector<16xf32>
        %neg3A_136 = arith.subf %neg3A_135, %max3A_133 : vector<16xf32>
        %exp3A_137 = math.exp %neg3A_136 : vector<16xf32>
        %add3A_138 = arith.constant 1.000000e+00 : f32
        %add3A_139 = vector.broadcast %add3A_138 : f32 to vector<16xf32>
        %add3A_140 = arith.addf %add3A_139, %exp3A_137 : vector<16xf32>
        %div3A_141 = arith.constant 1.000000e+00 : f32
        %div3A_142 = vector.broadcast %div3A_141 : f32 to vector<16xf32>
        %div3A_143 = arith.divf %div3A_142, %add3A_140 : vector<16xf32>
        %mul3A_144 = arith.mulf %add3A_140, %div3A_143 : vector<16xf32>
        %sub3A_145 = arith.constant 2.000000e+00 : f32
        %sub3A_146 = vector.broadcast %sub3A_145 : f32 to vector<16xf32>
        %sub3A_147 = arith.subf %sub3A_146, %mul3A_144 : vector<16xf32>
        %mul3A_148 = arith.mulf %div3A_143, %sub3A_147 : vector<16xf32>
        %mul3A_149 = arith.mulf %max3A_133, %mul3A_148 : vector<16xf32>
        %swap3A_150 = arith.index_cast %scan3A_61 : i32 to index
        %swap3A_151 = arith.constant 32 : index
        %swap3A_152 = tpu.vector_load %arg12[%swap3A_150, %swap3A_151] {strides = array<i32>} : memref<160x64xf32, #tpu.memory_space<vmem>>, vector<1x16xf32>,
        %swap3A_153 = vector.shape_cast %swap3A_152 : vector<1x16xf32> to vector<16xf32>
        %swap3A_154 = vector.shape_cast %mul3A_149 : vector<16xf32> to vector<1x16xf32>
        tpu.vector_store %arg12[%swap3A_150, %swap3A_151], %swap3A_154 {strides = array<i32>} : memref<160x64xf32, #tpu.memory_space<vmem>>, vector<1x16xf32>,
        %get3A_155 = arith.index_cast %scan3A_61 : i32 to index
        %get3A_156 = arith.constant 48 : index
        %get3A_157 = tpu.vector_load %arg10[%get3A_155, %get3A_156] {strides = array<i32>} : memref<160x64xf32, #tpu.memory_space<vmem>>, vector<1x16xf32>,
        %get3A_158 = vector.shape_cast %get3A_157 : vector<1x16xf32> to vector<16xf32>
        %get3A_159 = arith.index_cast %scan3A_61 : i32 to index
        %get3A_160 = arith.constant 48 : index
        %get3A_161 = tpu.vector_load %arg11[%get3A_159, %get3A_160] {strides = array<i32>} : memref<160x64xf32, #tpu.memory_space<vmem>>, vector<1x16xf32>,
        %get3A_162 = vector.shape_cast %get3A_161 : vector<1x16xf32> to vector<16xf32>
        %add3A_163 = arith.addf %get3A_158, %get3A_162 : vector<16xf32>
        %max3A_164 = arith.constant -3.000000e+01 : f32
        %max3A_165 = vector.broadcast %max3A_164 : f32 to vector<16xf32>
        %max3A_166 = arith.maximumf %add3A_163, %max3A_165 : vector<16xf32>
        %neg3A_167 = arith.constant 0.000000e+00 : f32
        %neg3A_168 = vector.broadcast %neg3A_167 : f32 to vector<16xf32>
        %neg3A_169 = arith.subf %neg3A_168, %max3A_166 : vector<16xf32>
        %exp3A_170 = math.exp %neg3A_169 : vector<16xf32>
        %add3A_171 = arith.constant 1.000000e+00 : f32
        %add3A_172 = vector.broadcast %add3A_171 : f32 to vector<16xf32>
        %add3A_173 = arith.addf %add3A_172, %exp3A_170 : vector<16xf32>
        %div3A_174 = arith.constant 1.000000e+00 : f32
        %div3A_175 = vector.broadcast %div3A_174 : f32 to vector<16xf32>
        %div3A_176 = arith.divf %div3A_175, %add3A_173 : vector<16xf32>
        %mul3A_177 = arith.mulf %add3A_173, %div3A_176 : vector<16xf32>
        %sub3A_178 = arith.constant 2.000000e+00 : f32
        %sub3A_179 = vector.broadcast %sub3A_178 : f32 to vector<16xf32>
        %sub3A_180 = arith.subf %sub3A_179, %mul3A_177 : vector<16xf32>
        %mul3A_181 = arith.mulf %div3A_176, %sub3A_180 : vector<16xf32>
        %mul3A_182 = arith.mulf %max3A_166, %mul3A_181 : vector<16xf32>
        %swap3A_183 = arith.index_cast %scan3A_61 : i32 to index
        %swap3A_184 = arith.constant 48 : index
        %swap3A_185 = tpu.vector_load %arg12[%swap3A_183, %swap3A_184] {strides = array<i32>} : memref<160x64xf32, #tpu.memory_space<vmem>>, vector<1x16xf32>,
        %swap3A_186 = vector.shape_cast %swap3A_185 : vector<1x16xf32> to vector<16xf32>
        %swap3A_187 = vector.shape_cast %mul3A_182 : vector<16xf32> to vector<1x16xf32>
        tpu.vector_store %arg12[%swap3A_183, %swap3A_184], %swap3A_187 {strides = array<i32>} : memref<160x64xf32, #tpu.memory_space<vmem>>, vector<1x16xf32>,
        %scan3A_188 = arith.constant 0 : i32
        scf.yield %scan3A_188 : i32
      }
      %scan3A_59 = arith.constant 160 : i32
      "tpu.region"() ({
        %run_scoped3A = tpu.sem_alloc : memref<!tpu.dma_semaphore, #tpu.memory_space<semaphore_mem>>
        %dma_start3A_61 = arith.constant 0 : i32
        %dma_start3A_62 = tpu.memref_slice %arg9[%scan3A_29, %dma_start3A_61] : memref<125x160xi32, #tpu.memory_space<vmem>> -> memref<1x160xi32, #tpu.memory_space<vmem>>
        %dma_start3A_63 = tpu.memref_squeeze %dma_start3A_62 : memref<1x160xi32, #tpu.memory_space<vmem>> -> memref<160xi32, #tpu.memory_space<vmem>>
        %dma_start3A_64 = arith.constant 0 : i32
        %dma_start3A_65 = arith.constant 0 : i32
        %dma_start3A_66 = tpu.memref_slice %arg14[%dma_start3A_64, %dma_start3A_65] : memref<10000x64xf32, #tpu.memory_space<vmem_shared>> -> memref<10000x64xf32, #tpu.memory_space<vmem_shared>>
        tpu.enqueue_indirect_dma source(%arg12 : memref<160x64xf32, #tpu.memory_space<vmem>>) target(%dma_start3A_66 : memref<10000x64xf32, #tpu.memory_space<vmem_shared>>) offsets(%dma_start3A_63 : memref<160xi32, #tpu.memory_space<vmem>>) semaphore(%run_scoped3A : memref<!tpu.dma_semaphore, #tpu.memory_space<semaphore_mem>>) {add = true}
        %dma_wait3A_67 = arith.constant 0 : i32
        %dma_wait3A_68 = tpu.memref_slice %arg9[%scan3A_29, %dma_wait3A_67] : memref<125x160xi32, #tpu.memory_space<vmem>> -> memref<1x160xi32, #tpu.memory_space<vmem>>
        %dma_wait3A_69 = tpu.memref_squeeze %dma_wait3A_68 : memref<1x160xi32, #tpu.memory_space<vmem>> -> memref<160xi32, #tpu.memory_space<vmem>>
        %dma_wait3A_70 = arith.constant 0 : i32
        %dma_wait3A_71 = arith.constant 0 : i32
        %dma_wait3A_72 = tpu.memref_slice %arg14[%dma_wait3A_70, %dma_wait3A_71] : memref<10000x64xf32, #tpu.memory_space<vmem_shared>> -> memref<10000x64xf32, #tpu.memory_space<vmem_shared>>
        tpu.wait_indirect_dma semaphore(%run_scoped3A : memref<!tpu.dma_semaphore, #tpu.memory_space<semaphore_mem>>) src(%arg12 : memref<160x64xf32, #tpu.memory_space<vmem>>) dst(%dma_wait3A_72 : memref<10000x64xf32, #tpu.memory_space<vmem_shared>>)
        tpu.yield
      }) : () -> ()
      %scan3A_60 = arith.constant 0 : i32
      scf.yield %scan3A_60 : i32
    }
    %scan3A_20 = arith.constant 125 : i32
    %barrier3A_21 = arith.constant 0 : index
    tpu.barrier barrier_id(%barrier3A_21)
    %scan3A_22 = arith.constant 0 : i32
    %scan3A_23 = arith.constant 0 : i32
    %scan3A_24 = arith.constant 5 : i32
    %scan3A_25 = arith.addi %scan3A_23, %scan3A_24 : i32
    %scan3A_26 = arith.constant 1 : i32
    %scan3A_27 = scf.for %scan3A_29 = %scan3A_23 to %scan3A_25 step %scan3A_26 iter_args(%scan3A_30 = %scan3A_22) -> (i32)  : i32 {
      %mul3A_31 = arith.constant 625 : i32
      %mul3A_32 = arith.muli %arg1, %mul3A_31 : i32
      %mul3A_33 = arith.constant 125 : i32
      %mul3A_34 = arith.muli %scan3A_29, %mul3A_33 : i32
      %add3A_35 = arith.addi %mul3A_32, %mul3A_34 : i32
      "tpu.region"() ({
        %run_scoped3A = tpu.sem_alloc : memref<!tpu.dma_semaphore, #tpu.memory_space<semaphore_mem>>
        %dma_start3A = arith.constant 0 : i32
        %dma_start3A_44 = tpu.memref_slice %arg14[%add3A_35, %dma_start3A] : memref<10000x64xf32, #tpu.memory_space<vmem_shared>> -> memref<125x64xf32, #tpu.memory_space<vmem_shared>>
        %dma_start3A_45 = arith.constant 0 : i32
        %dma_start3A_46 = tpu.memref_slice %arg14[%add3A_35, %dma_start3A_45] : memref<10000x64xf32, #tpu.memory_space<vmem_shared>> -> memref<125x64xf32, #tpu.memory_space<vmem_shared>>
        tpu.enqueue_dma source(%dma_start3A_46 : memref<125x64xf32, #tpu.memory_space<vmem_shared>>) target(%arg13 : memref<125x64xf32, #tpu.memory_space<vmem>>) target_semaphore(%run_scoped3A : memref<!tpu.dma_semaphore, #tpu.memory_space<semaphore_mem>>)
        %dma_wait3A = arith.constant 0 : i32
        %dma_wait3A_47 = tpu.memref_slice %arg14[%add3A_35, %dma_wait3A] : memref<10000x64xf32, #tpu.memory_space<vmem_shared>> -> memref<125x64xf32, #tpu.memory_space<vmem_shared>>
        %dma_wait3A_48 = arith.constant 0 : i32
        %dma_wait3A_49 = tpu.memref_slice %arg14[%add3A_35, %dma_wait3A_48] : memref<10000x64xf32, #tpu.memory_space<vmem_shared>> -> memref<125x64xf32, #tpu.memory_space<vmem_shared>>
        tpu.wait_dma2 semaphore(%run_scoped3A : memref<!tpu.dma_semaphore, #tpu.memory_space<semaphore_mem>>) src(%dma_wait3A_49 : memref<125x64xf32, #tpu.memory_space<vmem_shared>>) dst(%arg13 : memref<125x64xf32, #tpu.memory_space<vmem>>)
        tpu.yield
      }) : () -> ()
      %eq3A = arith.constant 0 : i32
      %eq3A_36 = arith.cmpi eq, %arg0, %eq3A : i32
      %convert_element_type3A = arith.extui %eq3A_36 : i1 to i32
      %cond3A = arith.constant 0 : i32
      %cond3A_37 = arith.cmpi ne, %convert_element_type3A, %cond3A : i32
      scf.if %cond3A_37 {
        %mul3A_44 = arith.constant 125 : i32
        %mul3A_45 = arith.muli %scan3A_29, %mul3A_44 : i32
        "tpu.region"() ({
          %run_scoped3A = tpu.sem_alloc : memref<!tpu.dma_semaphore, #tpu.memory_space<semaphore_mem>>
          %dma_start3A = arith.constant 0 : i32
          %dma_start3A_46 = tpu.memref_slice %arg6[%arg1, %mul3A_45, %dma_start3A] : memref<16x625x64xf32, #tpu.memory_space<hbm>> -> memref<1x125x64xf32, #tpu.memory_space<hbm>>
          %dma_start3A_47 = tpu.memref_squeeze %dma_start3A_46 : memref<1x125x64xf32, #tpu.memory_space<hbm>> -> memref<125x64xf32, #tpu.memory_space<hbm>>
          %dma_start3A_48 = arith.constant 0 : i32
          %dma_start3A_49 = tpu.memref_slice %arg6[%arg1, %mul3A_45, %dma_start3A_48] : memref<16x625x64xf32, #tpu.memory_space<hbm>> -> memref<1x125x64xf32, #tpu.memory_space<hbm>>
          %dma_start3A_50 = tpu.memref_squeeze %dma_start3A_49 : memref<1x125x64xf32, #tpu.memory_space<hbm>> -> memref<125x64xf32, #tpu.memory_space<hbm>>
          tpu.enqueue_dma source(%arg13 : memref<125x64xf32, #tpu.memory_space<vmem>>) target(%dma_start3A_50 : memref<125x64xf32, #tpu.memory_space<hbm>>) target_semaphore(%run_scoped3A : memref<!tpu.dma_semaphore, #tpu.memory_space<semaphore_mem>>)
          %dma_wait3A = arith.constant 0 : i32
          %dma_wait3A_51 = tpu.memref_slice %arg6[%arg1, %mul3A_45, %dma_wait3A] : memref<16x625x64xf32, #tpu.memory_space<hbm>> -> memref<1x125x64xf32, #tpu.memory_space<hbm>>
          %dma_wait3A_52 = tpu.memref_squeeze %dma_wait3A_51 : memref<1x125x64xf32, #tpu.memory_space<hbm>> -> memref<125x64xf32, #tpu.memory_space<hbm>>
          %dma_wait3A_53 = arith.constant 0 : i32
          %dma_wait3A_54 = tpu.memref_slice %arg6[%arg1, %mul3A_45, %dma_wait3A_53] : memref<16x625x64xf32, #tpu.memory_space<hbm>> -> memref<1x125x64xf32, #tpu.memory_space<hbm>>
          %dma_wait3A_55 = tpu.memref_squeeze %dma_wait3A_54 : memref<1x125x64xf32, #tpu.memory_space<hbm>> -> memref<125x64xf32, #tpu.memory_space<hbm>>
          tpu.wait_dma2 semaphore(%run_scoped3A : memref<!tpu.dma_semaphore, #tpu.memory_space<semaphore_mem>>) src(%arg13 : memref<125x64xf32, #tpu.memory_space<vmem>>) dst(%dma_wait3A_55 : memref<125x64xf32, #tpu.memory_space<hbm>>)
          tpu.yield
        }) : () -> ()
      } else {
      }
      %eq3A_38 = arith.constant 1 : i32
      %eq3A_39 = arith.cmpi eq, %arg0, %eq3A_38 : i32
      %convert_element_type3A_40 = arith.extui %eq3A_39 : i1 to i32
      %cond3A_41 = arith.constant 0 : i32
      %cond3A_42 = arith.cmpi ne, %convert_element_type3A_40, %cond3A_41 : i32
      scf.if %cond3A_42 {
        %mul3A_44 = arith.constant 125 : i32
        %mul3A_45 = arith.muli %scan3A_29, %mul3A_44 : i32
        "tpu.region"() ({
          %run_scoped3A = tpu.sem_alloc : memref<!tpu.dma_semaphore, #tpu.memory_space<semaphore_mem>>
          %dma_start3A = arith.constant 0 : i32
          %dma_start3A_46 = tpu.memref_slice %arg7[%arg1, %mul3A_45, %dma_start3A] : memref<16x625x64xf32, #tpu.memory_space<hbm>> -> memref<1x125x64xf32, #tpu.memory_space<hbm>>
          %dma_start3A_47 = tpu.memref_squeeze %dma_start3A_46 : memref<1x125x64xf32, #tpu.memory_space<hbm>> -> memref<125x64xf32, #tpu.memory_space<hbm>>
          %dma_start3A_48 = arith.constant 0 : i32
          %dma_start3A_49 = tpu.memref_slice %arg7[%arg1, %mul3A_45, %dma_start3A_48] : memref<16x625x64xf32, #tpu.memory_space<hbm>> -> memref<1x125x64xf32, #tpu.memory_space<hbm>>
          %dma_start3A_50 = tpu.memref_squeeze %dma_start3A_49 : memref<1x125x64xf32, #tpu.memory_space<hbm>> -> memref<125x64xf32, #tpu.memory_space<hbm>>
          tpu.enqueue_dma source(%arg13 : memref<125x64xf32, #tpu.memory_space<vmem>>) target(%dma_start3A_50 : memref<125x64xf32, #tpu.memory_space<hbm>>) target_semaphore(%run_scoped3A : memref<!tpu.dma_semaphore, #tpu.memory_space<semaphore_mem>>)
          %dma_wait3A = arith.constant 0 : i32
          %dma_wait3A_51 = tpu.memref_slice %arg7[%arg1, %mul3A_45, %dma_wait3A] : memref<16x625x64xf32, #tpu.memory_space<hbm>> -> memref<1x125x64xf32, #tpu.memory_space<hbm>>
          %dma_wait3A_52 = tpu.memref_squeeze %dma_wait3A_51 : memref<1x125x64xf32, #tpu.memory_space<hbm>> -> memref<125x64xf32, #tpu.memory_space<hbm>>
          %dma_wait3A_53 = arith.constant 0 : i32
          %dma_wait3A_54 = tpu.memref_slice %arg7[%arg1, %mul3A_45, %dma_wait3A_53] : memref<16x625x64xf32, #tpu.memory_space<hbm>> -> memref<1x125x64xf32, #tpu.memory_space<hbm>>
          %dma_wait3A_55 = tpu.memref_squeeze %dma_wait3A_54 : memref<1x125x64xf32, #tpu.memory_space<hbm>> -> memref<125x64xf32, #tpu.memory_space<hbm>>
          tpu.wait_dma2 semaphore(%run_scoped3A : memref<!tpu.dma_semaphore, #tpu.memory_space<semaphore_mem>>) src(%arg13 : memref<125x64xf32, #tpu.memory_space<vmem>>) dst(%dma_wait3A_55 : memref<125x64xf32, #tpu.memory_space<hbm>>)
          tpu.yield
        }) : () -> ()
      } else {
      }
      %scan3A_43 = arith.constant 0 : i32
      scf.yield %scan3A_43 : i32
    }
    %scan3A_28 = arith.constant 5 : i32
    return
  }
}

#map = affine_map<(d0, d1) -> (0, 0)>
#map1 = affine_map<(d0, d1) -> (0, 0, 0)>
module attributes {stable_mosaic.version = 14 : i64} {
  func.func @k(%arg0: i32, %arg1: i32, %arg2: memref<10000x64xf32, #tpu.memory_space<hbm>>, %arg3: memref<10000x64xf32, #tpu.memory_space<hbm>>, %arg4: memref<32x125x160xi32, #tpu.memory_space<hbm>>, %arg5: memref<32x125x160xi32, #tpu.memory_space<hbm>>, %arg6: memref<640000x64xf32, #tpu.memory_space<hbm>>, %arg7: memref<125x160xi32, #tpu.memory_space<vmem>>, %arg8: memref<125x160xi32, #tpu.memory_space<vmem>>, %arg9: memref<160x64xf32, #tpu.memory_space<vmem>>, %arg10: memref<160x64xf32, #tpu.memory_space<vmem>>, %arg11: memref<160x64xf32, #tpu.memory_space<vmem>>, %arg12: memref<!tpu.dma_semaphore, #tpu.memory_space<semaphore_mem>>, %arg13: memref<!tpu.dma_semaphore, #tpu.memory_space<semaphore_mem>>) attributes {dimension_semantics = [#tpu.dimension_semantics<core_parallel>, #tpu.dimension_semantics<subcore_parallel>], iteration_bounds = array<i64: 2, 16>, scalar_prefetch = 0 : i64, scratch_operands = 7 : i64, tpu.core_type = #tpu.core_type<sc_vector_subcore>, window_params = [{transform_indices = #map}, {transform_indices = #map}, {transform_indices = #map1}, {transform_indices = #map1}, {transform_indices = #map}]} {
    %mul3A = arith.constant 16 : i32
    %mul3A_0 = arith.muli %arg0, %mul3A : i32
    %add3A = arith.addi %mul3A_0, %arg1 : i32
    "tpu.region"() ({
      %run_scoped3A = tpu.sem_alloc : memref<!tpu.dma_semaphore, #tpu.memory_space<semaphore_mem>>
      %dma_start3A = arith.constant 0 : i32
      %dma_start3A_7 = arith.constant 0 : i32
      %dma_start3A_8 = tpu.memref_slice %arg4[%add3A, %dma_start3A, %dma_start3A_7] : memref<32x125x160xi32, #tpu.memory_space<hbm>> -> memref<1x125x160xi32, #tpu.memory_space<hbm>>
      %dma_start3A_9 = tpu.memref_squeeze %dma_start3A_8 : memref<1x125x160xi32, #tpu.memory_space<hbm>> -> memref<125x160xi32, #tpu.memory_space<hbm>>
      %dma_start3A_10 = arith.constant 0 : i32
      %dma_start3A_11 = arith.constant 0 : i32
      %dma_start3A_12 = tpu.memref_slice %arg4[%add3A, %dma_start3A_10, %dma_start3A_11] : memref<32x125x160xi32, #tpu.memory_space<hbm>> -> memref<1x125x160xi32, #tpu.memory_space<hbm>>
      %dma_start3A_13 = tpu.memref_squeeze %dma_start3A_12 : memref<1x125x160xi32, #tpu.memory_space<hbm>> -> memref<125x160xi32, #tpu.memory_space<hbm>>
      tpu.enqueue_dma source(%dma_start3A_13 : memref<125x160xi32, #tpu.memory_space<hbm>>) target(%arg7 : memref<125x160xi32, #tpu.memory_space<vmem>>) target_semaphore(%run_scoped3A : memref<!tpu.dma_semaphore, #tpu.memory_space<semaphore_mem>>)
      %dma_wait3A = arith.constant 0 : i32
      %dma_wait3A_14 = arith.constant 0 : i32
      %dma_wait3A_15 = tpu.memref_slice %arg4[%add3A, %dma_wait3A, %dma_wait3A_14] : memref<32x125x160xi32, #tpu.memory_space<hbm>> -> memref<1x125x160xi32, #tpu.memory_space<hbm>>
      %dma_wait3A_16 = tpu.memref_squeeze %dma_wait3A_15 : memref<1x125x160xi32, #tpu.memory_space<hbm>> -> memref<125x160xi32, #tpu.memory_space<hbm>>
      %dma_wait3A_17 = arith.constant 0 : i32
      %dma_wait3A_18 = arith.constant 0 : i32
      %dma_wait3A_19 = tpu.memref_slice %arg4[%add3A, %dma_wait3A_17, %dma_wait3A_18] : memref<32x125x160xi32, #tpu.memory_space<hbm>> -> memref<1x125x160xi32, #tpu.memory_space<hbm>>
      %dma_wait3A_20 = tpu.memref_squeeze %dma_wait3A_19 : memref<1x125x160xi32, #tpu.memory_space<hbm>> -> memref<125x160xi32, #tpu.memory_space<hbm>>
      tpu.wait_dma2 semaphore(%run_scoped3A : memref<!tpu.dma_semaphore, #tpu.memory_space<semaphore_mem>>) src(%dma_wait3A_20 : memref<125x160xi32, #tpu.memory_space<hbm>>) dst(%arg7 : memref<125x160xi32, #tpu.memory_space<vmem>>)
      tpu.yield
    }) : () -> ()
    "tpu.region"() ({
      %run_scoped3A = tpu.sem_alloc : memref<!tpu.dma_semaphore, #tpu.memory_space<semaphore_mem>>
      %dma_start3A = arith.constant 0 : i32
      %dma_start3A_7 = arith.constant 0 : i32
      %dma_start3A_8 = tpu.memref_slice %arg5[%add3A, %dma_start3A, %dma_start3A_7] : memref<32x125x160xi32, #tpu.memory_space<hbm>> -> memref<1x125x160xi32, #tpu.memory_space<hbm>>
      %dma_start3A_9 = tpu.memref_squeeze %dma_start3A_8 : memref<1x125x160xi32, #tpu.memory_space<hbm>> -> memref<125x160xi32, #tpu.memory_space<hbm>>
      %dma_start3A_10 = arith.constant 0 : i32
      %dma_start3A_11 = arith.constant 0 : i32
      %dma_start3A_12 = tpu.memref_slice %arg5[%add3A, %dma_start3A_10, %dma_start3A_11] : memref<32x125x160xi32, #tpu.memory_space<hbm>> -> memref<1x125x160xi32, #tpu.memory_space<hbm>>
      %dma_start3A_13 = tpu.memref_squeeze %dma_start3A_12 : memref<1x125x160xi32, #tpu.memory_space<hbm>> -> memref<125x160xi32, #tpu.memory_space<hbm>>
      tpu.enqueue_dma source(%dma_start3A_13 : memref<125x160xi32, #tpu.memory_space<hbm>>) target(%arg8 : memref<125x160xi32, #tpu.memory_space<vmem>>) target_semaphore(%run_scoped3A : memref<!tpu.dma_semaphore, #tpu.memory_space<semaphore_mem>>)
      %dma_wait3A = arith.constant 0 : i32
      %dma_wait3A_14 = arith.constant 0 : i32
      %dma_wait3A_15 = tpu.memref_slice %arg5[%add3A, %dma_wait3A, %dma_wait3A_14] : memref<32x125x160xi32, #tpu.memory_space<hbm>> -> memref<1x125x160xi32, #tpu.memory_space<hbm>>
      %dma_wait3A_16 = tpu.memref_squeeze %dma_wait3A_15 : memref<1x125x160xi32, #tpu.memory_space<hbm>> -> memref<125x160xi32, #tpu.memory_space<hbm>>
      %dma_wait3A_17 = arith.constant 0 : i32
      %dma_wait3A_18 = arith.constant 0 : i32
      %dma_wait3A_19 = tpu.memref_slice %arg5[%add3A, %dma_wait3A_17, %dma_wait3A_18] : memref<32x125x160xi32, #tpu.memory_space<hbm>> -> memref<1x125x160xi32, #tpu.memory_space<hbm>>
      %dma_wait3A_20 = tpu.memref_squeeze %dma_wait3A_19 : memref<1x125x160xi32, #tpu.memory_space<hbm>> -> memref<125x160xi32, #tpu.memory_space<hbm>>
      tpu.wait_dma2 semaphore(%run_scoped3A : memref<!tpu.dma_semaphore, #tpu.memory_space<semaphore_mem>>) src(%dma_wait3A_20 : memref<125x160xi32, #tpu.memory_space<hbm>>) dst(%arg8 : memref<125x160xi32, #tpu.memory_space<vmem>>)
      tpu.yield
    }) : () -> ()
    %scan3A = arith.constant 0 : i32
    %scan3A_1 = arith.constant 0 : i32
    %scan3A_2 = arith.constant 125 : i32
    %scan3A_3 = arith.addi %scan3A_1, %scan3A_2 : i32
    %scan3A_4 = arith.constant 1 : i32
    %scan3A_5 = scf.for %scan3A_7 = %scan3A_1 to %scan3A_3 step %scan3A_4 iter_args(%scan3A_8 = %scan3A) -> (i32)  : i32 {
      %dma_start3A = arith.constant 0 : i32
      %dma_start3A_9 = tpu.memref_slice %arg7[%scan3A_7, %dma_start3A] : memref<125x160xi32, #tpu.memory_space<vmem>> -> memref<1x160xi32, #tpu.memory_space<vmem>>
      %dma_start3A_10 = tpu.memref_squeeze %dma_start3A_9 : memref<1x160xi32, #tpu.memory_space<vmem>> -> memref<160xi32, #tpu.memory_space<vmem>>
      %dma_start3A_11 = arith.constant 0 : i32
      %dma_start3A_12 = arith.constant 0 : i32
      %dma_start3A_13 = tpu.memref_slice %arg2[%dma_start3A_11, %dma_start3A_12] : memref<10000x64xf32, #tpu.memory_space<hbm>> -> memref<10000x64xf32, #tpu.memory_space<hbm>>
      tpu.enqueue_indirect_dma source(%dma_start3A_13 : memref<10000x64xf32, #tpu.memory_space<hbm>>) target(%arg9 : memref<160x64xf32, #tpu.memory_space<vmem>>) offsets(%dma_start3A_10 : memref<160xi32, #tpu.memory_space<vmem>>) semaphore(%arg12 : memref<!tpu.dma_semaphore, #tpu.memory_space<semaphore_mem>>)
      %dma_start3A_14 = arith.constant 0 : i32
      %dma_start3A_15 = tpu.memref_slice %arg8[%scan3A_7, %dma_start3A_14] : memref<125x160xi32, #tpu.memory_space<vmem>> -> memref<1x160xi32, #tpu.memory_space<vmem>>
      %dma_start3A_16 = tpu.memref_squeeze %dma_start3A_15 : memref<1x160xi32, #tpu.memory_space<vmem>> -> memref<160xi32, #tpu.memory_space<vmem>>
      %dma_start3A_17 = arith.constant 0 : i32
      %dma_start3A_18 = arith.constant 0 : i32
      %dma_start3A_19 = tpu.memref_slice %arg3[%dma_start3A_17, %dma_start3A_18] : memref<10000x64xf32, #tpu.memory_space<hbm>> -> memref<10000x64xf32, #tpu.memory_space<hbm>>
      tpu.enqueue_indirect_dma source(%dma_start3A_19 : memref<10000x64xf32, #tpu.memory_space<hbm>>) target(%arg10 : memref<160x64xf32, #tpu.memory_space<vmem>>) offsets(%dma_start3A_16 : memref<160xi32, #tpu.memory_space<vmem>>) semaphore(%arg13 : memref<!tpu.dma_semaphore, #tpu.memory_space<semaphore_mem>>)
      %dma_wait3A = arith.constant 0 : i32
      %dma_wait3A_20 = tpu.memref_slice %arg7[%scan3A_7, %dma_wait3A] : memref<125x160xi32, #tpu.memory_space<vmem>> -> memref<1x160xi32, #tpu.memory_space<vmem>>
      %dma_wait3A_21 = tpu.memref_squeeze %dma_wait3A_20 : memref<1x160xi32, #tpu.memory_space<vmem>> -> memref<160xi32, #tpu.memory_space<vmem>>
      %dma_wait3A_22 = arith.constant 0 : i32
      %dma_wait3A_23 = arith.constant 0 : i32
      %dma_wait3A_24 = tpu.memref_slice %arg2[%dma_wait3A_22, %dma_wait3A_23] : memref<10000x64xf32, #tpu.memory_space<hbm>> -> memref<10000x64xf32, #tpu.memory_space<hbm>>
      tpu.wait_indirect_dma semaphore(%arg12 : memref<!tpu.dma_semaphore, #tpu.memory_space<semaphore_mem>>) src(%dma_wait3A_24 : memref<10000x64xf32, #tpu.memory_space<hbm>>) dst(%arg9 : memref<160x64xf32, #tpu.memory_space<vmem>>)
      %dma_wait3A_25 = arith.constant 0 : i32
      %dma_wait3A_26 = tpu.memref_slice %arg8[%scan3A_7, %dma_wait3A_25] : memref<125x160xi32, #tpu.memory_space<vmem>> -> memref<1x160xi32, #tpu.memory_space<vmem>>
      %dma_wait3A_27 = tpu.memref_squeeze %dma_wait3A_26 : memref<1x160xi32, #tpu.memory_space<vmem>> -> memref<160xi32, #tpu.memory_space<vmem>>
      %dma_wait3A_28 = arith.constant 0 : i32
      %dma_wait3A_29 = arith.constant 0 : i32
      %dma_wait3A_30 = tpu.memref_slice %arg3[%dma_wait3A_28, %dma_wait3A_29] : memref<10000x64xf32, #tpu.memory_space<hbm>> -> memref<10000x64xf32, #tpu.memory_space<hbm>>
      tpu.wait_indirect_dma semaphore(%arg13 : memref<!tpu.dma_semaphore, #tpu.memory_space<semaphore_mem>>) src(%dma_wait3A_30 : memref<10000x64xf32, #tpu.memory_space<hbm>>) dst(%arg10 : memref<160x64xf32, #tpu.memory_space<vmem>>)
      %scan3A_31 = arith.constant 0 : i32
      %scan3A_32 = arith.constant 0 : i32
      %scan3A_33 = arith.constant 160 : i32
      %scan3A_34 = arith.addi %scan3A_32, %scan3A_33 : i32
      %scan3A_35 = arith.constant 1 : i32
      %scan3A_36 = scf.for %scan3A_44 = %scan3A_32 to %scan3A_34 step %scan3A_35 iter_args(%scan3A_45 = %scan3A_31) -> (i32)  : i32 {
        %get3A = arith.index_cast %scan3A_44 : i32 to index
        %get3A_46 = arith.constant 0 : index
        %get3A_47 = tpu.vector_load %arg9[%get3A, %get3A_46] {strides = array<i32>} : memref<160x64xf32, #tpu.memory_space<vmem>>, vector<1x16xf32>,
        %get3A_48 = vector.shape_cast %get3A_47 : vector<1x16xf32> to vector<16xf32>
        %get3A_49 = arith.index_cast %scan3A_44 : i32 to index
        %get3A_50 = arith.constant 0 : index
        %get3A_51 = tpu.vector_load %arg10[%get3A_49, %get3A_50] {strides = array<i32>} : memref<160x64xf32, #tpu.memory_space<vmem>>, vector<1x16xf32>,
        %get3A_52 = vector.shape_cast %get3A_51 : vector<1x16xf32> to vector<16xf32>
        %add3A_53 = arith.addf %get3A_48, %get3A_52 : vector<16xf32>
        %max3A = arith.constant -3.000000e+01 : f32
        %max3A_54 = vector.broadcast %max3A : f32 to vector<16xf32>
        %max3A_55 = arith.maximumf %add3A_53, %max3A_54 : vector<16xf32>
        %neg3A = arith.constant 0.000000e+00 : f32
        %neg3A_56 = vector.broadcast %neg3A : f32 to vector<16xf32>
        %neg3A_57 = arith.subf %neg3A_56, %max3A_55 : vector<16xf32>
        %exp3A = math.exp %neg3A_57 : vector<16xf32>
        %add3A_58 = arith.constant 1.000000e+00 : f32
        %add3A_59 = vector.broadcast %add3A_58 : f32 to vector<16xf32>
        %add3A_60 = arith.addf %add3A_59, %exp3A : vector<16xf32>
        %div3A = arith.constant 1.000000e+00 : f32
        %div3A_61 = vector.broadcast %div3A : f32 to vector<16xf32>
        %div3A_62 = arith.divf %div3A_61, %add3A_60 : vector<16xf32>
        %mul3A_63 = arith.mulf %add3A_60, %div3A_62 : vector<16xf32>
        %sub3A = arith.constant 2.000000e+00 : f32
        %sub3A_64 = vector.broadcast %sub3A : f32 to vector<16xf32>
        %sub3A_65 = arith.subf %sub3A_64, %mul3A_63 : vector<16xf32>
        %mul3A_66 = arith.mulf %div3A_62, %sub3A_65 : vector<16xf32>
        %mul3A_67 = arith.mulf %max3A_55, %mul3A_66 : vector<16xf32>
        %swap3A = arith.index_cast %scan3A_44 : i32 to index
        %swap3A_68 = arith.constant 0 : index
        %swap3A_69 = tpu.vector_load %arg11[%swap3A, %swap3A_68] {strides = array<i32>} : memref<160x64xf32, #tpu.memory_space<vmem>>, vector<1x16xf32>,
        %swap3A_70 = vector.shape_cast %swap3A_69 : vector<1x16xf32> to vector<16xf32>
        %swap3A_71 = vector.shape_cast %mul3A_67 : vector<16xf32> to vector<1x16xf32>
        tpu.vector_store %arg11[%swap3A, %swap3A_68], %swap3A_71 {strides = array<i32>} : memref<160x64xf32, #tpu.memory_space<vmem>>, vector<1x16xf32>,
        %get3A_72 = arith.index_cast %scan3A_44 : i32 to index
        %get3A_73 = arith.constant 16 : index
        %get3A_74 = tpu.vector_load %arg9[%get3A_72, %get3A_73] {strides = array<i32>} : memref<160x64xf32, #tpu.memory_space<vmem>>, vector<1x16xf32>,
        %get3A_75 = vector.shape_cast %get3A_74 : vector<1x16xf32> to vector<16xf32>
        %get3A_76 = arith.index_cast %scan3A_44 : i32 to index
        %get3A_77 = arith.constant 16 : index
        %get3A_78 = tpu.vector_load %arg10[%get3A_76, %get3A_77] {strides = array<i32>} : memref<160x64xf32, #tpu.memory_space<vmem>>, vector<1x16xf32>,
        %get3A_79 = vector.shape_cast %get3A_78 : vector<1x16xf32> to vector<16xf32>
        %add3A_80 = arith.addf %get3A_75, %get3A_79 : vector<16xf32>
        %max3A_81 = arith.constant -3.000000e+01 : f32
        %max3A_82 = vector.broadcast %max3A_81 : f32 to vector<16xf32>
        %max3A_83 = arith.maximumf %add3A_80, %max3A_82 : vector<16xf32>
        %neg3A_84 = arith.constant 0.000000e+00 : f32
        %neg3A_85 = vector.broadcast %neg3A_84 : f32 to vector<16xf32>
        %neg3A_86 = arith.subf %neg3A_85, %max3A_83 : vector<16xf32>
        %exp3A_87 = math.exp %neg3A_86 : vector<16xf32>
        %add3A_88 = arith.constant 1.000000e+00 : f32
        %add3A_89 = vector.broadcast %add3A_88 : f32 to vector<16xf32>
        %add3A_90 = arith.addf %add3A_89, %exp3A_87 : vector<16xf32>
        %div3A_91 = arith.constant 1.000000e+00 : f32
        %div3A_92 = vector.broadcast %div3A_91 : f32 to vector<16xf32>
        %div3A_93 = arith.divf %div3A_92, %add3A_90 : vector<16xf32>
        %mul3A_94 = arith.mulf %add3A_90, %div3A_93 : vector<16xf32>
        %sub3A_95 = arith.constant 2.000000e+00 : f32
        %sub3A_96 = vector.broadcast %sub3A_95 : f32 to vector<16xf32>
        %sub3A_97 = arith.subf %sub3A_96, %mul3A_94 : vector<16xf32>
        %mul3A_98 = arith.mulf %div3A_93, %sub3A_97 : vector<16xf32>
        %mul3A_99 = arith.mulf %max3A_83, %mul3A_98 : vector<16xf32>
        %swap3A_100 = arith.index_cast %scan3A_44 : i32 to index
        %swap3A_101 = arith.constant 16 : index
        %swap3A_102 = tpu.vector_load %arg11[%swap3A_100, %swap3A_101] {strides = array<i32>} : memref<160x64xf32, #tpu.memory_space<vmem>>, vector<1x16xf32>,
        %swap3A_103 = vector.shape_cast %swap3A_102 : vector<1x16xf32> to vector<16xf32>
        %swap3A_104 = vector.shape_cast %mul3A_99 : vector<16xf32> to vector<1x16xf32>
        tpu.vector_store %arg11[%swap3A_100, %swap3A_101], %swap3A_104 {strides = array<i32>} : memref<160x64xf32, #tpu.memory_space<vmem>>, vector<1x16xf32>,
        %get3A_105 = arith.index_cast %scan3A_44 : i32 to index
        %get3A_106 = arith.constant 32 : index
        %get3A_107 = tpu.vector_load %arg9[%get3A_105, %get3A_106] {strides = array<i32>} : memref<160x64xf32, #tpu.memory_space<vmem>>, vector<1x16xf32>,
        %get3A_108 = vector.shape_cast %get3A_107 : vector<1x16xf32> to vector<16xf32>
        %get3A_109 = arith.index_cast %scan3A_44 : i32 to index
        %get3A_110 = arith.constant 32 : index
        %get3A_111 = tpu.vector_load %arg10[%get3A_109, %get3A_110] {strides = array<i32>} : memref<160x64xf32, #tpu.memory_space<vmem>>, vector<1x16xf32>,
        %get3A_112 = vector.shape_cast %get3A_111 : vector<1x16xf32> to vector<16xf32>
        %add3A_113 = arith.addf %get3A_108, %get3A_112 : vector<16xf32>
        %max3A_114 = arith.constant -3.000000e+01 : f32
        %max3A_115 = vector.broadcast %max3A_114 : f32 to vector<16xf32>
        %max3A_116 = arith.maximumf %add3A_113, %max3A_115 : vector<16xf32>
        %neg3A_117 = arith.constant 0.000000e+00 : f32
        %neg3A_118 = vector.broadcast %neg3A_117 : f32 to vector<16xf32>
        %neg3A_119 = arith.subf %neg3A_118, %max3A_116 : vector<16xf32>
        %exp3A_120 = math.exp %neg3A_119 : vector<16xf32>
        %add3A_121 = arith.constant 1.000000e+00 : f32
        %add3A_122 = vector.broadcast %add3A_121 : f32 to vector<16xf32>
        %add3A_123 = arith.addf %add3A_122, %exp3A_120 : vector<16xf32>
        %div3A_124 = arith.constant 1.000000e+00 : f32
        %div3A_125 = vector.broadcast %div3A_124 : f32 to vector<16xf32>
        %div3A_126 = arith.divf %div3A_125, %add3A_123 : vector<16xf32>
        %mul3A_127 = arith.mulf %add3A_123, %div3A_126 : vector<16xf32>
        %sub3A_128 = arith.constant 2.000000e+00 : f32
        %sub3A_129 = vector.broadcast %sub3A_128 : f32 to vector<16xf32>
        %sub3A_130 = arith.subf %sub3A_129, %mul3A_127 : vector<16xf32>
        %mul3A_131 = arith.mulf %div3A_126, %sub3A_130 : vector<16xf32>
        %mul3A_132 = arith.mulf %max3A_116, %mul3A_131 : vector<16xf32>
        %swap3A_133 = arith.index_cast %scan3A_44 : i32 to index
        %swap3A_134 = arith.constant 32 : index
        %swap3A_135 = tpu.vector_load %arg11[%swap3A_133, %swap3A_134] {strides = array<i32>} : memref<160x64xf32, #tpu.memory_space<vmem>>, vector<1x16xf32>,
        %swap3A_136 = vector.shape_cast %swap3A_135 : vector<1x16xf32> to vector<16xf32>
        %swap3A_137 = vector.shape_cast %mul3A_132 : vector<16xf32> to vector<1x16xf32>
        tpu.vector_store %arg11[%swap3A_133, %swap3A_134], %swap3A_137 {strides = array<i32>} : memref<160x64xf32, #tpu.memory_space<vmem>>, vector<1x16xf32>,
        %get3A_138 = arith.index_cast %scan3A_44 : i32 to index
        %get3A_139 = arith.constant 48 : index
        %get3A_140 = tpu.vector_load %arg9[%get3A_138, %get3A_139] {strides = array<i32>} : memref<160x64xf32, #tpu.memory_space<vmem>>, vector<1x16xf32>,
        %get3A_141 = vector.shape_cast %get3A_140 : vector<1x16xf32> to vector<16xf32>
        %get3A_142 = arith.index_cast %scan3A_44 : i32 to index
        %get3A_143 = arith.constant 48 : index
        %get3A_144 = tpu.vector_load %arg10[%get3A_142, %get3A_143] {strides = array<i32>} : memref<160x64xf32, #tpu.memory_space<vmem>>, vector<1x16xf32>,
        %get3A_145 = vector.shape_cast %get3A_144 : vector<1x16xf32> to vector<16xf32>
        %add3A_146 = arith.addf %get3A_141, %get3A_145 : vector<16xf32>
        %max3A_147 = arith.constant -3.000000e+01 : f32
        %max3A_148 = vector.broadcast %max3A_147 : f32 to vector<16xf32>
        %max3A_149 = arith.maximumf %add3A_146, %max3A_148 : vector<16xf32>
        %neg3A_150 = arith.constant 0.000000e+00 : f32
        %neg3A_151 = vector.broadcast %neg3A_150 : f32 to vector<16xf32>
        %neg3A_152 = arith.subf %neg3A_151, %max3A_149 : vector<16xf32>
        %exp3A_153 = math.exp %neg3A_152 : vector<16xf32>
        %add3A_154 = arith.constant 1.000000e+00 : f32
        %add3A_155 = vector.broadcast %add3A_154 : f32 to vector<16xf32>
        %add3A_156 = arith.addf %add3A_155, %exp3A_153 : vector<16xf32>
        %div3A_157 = arith.constant 1.000000e+00 : f32
        %div3A_158 = vector.broadcast %div3A_157 : f32 to vector<16xf32>
        %div3A_159 = arith.divf %div3A_158, %add3A_156 : vector<16xf32>
        %mul3A_160 = arith.mulf %add3A_156, %div3A_159 : vector<16xf32>
        %sub3A_161 = arith.constant 2.000000e+00 : f32
        %sub3A_162 = vector.broadcast %sub3A_161 : f32 to vector<16xf32>
        %sub3A_163 = arith.subf %sub3A_162, %mul3A_160 : vector<16xf32>
        %mul3A_164 = arith.mulf %div3A_159, %sub3A_163 : vector<16xf32>
        %mul3A_165 = arith.mulf %max3A_149, %mul3A_164 : vector<16xf32>
        %swap3A_166 = arith.index_cast %scan3A_44 : i32 to index
        %swap3A_167 = arith.constant 48 : index
        %swap3A_168 = tpu.vector_load %arg11[%swap3A_166, %swap3A_167] {strides = array<i32>} : memref<160x64xf32, #tpu.memory_space<vmem>>, vector<1x16xf32>,
        %swap3A_169 = vector.shape_cast %swap3A_168 : vector<1x16xf32> to vector<16xf32>
        %swap3A_170 = vector.shape_cast %mul3A_165 : vector<16xf32> to vector<1x16xf32>
        tpu.vector_store %arg11[%swap3A_166, %swap3A_167], %swap3A_170 {strides = array<i32>} : memref<160x64xf32, #tpu.memory_space<vmem>>, vector<1x16xf32>,
        %scan3A_171 = arith.constant 0 : i32
        scf.yield %scan3A_171 : i32
      }
      %scan3A_37 = arith.constant 160 : i32
      %mul3A_38 = arith.constant 20000 : i32
      %mul3A_39 = arith.muli %add3A, %mul3A_38 : i32
      %mul3A_40 = arith.constant 160 : i32
      %mul3A_41 = arith.muli %scan3A_7, %mul3A_40 : i32
      %add3A_42 = arith.addi %mul3A_39, %mul3A_41 : i32
      "tpu.region"() ({
        %run_scoped3A = tpu.sem_alloc : memref<!tpu.dma_semaphore, #tpu.memory_space<semaphore_mem>>
        %dma_start3A_44 = arith.constant 0 : i32
        %dma_start3A_45 = tpu.memref_slice %arg6[%add3A_42, %dma_start3A_44] : memref<640000x64xf32, #tpu.memory_space<hbm>> -> memref<160x64xf32, #tpu.memory_space<hbm>>
        %dma_start3A_46 = arith.constant 0 : i32
        %dma_start3A_47 = tpu.memref_slice %arg6[%add3A_42, %dma_start3A_46] : memref<640000x64xf32, #tpu.memory_space<hbm>> -> memref<160x64xf32, #tpu.memory_space<hbm>>
        tpu.enqueue_dma source(%arg11 : memref<160x64xf32, #tpu.memory_space<vmem>>) target(%dma_start3A_47 : memref<160x64xf32, #tpu.memory_space<hbm>>) target_semaphore(%run_scoped3A : memref<!tpu.dma_semaphore, #tpu.memory_space<semaphore_mem>>)
        %dma_wait3A_48 = arith.constant 0 : i32
        %dma_wait3A_49 = tpu.memref_slice %arg6[%add3A_42, %dma_wait3A_48] : memref<640000x64xf32, #tpu.memory_space<hbm>> -> memref<160x64xf32, #tpu.memory_space<hbm>>
        %dma_wait3A_50 = arith.constant 0 : i32
        %dma_wait3A_51 = tpu.memref_slice %arg6[%add3A_42, %dma_wait3A_50] : memref<640000x64xf32, #tpu.memory_space<hbm>> -> memref<160x64xf32, #tpu.memory_space<hbm>>
        tpu.wait_dma2 semaphore(%run_scoped3A : memref<!tpu.dma_semaphore, #tpu.memory_space<semaphore_mem>>) src(%arg11 : memref<160x64xf32, #tpu.memory_space<vmem>>) dst(%dma_wait3A_51 : memref<160x64xf32, #tpu.memory_space<hbm>>)
        tpu.yield
      }) : () -> ()
      %scan3A_43 = arith.constant 0 : i32
      scf.yield %scan3A_43 : i32
    }
    %scan3A_6 = arith.constant 125 : i32
    return
  }
}

#map = affine_map<(d0, d1) -> (0, 0, 0, 0)>
#map1 = affine_map<(d0, d1) -> (0)>
module attributes {stable_mosaic.version = 14 : i64} {
  func.func @k(%arg0: i32, %arg1: i32, %arg2: memref<16x2x125x160xi32, #tpu.memory_space<hbm>>, %arg3: memref<16x2x125x160xi32, #tpu.memory_space<hbm>>, %arg4: memref<16x2x125x160xf32, #tpu.memory_space<hbm>>, %arg5: memref<100000000xf32, #tpu.memory_space<hbm>>, %arg6: memref<125x160xi32, #tpu.memory_space<vmem>>, %arg7: memref<125x160xi32, #tpu.memory_space<vmem>>, %arg8: memref<125x160xf32, #tpu.memory_space<vmem>>, %arg9: memref<2x160xi32, #tpu.memory_space<vmem>>, %arg10: memref<25000xf32, #tpu.memory_space<vmem>>, %arg11: memref<!tpu.dma_semaphore, #tpu.memory_space<semaphore_mem>>, %arg12: memref<!tpu.dma_semaphore, #tpu.memory_space<semaphore_mem>>, %arg13: memref<!tpu.dma_semaphore, #tpu.memory_space<semaphore_mem>>, %arg14: memref<!tpu.dma_semaphore, #tpu.memory_space<semaphore_mem>>, %arg15: memref<!tpu.dma_semaphore, #tpu.memory_space<semaphore_mem>>) attributes {dimension_semantics = [#tpu.dimension_semantics<core_parallel>, #tpu.dimension_semantics<subcore_parallel>], iteration_bounds = array<i64: 2, 16>, scalar_prefetch = 0 : i64, scratch_operands = 10 : i64, tpu.core_type = #tpu.core_type<sc_vector_subcore>, window_params = [{transform_indices = #map}, {transform_indices = #map}, {transform_indices = #map}, {transform_indices = #map1}]} {
    %mul3A = arith.constant 16 : i32
    %mul3A_0 = arith.muli %arg0, %mul3A : i32
    %add3A = arith.addi %mul3A_0, %arg1 : i32
    %scan3A = arith.constant 0 : i32
    %scan3A_1 = arith.constant 0 : i32
    %scan3A_2 = arith.constant 1562 : i32
    %scan3A_3 = arith.addi %scan3A_1, %scan3A_2 : i32
    %scan3A_4 = arith.constant 1 : i32
    %scan3A_5 = scf.for %scan3A_37 = %scan3A_1 to %scan3A_3 step %scan3A_4 iter_args(%scan3A_38 = %scan3A) -> (i32)  : i32 {
      %broadcast_in_dim3A_39 = arith.constant 0.000000e+00 : f32
      %broadcast_in_dim3A_40 = vector.broadcast %broadcast_in_dim3A_39 : f32 to vector<16xf32>
      %mul3A_41 = arith.constant 16 : i32
      %mul3A_42 = arith.muli %scan3A_37, %mul3A_41 : i32
      %swap3A_43 = arith.index_cast %mul3A_42 : i32 to index
      %swap3A_44 = tpu.vector_load %arg10[%swap3A_43] {strides = array<i32>} : memref<25000xf32, #tpu.memory_space<vmem>>, vector<16xf32>,
      %swap3A_45 = vector.shape_cast %swap3A_44 : vector<16xf32> to vector<16xf32>
      %swap3A_46 = vector.shape_cast %broadcast_in_dim3A_40 : vector<16xf32> to vector<16xf32>
      tpu.vector_store %arg10[%swap3A_43], %swap3A_46 {strides = array<i32>} : memref<25000xf32, #tpu.memory_space<vmem>>, vector<16xf32>,
      %scan3A_47 = arith.constant 0 : i32
      scf.yield %scan3A_47 : i32
    }
    %scan3A_6 = arith.constant 1562 : i32
    %broadcast_in_dim3A = arith.constant 0.000000e+00 : f32
    %broadcast_in_dim3A_7 = vector.broadcast %broadcast_in_dim3A : f32 to vector<16xf32>
    %swap3A = arith.constant 24984 : index
    %swap3A_8 = tpu.vector_load %arg10[%swap3A] {strides = array<i32>} : memref<25000xf32, #tpu.memory_space<vmem>>, vector<16xf32>,
    %swap3A_9 = vector.shape_cast %swap3A_8 : vector<16xf32> to vector<16xf32>
    %swap3A_10 = vector.shape_cast %broadcast_in_dim3A_7 : vector<16xf32> to vector<16xf32>
    tpu.vector_store %arg10[%swap3A], %swap3A_10 {strides = array<i32>} : memref<25000xf32, #tpu.memory_space<vmem>>, vector<16xf32>,
    %scan3A_11 = arith.constant 0 : i32
    %scan3A_12 = arith.constant 0 : i32
    %scan3A_13 = arith.constant 25 : i32
    %scan3A_14 = arith.addi %scan3A_12, %scan3A_13 : i32
    %scan3A_15 = arith.constant 1 : i32
    %scan3A_16 = scf.for %scan3A_37 = %scan3A_12 to %scan3A_14 step %scan3A_15 iter_args(%scan3A_38 = %scan3A_11) -> (i32)  : i32 {
      %mul3A_39 = arith.constant 3125000 : i32
      %mul3A_40 = arith.muli %add3A, %mul3A_39 : i32
      %mul3A_41 = arith.constant 125000 : i32
      %mul3A_42 = arith.muli %scan3A_37, %mul3A_41 : i32
      %add3A_43 = arith.addi %mul3A_40, %mul3A_42 : i32
      %add3A_44 = arith.constant 0 : i32
      %add3A_45 = arith.addi %add3A_43, %add3A_44 : i32
      %multiple_of3A = tpu.assume_multiple %add3A_45, 8 : i32
      %dma_start3A = tpu.memref_slice %arg5[%multiple_of3A] : memref<100000000xf32, #tpu.memory_space<hbm>> -> memref<25000xf32, #tpu.memory_space<hbm>>
      %dma_start3A_46 = tpu.memref_slice %arg5[%multiple_of3A] : memref<100000000xf32, #tpu.memory_space<hbm>> -> memref<25000xf32, #tpu.memory_space<hbm>>
      tpu.enqueue_dma source(%arg10 : memref<25000xf32, #tpu.memory_space<vmem>>) target(%dma_start3A_46 : memref<25000xf32, #tpu.memory_space<hbm>>) target_semaphore(%arg11 : memref<!tpu.dma_semaphore, #tpu.memory_space<semaphore_mem>>)
      %add3A_47 = arith.constant 25000 : i32
      %add3A_48 = arith.addi %add3A_43, %add3A_47 : i32
      %multiple_of3A_49 = tpu.assume_multiple %add3A_48, 8 : i32
      %dma_start3A_50 = tpu.memref_slice %arg5[%multiple_of3A_49] : memref<100000000xf32, #tpu.memory_space<hbm>> -> memref<25000xf32, #tpu.memory_space<hbm>>
      %dma_start3A_51 = tpu.memref_slice %arg5[%multiple_of3A_49] : memref<100000000xf32, #tpu.memory_space<hbm>> -> memref<25000xf32, #tpu.memory_space<hbm>>
      tpu.enqueue_dma source(%arg10 : memref<25000xf32, #tpu.memory_space<vmem>>) target(%dma_start3A_51 : memref<25000xf32, #tpu.memory_space<hbm>>) target_semaphore(%arg12 : memref<!tpu.dma_semaphore, #tpu.memory_space<semaphore_mem>>)
      %add3A_52 = arith.constant 50000 : i32
      %add3A_53 = arith.addi %add3A_43, %add3A_52 : i32
      %multiple_of3A_54 = tpu.assume_multiple %add3A_53, 8 : i32
      %dma_start3A_55 = tpu.memref_slice %arg5[%multiple_of3A_54] : memref<100000000xf32, #tpu.memory_space<hbm>> -> memref<25000xf32, #tpu.memory_space<hbm>>
      %dma_start3A_56 = tpu.memref_slice %arg5[%multiple_of3A_54] : memref<100000000xf32, #tpu.memory_space<hbm>> -> memref<25000xf32, #tpu.memory_space<hbm>>
      tpu.enqueue_dma source(%arg10 : memref<25000xf32, #tpu.memory_space<vmem>>) target(%dma_start3A_56 : memref<25000xf32, #tpu.memory_space<hbm>>) target_semaphore(%arg13 : memref<!tpu.dma_semaphore, #tpu.memory_space<semaphore_mem>>)
      %add3A_57 = arith.constant 75000 : i32
      %add3A_58 = arith.addi %add3A_43, %add3A_57 : i32
      %multiple_of3A_59 = tpu.assume_multiple %add3A_58, 8 : i32
      %dma_start3A_60 = tpu.memref_slice %arg5[%multiple_of3A_59] : memref<100000000xf32, #tpu.memory_space<hbm>> -> memref<25000xf32, #tpu.memory_space<hbm>>
      %dma_start3A_61 = tpu.memref_slice %arg5[%multiple_of3A_59] : memref<100000000xf32, #tpu.memory_space<hbm>> -> memref<25000xf32, #tpu.memory_space<hbm>>
      tpu.enqueue_dma source(%arg10 : memref<25000xf32, #tpu.memory_space<vmem>>) target(%dma_start3A_61 : memref<25000xf32, #tpu.memory_space<hbm>>) target_semaphore(%arg14 : memref<!tpu.dma_semaphore, #tpu.memory_space<semaphore_mem>>)
      %add3A_62 = arith.constant 100000 : i32
      %add3A_63 = arith.addi %add3A_43, %add3A_62 : i32
      %multiple_of3A_64 = tpu.assume_multiple %add3A_63, 8 : i32
      %dma_start3A_65 = tpu.memref_slice %arg5[%multiple_of3A_64] : memref<100000000xf32, #tpu.memory_space<hbm>> -> memref<25000xf32, #tpu.memory_space<hbm>>
      %dma_start3A_66 = tpu.memref_slice %arg5[%multiple_of3A_64] : memref<100000000xf32, #tpu.memory_space<hbm>> -> memref<25000xf32, #tpu.memory_space<hbm>>
      tpu.enqueue_dma source(%arg10 : memref<25000xf32, #tpu.memory_space<vmem>>) target(%dma_start3A_66 : memref<25000xf32, #tpu.memory_space<hbm>>) target_semaphore(%arg15 : memref<!tpu.dma_semaphore, #tpu.memory_space<semaphore_mem>>)
      %dma_wait3A = tpu.memref_slice %arg5[%multiple_of3A] : memref<100000000xf32, #tpu.memory_space<hbm>> -> memref<25000xf32, #tpu.memory_space<hbm>>
      %dma_wait3A_67 = tpu.memref_slice %arg5[%multiple_of3A] : memref<100000000xf32, #tpu.memory_space<hbm>> -> memref<25000xf32, #tpu.memory_space<hbm>>
      tpu.wait_dma2 semaphore(%arg11 : memref<!tpu.dma_semaphore, #tpu.memory_space<semaphore_mem>>) src(%arg10 : memref<25000xf32, #tpu.memory_space<vmem>>) dst(%dma_wait3A_67 : memref<25000xf32, #tpu.memory_space<hbm>>)
      %dma_wait3A_68 = tpu.memref_slice %arg5[%multiple_of3A_49] : memref<100000000xf32, #tpu.memory_space<hbm>> -> memref<25000xf32, #tpu.memory_space<hbm>>
      %dma_wait3A_69 = tpu.memref_slice %arg5[%multiple_of3A_49] : memref<100000000xf32, #tpu.memory_space<hbm>> -> memref<25000xf32, #tpu.memory_space<hbm>>
      tpu.wait_dma2 semaphore(%arg12 : memref<!tpu.dma_semaphore, #tpu.memory_space<semaphore_mem>>) src(%arg10 : memref<25000xf32, #tpu.memory_space<vmem>>) dst(%dma_wait3A_69 : memref<25000xf32, #tpu.memory_space<hbm>>)
      %dma_wait3A_70 = tpu.memref_slice %arg5[%multiple_of3A_54] : memref<100000000xf32, #tpu.memory_space<hbm>> -> memref<25000xf32, #tpu.memory_space<hbm>>
      %dma_wait3A_71 = tpu.memref_slice %arg5[%multiple_of3A_54] : memref<100000000xf32, #tpu.memory_space<hbm>> -> memref<25000xf32, #tpu.memory_space<hbm>>
      tpu.wait_dma2 semaphore(%arg13 : memref<!tpu.dma_semaphore, #tpu.memory_space<semaphore_mem>>) src(%arg10 : memref<25000xf32, #tpu.memory_space<vmem>>) dst(%dma_wait3A_71 : memref<25000xf32, #tpu.memory_space<hbm>>)
      %dma_wait3A_72 = tpu.memref_slice %arg5[%multiple_of3A_59] : memref<100000000xf32, #tpu.memory_space<hbm>> -> memref<25000xf32, #tpu.memory_space<hbm>>
      %dma_wait3A_73 = tpu.memref_slice %arg5[%multiple_of3A_59] : memref<100000000xf32, #tpu.memory_space<hbm>> -> memref<25000xf32, #tpu.memory_space<hbm>>
      tpu.wait_dma2 semaphore(%arg14 : memref<!tpu.dma_semaphore, #tpu.memory_space<semaphore_mem>>) src(%arg10 : memref<25000xf32, #tpu.memory_space<vmem>>) dst(%dma_wait3A_73 : memref<25000xf32, #tpu.memory_space<hbm>>)
      %dma_wait3A_74 = tpu.memref_slice %arg5[%multiple_of3A_64] : memref<100000000xf32, #tpu.memory_space<hbm>> -> memref<25000xf32, #tpu.memory_space<hbm>>
      %dma_wait3A_75 = tpu.memref_slice %arg5[%multiple_of3A_64] : memref<100000000xf32, #tpu.memory_space<hbm>> -> memref<25000xf32, #tpu.memory_space<hbm>>
      tpu.wait_dma2 semaphore(%arg15 : memref<!tpu.dma_semaphore, #tpu.memory_space<semaphore_mem>>) src(%arg10 : memref<25000xf32, #tpu.memory_space<vmem>>) dst(%dma_wait3A_75 : memref<25000xf32, #tpu.memory_space<hbm>>)
      %scan3A_76 = arith.constant 0 : i32
      scf.yield %scan3A_76 : i32
    }
    %scan3A_17 = arith.constant 25 : i32
    %barrier3A = arith.constant 0 : index
    tpu.barrier barrier_id(%barrier3A)
    %run_scoped3A = arith.constant 0 : i32
    "tpu.region"() ({
      %run_scoped3A_37 = tpu.sem_alloc : memref<!tpu.dma_semaphore, #tpu.memory_space<semaphore_mem>>
      %dma_start3A = arith.constant 0 : i32
      %dma_start3A_38 = arith.constant 0 : i32
      %dma_start3A_39 = tpu.memref_slice %arg2[%arg1, %run_scoped3A, %dma_start3A, %dma_start3A_38] : memref<16x2x125x160xi32, #tpu.memory_space<hbm>> -> memref<1x1x125x160xi32, #tpu.memory_space<hbm>>
      %dma_start3A_40 = tpu.memref_squeeze %dma_start3A_39 : memref<1x1x125x160xi32, #tpu.memory_space<hbm>> -> memref<125x160xi32, #tpu.memory_space<hbm>>
      %dma_start3A_41 = arith.constant 0 : i32
      %dma_start3A_42 = arith.constant 0 : i32
      %dma_start3A_43 = tpu.memref_slice %arg2[%arg1, %run_scoped3A, %dma_start3A_41, %dma_start3A_42] : memref<16x2x125x160xi32, #tpu.memory_space<hbm>> -> memref<1x1x125x160xi32, #tpu.memory_space<hbm>>
      %dma_start3A_44 = tpu.memref_squeeze %dma_start3A_43 : memref<1x1x125x160xi32, #tpu.memory_space<hbm>> -> memref<125x160xi32, #tpu.memory_space<hbm>>
      tpu.enqueue_dma source(%dma_start3A_44 : memref<125x160xi32, #tpu.memory_space<hbm>>) target(%arg6 : memref<125x160xi32, #tpu.memory_space<vmem>>) target_semaphore(%run_scoped3A_37 : memref<!tpu.dma_semaphore, #tpu.memory_space<semaphore_mem>>)
      %dma_wait3A = arith.constant 0 : i32
      %dma_wait3A_45 = arith.constant 0 : i32
      %dma_wait3A_46 = tpu.memref_slice %arg2[%arg1, %run_scoped3A, %dma_wait3A, %dma_wait3A_45] : memref<16x2x125x160xi32, #tpu.memory_space<hbm>> -> memref<1x1x125x160xi32, #tpu.memory_space<hbm>>
      %dma_wait3A_47 = tpu.memref_squeeze %dma_wait3A_46 : memref<1x1x125x160xi32, #tpu.memory_space<hbm>> -> memref<125x160xi32, #tpu.memory_space<hbm>>
      %dma_wait3A_48 = arith.constant 0 : i32
      %dma_wait3A_49 = arith.constant 0 : i32
      %dma_wait3A_50 = tpu.memref_slice %arg2[%arg1, %run_scoped3A, %dma_wait3A_48, %dma_wait3A_49] : memref<16x2x125x160xi32, #tpu.memory_space<hbm>> -> memref<1x1x125x160xi32, #tpu.memory_space<hbm>>
      %dma_wait3A_51 = tpu.memref_squeeze %dma_wait3A_50 : memref<1x1x125x160xi32, #tpu.memory_space<hbm>> -> memref<125x160xi32, #tpu.memory_space<hbm>>
      tpu.wait_dma2 semaphore(%run_scoped3A_37 : memref<!tpu.dma_semaphore, #tpu.memory_space<semaphore_mem>>) src(%dma_wait3A_51 : memref<125x160xi32, #tpu.memory_space<hbm>>) dst(%arg6 : memref<125x160xi32, #tpu.memory_space<vmem>>)
      tpu.yield
    }) : () -> ()
    %run_scoped3A_18 = arith.constant 0 : i32
    "tpu.region"() ({
      %run_scoped3A_37 = tpu.sem_alloc : memref<!tpu.dma_semaphore, #tpu.memory_space<semaphore_mem>>
      %dma_start3A = arith.constant 0 : i32
      %dma_start3A_38 = arith.constant 0 : i32
      %dma_start3A_39 = tpu.memref_slice %arg3[%arg1, %run_scoped3A_18, %dma_start3A, %dma_start3A_38] : memref<16x2x125x160xi32, #tpu.memory_space<hbm>> -> memref<1x1x125x160xi32, #tpu.memory_space<hbm>>
      %dma_start3A_40 = tpu.memref_squeeze %dma_start3A_39 : memref<1x1x125x160xi32, #tpu.memory_space<hbm>> -> memref<125x160xi32, #tpu.memory_space<hbm>>
      %dma_start3A_41 = arith.constant 0 : i32
      %dma_start3A_42 = arith.constant 0 : i32
      %dma_start3A_43 = tpu.memref_slice %arg3[%arg1, %run_scoped3A_18, %dma_start3A_41, %dma_start3A_42] : memref<16x2x125x160xi32, #tpu.memory_space<hbm>> -> memref<1x1x125x160xi32, #tpu.memory_space<hbm>>
      %dma_start3A_44 = tpu.memref_squeeze %dma_start3A_43 : memref<1x1x125x160xi32, #tpu.memory_space<hbm>> -> memref<125x160xi32, #tpu.memory_space<hbm>>
      tpu.enqueue_dma source(%dma_start3A_44 : memref<125x160xi32, #tpu.memory_space<hbm>>) target(%arg7 : memref<125x160xi32, #tpu.memory_space<vmem>>) target_semaphore(%run_scoped3A_37 : memref<!tpu.dma_semaphore, #tpu.memory_space<semaphore_mem>>)
      %dma_wait3A = arith.constant 0 : i32
      %dma_wait3A_45 = arith.constant 0 : i32
      %dma_wait3A_46 = tpu.memref_slice %arg3[%arg1, %run_scoped3A_18, %dma_wait3A, %dma_wait3A_45] : memref<16x2x125x160xi32, #tpu.memory_space<hbm>> -> memref<1x1x125x160xi32, #tpu.memory_space<hbm>>
      %dma_wait3A_47 = tpu.memref_squeeze %dma_wait3A_46 : memref<1x1x125x160xi32, #tpu.memory_space<hbm>> -> memref<125x160xi32, #tpu.memory_space<hbm>>
      %dma_wait3A_48 = arith.constant 0 : i32
      %dma_wait3A_49 = arith.constant 0 : i32
      %dma_wait3A_50 = tpu.memref_slice %arg3[%arg1, %run_scoped3A_18, %dma_wait3A_48, %dma_wait3A_49] : memref<16x2x125x160xi32, #tpu.memory_space<hbm>> -> memref<1x1x125x160xi32, #tpu.memory_space<hbm>>
      %dma_wait3A_51 = tpu.memref_squeeze %dma_wait3A_50 : memref<1x1x125x160xi32, #tpu.memory_space<hbm>> -> memref<125x160xi32, #tpu.memory_space<hbm>>
      tpu.wait_dma2 semaphore(%run_scoped3A_37 : memref<!tpu.dma_semaphore, #tpu.memory_space<semaphore_mem>>) src(%dma_wait3A_51 : memref<125x160xi32, #tpu.memory_space<hbm>>) dst(%arg7 : memref<125x160xi32, #tpu.memory_space<vmem>>)
      tpu.yield
    }) : () -> ()
    %run_scoped3A_19 = arith.constant 0 : i32
    "tpu.region"() ({
      %run_scoped3A_37 = tpu.sem_alloc : memref<!tpu.dma_semaphore, #tpu.memory_space<semaphore_mem>>
      %dma_start3A = arith.constant 0 : i32
      %dma_start3A_38 = arith.constant 0 : i32
      %dma_start3A_39 = tpu.memref_slice %arg4[%arg1, %run_scoped3A_19, %dma_start3A, %dma_start3A_38] : memref<16x2x125x160xf32, #tpu.memory_space<hbm>> -> memref<1x1x125x160xf32, #tpu.memory_space<hbm>>
      %dma_start3A_40 = tpu.memref_squeeze %dma_start3A_39 : memref<1x1x125x160xf32, #tpu.memory_space<hbm>> -> memref<125x160xf32, #tpu.memory_space<hbm>>
      %dma_start3A_41 = arith.constant 0 : i32
      %dma_start3A_42 = arith.constant 0 : i32
      %dma_start3A_43 = tpu.memref_slice %arg4[%arg1, %run_scoped3A_19, %dma_start3A_41, %dma_start3A_42] : memref<16x2x125x160xf32, #tpu.memory_space<hbm>> -> memref<1x1x125x160xf32, #tpu.memory_space<hbm>>
      %dma_start3A_44 = tpu.memref_squeeze %dma_start3A_43 : memref<1x1x125x160xf32, #tpu.memory_space<hbm>> -> memref<125x160xf32, #tpu.memory_space<hbm>>
      tpu.enqueue_dma source(%dma_start3A_44 : memref<125x160xf32, #tpu.memory_space<hbm>>) target(%arg8 : memref<125x160xf32, #tpu.memory_space<vmem>>) target_semaphore(%run_scoped3A_37 : memref<!tpu.dma_semaphore, #tpu.memory_space<semaphore_mem>>)
      %dma_wait3A = arith.constant 0 : i32
      %dma_wait3A_45 = arith.constant 0 : i32
      %dma_wait3A_46 = tpu.memref_slice %arg4[%arg1, %run_scoped3A_19, %dma_wait3A, %dma_wait3A_45] : memref<16x2x125x160xf32, #tpu.memory_space<hbm>> -> memref<1x1x125x160xf32, #tpu.memory_space<hbm>>
      %dma_wait3A_47 = tpu.memref_squeeze %dma_wait3A_46 : memref<1x1x125x160xf32, #tpu.memory_space<hbm>> -> memref<125x160xf32, #tpu.memory_space<hbm>>
      %dma_wait3A_48 = arith.constant 0 : i32
      %dma_wait3A_49 = arith.constant 0 : i32
      %dma_wait3A_50 = tpu.memref_slice %arg4[%arg1, %run_scoped3A_19, %dma_wait3A_48, %dma_wait3A_49] : memref<16x2x125x160xf32, #tpu.memory_space<hbm>> -> memref<1x1x125x160xf32, #tpu.memory_space<hbm>>
      %dma_wait3A_51 = tpu.memref_squeeze %dma_wait3A_50 : memref<1x1x125x160xf32, #tpu.memory_space<hbm>> -> memref<125x160xf32, #tpu.memory_space<hbm>>
      tpu.wait_dma2 semaphore(%run_scoped3A_37 : memref<!tpu.dma_semaphore, #tpu.memory_space<semaphore_mem>>) src(%dma_wait3A_51 : memref<125x160xf32, #tpu.memory_space<hbm>>) dst(%arg8 : memref<125x160xf32, #tpu.memory_space<vmem>>)
      tpu.yield
    }) : () -> ()
    %scan3A_20 = arith.constant 0 : i32
    %scan3A_21 = arith.constant 0 : i32
    %scan3A_22 = arith.constant 62 : i32
    %scan3A_23 = arith.addi %scan3A_21, %scan3A_22 : i32
    %scan3A_24 = arith.constant 1 : i32
    %scan3A_25 = scf.for %scan3A_37 = %scan3A_21 to %scan3A_23 step %scan3A_24 iter_args(%scan3A_38 = %scan3A_20) -> (i32)  : i32 {
      %scan3A_39 = arith.constant 0 : i32
      %scan3A_40 = arith.constant 0 : i32
      %scan3A_41 = arith.constant 10 : i32
      %scan3A_42 = arith.addi %scan3A_40, %scan3A_41 : i32
      %scan3A_43 = arith.constant 1 : i32
      %scan3A_44 = scf.for %scan3A_94 = %scan3A_40 to %scan3A_42 step %scan3A_43 iter_args(%scan3A_95 = %scan3A_39) -> (i32)  : i32 {
        %mul3A_96 = arith.constant 16 : i32
        %mul3A_97 = arith.muli %scan3A_94, %mul3A_96 : i32
        %mul3A_98 = arith.constant 2 : i32
        %mul3A_99 = arith.muli %mul3A_98, %scan3A_37 : i32
        %get3A = arith.index_cast %mul3A_99 : i32 to index
        %get3A_100 = arith.index_cast %mul3A_97 : i32 to index
        %get3A_101 = tpu.vector_load %arg6[%get3A, %get3A_100] {strides = array<i32>} : memref<125x160xi32, #tpu.memory_space<vmem>>, vector<1x16xi32>,
        %get3A_102 = vector.shape_cast %get3A_101 : vector<1x16xi32> to vector<16xi32>
        %mul3A_103 = arith.constant 10000 : i32
        %mul3A_104 = vector.broadcast %mul3A_103 : i32 to vector<16xi32>
        %mul3A_105 = arith.muli %get3A_102, %mul3A_104 : vector<16xi32>
        %mul3A_106 = arith.constant 2 : i32
        %mul3A_107 = arith.muli %mul3A_106, %scan3A_37 : i32
        %get3A_108 = arith.index_cast %mul3A_107 : i32 to index
        %get3A_109 = arith.index_cast %mul3A_97 : i32 to index
        %get3A_110 = tpu.vector_load %arg7[%get3A_108, %get3A_109] {strides = array<i32>} : memref<125x160xi32, #tpu.memory_space<vmem>>, vector<1x16xi32>,
        %get3A_111 = vector.shape_cast %get3A_110 : vector<1x16xi32> to vector<16xi32>
        %add3A_112 = arith.addi %mul3A_105, %get3A_111 : vector<16xi32>
        %swap3A_113 = arith.constant 0 : i32
        %swap3A_114 = arith.index_cast %swap3A_113 : i32 to index
        %swap3A_115 = arith.index_cast %mul3A_97 : i32 to index
        %swap3A_116 = tpu.vector_load %arg9[%swap3A_114, %swap3A_115] {strides = array<i32>} : memref<2x160xi32, #tpu.memory_space<vmem>>, vector<1x16xi32>,
        %swap3A_117 = vector.shape_cast %swap3A_116 : vector<1x16xi32> to vector<16xi32>
        %swap3A_118 = vector.shape_cast %add3A_112 : vector<16xi32> to vector<1x16xi32>
        tpu.vector_store %arg9[%swap3A_114, %swap3A_115], %swap3A_118 {strides = array<i32>} : memref<2x160xi32, #tpu.memory_space<vmem>>, vector<1x16xi32>,
        %scan3A_119 = arith.constant 0 : i32
        scf.yield %scan3A_119 : i32
      }
      %scan3A_45 = arith.constant 10 : i32
      %mul3A_46 = arith.constant 2 : i32
      %mul3A_47 = arith.muli %mul3A_46, %scan3A_37 : i32
      %dma_start3A = arith.constant 0 : i32
      %dma_start3A_48 = arith.constant 0 : i32
      %dma_start3A_49 = tpu.memref_slice %arg8[%mul3A_47, %dma_start3A_48] : memref<125x160xf32, #tpu.memory_space<vmem>> -> memref<1x160xf32, #tpu.memory_space<vmem>>
      %dma_start3A_50 = tpu.memref_squeeze %dma_start3A_49 : memref<1x160xf32, #tpu.memory_space<vmem>> -> memref<160xf32, #tpu.memory_space<vmem>>
      %dma_start3A_51 = arith.constant 0 : i32
      %dma_start3A_52 = tpu.memref_slice %arg9[%dma_start3A, %dma_start3A_51] : memref<2x160xi32, #tpu.memory_space<vmem>> -> memref<1x160xi32, #tpu.memory_space<vmem>>
      %dma_start3A_53 = tpu.memref_squeeze %dma_start3A_52 : memref<1x160xi32, #tpu.memory_space<vmem>> -> memref<160xi32, #tpu.memory_space<vmem>>
      %dma_start3A_54 = arith.constant 0 : i32
      %dma_start3A_55 = tpu.memref_slice %arg5[%dma_start3A_54] : memref<100000000xf32, #tpu.memory_space<hbm>> -> memref<100000000xf32, #tpu.memory_space<hbm>>
      tpu.enqueue_indirect_dma source(%dma_start3A_50 : memref<160xf32, #tpu.memory_space<vmem>>) target(%dma_start3A_55 : memref<100000000xf32, #tpu.memory_space<hbm>>) offsets(%dma_start3A_53 : memref<160xi32, #tpu.memory_space<vmem>>) semaphore(%arg11 : memref<!tpu.dma_semaphore, #tpu.memory_space<semaphore_mem>>)
      %scan3A_56 = arith.constant 0 : i32
      %scan3A_57 = arith.constant 0 : i32
      %scan3A_58 = arith.constant 10 : i32
      %scan3A_59 = arith.addi %scan3A_57, %scan3A_58 : i32
      %scan3A_60 = arith.constant 1 : i32
      %scan3A_61 = scf.for %scan3A_94 = %scan3A_57 to %scan3A_59 step %scan3A_60 iter_args(%scan3A_95 = %scan3A_56) -> (i32)  : i32 {
        %mul3A_96 = arith.constant 16 : i32
        %mul3A_97 = arith.muli %scan3A_94, %mul3A_96 : i32
        %mul3A_98 = arith.constant 2 : i32
        %mul3A_99 = arith.muli %mul3A_98, %scan3A_37 : i32
        %add3A_100 = arith.constant 1 : i32
        %add3A_101 = arith.addi %mul3A_99, %add3A_100 : i32
        %get3A = arith.index_cast %add3A_101 : i32 to index
        %get3A_102 = arith.index_cast %mul3A_97 : i32 to index
        %get3A_103 = tpu.vector_load %arg6[%get3A, %get3A_102] {strides = array<i32>} : memref<125x160xi32, #tpu.memory_space<vmem>>, vector<1x16xi32>,
        %get3A_104 = vector.shape_cast %get3A_103 : vector<1x16xi32> to vector<16xi32>
        %mul3A_105 = arith.constant 10000 : i32
        %mul3A_106 = vector.broadcast %mul3A_105 : i32 to vector<16xi32>
        %mul3A_107 = arith.muli %get3A_104, %mul3A_106 : vector<16xi32>
        %mul3A_108 = arith.constant 2 : i32
        %mul3A_109 = arith.muli %mul3A_108, %scan3A_37 : i32
        %add3A_110 = arith.constant 1 : i32
        %add3A_111 = arith.addi %mul3A_109, %add3A_110 : i32
        %get3A_112 = arith.index_cast %add3A_111 : i32 to index
        %get3A_113 = arith.index_cast %mul3A_97 : i32 to index
        %get3A_114 = tpu.vector_load %arg7[%get3A_112, %get3A_113] {strides = array<i32>} : memref<125x160xi32, #tpu.memory_space<vmem>>, vector<1x16xi32>,
        %get3A_115 = vector.shape_cast %get3A_114 : vector<1x16xi32> to vector<16xi32>
        %add3A_116 = arith.addi %mul3A_107, %get3A_115 : vector<16xi32>
        %swap3A_117 = arith.constant 1 : i32
        %swap3A_118 = arith.index_cast %swap3A_117 : i32 to index
        %swap3A_119 = arith.index_cast %mul3A_97 : i32 to index
        %swap3A_120 = tpu.vector_load %arg9[%swap3A_118, %swap3A_119] {strides = array<i32>} : memref<2x160xi32, #tpu.memory_space<vmem>>, vector<1x16xi32>,
        %swap3A_121 = vector.shape_cast %swap3A_120 : vector<1x16xi32> to vector<16xi32>
        %swap3A_122 = vector.shape_cast %add3A_116 : vector<16xi32> to vector<1x16xi32>
        tpu.vector_store %arg9[%swap3A_118, %swap3A_119], %swap3A_122 {strides = array<i32>} : memref<2x160xi32, #tpu.memory_space<vmem>>, vector<1x16xi32>,
        %scan3A_123 = arith.constant 0 : i32
        scf.yield %scan3A_123 : i32
      }
      %scan3A_62 = arith.constant 10 : i32
      %mul3A_63 = arith.constant 2 : i32
      %mul3A_64 = arith.muli %mul3A_63, %scan3A_37 : i32
      %add3A_65 = arith.constant 1 : i32
      %add3A_66 = arith.addi %mul3A_64, %add3A_65 : i32
      %dma_start3A_67 = arith.constant 1 : i32
      %dma_start3A_68 = arith.constant 0 : i32
      %dma_start3A_69 = tpu.memref_slice %arg8[%add3A_66, %dma_start3A_68] : memref<125x160xf32, #tpu.memory_space<vmem>> -> memref<1x160xf32, #tpu.memory_space<vmem>>
      %dma_start3A_70 = tpu.memref_squeeze %dma_start3A_69 : memref<1x160xf32, #tpu.memory_space<vmem>> -> memref<160xf32, #tpu.memory_space<vmem>>
      %dma_start3A_71 = arith.constant 0 : i32
      %dma_start3A_72 = tpu.memref_slice %arg9[%dma_start3A_67, %dma_start3A_71] : memref<2x160xi32, #tpu.memory_space<vmem>> -> memref<1x160xi32, #tpu.memory_space<vmem>>
      %dma_start3A_73 = tpu.memref_squeeze %dma_start3A_72 : memref<1x160xi32, #tpu.memory_space<vmem>> -> memref<160xi32, #tpu.memory_space<vmem>>
      %dma_start3A_74 = arith.constant 0 : i32
      %dma_start3A_75 = tpu.memref_slice %arg5[%dma_start3A_74] : memref<100000000xf32, #tpu.memory_space<hbm>> -> memref<100000000xf32, #tpu.memory_space<hbm>>
      tpu.enqueue_indirect_dma source(%dma_start3A_70 : memref<160xf32, #tpu.memory_space<vmem>>) target(%dma_start3A_75 : memref<100000000xf32, #tpu.memory_space<hbm>>) offsets(%dma_start3A_73 : memref<160xi32, #tpu.memory_space<vmem>>) semaphore(%arg12 : memref<!tpu.dma_semaphore, #tpu.memory_space<semaphore_mem>>)
      %dma_wait3A = arith.constant 0 : i32
      %dma_wait3A_76 = arith.constant 0 : i32
      %dma_wait3A_77 = tpu.memref_slice %arg8[%mul3A_47, %dma_wait3A_76] : memref<125x160xf32, #tpu.memory_space<vmem>> -> memref<1x160xf32, #tpu.memory_space<vmem>>
      %dma_wait3A_78 = tpu.memref_squeeze %dma_wait3A_77 : memref<1x160xf32, #tpu.memory_space<vmem>> -> memref<160xf32, #tpu.memory_space<vmem>>
      %dma_wait3A_79 = arith.constant 0 : i32
      %dma_wait3A_80 = tpu.memref_slice %arg9[%dma_wait3A, %dma_wait3A_79] : memref<2x160xi32, #tpu.memory_space<vmem>> -> memref<1x160xi32, #tpu.memory_space<vmem>>
      %dma_wait3A_81 = tpu.memref_squeeze %dma_wait3A_80 : memref<1x160xi32, #tpu.memory_space<vmem>> -> memref<160xi32, #tpu.memory_space<vmem>>
      %dma_wait3A_82 = arith.constant 0 : i32
      %dma_wait3A_83 = tpu.memref_slice %arg5[%dma_wait3A_82] : memref<100000000xf32, #tpu.memory_space<hbm>> -> memref<100000000xf32, #tpu.memory_space<hbm>>
      tpu.wait_indirect_dma semaphore(%arg11 : memref<!tpu.dma_semaphore, #tpu.memory_space<semaphore_mem>>) src(%dma_wait3A_78 : memref<160xf32, #tpu.memory_space<vmem>>) dst(%dma_wait3A_83 : memref<100000000xf32, #tpu.memory_space<hbm>>)
      %dma_wait3A_84 = arith.constant 1 : i32
      %dma_wait3A_85 = arith.constant 0 : i32
      %dma_wait3A_86 = tpu.memref_slice %arg8[%add3A_66, %dma_wait3A_85] : memref<125x160xf32, #tpu.memory_space<vmem>> -> memref<1x160xf32, #tpu.memory_space<vmem>>
      %dma_wait3A_87 = tpu.memref_squeeze %dma_wait3A_86 : memref<1x160xf32, #tpu.memory_space<vmem>> -> memref<160xf32, #tpu.memory_space<vmem>>
      %dma_wait3A_88 = arith.constant 0 : i32
      %dma_wait3A_89 = tpu.memref_slice %arg9[%dma_wait3A_84, %dma_wait3A_88] : memref<2x160xi32, #tpu.memory_space<vmem>> -> memref<1x160xi32, #tpu.memory_space<vmem>>
      %dma_wait3A_90 = tpu.memref_squeeze %dma_wait3A_89 : memref<1x160xi32, #tpu.memory_space<vmem>> -> memref<160xi32, #tpu.memory_space<vmem>>
      %dma_wait3A_91 = arith.constant 0 : i32
      %dma_wait3A_92 = tpu.memref_slice %arg5[%dma_wait3A_91] : memref<100000000xf32, #tpu.memory_space<hbm>> -> memref<100000000xf32, #tpu.memory_space<hbm>>
      tpu.wait_indirect_dma semaphore(%arg12 : memref<!tpu.dma_semaphore, #tpu.memory_space<semaphore_mem>>) src(%dma_wait3A_87 : memref<160xf32, #tpu.memory_space<vmem>>) dst(%dma_wait3A_92 : memref<100000000xf32, #tpu.memory_space<hbm>>)
      %scan3A_93 = arith.constant 0 : i32
      scf.yield %scan3A_93 : i32
    }
    %scan3A_26 = arith.constant 62 : i32
    %run_scoped3A_27 = arith.constant 1 : i32
    "tpu.region"() ({
      %run_scoped3A_37 = tpu.sem_alloc : memref<!tpu.dma_semaphore, #tpu.memory_space<semaphore_mem>>
      %dma_start3A = arith.constant 0 : i32
      %dma_start3A_38 = arith.constant 0 : i32
      %dma_start3A_39 = tpu.memref_slice %arg2[%arg1, %run_scoped3A_27, %dma_start3A, %dma_start3A_38] : memref<16x2x125x160xi32, #tpu.memory_space<hbm>> -> memref<1x1x125x160xi32, #tpu.memory_space<hbm>>
      %dma_start3A_40 = tpu.memref_squeeze %dma_start3A_39 : memref<1x1x125x160xi32, #tpu.memory_space<hbm>> -> memref<125x160xi32, #tpu.memory_space<hbm>>
      %dma_start3A_41 = arith.constant 0 : i32
      %dma_start3A_42 = arith.constant 0 : i32
      %dma_start3A_43 = tpu.memref_slice %arg2[%arg1, %run_scoped3A_27, %dma_start3A_41, %dma_start3A_42] : memref<16x2x125x160xi32, #tpu.memory_space<hbm>> -> memref<1x1x125x160xi32, #tpu.memory_space<hbm>>
      %dma_start3A_44 = tpu.memref_squeeze %dma_start3A_43 : memref<1x1x125x160xi32, #tpu.memory_space<hbm>> -> memref<125x160xi32, #tpu.memory_space<hbm>>
      tpu.enqueue_dma source(%dma_start3A_44 : memref<125x160xi32, #tpu.memory_space<hbm>>) target(%arg6 : memref<125x160xi32, #tpu.memory_space<vmem>>) target_semaphore(%run_scoped3A_37 : memref<!tpu.dma_semaphore, #tpu.memory_space<semaphore_mem>>)
      %dma_wait3A = arith.constant 0 : i32
      %dma_wait3A_45 = arith.constant 0 : i32
      %dma_wait3A_46 = tpu.memref_slice %arg2[%arg1, %run_scoped3A_27, %dma_wait3A, %dma_wait3A_45] : memref<16x2x125x160xi32, #tpu.memory_space<hbm>> -> memref<1x1x125x160xi32, #tpu.memory_space<hbm>>
      %dma_wait3A_47 = tpu.memref_squeeze %dma_wait3A_46 : memref<1x1x125x160xi32, #tpu.memory_space<hbm>> -> memref<125x160xi32, #tpu.memory_space<hbm>>
      %dma_wait3A_48 = arith.constant 0 : i32
      %dma_wait3A_49 = arith.constant 0 : i32
      %dma_wait3A_50 = tpu.memref_slice %arg2[%arg1, %run_scoped3A_27, %dma_wait3A_48, %dma_wait3A_49] : memref<16x2x125x160xi32, #tpu.memory_space<hbm>> -> memref<1x1x125x160xi32, #tpu.memory_space<hbm>>
      %dma_wait3A_51 = tpu.memref_squeeze %dma_wait3A_50 : memref<1x1x125x160xi32, #tpu.memory_space<hbm>> -> memref<125x160xi32, #tpu.memory_space<hbm>>
      tpu.wait_dma2 semaphore(%run_scoped3A_37 : memref<!tpu.dma_semaphore, #tpu.memory_space<semaphore_mem>>) src(%dma_wait3A_51 : memref<125x160xi32, #tpu.memory_space<hbm>>) dst(%arg6 : memref<125x160xi32, #tpu.memory_space<vmem>>)
      tpu.yield
    }) : () -> ()
    %run_scoped3A_28 = arith.constant 1 : i32
    "tpu.region"() ({
      %run_scoped3A_37 = tpu.sem_alloc : memref<!tpu.dma_semaphore, #tpu.memory_space<semaphore_mem>>
      %dma_start3A = arith.constant 0 : i32
      %dma_start3A_38 = arith.constant 0 : i32
      %dma_start3A_39 = tpu.memref_slice %arg3[%arg1, %run_scoped3A_28, %dma_start3A, %dma_start3A_38] : memref<16x2x125x160xi32, #tpu.memory_space<hbm>> -> memref<1x1x125x160xi32, #tpu.memory_space<hbm>>
      %dma_start3A_40 = tpu.memref_squeeze %dma_start3A_39 : memref<1x1x125x160xi32, #tpu.memory_space<hbm>> -> memref<125x160xi32, #tpu.memory_space<hbm>>
      %dma_start3A_41 = arith.constant 0 : i32
      %dma_start3A_42 = arith.constant 0 : i32
      %dma_start3A_43 = tpu.memref_slice %arg3[%arg1, %run_scoped3A_28, %dma_start3A_41, %dma_start3A_42] : memref<16x2x125x160xi32, #tpu.memory_space<hbm>> -> memref<1x1x125x160xi32, #tpu.memory_space<hbm>>
      %dma_start3A_44 = tpu.memref_squeeze %dma_start3A_43 : memref<1x1x125x160xi32, #tpu.memory_space<hbm>> -> memref<125x160xi32, #tpu.memory_space<hbm>>
      tpu.enqueue_dma source(%dma_start3A_44 : memref<125x160xi32, #tpu.memory_space<hbm>>) target(%arg7 : memref<125x160xi32, #tpu.memory_space<vmem>>) target_semaphore(%run_scoped3A_37 : memref<!tpu.dma_semaphore, #tpu.memory_space<semaphore_mem>>)
      %dma_wait3A = arith.constant 0 : i32
      %dma_wait3A_45 = arith.constant 0 : i32
      %dma_wait3A_46 = tpu.memref_slice %arg3[%arg1, %run_scoped3A_28, %dma_wait3A, %dma_wait3A_45] : memref<16x2x125x160xi32, #tpu.memory_space<hbm>> -> memref<1x1x125x160xi32, #tpu.memory_space<hbm>>
      %dma_wait3A_47 = tpu.memref_squeeze %dma_wait3A_46 : memref<1x1x125x160xi32, #tpu.memory_space<hbm>> -> memref<125x160xi32, #tpu.memory_space<hbm>>
      %dma_wait3A_48 = arith.constant 0 : i32
      %dma_wait3A_49 = arith.constant 0 : i32
      %dma_wait3A_50 = tpu.memref_slice %arg3[%arg1, %run_scoped3A_28, %dma_wait3A_48, %dma_wait3A_49] : memref<16x2x125x160xi32, #tpu.memory_space<hbm>> -> memref<1x1x125x160xi32, #tpu.memory_space<hbm>>
      %dma_wait3A_51 = tpu.memref_squeeze %dma_wait3A_50 : memref<1x1x125x160xi32, #tpu.memory_space<hbm>> -> memref<125x160xi32, #tpu.memory_space<hbm>>
      tpu.wait_dma2 semaphore(%run_scoped3A_37 : memref<!tpu.dma_semaphore, #tpu.memory_space<semaphore_mem>>) src(%dma_wait3A_51 : memref<125x160xi32, #tpu.memory_space<hbm>>) dst(%arg7 : memref<125x160xi32, #tpu.memory_space<vmem>>)
      tpu.yield
    }) : () -> ()
    %run_scoped3A_29 = arith.constant 1 : i32
    "tpu.region"() ({
      %run_scoped3A_37 = tpu.sem_alloc : memref<!tpu.dma_semaphore, #tpu.memory_space<semaphore_mem>>
      %dma_start3A = arith.constant 0 : i32
      %dma_start3A_38 = arith.constant 0 : i32
      %dma_start3A_39 = tpu.memref_slice %arg4[%arg1, %run_scoped3A_29, %dma_start3A, %dma_start3A_38] : memref<16x2x125x160xf32, #tpu.memory_space<hbm>> -> memref<1x1x125x160xf32, #tpu.memory_space<hbm>>
      %dma_start3A_40 = tpu.memref_squeeze %dma_start3A_39 : memref<1x1x125x160xf32, #tpu.memory_space<hbm>> -> memref<125x160xf32, #tpu.memory_space<hbm>>
      %dma_start3A_41 = arith.constant 0 : i32
      %dma_start3A_42 = arith.constant 0 : i32
      %dma_start3A_43 = tpu.memref_slice %arg4[%arg1, %run_scoped3A_29, %dma_start3A_41, %dma_start3A_42] : memref<16x2x125x160xf32, #tpu.memory_space<hbm>> -> memref<1x1x125x160xf32, #tpu.memory_space<hbm>>
      %dma_start3A_44 = tpu.memref_squeeze %dma_start3A_43 : memref<1x1x125x160xf32, #tpu.memory_space<hbm>> -> memref<125x160xf32, #tpu.memory_space<hbm>>
      tpu.enqueue_dma source(%dma_start3A_44 : memref<125x160xf32, #tpu.memory_space<hbm>>) target(%arg8 : memref<125x160xf32, #tpu.memory_space<vmem>>) target_semaphore(%run_scoped3A_37 : memref<!tpu.dma_semaphore, #tpu.memory_space<semaphore_mem>>)
      %dma_wait3A = arith.constant 0 : i32
      %dma_wait3A_45 = arith.constant 0 : i32
      %dma_wait3A_46 = tpu.memref_slice %arg4[%arg1, %run_scoped3A_29, %dma_wait3A, %dma_wait3A_45] : memref<16x2x125x160xf32, #tpu.memory_space<hbm>> -> memref<1x1x125x160xf32, #tpu.memory_space<hbm>>
      %dma_wait3A_47 = tpu.memref_squeeze %dma_wait3A_46 : memref<1x1x125x160xf32, #tpu.memory_space<hbm>> -> memref<125x160xf32, #tpu.memory_space<hbm>>
      %dma_wait3A_48 = arith.constant 0 : i32
      %dma_wait3A_49 = arith.constant 0 : i32
      %dma_wait3A_50 = tpu.memref_slice %arg4[%arg1, %run_scoped3A_29, %dma_wait3A_48, %dma_wait3A_49] : memref<16x2x125x160xf32, #tpu.memory_space<hbm>> -> memref<1x1x125x160xf32, #tpu.memory_space<hbm>>
      %dma_wait3A_51 = tpu.memref_squeeze %dma_wait3A_50 : memref<1x1x125x160xf32, #tpu.memory_space<hbm>> -> memref<125x160xf32, #tpu.memory_space<hbm>>
      tpu.wait_dma2 semaphore(%run_scoped3A_37 : memref<!tpu.dma_semaphore, #tpu.memory_space<semaphore_mem>>) src(%dma_wait3A_51 : memref<125x160xf32, #tpu.memory_space<hbm>>) dst(%arg8 : memref<125x160xf32, #tpu.memory_space<vmem>>)
      tpu.yield
    }) : () -> ()
    %scan3A_30 = arith.constant 0 : i32
    %scan3A_31 = arith.constant 0 : i32
    %scan3A_32 = arith.constant 62 : i32
    %scan3A_33 = arith.addi %scan3A_31, %scan3A_32 : i32
    %scan3A_34 = arith.constant 1 : i32
    %scan3A_35 = scf.for %scan3A_37 = %scan3A_31 to %scan3A_33 step %scan3A_34 iter_args(%scan3A_38 = %scan3A_30) -> (i32)  : i32 {
      %scan3A_39 = arith.constant 0 : i32
      %scan3A_40 = arith.constant 0 : i32
      %scan3A_41 = arith.constant 10 : i32
      %scan3A_42 = arith.addi %scan3A_40, %scan3A_41 : i32
      %scan3A_43 = arith.constant 1 : i32
      %scan3A_44 = scf.for %scan3A_94 = %scan3A_40 to %scan3A_42 step %scan3A_43 iter_args(%scan3A_95 = %scan3A_39) -> (i32)  : i32 {
        %mul3A_96 = arith.constant 16 : i32
        %mul3A_97 = arith.muli %scan3A_94, %mul3A_96 : i32
        %mul3A_98 = arith.constant 2 : i32
        %mul3A_99 = arith.muli %mul3A_98, %scan3A_37 : i32
        %get3A = arith.index_cast %mul3A_99 : i32 to index
        %get3A_100 = arith.index_cast %mul3A_97 : i32 to index
        %get3A_101 = tpu.vector_load %arg6[%get3A, %get3A_100] {strides = array<i32>} : memref<125x160xi32, #tpu.memory_space<vmem>>, vector<1x16xi32>,
        %get3A_102 = vector.shape_cast %get3A_101 : vector<1x16xi32> to vector<16xi32>
        %mul3A_103 = arith.constant 10000 : i32
        %mul3A_104 = vector.broadcast %mul3A_103 : i32 to vector<16xi32>
        %mul3A_105 = arith.muli %get3A_102, %mul3A_104 : vector<16xi32>
        %mul3A_106 = arith.constant 2 : i32
        %mul3A_107 = arith.muli %mul3A_106, %scan3A_37 : i32
        %get3A_108 = arith.index_cast %mul3A_107 : i32 to index
        %get3A_109 = arith.index_cast %mul3A_97 : i32 to index
        %get3A_110 = tpu.vector_load %arg7[%get3A_108, %get3A_109] {strides = array<i32>} : memref<125x160xi32, #tpu.memory_space<vmem>>, vector<1x16xi32>,
        %get3A_111 = vector.shape_cast %get3A_110 : vector<1x16xi32> to vector<16xi32>
        %add3A_112 = arith.addi %mul3A_105, %get3A_111 : vector<16xi32>
        %swap3A_113 = arith.constant 0 : i32
        %swap3A_114 = arith.index_cast %swap3A_113 : i32 to index
        %swap3A_115 = arith.index_cast %mul3A_97 : i32 to index
        %swap3A_116 = tpu.vector_load %arg9[%swap3A_114, %swap3A_115] {strides = array<i32>} : memref<2x160xi32, #tpu.memory_space<vmem>>, vector<1x16xi32>,
        %swap3A_117 = vector.shape_cast %swap3A_116 : vector<1x16xi32> to vector<16xi32>
        %swap3A_118 = vector.shape_cast %add3A_112 : vector<16xi32> to vector<1x16xi32>
        tpu.vector_store %arg9[%swap3A_114, %swap3A_115], %swap3A_118 {strides = array<i32>} : memref<2x160xi32, #tpu.memory_space<vmem>>, vector<1x16xi32>,
        %scan3A_119 = arith.constant 0 : i32
        scf.yield %scan3A_119 : i32
      }
      %scan3A_45 = arith.constant 10 : i32
      %mul3A_46 = arith.constant 2 : i32
      %mul3A_47 = arith.muli %mul3A_46, %scan3A_37 : i32
      %dma_start3A = arith.constant 0 : i32
      %dma_start3A_48 = arith.constant 0 : i32
      %dma_start3A_49 = tpu.memref_slice %arg8[%mul3A_47, %dma_start3A_48] : memref<125x160xf32, #tpu.memory_space<vmem>> -> memref<1x160xf32, #tpu.memory_space<vmem>>
      %dma_start3A_50 = tpu.memref_squeeze %dma_start3A_49 : memref<1x160xf32, #tpu.memory_space<vmem>> -> memref<160xf32, #tpu.memory_space<vmem>>
      %dma_start3A_51 = arith.constant 0 : i32
      %dma_start3A_52 = tpu.memref_slice %arg9[%dma_start3A, %dma_start3A_51] : memref<2x160xi32, #tpu.memory_space<vmem>> -> memref<1x160xi32, #tpu.memory_space<vmem>>
      %dma_start3A_53 = tpu.memref_squeeze %dma_start3A_52 : memref<1x160xi32, #tpu.memory_space<vmem>> -> memref<160xi32, #tpu.memory_space<vmem>>
      %dma_start3A_54 = arith.constant 0 : i32
      %dma_start3A_55 = tpu.memref_slice %arg5[%dma_start3A_54] : memref<100000000xf32, #tpu.memory_space<hbm>> -> memref<100000000xf32, #tpu.memory_space<hbm>>
      tpu.enqueue_indirect_dma source(%dma_start3A_50 : memref<160xf32, #tpu.memory_space<vmem>>) target(%dma_start3A_55 : memref<100000000xf32, #tpu.memory_space<hbm>>) offsets(%dma_start3A_53 : memref<160xi32, #tpu.memory_space<vmem>>) semaphore(%arg11 : memref<!tpu.dma_semaphore, #tpu.memory_space<semaphore_mem>>)
      %scan3A_56 = arith.constant 0 : i32
      %scan3A_57 = arith.constant 0 : i32
      %scan3A_58 = arith.constant 10 : i32
      %scan3A_59 = arith.addi %scan3A_57, %scan3A_58 : i32
      %scan3A_60 = arith.constant 1 : i32
      %scan3A_61 = scf.for %scan3A_94 = %scan3A_57 to %scan3A_59 step %scan3A_60 iter_args(%scan3A_95 = %scan3A_56) -> (i32)  : i32 {
        %mul3A_96 = arith.constant 16 : i32
        %mul3A_97 = arith.muli %scan3A_94, %mul3A_96 : i32
        %mul3A_98 = arith.constant 2 : i32
        %mul3A_99 = arith.muli %mul3A_98, %scan3A_37 : i32
        %add3A_100 = arith.constant 1 : i32
        %add3A_101 = arith.addi %mul3A_99, %add3A_100 : i32
        %get3A = arith.index_cast %add3A_101 : i32 to index
        %get3A_102 = arith.index_cast %mul3A_97 : i32 to index
        %get3A_103 = tpu.vector_load %arg6[%get3A, %get3A_102] {strides = array<i32>} : memref<125x160xi32, #tpu.memory_space<vmem>>, vector<1x16xi32>,
        %get3A_104 = vector.shape_cast %get3A_103 : vector<1x16xi32> to vector<16xi32>
        %mul3A_105 = arith.constant 10000 : i32
        %mul3A_106 = vector.broadcast %mul3A_105 : i32 to vector<16xi32>
        %mul3A_107 = arith.muli %get3A_104, %mul3A_106 : vector<16xi32>
        %mul3A_108 = arith.constant 2 : i32
        %mul3A_109 = arith.muli %mul3A_108, %scan3A_37 : i32
        %add3A_110 = arith.constant 1 : i32
        %add3A_111 = arith.addi %mul3A_109, %add3A_110 : i32
        %get3A_112 = arith.index_cast %add3A_111 : i32 to index
        %get3A_113 = arith.index_cast %mul3A_97 : i32 to index
        %get3A_114 = tpu.vector_load %arg7[%get3A_112, %get3A_113] {strides = array<i32>} : memref<125x160xi32, #tpu.memory_space<vmem>>, vector<1x16xi32>,
        %get3A_115 = vector.shape_cast %get3A_114 : vector<1x16xi32> to vector<16xi32>
        %add3A_116 = arith.addi %mul3A_107, %get3A_115 : vector<16xi32>
        %swap3A_117 = arith.constant 1 : i32
        %swap3A_118 = arith.index_cast %swap3A_117 : i32 to index
        %swap3A_119 = arith.index_cast %mul3A_97 : i32 to index
        %swap3A_120 = tpu.vector_load %arg9[%swap3A_118, %swap3A_119] {strides = array<i32>} : memref<2x160xi32, #tpu.memory_space<vmem>>, vector<1x16xi32>,
        %swap3A_121 = vector.shape_cast %swap3A_120 : vector<1x16xi32> to vector<16xi32>
        %swap3A_122 = vector.shape_cast %add3A_116 : vector<16xi32> to vector<1x16xi32>
        tpu.vector_store %arg9[%swap3A_118, %swap3A_119], %swap3A_122 {strides = array<i32>} : memref<2x160xi32, #tpu.memory_space<vmem>>, vector<1x16xi32>,
        %scan3A_123 = arith.constant 0 : i32
        scf.yield %scan3A_123 : i32
      }
      %scan3A_62 = arith.constant 10 : i32
      %mul3A_63 = arith.constant 2 : i32
      %mul3A_64 = arith.muli %mul3A_63, %scan3A_37 : i32
      %add3A_65 = arith.constant 1 : i32
      %add3A_66 = arith.addi %mul3A_64, %add3A_65 : i32
      %dma_start3A_67 = arith.constant 1 : i32
      %dma_start3A_68 = arith.constant 0 : i32
      %dma_start3A_69 = tpu.memref_slice %arg8[%add3A_66, %dma_start3A_68] : memref<125x160xf32, #tpu.memory_space<vmem>> -> memref<1x160xf32, #tpu.memory_space<vmem>>
      %dma_start3A_70 = tpu.memref_squeeze %dma_start3A_69 : memref<1x160xf32, #tpu.memory_space<vmem>> -> memref<160xf32, #tpu.memory_space<vmem>>
      %dma_start3A_71 = arith.constant 0 : i32
      %dma_start3A_72 = tpu.memref_slice %arg9[%dma_start3A_67, %dma_start3A_71] : memref<2x160xi32, #tpu.memory_space<vmem>> -> memref<1x160xi32, #tpu.memory_space<vmem>>
      %dma_start3A_73 = tpu.memref_squeeze %dma_start3A_72 : memref<1x160xi32, #tpu.memory_space<vmem>> -> memref<160xi32, #tpu.memory_space<vmem>>
      %dma_start3A_74 = arith.constant 0 : i32
      %dma_start3A_75 = tpu.memref_slice %arg5[%dma_start3A_74] : memref<100000000xf32, #tpu.memory_space<hbm>> -> memref<100000000xf32, #tpu.memory_space<hbm>>
      tpu.enqueue_indirect_dma source(%dma_start3A_70 : memref<160xf32, #tpu.memory_space<vmem>>) target(%dma_start3A_75 : memref<100000000xf32, #tpu.memory_space<hbm>>) offsets(%dma_start3A_73 : memref<160xi32, #tpu.memory_space<vmem>>) semaphore(%arg12 : memref<!tpu.dma_semaphore, #tpu.memory_space<semaphore_mem>>)
      %dma_wait3A = arith.constant 0 : i32
      %dma_wait3A_76 = arith.constant 0 : i32
      %dma_wait3A_77 = tpu.memref_slice %arg8[%mul3A_47, %dma_wait3A_76] : memref<125x160xf32, #tpu.memory_space<vmem>> -> memref<1x160xf32, #tpu.memory_space<vmem>>
      %dma_wait3A_78 = tpu.memref_squeeze %dma_wait3A_77 : memref<1x160xf32, #tpu.memory_space<vmem>> -> memref<160xf32, #tpu.memory_space<vmem>>
      %dma_wait3A_79 = arith.constant 0 : i32
      %dma_wait3A_80 = tpu.memref_slice %arg9[%dma_wait3A, %dma_wait3A_79] : memref<2x160xi32, #tpu.memory_space<vmem>> -> memref<1x160xi32, #tpu.memory_space<vmem>>
      %dma_wait3A_81 = tpu.memref_squeeze %dma_wait3A_80 : memref<1x160xi32, #tpu.memory_space<vmem>> -> memref<160xi32, #tpu.memory_space<vmem>>
      %dma_wait3A_82 = arith.constant 0 : i32
      %dma_wait3A_83 = tpu.memref_slice %arg5[%dma_wait3A_82] : memref<100000000xf32, #tpu.memory_space<hbm>> -> memref<100000000xf32, #tpu.memory_space<hbm>>
      tpu.wait_indirect_dma semaphore(%arg11 : memref<!tpu.dma_semaphore, #tpu.memory_space<semaphore_mem>>) src(%dma_wait3A_78 : memref<160xf32, #tpu.memory_space<vmem>>) dst(%dma_wait3A_83 : memref<100000000xf32, #tpu.memory_space<hbm>>)
      %dma_wait3A_84 = arith.constant 1 : i32
      %dma_wait3A_85 = arith.constant 0 : i32
      %dma_wait3A_86 = tpu.memref_slice %arg8[%add3A_66, %dma_wait3A_85] : memref<125x160xf32, #tpu.memory_space<vmem>> -> memref<1x160xf32, #tpu.memory_space<vmem>>
      %dma_wait3A_87 = tpu.memref_squeeze %dma_wait3A_86 : memref<1x160xf32, #tpu.memory_space<vmem>> -> memref<160xf32, #tpu.memory_space<vmem>>
      %dma_wait3A_88 = arith.constant 0 : i32
      %dma_wait3A_89 = tpu.memref_slice %arg9[%dma_wait3A_84, %dma_wait3A_88] : memref<2x160xi32, #tpu.memory_space<vmem>> -> memref<1x160xi32, #tpu.memory_space<vmem>>
      %dma_wait3A_90 = tpu.memref_squeeze %dma_wait3A_89 : memref<1x160xi32, #tpu.memory_space<vmem>> -> memref<160xi32, #tpu.memory_space<vmem>>
      %dma_wait3A_91 = arith.constant 0 : i32
      %dma_wait3A_92 = tpu.memref_slice %arg5[%dma_wait3A_91] : memref<100000000xf32, #tpu.memory_space<hbm>> -> memref<100000000xf32, #tpu.memory_space<hbm>>
      tpu.wait_indirect_dma semaphore(%arg12 : memref<!tpu.dma_semaphore, #tpu.memory_space<semaphore_mem>>) src(%dma_wait3A_87 : memref<160xf32, #tpu.memory_space<vmem>>) dst(%dma_wait3A_92 : memref<100000000xf32, #tpu.memory_space<hbm>>)
      %scan3A_93 = arith.constant 0 : i32
      scf.yield %scan3A_93 : i32
    }
    %scan3A_36 = arith.constant 62 : i32
    return
  }
}

module attributes {stable_mosaic.version = 14 : i64} {
  func.func @body(%arg0: i32, %arg1: memref<1000x64xf32, #tpu.memory_space<vmem>>, %arg2: memref<64x128xf32, #tpu.memory_space<vmem>>, %arg3: memref<1x128xf32, #tpu.memory_space<vmem>>, %arg4: memref<1000x64xf32, #tpu.memory_space<vmem>>, %arg5: memref<1000x64xf32, #tpu.memory_space<vmem>>) attributes {dimension_semantics = [#tpu.dimension_semantics<arbitrary>], iteration_bounds = array<i64: 10>, scalar_prefetch = 0 : i64, scratch_operands = 0 : i64, tpu.core_type = #tpu.core_type<tc>, window_params = [{transform_indices = @transform_0, window_bounds = array<i64: 1000, 64>}, {pipeline_mode = #tpu.pipeline_mode<synchronous>, transform_indices = @transform_1, window_bounds = array<i64: 64, 128>}, {pipeline_mode = #tpu.pipeline_mode<synchronous>, transform_indices = @transform_2, window_bounds = array<i64: 1, 128>}, {transform_indices = @transform_3, window_bounds = array<i64: 1000, 64>}, {transform_indices = @transform_4, window_bounds = array<i64: 1000, 64>}]} {
    %get3A = arith.constant 0 : index
    %get3A_0 = arith.constant 0 : index
    %get3A_1 = vector.load %arg1[%get3A, %get3A_0] : memref<1000x64xf32, #tpu.memory_space<vmem>>, vector<1000x64xf32>
    %get3A_2 = arith.constant 0 : index
    %get3A_3 = arith.constant 0 : index
    %get3A_4 = vector.load %arg2[%get3A_2, %get3A_3] : memref<64x128xf32, #tpu.memory_space<vmem>>, vector<64x128xf32>
    %dot_general3A = arith.constant dense<0.000000e+00> : vector<1000x128xf32>
    %dot_general3A_5 = tpu.matmul %get3A_1, %get3A_4, %dot_general3A {dimension_numbers = #tpu.dot_dimension_numbers<[1], [0], [0], [1], [0, 0, 1, 1], [], []>, transpose_lhs_hint = false} : vector<1000x64xf32>, vector<64x128xf32>, vector<1000x128xf32> -> vector<1000x128xf32>
    %get3A_6 = arith.constant 0 : index
    %get3A_7 = arith.constant 0 : index
    %get3A_8 = vector.load %arg3[%get3A_6, %get3A_7] : memref<1x128xf32, #tpu.memory_space<vmem>>, vector<1x128xf32>
    %add3A = vector.broadcast %get3A_8 : vector<1x128xf32> to vector<1000x128xf32>
    %add3A_9 = arith.addf %dot_general3A_5, %add3A : vector<1000x128xf32>
    %slice3A = vector.extract_strided_slice %add3A_9 {offsets = [0, 0], sizes = [1000, 64], strides = [1, 1]} : vector<1000x128xf32> to vector<1000x64xf32>
    %swap3A = arith.constant 0 : index
    %swap3A_10 = arith.constant 0 : index
    %swap3A_11 = vector.load %arg4[%swap3A, %swap3A_10] : memref<1000x64xf32, #tpu.memory_space<vmem>>, vector<1000x64xf32>
    tpu.vector_store %arg4[%swap3A, %swap3A_10], %slice3A {strides = array<i32>} : memref<1000x64xf32, #tpu.memory_space<vmem>>, vector<1000x64xf32>,
    %slice3A_12 = vector.extract_strided_slice %add3A_9 {offsets = [0, 64], sizes = [1000, 64], strides = [1, 1]} : vector<1000x128xf32> to vector<1000x64xf32>
    %swap3A_13 = arith.constant 0 : index
    %swap3A_14 = arith.constant 0 : index
    %swap3A_15 = vector.load %arg5[%swap3A_13, %swap3A_14] : memref<1000x64xf32, #tpu.memory_space<vmem>>, vector<1000x64xf32>
    tpu.vector_store %arg5[%swap3A_13, %swap3A_14], %slice3A_12 {strides = array<i32>} : memref<1000x64xf32, #tpu.memory_space<vmem>>, vector<1000x64xf32>,
    return
  }
  func.func @transform_0(%arg0: i32) -> (i32, i32) {
    %c0_i32 = arith.constant 0 : i32
    %c0_i32_0 = arith.constant 0 : i32
    return %arg0, %c0_i32 : i32, i32
  }
  func.func @transform_1(%arg0: i32) -> (i32, i32) {
    %c0_i32 = arith.constant 0 : i32
    %c0_i32_0 = arith.constant 0 : i32
    %c0_i32_1 = arith.constant 0 : i32
    return %c0_i32, %c0_i32_0 : i32, i32
  }
  func.func @transform_2(%arg0: i32) -> (i32, i32) {
    %c0_i32 = arith.constant 0 : i32
    %c0_i32_0 = arith.constant 0 : i32
    %c0_i32_1 = arith.constant 0 : i32
    return %c0_i32, %c0_i32_0 : i32, i32
  }
  func.func @transform_3(%arg0: i32) -> (i32, i32) {
    %c0_i32 = arith.constant 0 : i32
    %c0_i32_0 = arith.constant 0 : i32
    return %arg0, %c0_i32 : i32, i32
  }
  func.func @transform_4(%arg0: i32) -> (i32, i32) {
    %c0_i32 = arith.constant 0 : i32
    %c0_i32_0 = arith.constant 0 : i32
    return %arg0, %c0_i32 : i32, i32
  }
}

module attributes {stable_mosaic.version = 14 : i64} {
  func.func @body(%arg0: i32, %arg1: memref<1000x64xf32, #tpu.memory_space<vmem>>, %arg2: memref<1000x64xf32, #tpu.memory_space<vmem>>, %arg3: memref<1000x64xf32, #tpu.memory_space<vmem>>, %arg4: memref<64x64xf32, #tpu.memory_space<vmem>>, %arg5: memref<64x64xf32, #tpu.memory_space<vmem>>, %arg6: memref<1x64xf32, #tpu.memory_space<vmem>>, %arg7: memref<64x128xf32, #tpu.memory_space<vmem>>, %arg8: memref<1x128xf32, #tpu.memory_space<vmem>>, %arg9: memref<1000x64xf32, #tpu.memory_space<vmem>>, %arg10: memref<1000x64xf32, #tpu.memory_space<vmem>>, %arg11: memref<1000x64xf32, #tpu.memory_space<vmem>>) attributes {dimension_semantics = [#tpu.dimension_semantics<arbitrary>], iteration_bounds = array<i64: 10>, scalar_prefetch = 0 : i64, scratch_operands = 0 : i64, tpu.core_type = #tpu.core_type<tc>, window_params = [{transform_indices = @transform_0, window_bounds = array<i64: 1000, 64>}, {transform_indices = @transform_1, window_bounds = array<i64: 1000, 64>}, {transform_indices = @transform_2, window_bounds = array<i64: 1000, 64>}, {pipeline_mode = #tpu.pipeline_mode<synchronous>, transform_indices = @transform_3, window_bounds = array<i64: 64, 64>}, {pipeline_mode = #tpu.pipeline_mode<synchronous>, transform_indices = @transform_4, window_bounds = array<i64: 64, 64>}, {pipeline_mode = #tpu.pipeline_mode<synchronous>, transform_indices = @transform_5, window_bounds = array<i64: 1, 64>}, {pipeline_mode = #tpu.pipeline_mode<synchronous>, transform_indices = @transform_6, window_bounds = array<i64: 64, 128>}, {pipeline_mode = #tpu.pipeline_mode<synchronous>, transform_indices = @transform_7, window_bounds = array<i64: 1, 128>}, {transform_indices = @transform_8, window_bounds = array<i64: 1000, 64>}, {transform_indices = @transform_9, window_bounds = array<i64: 1000, 64>}, {transform_indices = @transform_10, window_bounds = array<i64: 1000, 64>}]} {
    %get3A = arith.constant 0 : index
    %get3A_0 = arith.constant 0 : index
    %get3A_1 = vector.load %arg2[%get3A, %get3A_0] : memref<1000x64xf32, #tpu.memory_space<vmem>>, vector<1000x64xf32>
    %get3A_2 = arith.constant 0 : index
    %get3A_3 = arith.constant 0 : index
    %get3A_4 = vector.load %arg3[%get3A_2, %get3A_3] : memref<1000x64xf32, #tpu.memory_space<vmem>>, vector<1000x64xf32>
    %add3A = arith.addf %get3A_1, %get3A_4 : vector<1000x64xf32>
    %get3A_5 = arith.constant 0 : index
    %get3A_6 = arith.constant 0 : index
    %get3A_7 = vector.load %arg1[%get3A_5, %get3A_6] : memref<1000x64xf32, #tpu.memory_space<vmem>>, vector<1000x64xf32>
    %get3A_8 = arith.constant 0 : index
    %get3A_9 = arith.constant 0 : index
    %get3A_10 = vector.load %arg4[%get3A_8, %get3A_9] : memref<64x64xf32, #tpu.memory_space<vmem>>, vector<64x64xf32>
    %dot_general3A = arith.constant dense<0.000000e+00> : vector<1000x64xf32>
    %dot_general3A_11 = tpu.matmul %get3A_7, %get3A_10, %dot_general3A {dimension_numbers = #tpu.dot_dimension_numbers<[1], [0], [0], [1], [0, 0, 1, 1], [], []>, transpose_lhs_hint = false} : vector<1000x64xf32>, vector<64x64xf32>, vector<1000x64xf32> -> vector<1000x64xf32>
    %get3A_12 = arith.constant 0 : index
    %get3A_13 = arith.constant 0 : index
    %get3A_14 = vector.load %arg5[%get3A_12, %get3A_13] : memref<64x64xf32, #tpu.memory_space<vmem>>, vector<64x64xf32>
    %dot_general3A_15 = arith.constant dense<0.000000e+00> : vector<1000x64xf32>
    %dot_general3A_16 = tpu.matmul %add3A, %get3A_14, %dot_general3A_15 {dimension_numbers = #tpu.dot_dimension_numbers<[1], [0], [0], [1], [0, 0, 1, 1], [], []>, transpose_lhs_hint = false} : vector<1000x64xf32>, vector<64x64xf32>, vector<1000x64xf32> -> vector<1000x64xf32>
    %add3A_17 = arith.addf %dot_general3A_11, %dot_general3A_16 : vector<1000x64xf32>
    %get3A_18 = arith.constant 0 : index
    %get3A_19 = arith.constant 0 : index
    %get3A_20 = vector.load %arg6[%get3A_18, %get3A_19] : memref<1x64xf32, #tpu.memory_space<vmem>>, vector<1x64xf32>
    %add3A_21 = vector.broadcast %get3A_20 : vector<1x64xf32> to vector<1000x64xf32>
    %add3A_22 = arith.addf %add3A_17, %add3A_21 : vector<1000x64xf32>
    %logistic3A = arith.negf %add3A_22 : vector<1000x64xf32>
    %logistic3A_23 = math.exp %logistic3A : vector<1000x64xf32>
    %logistic3A_24 = arith.constant 1.000000e+00 : f32
    %logistic3A_25 = vector.broadcast %logistic3A_24 : f32 to vector<1000x64xf32>
    %logistic3A_26 = arith.addf %logistic3A_25, %logistic3A_23 : vector<1000x64xf32>
    %logistic3A_27 = arith.divf %logistic3A_25, %logistic3A_26 : vector<1000x64xf32>
    %mul3A = arith.mulf %add3A_22, %logistic3A_27 : vector<1000x64xf32>
    %swap3A = arith.constant 0 : index
    %swap3A_28 = arith.constant 0 : index
    %swap3A_29 = vector.load %arg9[%swap3A, %swap3A_28] : memref<1000x64xf32, #tpu.memory_space<vmem>>, vector<1000x64xf32>
    tpu.vector_store %arg9[%swap3A, %swap3A_28], %mul3A {strides = array<i32>} : memref<1000x64xf32, #tpu.memory_space<vmem>>, vector<1000x64xf32>,
    %get3A_30 = arith.constant 0 : index
    %get3A_31 = arith.constant 0 : index
    %get3A_32 = vector.load %arg7[%get3A_30, %get3A_31] : memref<64x128xf32, #tpu.memory_space<vmem>>, vector<64x128xf32>
    %dot_general3A_33 = arith.constant dense<0.000000e+00> : vector<1000x128xf32>
    %dot_general3A_34 = tpu.matmul %mul3A, %get3A_32, %dot_general3A_33 {dimension_numbers = #tpu.dot_dimension_numbers<[1], [0], [0], [1], [0, 0, 1, 1], [], []>, transpose_lhs_hint = false} : vector<1000x64xf32>, vector<64x128xf32>, vector<1000x128xf32> -> vector<1000x128xf32>
    %get3A_35 = arith.constant 0 : index
    %get3A_36 = arith.constant 0 : index
    %get3A_37 = vector.load %arg8[%get3A_35, %get3A_36] : memref<1x128xf32, #tpu.memory_space<vmem>>, vector<1x128xf32>
    %add3A_38 = vector.broadcast %get3A_37 : vector<1x128xf32> to vector<1000x128xf32>
    %add3A_39 = arith.addf %dot_general3A_34, %add3A_38 : vector<1000x128xf32>
    %slice3A = vector.extract_strided_slice %add3A_39 {offsets = [0, 0], sizes = [1000, 64], strides = [1, 1]} : vector<1000x128xf32> to vector<1000x64xf32>
    %swap3A_40 = arith.constant 0 : index
    %swap3A_41 = arith.constant 0 : index
    %swap3A_42 = vector.load %arg10[%swap3A_40, %swap3A_41] : memref<1000x64xf32, #tpu.memory_space<vmem>>, vector<1000x64xf32>
    tpu.vector_store %arg10[%swap3A_40, %swap3A_41], %slice3A {strides = array<i32>} : memref<1000x64xf32, #tpu.memory_space<vmem>>, vector<1000x64xf32>,
    %slice3A_43 = vector.extract_strided_slice %add3A_39 {offsets = [0, 64], sizes = [1000, 64], strides = [1, 1]} : vector<1000x128xf32> to vector<1000x64xf32>
    %swap3A_44 = arith.constant 0 : index
    %swap3A_45 = arith.constant 0 : index
    %swap3A_46 = vector.load %arg11[%swap3A_44, %swap3A_45] : memref<1000x64xf32, #tpu.memory_space<vmem>>, vector<1000x64xf32>
    tpu.vector_store %arg11[%swap3A_44, %swap3A_45], %slice3A_43 {strides = array<i32>} : memref<1000x64xf32, #tpu.memory_space<vmem>>, vector<1000x64xf32>,
    return
  }
  func.func @transform_0(%arg0: i32) -> (i32, i32) {
    %c0_i32 = arith.constant 0 : i32
    %c0_i32_0 = arith.constant 0 : i32
    return %arg0, %c0_i32 : i32, i32
  }
  func.func @transform_1(%arg0: i32) -> (i32, i32) {
    %c0_i32 = arith.constant 0 : i32
    %c0_i32_0 = arith.constant 0 : i32
    return %arg0, %c0_i32 : i32, i32
  }
  func.func @transform_2(%arg0: i32) -> (i32, i32) {
    %c0_i32 = arith.constant 0 : i32
    %c0_i32_0 = arith.constant 0 : i32
    return %arg0, %c0_i32 : i32, i32
  }
  func.func @transform_3(%arg0: i32) -> (i32, i32) {
    %c0_i32 = arith.constant 0 : i32
    %c0_i32_0 = arith.constant 0 : i32
    %c0_i32_1 = arith.constant 0 : i32
    return %c0_i32, %c0_i32_0 : i32, i32
  }
  func.func @transform_4(%arg0: i32) -> (i32, i32) {
    %c0_i32 = arith.constant 0 : i32
    %c0_i32_0 = arith.constant 0 : i32
    %c0_i32_1 = arith.constant 0 : i32
    return %c0_i32, %c0_i32_0 : i32, i32
  }
  func.func @transform_5(%arg0: i32) -> (i32, i32) {
    %c0_i32 = arith.constant 0 : i32
    %c0_i32_0 = arith.constant 0 : i32
    %c0_i32_1 = arith.constant 0 : i32
    return %c0_i32, %c0_i32_0 : i32, i32
  }
  func.func @transform_6(%arg0: i32) -> (i32, i32) {
    %c0_i32 = arith.constant 0 : i32
    %c0_i32_0 = arith.constant 0 : i32
    %c0_i32_1 = arith.constant 0 : i32
    return %c0_i32, %c0_i32_0 : i32, i32
  }
  func.func @transform_7(%arg0: i32) -> (i32, i32) {
    %c0_i32 = arith.constant 0 : i32
    %c0_i32_0 = arith.constant 0 : i32
    %c0_i32_1 = arith.constant 0 : i32
    return %c0_i32, %c0_i32_0 : i32, i32
  }
  func.func @transform_8(%arg0: i32) -> (i32, i32) {
    %c0_i32 = arith.constant 0 : i32
    %c0_i32_0 = arith.constant 0 : i32
    return %arg0, %c0_i32 : i32, i32
  }
  func.func @transform_9(%arg0: i32) -> (i32, i32) {
    %c0_i32 = arith.constant 0 : i32
    %c0_i32_0 = arith.constant 0 : i32
    return %arg0, %c0_i32 : i32, i32
  }
  func.func @transform_10(%arg0: i32) -> (i32, i32) {
    %c0_i32 = arith.constant 0 : i32
    %c0_i32_0 = arith.constant 0 : i32
    return %arg0, %c0_i32 : i32, i32
  }
}

module attributes {stable_mosaic.version = 14 : i64} {
  func.func @body(%arg0: i32, %arg1: memref<1000x64xf32, #tpu.memory_space<vmem>>, %arg2: memref<1000x64xf32, #tpu.memory_space<vmem>>, %arg3: memref<1000x64xf32, #tpu.memory_space<vmem>>, %arg4: memref<64x64xf32, #tpu.memory_space<vmem>>, %arg5: memref<64x64xf32, #tpu.memory_space<vmem>>, %arg6: memref<1x64xf32, #tpu.memory_space<vmem>>, %arg7: memref<64x128xf32, #tpu.memory_space<vmem>>, %arg8: memref<1x128xf32, #tpu.memory_space<vmem>>, %arg9: memref<1000x64xf32, #tpu.memory_space<vmem>>, %arg10: memref<1000x64xf32, #tpu.memory_space<vmem>>, %arg11: memref<1000x64xf32, #tpu.memory_space<vmem>>) attributes {dimension_semantics = [#tpu.dimension_semantics<arbitrary>], iteration_bounds = array<i64: 10>, scalar_prefetch = 0 : i64, scratch_operands = 0 : i64, tpu.core_type = #tpu.core_type<tc>, window_params = [{transform_indices = @transform_0, window_bounds = array<i64: 1000, 64>}, {transform_indices = @transform_1, window_bounds = array<i64: 1000, 64>}, {transform_indices = @transform_2, window_bounds = array<i64: 1000, 64>}, {pipeline_mode = #tpu.pipeline_mode<synchronous>, transform_indices = @transform_3, window_bounds = array<i64: 64, 64>}, {pipeline_mode = #tpu.pipeline_mode<synchronous>, transform_indices = @transform_4, window_bounds = array<i64: 64, 64>}, {pipeline_mode = #tpu.pipeline_mode<synchronous>, transform_indices = @transform_5, window_bounds = array<i64: 1, 64>}, {pipeline_mode = #tpu.pipeline_mode<synchronous>, transform_indices = @transform_6, window_bounds = array<i64: 64, 128>}, {pipeline_mode = #tpu.pipeline_mode<synchronous>, transform_indices = @transform_7, window_bounds = array<i64: 1, 128>}, {transform_indices = @transform_8, window_bounds = array<i64: 1000, 64>}, {transform_indices = @transform_9, window_bounds = array<i64: 1000, 64>}, {transform_indices = @transform_10, window_bounds = array<i64: 1000, 64>}]} {
    %get3A = arith.constant 0 : index
    %get3A_0 = arith.constant 0 : index
    %get3A_1 = vector.load %arg2[%get3A, %get3A_0] : memref<1000x64xf32, #tpu.memory_space<vmem>>, vector<1000x64xf32>
    %get3A_2 = arith.constant 0 : index
    %get3A_3 = arith.constant 0 : index
    %get3A_4 = vector.load %arg3[%get3A_2, %get3A_3] : memref<1000x64xf32, #tpu.memory_space<vmem>>, vector<1000x64xf32>
    %add3A = arith.addf %get3A_1, %get3A_4 : vector<1000x64xf32>
    %get3A_5 = arith.constant 0 : index
    %get3A_6 = arith.constant 0 : index
    %get3A_7 = vector.load %arg1[%get3A_5, %get3A_6] : memref<1000x64xf32, #tpu.memory_space<vmem>>, vector<1000x64xf32>
    %get3A_8 = arith.constant 0 : index
    %get3A_9 = arith.constant 0 : index
    %get3A_10 = vector.load %arg4[%get3A_8, %get3A_9] : memref<64x64xf32, #tpu.memory_space<vmem>>, vector<64x64xf32>
    %dot_general3A = arith.constant dense<0.000000e+00> : vector<1000x64xf32>
    %dot_general3A_11 = tpu.matmul %get3A_7, %get3A_10, %dot_general3A {dimension_numbers = #tpu.dot_dimension_numbers<[1], [0], [0], [1], [0, 0, 1, 1], [], []>, transpose_lhs_hint = false} : vector<1000x64xf32>, vector<64x64xf32>, vector<1000x64xf32> -> vector<1000x64xf32>
    %get3A_12 = arith.constant 0 : index
    %get3A_13 = arith.constant 0 : index
    %get3A_14 = vector.load %arg5[%get3A_12, %get3A_13] : memref<64x64xf32, #tpu.memory_space<vmem>>, vector<64x64xf32>
    %dot_general3A_15 = arith.constant dense<0.000000e+00> : vector<1000x64xf32>
    %dot_general3A_16 = tpu.matmul %add3A, %get3A_14, %dot_general3A_15 {dimension_numbers = #tpu.dot_dimension_numbers<[1], [0], [0], [1], [0, 0, 1, 1], [], []>, transpose_lhs_hint = false} : vector<1000x64xf32>, vector<64x64xf32>, vector<1000x64xf32> -> vector<1000x64xf32>
    %add3A_17 = arith.addf %dot_general3A_11, %dot_general3A_16 : vector<1000x64xf32>
    %get3A_18 = arith.constant 0 : index
    %get3A_19 = arith.constant 0 : index
    %get3A_20 = vector.load %arg6[%get3A_18, %get3A_19] : memref<1x64xf32, #tpu.memory_space<vmem>>, vector<1x64xf32>
    %add3A_21 = vector.broadcast %get3A_20 : vector<1x64xf32> to vector<1000x64xf32>
    %add3A_22 = arith.addf %add3A_17, %add3A_21 : vector<1000x64xf32>
    %logistic3A = arith.negf %add3A_22 : vector<1000x64xf32>
    %logistic3A_23 = math.exp %logistic3A : vector<1000x64xf32>
    %logistic3A_24 = arith.constant 1.000000e+00 : f32
    %logistic3A_25 = vector.broadcast %logistic3A_24 : f32 to vector<1000x64xf32>
    %logistic3A_26 = arith.addf %logistic3A_25, %logistic3A_23 : vector<1000x64xf32>
    %logistic3A_27 = arith.divf %logistic3A_25, %logistic3A_26 : vector<1000x64xf32>
    %mul3A = arith.mulf %add3A_22, %logistic3A_27 : vector<1000x64xf32>
    %swap3A = arith.constant 0 : index
    %swap3A_28 = arith.constant 0 : index
    %swap3A_29 = vector.load %arg9[%swap3A, %swap3A_28] : memref<1000x64xf32, #tpu.memory_space<vmem>>, vector<1000x64xf32>
    tpu.vector_store %arg9[%swap3A, %swap3A_28], %mul3A {strides = array<i32>} : memref<1000x64xf32, #tpu.memory_space<vmem>>, vector<1000x64xf32>,
    %get3A_30 = arith.constant 0 : index
    %get3A_31 = arith.constant 0 : index
    %get3A_32 = vector.load %arg7[%get3A_30, %get3A_31] : memref<64x128xf32, #tpu.memory_space<vmem>>, vector<64x128xf32>
    %dot_general3A_33 = arith.constant dense<0.000000e+00> : vector<1000x128xf32>
    %dot_general3A_34 = tpu.matmul %mul3A, %get3A_32, %dot_general3A_33 {dimension_numbers = #tpu.dot_dimension_numbers<[1], [0], [0], [1], [0, 0, 1, 1], [], []>, transpose_lhs_hint = false} : vector<1000x64xf32>, vector<64x128xf32>, vector<1000x128xf32> -> vector<1000x128xf32>
    %get3A_35 = arith.constant 0 : index
    %get3A_36 = arith.constant 0 : index
    %get3A_37 = vector.load %arg8[%get3A_35, %get3A_36] : memref<1x128xf32, #tpu.memory_space<vmem>>, vector<1x128xf32>
    %add3A_38 = vector.broadcast %get3A_37 : vector<1x128xf32> to vector<1000x128xf32>
    %add3A_39 = arith.addf %dot_general3A_34, %add3A_38 : vector<1000x128xf32>
    %slice3A = vector.extract_strided_slice %add3A_39 {offsets = [0, 0], sizes = [1000, 64], strides = [1, 1]} : vector<1000x128xf32> to vector<1000x64xf32>
    %swap3A_40 = arith.constant 0 : index
    %swap3A_41 = arith.constant 0 : index
    %swap3A_42 = vector.load %arg10[%swap3A_40, %swap3A_41] : memref<1000x64xf32, #tpu.memory_space<vmem>>, vector<1000x64xf32>
    tpu.vector_store %arg10[%swap3A_40, %swap3A_41], %slice3A {strides = array<i32>} : memref<1000x64xf32, #tpu.memory_space<vmem>>, vector<1000x64xf32>,
    %slice3A_43 = vector.extract_strided_slice %add3A_39 {offsets = [0, 64], sizes = [1000, 64], strides = [1, 1]} : vector<1000x128xf32> to vector<1000x64xf32>
    %swap3A_44 = arith.constant 0 : index
    %swap3A_45 = arith.constant 0 : index
    %swap3A_46 = vector.load %arg11[%swap3A_44, %swap3A_45] : memref<1000x64xf32, #tpu.memory_space<vmem>>, vector<1000x64xf32>
    tpu.vector_store %arg11[%swap3A_44, %swap3A_45], %slice3A_43 {strides = array<i32>} : memref<1000x64xf32, #tpu.memory_space<vmem>>, vector<1000x64xf32>,
    return
  }
  func.func @transform_0(%arg0: i32) -> (i32, i32) {
    %c0_i32 = arith.constant 0 : i32
    %c0_i32_0 = arith.constant 0 : i32
    return %arg0, %c0_i32 : i32, i32
  }
  func.func @transform_1(%arg0: i32) -> (i32, i32) {
    %c0_i32 = arith.constant 0 : i32
    %c0_i32_0 = arith.constant 0 : i32
    return %arg0, %c0_i32 : i32, i32
  }
  func.func @transform_2(%arg0: i32) -> (i32, i32) {
    %c0_i32 = arith.constant 0 : i32
    %c0_i32_0 = arith.constant 0 : i32
    return %arg0, %c0_i32 : i32, i32
  }
  func.func @transform_3(%arg0: i32) -> (i32, i32) {
    %c0_i32 = arith.constant 0 : i32
    %c0_i32_0 = arith.constant 0 : i32
    %c0_i32_1 = arith.constant 0 : i32
    return %c0_i32, %c0_i32_0 : i32, i32
  }
  func.func @transform_4(%arg0: i32) -> (i32, i32) {
    %c0_i32 = arith.constant 0 : i32
    %c0_i32_0 = arith.constant 0 : i32
    %c0_i32_1 = arith.constant 0 : i32
    return %c0_i32, %c0_i32_0 : i32, i32
  }
  func.func @transform_5(%arg0: i32) -> (i32, i32) {
    %c0_i32 = arith.constant 0 : i32
    %c0_i32_0 = arith.constant 0 : i32
    %c0_i32_1 = arith.constant 0 : i32
    return %c0_i32, %c0_i32_0 : i32, i32
  }
  func.func @transform_6(%arg0: i32) -> (i32, i32) {
    %c0_i32 = arith.constant 0 : i32
    %c0_i32_0 = arith.constant 0 : i32
    %c0_i32_1 = arith.constant 0 : i32
    return %c0_i32, %c0_i32_0 : i32, i32
  }
  func.func @transform_7(%arg0: i32) -> (i32, i32) {
    %c0_i32 = arith.constant 0 : i32
    %c0_i32_0 = arith.constant 0 : i32
    %c0_i32_1 = arith.constant 0 : i32
    return %c0_i32, %c0_i32_0 : i32, i32
  }
  func.func @transform_8(%arg0: i32) -> (i32, i32) {
    %c0_i32 = arith.constant 0 : i32
    %c0_i32_0 = arith.constant 0 : i32
    return %arg0, %c0_i32 : i32, i32
  }
  func.func @transform_9(%arg0: i32) -> (i32, i32) {
    %c0_i32 = arith.constant 0 : i32
    %c0_i32_0 = arith.constant 0 : i32
    return %arg0, %c0_i32 : i32, i32
  }
  func.func @transform_10(%arg0: i32) -> (i32, i32) {
    %c0_i32 = arith.constant 0 : i32
    %c0_i32_0 = arith.constant 0 : i32
    return %arg0, %c0_i32 : i32, i32
  }
}

module attributes {stable_mosaic.version = 14 : i64} {
  func.func @body(%arg0: i32, %arg1: memref<8000x64xf32, #tpu.memory_space<vmem>>, %arg2: memref<64x1xf32, #tpu.memory_space<vmem>>, %arg3: memref<1x1xf32, #tpu.memory_space<vmem>>, %arg4: memref<8000x1xf32, #tpu.memory_space<vmem>>) attributes {dimension_semantics = [#tpu.dimension_semantics<arbitrary>], iteration_bounds = array<i64: 80>, scalar_prefetch = 0 : i64, scratch_operands = 0 : i64, tpu.core_type = #tpu.core_type<tc>, window_params = [{transform_indices = @transform_0, window_bounds = array<i64: 8000, 64>}, {pipeline_mode = #tpu.pipeline_mode<synchronous>, transform_indices = @transform_1, window_bounds = array<i64: 64, 1>}, {pipeline_mode = #tpu.pipeline_mode<synchronous>, transform_indices = @transform_2, window_bounds = array<i64: 1, 1>}, {transform_indices = @transform_3, window_bounds = array<i64: 8000, 1>}]} {
    %get3A = arith.constant 0 : index
    %get3A_0 = arith.constant 0 : index
    %get3A_1 = vector.load %arg1[%get3A, %get3A_0] : memref<8000x64xf32, #tpu.memory_space<vmem>>, vector<8000x64xf32>
    %get3A_2 = arith.constant 0 : index
    %get3A_3 = arith.constant 0 : index
    %get3A_4 = vector.load %arg2[%get3A_2, %get3A_3] : memref<64x1xf32, #tpu.memory_space<vmem>>, vector<64x1xf32>
    %dot_general3A = arith.constant dense<0.000000e+00> : vector<8000x1xf32>
    %dot_general3A_5 = tpu.matmul %get3A_1, %get3A_4, %dot_general3A {dimension_numbers = #tpu.dot_dimension_numbers<[1], [0], [0], [1], [0, 0, 1, 1], [], []>, transpose_lhs_hint = false} : vector<8000x64xf32>, vector<64x1xf32>, vector<8000x1xf32> -> vector<8000x1xf32>
    %get3A_6 = arith.constant 0 : index
    %get3A_7 = arith.constant 0 : index
    %get3A_8 = vector.load %arg3[%get3A_6, %get3A_7] : memref<1x1xf32, #tpu.memory_space<vmem>>, vector<1x1xf32>
    %add3A = vector.broadcast %get3A_8 : vector<1x1xf32> to vector<8000x1xf32>
    %add3A_9 = arith.addf %dot_general3A_5, %add3A : vector<8000x1xf32>
    %custom_jvp_call3A = arith.constant 0.000000e+00 : f32
    %max3A = vector.broadcast %custom_jvp_call3A : f32 to vector<8000x1xf32>
    %max3A_10 = arith.maximumf %add3A_9, %max3A : vector<8000x1xf32>
    %sub3A = vector.broadcast %custom_jvp_call3A : f32 to vector<8000x1xf32>
    %sub3A_11 = arith.subf %add3A_9, %sub3A : vector<8000x1xf32>
    %ne3A = arith.cmpf one, %sub3A_11, %sub3A_11 : vector<8000x1xf32>
    %add3A_12 = vector.broadcast %custom_jvp_call3A : f32 to vector<8000x1xf32>
    %add3A_13 = arith.addf %add3A_9, %add3A_12 : vector<8000x1xf32>
    %abs3A = math.absf %sub3A_11 : vector<8000x1xf32>
    %neg3A = arith.constant 0.000000e+00 : f32
    %neg3A_14 = vector.broadcast %neg3A : f32 to vector<8000x1xf32>
    %neg3A_15 = arith.subf %neg3A_14, %abs3A : vector<8000x1xf32>
    %exp3A = math.exp %neg3A_15 : vector<8000x1xf32>
    %log1p3A = math.log1p %exp3A : vector<8000x1xf32>
    %add3A_16 = arith.addf %max3A_10, %log1p3A : vector<8000x1xf32>
    %select_n3A = arith.select %ne3A, %add3A_13, %add3A_16 : vector<8000x1xi1>, vector<8000x1xf32>
    %swap3A = arith.constant 0 : index
    %swap3A_17 = arith.constant 0 : index
    %swap3A_18 = vector.load %arg4[%swap3A, %swap3A_17] : memref<8000x1xf32, #tpu.memory_space<vmem>>, vector<8000x1xf32>
    tpu.vector_store %arg4[%swap3A, %swap3A_17], %select_n3A {strides = array<i32>} : memref<8000x1xf32, #tpu.memory_space<vmem>>, vector<8000x1xf32>,
    return
  }
  func.func @transform_0(%arg0: i32) -> (i32, i32) {
    %c0_i32 = arith.constant 0 : i32
    %c0_i32_0 = arith.constant 0 : i32
    return %arg0, %c0_i32 : i32, i32
  }
  func.func @transform_1(%arg0: i32) -> (i32, i32) {
    %c0_i32 = arith.constant 0 : i32
    %c0_i32_0 = arith.constant 0 : i32
    %c0_i32_1 = arith.constant 0 : i32
    return %c0_i32, %c0_i32_0 : i32, i32
  }
  func.func @transform_2(%arg0: i32) -> (i32, i32) {
    %c0_i32 = arith.constant 0 : i32
    %c0_i32_0 = arith.constant 0 : i32
    %c0_i32_1 = arith.constant 0 : i32
    return %c0_i32, %c0_i32_0 : i32, i32
  }
  func.func @transform_3(%arg0: i32) -> (i32, i32) {
    %c0_i32 = arith.constant 0 : i32
    %c0_i32_0 = arith.constant 0 : i32
    return %arg0, %c0_i32 : i32, i32
  }
}

module attributes {stable_mosaic.version = 14 : i64} {
  func.func @body(%arg0: i32, %arg1: memref<128x10000xf32, #tpu.memory_space<vmem>>, %arg2: memref<128x128xf32, #tpu.memory_space<vmem>>, %arg3: memref<128x128xf32, #tpu.memory_space<vmem>>) attributes {dimension_semantics = [#tpu.dimension_semantics<arbitrary>], iteration_bounds = array<i64: 79>, scalar_prefetch = 0 : i64, scratch_operands = 0 : i64, tpu.core_type = #tpu.core_type<tc>, window_params = [{transform_indices = @transform_0, window_bounds = array<i64: 128, 10000>}, {transform_indices = @transform_1, window_bounds = array<i64: 128, 128>}, {transform_indices = @transform_2, window_bounds = array<i64: 128, 128>}]} {
    %get3A = arith.constant 0 : index
    %get3A_0 = arith.constant 0 : index
    %get3A_1 = vector.load %arg1[%get3A, %get3A_0] : memref<128x10000xf32, #tpu.memory_space<vmem>>, vector<128x10000xf32>
    %reduce_sum3A = arith.constant dense<0.000000e+00> : vector<128xf32>
    %reduce_sum3A_2 = vector.multi_reduction <add>, %get3A_1, %reduce_sum3A [1] : vector<128x10000xf32> to vector<128xf32>
    %iota3A = tpu.iota {dimensions = array<i32: 0>} : vector<128x128xi32>
    %iota3A_3 = tpu.iota {dimensions = array<i32: 1>} : vector<128x128xi32>
    %eq3A = arith.cmpi eq, %iota3A, %iota3A_3 : vector<128x128xi32>
    %broadcast_in_dim3A = vector.shape_cast %reduce_sum3A_2 : vector<128xf32> to vector<128x1xf32>
    %neg3A = arith.constant 0.000000e+00 : f32
    %neg3A_4 = vector.broadcast %neg3A : f32 to vector<128x1xf32>
    %neg3A_5 = arith.subf %neg3A_4, %broadcast_in_dim3A : vector<128x1xf32>
    %get3A_6 = arith.constant 0 : index
    %get3A_7 = arith.constant 0 : index
    %get3A_8 = vector.load %arg2[%get3A_6, %get3A_7] : memref<128x128xf32, #tpu.memory_space<vmem>>, vector<128x128xf32>
    %broadcast_in_dim3A_9 = vector.shape_cast %neg3A_5 : vector<128x1xf32> to vector<128x1xf32>
    %broadcast_in_dim3A_10 = vector.broadcast %broadcast_in_dim3A_9 : vector<128x1xf32> to vector<128x128xf32>
    %select_n3A = arith.select %eq3A, %broadcast_in_dim3A_10, %get3A_8 : vector<128x128xi1>, vector<128x128xf32>
    %swap3A = arith.constant 0 : index
    %swap3A_11 = arith.constant 0 : index
    %swap3A_12 = vector.load %arg3[%swap3A, %swap3A_11] : memref<128x128xf32, #tpu.memory_space<vmem>>, vector<128x128xf32>
    tpu.vector_store %arg3[%swap3A, %swap3A_11], %select_n3A {strides = array<i32>} : memref<128x128xf32, #tpu.memory_space<vmem>>, vector<128x128xf32>,
    return
  }
  func.func @transform_0(%arg0: i32) -> (i32, i32) {
    %c0_i32 = arith.constant 0 : i32
    %c0_i32_0 = arith.constant 0 : i32
    return %arg0, %c0_i32 : i32, i32
  }
  func.func @transform_1(%arg0: i32) -> (i32, i32) {
    %c0_i32 = arith.constant 0 : i32
    return %arg0, %arg0 : i32, i32
  }
  func.func @transform_2(%arg0: i32) -> (i32, i32) {
    %c0_i32 = arith.constant 0 : i32
    return %arg0, %arg0 : i32, i32
  }
}

</mosaic_0001>

<sc_bundles>
// kernel: kernel.15.cloned.1.call-start
scs
__scs_entry_jumppad:
0x0: {  	(pc) =	sbr.rel $0x88, $3  }
0x1: {  	(tag) =	ssettag $0x0;
	lr =	simm.s32 $0x1  }
0x2: {  	[smem:$0x3F89] =	sst lr;
	_ =	strace $0xD0000000  }
0x3: {  	_ = 	snop  }
0x4: {  	_ = 	snop  }
0x5: {  	_ = 	snop  }
0x6: {  	_ = 	snop  }
0x7: {  	_ = 	snop  }
__scs_overlays_trampoline_lowered:
0x8: {  	[smem:$0x3F98] =	sst s0  }
0x9: {  	[smem:$0x3F99] =	sst s1  }
0xa: {  	[smem:$0x3F9A] =	sst s2  }
0xb: {  	[smem:$0x3F9B] =	sst s3  }
0xc: {  	[smem:$0x3F9C] =	sst s4  }
0xd: {  	[smem:$0x3F9D] =	sst s5  }
0xe: {  	[smem:$0x3F9E] =	sst s6  }
0xf: {  	[smem:$0x3F9F] =	sst s7  }
0x10: {  	[smem:$0x3FA0] =	sst s8  }
0x11: {  	[smem:$0x3FA1] =	sst s9;
	s0 =	simm.s32 @!p0 $0x0  }
0x12: {  	s1 =	sld [smem:$0x3F87];
	s0 =	simm.s32 @p0 $0x1  }
0x13: {  	[smem:$0x3FA2] =	sst s0;
	s0 =	simm.s32 @!p1 $0x0  }
0x14: {  	s2 =	sld [smem:$0x3F86];
	s0 =	simm.s32 @p1 $0x1  }
0x15: {  	[smem:$0x3FA3] =	sst s0;
	s0 =	simm.s32 @!p2 $0x0  }
0x16: {  	s3 =	sld [smem:$0x3FDB];
	s0 =	simm.s32 @p2 $0x1  }
0x17: {  	s4 =	simm.s32 $0x1BF5;
	[smem:$0x3FA5] =	sst s0  }
0x18: {  	s0 =	sld [smem:$0x3F88];
	_ =	swait.ge [sflag:s4], $0x0  }
0x19: {  	s7 =	sld [smem:$0x3F89]  }
0x1a: {  	s8 =	sadd.s32 $0xFFFFE003, lr  }
0x1b: {  	s9 =	sadd.s32 $0xFFFFFEF7, lr;
	s5 =	simm.s32 $0xFFFFFFFF;
	p2 =	slt.u32 s8, $0xFFFFF086  }
0x1c: {  	p1 =	slt.u32 s9, $0xF7A;
	s5 =	simm.s32 @!p2 $0x0  }
0x1d: {  	s5 =	simm.s32 @p1 $0x1;
	p0 =	seq.s32 s7, s2  }
0x1e: {  	s7 =	smul.u32 @!p0 $0xF7A, s2;
	p2 =	seq.s32 @!p0 s5, $0x0  }
0x1f: {  	s9 =	smul.u32 $0xF7A, s1;
	s8 =	simm.s32 @!p0 $0x1BF5;
	p2 =	por !p2, p0  }
0x20: {  	[sflag:s8] =	ssyncset.s32 @!p0 $0xFFFFF086;
	s6 =	sadd.s32 @!p0 s3, s7;
	s7 =	simm.s32 @!p0 $0x108  }
0x21: {  	s3 =	sadd.s32 s3, s9;
	s6 =	sadd.s32 @!p0 $0x88, s6;
	s7 =	simm.s32 @p2 $0x1082  }
0x22: {  	[simem:s7], [sflag:s8] =	dma.local @!p0 [hbm:s6], $0xF7A  }
0x23: {  	s9 =	sor.u32 $0xD0000000, s2;
	s6 =	simm.s32 $0x108;
	_ =	swait.ge @!p0 [sflag:s8], $0x0  }
0x24: {  	s3 =	sadd.s32 $0x88, s3;
	s6 =	simm.s32 @!p1 $0x1082;
	[sflag:s4] =	ssyncset.s32 $0xFFFFF086  }
0x25: {  	[simem:s6], [sflag:s4] =	dma.local [hbm:s3], $0xF7A  }
0x26: {  	[smem:$0x3F89] =	sst s1;
	(tag) =	ssettag s2;
	_ =	strace s9  }
0x27: {  	s1 =	sld [smem:$0x3F99]  }
0x28: {  	s2 =	sld [smem:$0x3F9A]  }
0x29: {  	s4 =	sld [smem:$0x3F9C]  }
0x2a: {  	p0 =	seq.s32 s5, $0x0;
	s5 =	sld [smem:$0x3F9D]  }
0x2b: {  	s6 =	sld [smem:$0x3F9E]  }
0x2c: {  	s7 =	sld [smem:$0x3F9F]  }
0x2d: {  	s3 =	simm.s32 $0x108;
	s8 =	sld [smem:$0x3FA0]  }
0x2e: {  	s3 =	simm.s32 @!p0 $0x1082;
	s9 =	sld [smem:$0x3FA1]  }
0x2f: {  	lr =	sadd.s32 s0, s3;
	s0 =	sld [smem:$0x3F98]  }
0x30: {  	s3 =	sld [smem:$0x3F9B]  }
0x31: {  	[smem:$0x3FA4] =	sst s10  }
0x32: {  	s10 =	sld [smem:$0x3FA2];
	_ =	sdelay $0x3  }
0x33: {  	p0 =	seq.s32 s10, $0x1;
	s10 =	sld [smem:$0x3FA4];
	_ =	sdelay $0x3  }
0x34: {  	[smem:$0x3FA4] =	sst s10  }
0x35: {  	s10 =	sld [smem:$0x3FA3];
	_ =	sdelay $0x3  }
0x36: {  	p1 =	seq.s32 s10, $0x1;
	s10 =	sld [smem:$0x3FA4];
	_ =	sdelay $0x3  }
0x37: {  	[smem:$0x3FA4] =	sst s10  }
0x38: {  	s10 =	sld [smem:$0x3FA5]  }
0x39: {  	_ = 	snop;
	(pc) =	sbr.ind lr, $3  }
0x3a: {  	_ = 	snop  }
0x3b: {  	_ = 	snop  }
0x3c: {  	p2 =	seq.s32 s10, $0x1;
	s10 =	sld [smem:$0x3FA4]  }
0x3d: {  	_ =	shalt  }
0x3e: {  	_ =	shalt  }
0x3f: {  	_ =	shalt  }
0x40: {  	_ =	shalt  }
0x41: {  	_ =	shalt  }
0x42: {  	_ =	shalt  }
0x43: {  	_ =	shalt  }
0x44: {  	_ =	shalt  }
0x45: {  	_ =	shalt  }
0x46: {  	_ =	shalt  }
0x47: {  	_ =	shalt  }
0x48: {  	_ =	shalt  }
0x49: {  	_ =	shalt  }
0x4a: {  	_ =	shalt  }
0x4b: {  	_ =	shalt  }
0x4c: {  	_ =	shalt  }
0x4d: {  	_ =	shalt  }
0x4e: {  	_ =	shalt  }
0x4f: {  	_ =	shalt  }
0x50: {  	_ =	shalt  }
0x51: {  	_ =	shalt  }
0x52: {  	_ =	shalt  }
0x53: {  	_ =	shalt  }
0x54: {  	_ =	shalt  }
0x55: {  	_ =	shalt  }
0x56: {  	_ =	shalt  }
0x57: {  	_ =	shalt  }
0x58: {  	_ =	shalt  }
0x59: {  	_ =	shalt  }
0x5a: {  	_ =	shalt  }
0x5b: {  	_ =	shalt  }
0x5c: {  	_ =	shalt  }
0x5d: {  	_ =	shalt  }
0x5e: {  	_ =	shalt  }
0x5f: {  	_ =	shalt  }
0x60: {  	_ =	shalt  }
0x61: {  	_ =	shalt  }
0x62: {  	_ =	shalt  }
0x63: {  	_ =	shalt  }
0x64: {  	_ =	shalt  }
0x65: {  	_ =	shalt  }
0x66: {  	_ =	shalt  }
0x67: {  	_ =	shalt  }
0x68: {  	_ =	shalt  }
0x69: {  	_ =	shalt  }
0x6a: {  	_ =	shalt  }
0x6b: {  	_ =	shalt  }
0x6c: {  	_ =	shalt  }
0x6d: {  	_ =	shalt  }
0x6e: {  	_ =	shalt  }
0x6f: {  	_ =	shalt  }
0x70: {  	_ =	shalt  }
0x71: {  	_ =	shalt  }
0x72: {  	_ =	shalt  }
0x73: {  	_ =	shalt  }
0x74: {  	_ =	shalt  }
0x75: {  	_ =	shalt  }
0x76: {  	_ =	shalt  }
0x77: {  	_ =	shalt  }
0x78: {  	_ =	shalt  }
0x79: {  	_ =	shalt  }
0x7a: {  	_ =	shalt  }
0x7b: {  	_ =	shalt  }
0x7c: {  	_ =	shalt  }
0x7d: {  	_ =	shalt  }
0x7e: {  	_ =	shalt  }
0x7f: {  	_ =	shalt  }
0x80: {  	_ =	shalt  }
0x81: {  	_ =	shalt  }
0x82: {  	_ =	shalt  }
0x83: {  	_ =	shalt  }
0x84: {  	_ =	shalt  }
0x85: {  	_ =	shalt  }
0x86: {  	_ =	shalt  }
0x87: {  	_ =	shalt  }
.Lfunc_end0:
.L_simem_size_0:
called_computation_lowered:
.L_overlay_start_0:
0x88: {  	s2 =	sld [smem:$0x3FD9]  }
0x89: {  	s3 =	sld [smem:$0x3FFE];
	_ =	sdelay $0x1  }
0x8a: {  	s1 =	srdreg.scid  }
0x8b: {  	s0 =	sand.u32 $0x1, s1  }
0x8c: {  	s17 =	sshll.u32 s0, $0xA;
	s2 =	sadd.s32 s3, s2  }
0x8d: {  	s2 =	sadd.s32 s2, s17  }
0x8e: {  	[smem:$0x3FB0] =	sst s2  }
0x8f: {  	_ = 	snop  }
0x90: {  	s2 =	sld [smem:$0x3FD0];
	(tm) =	ssettm $0x1  }
0x91: {  	s18 =	sld [smem:$0x3FFB];
	_ =	sdelay $0x3  }
0x92: {  	_ =	strace s18  }
0x93: {  	s3 =	sld [smem:$0x3FFC];
	_ =	sdelay $0x3  }
0x94: {  	_ =	strace s3  }
0x95: {  	s3 =	sld [smem:$0x3FFD];
	_ =	sdelay $0x3  }
0x96: {  	_ =	strace s3  }
0x97: {  	_ =	strace $0x8FFFFFFF  }
0x98: {  	s19 =	sld [smem:$0x3FDB];
	_ =	sdelay $0x1  }
0x99: {  	s4 =	simm.s32 $_scs_section_size  }
0x9a: {  	s5 =	simm.s32 $_size__tile_overlayer_lowered;
	s6 =	simm.s32 $_tile_overlayer_lowered  }
0x9b: {  	s22 =	simm.s32 $0x1BFF;
	s21 =	sshll.u32 s6, $0x1;
	s3 =	sadd.s32 s4, s19  }
0x9c: {  	s7 =	simm.s32 $0x0;
	s20 =	sshll.u32 s5, $0x1;
	s5 =	sadd.s32 s21, s3  }
0x9d: {  	[timem:s7], [sflag:s22] =	dma.local [hbm:s5], s20  }
0x9e: {  	_ =	swait.ge [sflag:s22], s20  }
0x9f: {  	s4 =	ssub.s32 $0x0, s20;
	[sflag:s22] =	ssyncset.done $0x0  }
0xa0: {  	[sflag:s22] =	ssyncadd.s32 s4;
	_ =	sdelay $0x1  }
0xa1: {  	s23 =	simm.s32 $0x1B8B  }
0xa2: {  	_ =	swait.ge [sflag:s23], $0x1  }
0xa3: {  	[sflag:s23] =	ssyncset.done $0x0  }
0xa4: {  	s25 =	simm.s32 $0x1B8E;
	s24 =	sld [smem:$0x3FFE];
	[sflag:s23] =	ssyncadd.s32 $0xFFFFFFFF  }
0xa5: {  	s26 =	simm.s32 $execute0_lowered;
	[smem:$0x3FD2] =	sst s25  }
0xa6: {  	s5 =	sshll.u32 s26, $0x1;
	_ =	strace $0x80000046;
	[dreg:$0x1] =	wrdreg $0xFFFFFFFF  }
0xa7: {  	s28 =	simm.s32 $_size_execute0_lowered;
	s3 =	sadd.s32 s3, s5;
	[dreg:$0x0] =	wrdreg $0x0  }
0xa8: {  	s5 =	sshll.u32 s28, $0x1;
	[dreg:$0x2] =	wrdreg s3  }
0xa9: {  	[dreg:$0x3] =	wrdreg s5  }
0xaa: {  	[dreg:$0x4] =	wrdreg $0xC0  }
0xab: {  	_ =	task [dreg:s7], $0x5FFFF  }
0xac: {  	[dreg:$0x1] =	wrdreg $0xFFFFFFFF  }
0xad: {  	[dreg:$0x0] =	wrdreg $0x60  }
0xae: {  	[dreg:$0x2] =	wrdreg s2  }
0xaf: {  	[dreg:$0x3] =	wrdreg s24  }
0xb0: {  	[dreg:$0x4] =	wrdreg $0x133800  }
0xb1: {  	[dreg:$0x5] =	wrdreg $0x9  }
0xb2: {  	_ =	task.clear_ibuf [dreg:s7], $0x6FFFF;
	_ =	strace $0x90000046  }
0xb3: {  	s29 =	simm.s32 $0x9;
	_ =	strace $0x80000048  }
0xb4: {  	_ =	swait.ge [sflag:s29], $0x1  }
0xb5: {  	[sflag:s29] =	ssyncadd.s32 $0xFFFFFFFF  }
0xb6: {  	_ =	strace $0x90000048  }
0xb7: {  	_ =	sfence  }
0xb8: {  	s30 =	sld [smem:$0x0];
	_ =	sdelay $0x2  }
0xb9: {  	s31 =	sshll.u32 s1, $0xD;
	s1 =	sshrl.u32 s1, $0x2  }
0xba: {  	s3 =	sand.u32 $0x4000, s31;
	s1 =	sadd.s32 s1, s30  }
0xbb: {  	s0 =	sor.u32 s3, s0;
	s1 =	sshll.u32 s1, $0x11  }
0xbc: {  	s0 =	sor.u32 s1, s0  }
0xbd: {  	s0 =	sadd.s32 $0x8F2B, s0  }
0xbe: {  	[sflag:s0] =	ssyncadd.remote.s32 $0x1  }
0xbf: {  	_ =	sfence.sel $0xFFFF  }
0xc0: {  	[dreg:$0x0] =	wrdreg $0xFFFFFFFF;
	(pc) =	sbr.abs _section_cstart, $3  }
0xc1: {  	[dreg:$0x1] =	wrdreg $0xFFFFFFFF  }
0xc2: {  	_ =	task.clear_ibuf [dreg:s7], $0x2FFFF;
	_ =	strace $0x9FFFFFFF  }
0xc3: {  	(tm) =	ssettm $0x7FFFFFFF  }
tec
execute0_lowered:
.L_overlay_start_1:
0x0: {  	(tag) =	ssettag $0x1  }
0x1: {  	s0 =	rddreg [dreg:$0x0]  }
0x2: {  	s1 =	srdreg.scid;
	s2 =	rddreg [dreg:$0x1]  }
0x3: {  	s3 =	rddreg [dreg:$0x2];
	s10 =	stileid.u32;
	s4 =	simm.s32 $0x0  }
0x4: {  	s19 =	simm.s32 $0x11440;
	s20 =	simm.s32 $0x3;
	s22 =	simm.s32 $0xA0  }
0x5: {  	s23 =	simm.s32 $0x9C40;
	s28 =	simm.s32 $0xEC40;
	s29 =	simm.s32 $0x4  }
0x6: {  	s30 =	simm.s32 $0x0;
	s1 =	sand.u32 $0x1, s1;
	s9 =	smul.u32 $0x27100, s10  }
0x7: {  	[smem:$0x7FF] =	sst s4;
	s26 =	smul.u32 $0x9C40, s10;
	s5 =	sshll.u32 s1, $0x4  }
0x8: {  	_ =	strace $0x80000047;
	s6 =	ssub.s32 $0x2, s1;
	p0 =	seq.s32 s1, $0x0  }
0x9: {  	s1 =	simm.s32 $0x55A00;
	s5 =	sor.u32 s10, s5;
	s8 =	sshrl.u32 s6, $0x1  }
0xa: {  	s25 =	sshrl.u32 s9, $0x2;
	s1 =	simm.s32 @!p0 $0x42000;
	s31 =	sshrl.u32 s26, $0x3  }
0xb: {  	s26 =	simm.s32 $0x2;
	s5 =	smul.u32 $0x9C4, s5;
	s6 =	ssub.s32 s6, s8  }
0xc: {  	s8 =	sadd.s32 s25, s3;
	s1 =	sadd.s32 s1, s2;
	s25 =	simm.s32 $0x1  }
0xd: {  	s6 =	smax.u32 s6, $0x1;
	s10 =	sadd.s32 $0x1F40, s8;
	s11 =	sadd.s32 $0x3E80, s8  }
0xe: {  	s12 =	sadd.s32 $0x5DC0, s8;
	s13 =	sadd.s32 $0x7D00, s8;
	s14 =	sadd.s32 s1, s31  }
0xf: {  	s7 =	sadd.s32 s5, s2;
	s5 =	sadd.s32 $0x2E600, s2;
	[dreg:$0x6] =	wrdreg s6  }
0x10: {  	s15 =	sadd.s32 $0x3E8, s14;
	s16 =	sadd.s32 $0x7D0, s14;
	s24 =	sadd.s32 $0x1AC00, s7  }
0x11: {  	s17 =	sadd.s32 $0xBB8, s14;
	s7 =	sadd.s32 $0x7200, s7;
	[dreg:$0x4] =	wrdreg s24  }
0x12: {  	v0 =	vimm.f32 $0.0e+00;
	s18 =	sadd.s32 $0xFA0, s14;
	[dreg:$0x5] =	wrdreg s7;
	s24 =	simm.s32 $0xC440  }
.LBB2_1:
0x13: {  	s2 =	simm.s32 $0x100;
	s1 =	simm.s32 $0x0  }
.LBB2_2:
0x14: {  	p1 =	sne.s32 s2, $0x7C00;
	[tilespmem:s1+$0x11470] =	vst v0;
	s6 =	smov.u32 s2;
	s2 =	sadd.s32 $0x100, s2  }
.Ltmp0:
0x15: {  	[tilespmem:s1+$0x11460] =	vst v0;
	(pc) =	sbr.rel @p1 .LBB2_2-.Ltmp0, $3  }
0x16: {  	[tilespmem:s1+$0x11440] =	vst v0  }
0x17: {  	[tilespmem:s1+$0x11450] =	vst v0;
	_ =	sdelay $0x1  }
0x18: {  	s1 =	sshra.s32 s6, $0x2  }
0x19: {  	[tilespmem:s1+$0x11470] =	vst v0  }
0x1a: {  	[tilespmem:s1+$0x11460] =	vst v0  }
0x1b: {  	[tilespmem:s1+$0x11440] =	vst v0  }
0x1c: {  	[tilespmem:s1+$0x11450] =	vst v0  }
0x1d: {  	[spmem:s8] =	stream.linear.scatter [tilespmem:s19], [sflag:$0x3], $0x1F40, $0x38;
	[tilespmem:$0x1CFC0] =	vst v63  }
0x1e: {  	_ =	swait.ge [sflag:s20], $0x1F40  }
0x1f: {  	[sflag:s20] =	ssyncset.done $0x0  }
0x20: {  	[sflag:s20] =	ssyncadd.s32 $0xFFFFE0C0  }
0x21: {  	[spmem:s10] =	stream.linear.scatter [tilespmem:s19], [sflag:$0x3], $0x1F40, $0x38;
	[tilespmem:$0x1CFC0] =	vst v63  }
0x22: {  	_ =	swait.ge [sflag:s20], $0x1F40  }
0x23: {  	[sflag:s20] =	ssyncset.done $0x0  }
0x24: {  	[sflag:s20] =	ssyncadd.s32 $0xFFFFE0C0  }
0x25: {  	[spmem:s11] =	stream.linear.scatter [tilespmem:s19], [sflag:$0x3], $0x1F40, $0x38;
	[tilespmem:$0x1CFC0] =	vst v63  }
0x26: {  	_ =	swait.ge [sflag:s20], $0x1F40  }
0x27: {  	[sflag:s20] =	ssyncset.done $0x0  }
0x28: {  	[sflag:s20] =	ssyncadd.s32 $0xFFFFE0C0  }
0x29: {  	[spmem:s12] =	stream.linear.scatter [tilespmem:s19], [sflag:$0x3], $0x1F40, $0x38;
	[tilespmem:$0x1CFC0] =	vst v63  }
0x2a: {  	_ =	swait.ge [sflag:s20], $0x1F40  }
0x2b: {  	[sflag:s20] =	ssyncset.done $0x0  }
0x2c: {  	[sflag:s20] =	ssyncadd.s32 $0xFFFFE0C0  }
0x2d: {  	[spmem:s13] =	stream.linear.scatter [tilespmem:s19], [sflag:$0x3], $0x1F40, $0x38;
	[tilespmem:$0x1CFC0] =	vst v63  }
0x2e: {  	_ =	swait.ge [sflag:s20], $0x1F40  }
0x2f: {  	[sflag:s20] =	ssyncset.done $0x0  }
0x30: {  	s31 =	simm.s32 $0x0;
	s9 =	rddreg [dreg:$0x4];
	[sflag:s20] =	ssyncadd.s32 $0xFFFFE0C0  }
0x31: {  	[tilespmem:s31], [sflag:$0x3] =	stream.linear.gather [hbm4b:s9+s31], $0x4E20, $0x38;
	[tilespmem:$0x1CFC0] =	vst v63  }
0x32: {  	_ =	swait.ge [sflag:s20], $0x4E20  }
0x33: {  	[sflag:s20] =	ssyncset.done $0x0  }
0x34: {  	s2 =	simm.s32 $0x4E20;
	s21 =	rddreg [dreg:$0x5];
	[sflag:s20] =	ssyncadd.s32 $0xFFFFB1E0  }
0x35: {  	[tilespmem:s2], [sflag:$0x3] =	stream.linear.gather [hbm4b:s21+s31], $0x4E20, $0x38;
	[tilespmem:$0x1CFC0] =	vst v63  }
0x36: {  	_ =	swait.ge [sflag:s20], $0x4E20  }
0x37: {  	[sflag:s20] =	ssyncset.done $0x0  }
0x38: {  	[sflag:s20] =	ssyncadd.s32 $0xFFFFB1E0  }
0x39: {  	[bflag:$0x0] =	sbarrier.arrive $0xFFFF  }
.LBB2_4:
0x3a: {  	s1 =	smul.u32 $0xA0, s31;
	_ =	sdelay $0x1  }
0x3b: {  	[tilespmem:s23], [sflag:$0x1] =	stream.indirect.gather [hbm4b:s0+s22], $0x40, s1, s22, $0xb8;
	[tilespmem:$0x1CFC0] =	vst v63  }
0x3c: {  	s1 =	sadd.s32 $0x4E20, s1  }
0x3d: {  	[tilespmem:s24], [sflag:$0x2] =	stream.indirect.gather [hbm4b:s5+s22], $0x40, s1, s22, $0xb8;
	[tilespmem:$0x1CFC0] =	vst v63  }
0x3e: {  	_ =	swait.ge [sflag:s25], $0x2800  }
0x3f: {  	[sflag:s25] =	ssyncset.done $0x0  }
0x40: {  	[sflag:s25] =	ssyncadd.s32 $0xFFFFD800  }
0x41: {  	_ =	swait.ge [sflag:s26], $0x2800  }
0x42: {  	[sflag:s26] =	ssyncset.done $0x0  }
0x43: {  	s2 =	simm.s32 $0x0;
	[sflag:s26] =	ssyncadd.s32 $0xFFFFD800  }
0x44: {  	v1 =	vld [tilespmem:s2+$0x9C70]  }
0x45: {  	v2 =	vld [tilespmem:s2+$0xC470]  }
0x46: {  	v3 =	vld [tilespmem:s2+$0x9C40]  }
0x47: {  	v4 =	vld [tilespmem:s2+$0xC440]  }
0x48: {  	v5 =	vld [tilespmem:s2+$0x9C50]  }
0x49: {  	v6 =	vld [tilespmem:s2+$0xC450]  }
0x4a: {  	v7 =	vld [tilespmem:s2+$0xC460];
	v1 =	vadd.f32 v2, v1  }
0x4b: {  	v2 =	vld [tilespmem:s2+$0x9C60]  }
0x4c: {  	v15 =	vmax.f32 v1, $-3.000000000e+01;
	v1 =	vadd.f32 v4, v3  }
0x4d: {  	v3 =	vsub.f32 $0.0e+00, v15  }
0x4e: {  	v4 =	vadd.f32 v6, v5;
	v1 =	vmax.f32 v1, $-3.000000000e+01  }
0x4f: {  	v3 =	vmul.f32 $1.442695020e+00, v3;
	v5 =	vsub.f32 $0.0e+00, v1  }
0x50: {  	v9 =	vmax.f32 v4, $-3.000000000e+01;
	v2 =	vadd.f32 v7, v2  }
0x51: {  	s21 =	simm.s32 $0x40;
	v4 =	vsub.f32 $0.0e+00, v9;
	(erf) = vpow2.f32 v3;
	v3 =	vmul.f32 $1.442695020e+00, v5  }
0x52: {  	v10 =	vmax.f32 v2, $-3.000000000e+01;
	v5 =	vld [tilespmem:s21+$0xC470]  }
0x53: {  	v2 =	vmul.f32 $1.442695020e+00, v4;
	v4 =	vsub.f32 $0.0e+00, v10;
	(erf) = vpow2.f32 v3;
	v3 =	vld [tilespmem:s21+$0x9C70]  }
0x54: {  	v6 =	vld [tilespmem:s21+$0xC440]  }
0x55: {  	(erf) = vpow2.f32 v2;
	v2 =	vmul.f32 $1.442695020e+00, v4;
	v4 =	vld [tilespmem:s21+$0x9C40];
	_ =	sdelay $0x1  }
0x56: {  	v7 =	vld [tilespmem:s21+$0xC450]  }
0x57: {  	(erf) = vpow2.f32 v2;
	v2 =	vld [tilespmem:s21+$0x9C50];
	v3 =	vadd.f32 v5, v3;
	_ =	sdelay $0x1  }
0x58: {  	v8 =	vld [tilespmem:s21+$0x9C60];
	v6 =	vadd.f32 v6, v4;
	v5 =	vpop (erf)  }
0x59: {  	v12 =	vld [tilespmem:s21+$0xC460];
	v4 =	vmax.f32 v3, $-3.000000000e+01;
	v5 =	vadd.f32 $1.000000000e+00, v5  }
0x5a: {  	v13 =	vsub.f32 $0.0e+00, v4;
	v11 =	vmax.f32 v6, $-3.000000000e+01;
	v3 =	vpop (erf)  }
0x5b: {  	v2 =	vadd.f32 v7, v2;
	(erf) = vrcp.f32 v5;
	v6 =	vadd.f32 $1.000000000e+00, v3  }
0x5c: {  	v13 =	vmul.f32 $1.442695020e+00, v13  }
0x5d: {  	v7 =	vsub.f32 $0.0e+00, v11;
	v3 =	vpop (erf);
	v2 =	vmax.f32 v2, $-3.000000000e+01;
	(erf) = vrcp.f32 v6  }
0x5e: {  	v16 =	vadd.f32 $1.000000000e+00, v3;
	v3 =	vadd.f32 v12, v8;
	(erf) = vpow2.f32 v13  }
0x5f: {  	s6 =	simm.s32 $0x80;
	v7 =	vmul.f32 $1.442695020e+00, v7;
	v12 =	vsub.f32 $0.0e+00, v2;
	v8 =	vpop (erf)  }
0x60: {  	v14 =	vld [tilespmem:s6+$0xC470];
	v21 =	vadd.f32 $1.000000000e+00, v8;
	v3 =	vmax.f32 v3, $-3.000000000e+01;
	(erf) = vrcp.f32 v16  }
0x61: {  	v8 =	vmul.f32 $1.442695020e+00, v12;
	v13 =	vld [tilespmem:s6+$0x9C70];
	(erf) = vpow2.f32 v7;
	v7 =	vsub.f32 $0.0e+00, v3  }
0x62: {  	v18 =	vld [tilespmem:s6+$0xC440];
	(erf) = vrcp.f32 v21  }
0x63: {  	(erf) = vpow2.f32 v8;
	v7 =	vmul.f32 $1.442695020e+00, v7;
	v8 =	vld [tilespmem:s6+$0x9C40]  }
0x64: {  	v19 =	vld [tilespmem:s6+$0xC450];
	v17 =	vpop (erf)  }
0x65: {  	(erf) = vpow2.f32 v7;
	v7 =	vld [tilespmem:s6+$0x9C50];
	v5 =	vmul.f32 v17, v5  }
0x66: {  	v22 =	vadd.f32 v14, v13;
	v12 =	vpop (erf)  }
0x67: {  	v20 =	vld [tilespmem:s6+$0x9C60];
	v5 =	vsub.f32 $2.000000000e+00, v5;
	v13 =	vpop (erf);
	v25 =	vmul.f32 v12, v6  }
0x68: {  	v6 =	vld [tilespmem:s6+$0xC460];
	v23 =	vadd.f32 v18, v8;
	v8 =	vmax.f32 v22, $-3.000000000e+01;
	v14 =	vadd.f32 $1.000000000e+00, v13  }
0x69: {  	v13 =	vpop (erf);
	v24 =	vsub.f32 $0.0e+00, v8;
	v5 =	vmul.f32 v5, v17  }
0x6a: {  	v22 =	vpop (erf);
	v18 =	vmul.f32 v13, v16;
	v7 =	vadd.f32 v19, v7;
	(erf) = vrcp.f32 v14  }
0x6b: {  	v17 =	vpop (erf);
	v16 =	vadd.f32 $1.000000000e+00, v22;
	v26 =	vmul.f32 v5, v15;
	v5 =	vmax.f32 v23, $-3.000000000e+01  }
0x6c: {  	v22 =	vmul.f32 $1.442695020e+00, v24;
	v15 =	vpop (erf);
	v7 =	vmax.f32 v7, $-3.000000000e+01;
	v19 =	vsub.f32 $0.0e+00, v5  }
0x6d: {  	v15 =	vadd.f32 $1.000000000e+00, v15;
	v6 =	vadd.f32 v6, v20;
	(erf) = vrcp.f32 v16  }
0x6e: {  	v20 =	vpop (erf);
	(erf) = vpow2.f32 v22;
	v22 =	vsub.f32 $0.0e+00, v7;
	v27 =	vmul.f32 $1.442695020e+00, v19  }
0x6f: {  	v6 =	vmax.f32 v6, $-3.000000000e+01;
	v19 =	vadd.f32 $1.000000000e+00, v20;
	(erf) = vrcp.f32 v15  }
0x70: {  	s7 =	simm.s32 $0xC0;
	[tilespmem:s2+$0xEC70] =	vst v26;
	v23 =	vmul.f32 $1.442695020e+00, v22;
	v24 =	vsub.f32 $0.0e+00, v6;
	(erf) = vpow2.f32 v27  }
0x71: {  	s9 =	simm.s32 $0x400;
	v21 =	vmul.f32 v17, v21;
	v20 =	vsub.f32 $2.000000000e+00, v25;
	v22 =	vld [tilespmem:s7+$0x9C70];
	(erf) = vrcp.f32 v19  }
.LBB2_5:
0x72: {  	p1 =	sne.s32 s9, $0x9F00;
	v25 =	vld [tilespmem:s7+$0xC470];
	v24 =	vmul.f32 $1.442695020e+00, v24;
	(erf) = vpow2.f32 v23;
	v18 =	vsub.f32 $2.000000000e+00, v18;
	v26 =	vmovc v19  }
0x73: {  	v19 =	vld [tilespmem:s7+$0x9C40];
	v23 =	vpop (erf);
	v20 =	vmul.f32 v20, v12;
	v28 =	vsub.f32 $2.000000000e+00, v21  }
0x74: {  	v21 =	vld [tilespmem:s7+$0xC440];
	(erf) = vpow2.f32 v24;
	v29 =	vmul.f32 v23, v14  }
0x75: {  	v30 =	vmul.f32 v18, v13;
	v24 =	vld [tilespmem:s7+$0x9C50];
	v17 =	vmul.f32 v28, v17  }
0x76: {  	v20 =	vmul.f32 v20, v1;
	v1 =	vmov v11;
	v27 =	vld [tilespmem:s7+$0xC450];
	v18 =	vsub.f32 $2.000000000e+00, v29;
	v12 =	vpop (erf)  }
0x77: {  	v9 =	vmul.f32 v30, v9;
	v11 =	vld [tilespmem:s7+$0x9C60];
	v22 =	vadd.f32 v25, v22;
	v14 =	vpop (erf);
	v25 =	vmul.f32 v12, v16  }
0x78: {  	v10 =	vmul.f32 v17, v10;
	v28 =	vld [tilespmem:s7+$0xC460];
	v14 =	vadd.f32 $1.000000000e+00, v14;
	v16 =	vmul.f32 v18, v23;
	v13 =	vpop (erf);
	[tilespmem:s2+$0xEC40] =	vst v20  }
0x79: {  	v19 =	vadd.f32 v21, v19;
	v20 =	vmax.f32 v22, $-3.000000000e+01;
	v21 =	vpop (erf);
	v18 =	vmul.f32 v13, v15;
	[tilespmem:s2+$0xEC50] =	vst v9  }
0x7a: {  	v9 =	vsub.f32 $0.0e+00, v20;
	(erf) = vrcp.f32 v14;
	v23 =	vmul.f32 v16, v4;
	v17 =	vpop (erf);
	[tilespmem:s2+$0xEC60] =	vst v10;
	s2 =	smov.u32 s21;
	s21 =	smov.u32 s6;
	s6 =	smov.u32 s7  }
0x7b: {  	v16 =	vadd.f32 $1.000000000e+00, v21;
	v10 =	vmax.f32 v19, $-3.000000000e+01;
	v19 =	vadd.f32 v27, v24;
	v15 =	vpop (erf)  }
0x7c: {  	v4 =	vmovc v8;
	v8 =	vmovc v20;
	v21 =	vsub.f32 $0.0e+00, v10;
	v24 =	vmul.f32 $1.442695020e+00, v9;
	v15 =	vadd.f32 $1.000000000e+00, v15;
	[tilespmem:s2+$0xEC70] =	vst v23  }
.Ltmp1:
0x7d: {  	v20 =	vmax.f32 v19, $-3.000000000e+01;
	v19 =	vadd.f32 v28, v11;
	(erf) = vrcp.f32 v16;
	v22 =	vpop (erf);
	(pc) =	sbr.rel @p1 .LBB2_5-.Ltmp1, $4  }
0x7e: {  	v11 =	vmovc v5;
	v5 =	vmovc v10;
	v21 =	vmul.f32 $1.442695020e+00, v21;
	v23 =	vsub.f32 $0.0e+00, v20;
	(erf) = vpow2.f32 v24  }
0x7f: {  	v9 =	vmovc v2;
	v2 =	vmovc v7;
	v27 =	vmax.f32 v19, $-3.000000000e+01;
	v19 =	vadd.f32 $1.000000000e+00, v22;
	(erf) = vrcp.f32 v15  }
0x80: {  	s7 =	sshra.s32 s9, $0x2;
	v7 =	vmovc v20;
	v10 =	vmovc v3;
	v23 =	vmul.f32 $1.442695020e+00, v23;
	v24 =	vsub.f32 $0.0e+00, v27;
	(erf) = vpow2.f32 v21  }
0x81: {  	s9 =	sadd.s32 $0x100, s9;
	v20 =	vsub.f32 $2.000000000e+00, v25;
	v3 =	vmovc v6;
	v21 =	vmul.f32 v17, v26;
	v6 =	vmovc v27;
	v22 =	vld [tilespmem:s7+$0x9C70];
	(erf) = vrcp.f32 v19  }
0x82: {  	v25 =	vld [tilespmem:s7+$0xC470]  }
0x83: {  	v49 =	vld [tilespmem:s7+$0x9C40]  }
0x84: {  	v26 =	vld [tilespmem:s7+$0xC440]  }
0x85: {  	v27 =	vld [tilespmem:s7+$0x9C50]  }
0x86: {  	v50 =	vld [tilespmem:s7+$0xC450]  }
0x87: {  	(erf) = vpow2.f32 v23;
	v24 =	vmul.f32 $1.442695020e+00, v24;
	v30 =	vld [tilespmem:s7+$0x9C60]  }
0x88: {  	v31 =	vld [tilespmem:s7+$0xC460]  }
0x89: {  	(erf) = vpow2.f32 v24  }
0x8a: {  	v28 =	vpop (erf)  }
0x8b: {  	v29 =	vpop (erf);
	v22 =	vadd.f32 v25, v22  }
0x8c: {  	v51 =	vpop (erf);
	v23 =	vadd.f32 v26, v49  }
0x8d: {  	v24 =	vadd.f32 v50, v27;
	v30 =	vadd.f32 v31, v30;
	v32 =	vpop (erf);
	v22 =	vmax.f32 v22, $-3.000000000e+01  }
0x8e: {  	v25 =	vadd.f32 $1.000000000e+00, v51;
	v52 =	vpop (erf);
	v33 =	vsub.f32 $0.0e+00, v22  }
0x8f: {  	v23 =	vmax.f32 v23, $-3.000000000e+01;
	v24 =	vmax.f32 v24, $-3.000000000e+01;
	v34 =	vpop (erf);
	v26 =	vadd.f32 $1.000000000e+00, v52  }
0x90: {  	(erf) = vrcp.f32 v25;
	v35 =	vsub.f32 $0.0e+00, v23;
	v53 =	vpop (erf);
	v33 =	vmul.f32 $1.442695020e+00, v33  }
0x91: {  	v30 =	vmax.f32 v30, $-3.000000000e+01;
	v27 =	vadd.f32 $1.000000000e+00, v53;
	(erf) = vrcp.f32 v26  }
0x92: {  	v36 =	vsub.f32 $0.0e+00, v24;
	v54 =	vmul.f32 $1.442695020e+00, v35;
	v55 =	vpop (erf);
	(erf) = vpow2.f32 v33  }
0x93: {  	v57 =	vsub.f32 $0.0e+00, v30;
	v56 =	vadd.f32 $1.000000000e+00, v55;
	(erf) = vrcp.f32 v27  }
0x94: {  	v58 =	vmul.f32 $1.442695020e+00, v36;
	(erf) = vpow2.f32 v54  }
0x95: {  	v35 =	vmul.f32 $1.442695020e+00, v57;
	(erf) = vrcp.f32 v56  }
0x96: {  	(erf) = vpow2.f32 v58  }
0x97: {  	(erf) = vpow2.f32 v35;
	_ =	sdelay $0x1  }
0x98: {  	v59 =	vpop (erf)  }
0x99: {  	v18 =	vsub.f32 $2.000000000e+00, v18;
	v60 =	vpop (erf)  }
0x9a: {  	v12 =	vmul.f32 v20, v12;
	v61 =	vsub.f32 $2.000000000e+00, v21;
	v14 =	vmul.f32 v28, v14;
	v62 =	vpop (erf)  }
0x9b: {  	v13 =	vmul.f32 v18, v13;
	v63 =	vpop (erf)  }
0x9c: {  	v17 =	vmul.f32 v61, v17;
	v1 =	vmul.f32 v12, v1;
	v14 =	vsub.f32 $2.000000000e+00, v14;
	v36 =	vpop (erf)  }
0x9d: {  	v9 =	vmul.f32 v13, v9;
	v16 =	vmul.f32 v29, v16;
	v37 =	vadd.f32 $1.000000000e+00, v62;
	v38 =	vpop (erf)  }
0x9e: {  	v10 =	vmul.f32 v17, v10;
	v15 =	vmul.f32 v32, v15;
	v12 =	vadd.f32 $1.000000000e+00, v36;
	v39 =	vpop (erf)  }
0x9f: {  	v16 =	vsub.f32 $2.000000000e+00, v16;
	(erf) = vrcp.f32 v37;
	v17 =	vadd.f32 $1.000000000e+00, v39;
	v40 =	vpop (erf)  }
0xa0: {  	v19 =	vmul.f32 v34, v19;
	(erf) = vrcp.f32 v12;
	v21 =	vadd.f32 $1.000000000e+00, v40  }
0xa1: {  	v14 =	vmul.f32 v14, v28;
	v15 =	vsub.f32 $2.000000000e+00, v15;
	(erf) = vrcp.f32 v17  }
0xa2: {  	v41 =	vmul.f32 v16, v29;
	v19 =	vsub.f32 $2.000000000e+00, v19;
	(erf) = vrcp.f32 v21  }
0xa3: {  	v15 =	vmul.f32 v15, v32;
	v25 =	vmul.f32 v59, v25  }
0xa4: {  	v42 =	vmul.f32 v19, v34;
	v44 =	vmul.f32 v60, v26  }
0xa5: {  	v4 =	vmul.f32 v14, v4;
	v11 =	vmul.f32 v41, v11;
	v43 =	vsub.f32 $2.000000000e+00, v25  }
0xa6: {  	[tilespmem:s2+$0xEC40] =	vst v1;
	v2 =	vmul.f32 v15, v2;
	v3 =	vmul.f32 v42, v3;
	v46 =	vsub.f32 $2.000000000e+00, v44  }
0xa7: {  	[tilespmem:s2+$0xEC50] =	vst v9;
	v1 =	vmul.f32 v43, v59;
	v45 =	vmul.f32 v63, v27  }
0xa8: {  	[tilespmem:s2+$0xEC60] =	vst v10;
	v50 =	vmul.f32 v46, v60;
	v47 =	vmul.f32 v38, v56;
	v49 =	vpop (erf)  }
0xa9: {  	[tilespmem:s21+$0xEC70] =	vst v4;
	v1 =	vmul.f32 v1, v8;
	v48 =	vsub.f32 $2.000000000e+00, v45;
	v13 =	vmul.f32 v49, v37;
	v52 =	vpop (erf)  }
0xaa: {  	[tilespmem:s21+$0xEC60] =	vst v3;
	v3 =	vmul.f32 v50, v5;
	v51 =	vsub.f32 $2.000000000e+00, v47;
	v53 =	vmul.f32 v52, v12;
	v54 =	vpop (erf)  }
0xab: {  	[tilespmem:s21+$0xEC40] =	vst v11;
	v8 =	vmul.f32 v48, v63;
	v55 =	vsub.f32 $2.000000000e+00, v13;
	v56 =	vmul.f32 v54, v17;
	v57 =	vpop (erf)  }
0xac: {  	[tilespmem:s21+$0xEC50] =	vst v2;
	v2 =	vmul.f32 v51, v38;
	v58 =	vsub.f32 $2.000000000e+00, v53;
	v59 =	vmul.f32 v57, v21  }
0xad: {  	[tilespmem:s6+$0xEC70] =	vst v1;
	v1 =	vmul.f32 v8, v7;
	v60 =	vmul.f32 v55, v49;
	v61 =	vsub.f32 $2.000000000e+00, v56  }
0xae: {  	[tilespmem:s6+$0xEC40] =	vst v3;
	v2 =	vmul.f32 v2, v6;
	v3 =	vmul.f32 v58, v52;
	v62 =	vsub.f32 $2.000000000e+00, v59  }
0xaf: {  	[tilespmem:s6+$0xEC50] =	vst v1;
	v1 =	vmul.f32 v60, v22;
	v63 =	vmul.f32 v61, v54  }
0xb0: {  	[tilespmem:s6+$0xEC60] =	vst v2;
	v3 =	vmul.f32 v3, v23;
	v2 =	vmul.f32 v62, v57  }
0xb1: {  	[tilespmem:s7+$0xEC70] =	vst v1;
	v1 =	vmul.f32 v63, v24  }
0xb2: {  	s31 =	sadd.s32 $0x1, s31;
	[tilespmem:s7+$0xEC40] =	vst v3;
	v2 =	vmul.f32 v2, v30  }
0xb3: {  	p1 =	sne.s32 s31, $0x7D;
	[tilespmem:s7+$0xEC50] =	vst v1  }
.Ltmp2:
0xb4: {  	[tilespmem:s7+$0xEC60] =	vst v2;
	(pc) =	sbr.rel @p1 .LBB2_4-.Ltmp2, $4  }
0xb5: {  	[spmem:s3] =	stream.indirect.scatter.add.f32 [tilespmem:s28], [sflag:$0x3], $0x40, s1, s22, $0xb8;
	[tilespmem:$0x1CFC0] =	vst v63  }
0xb6: {  	_ =	swait.ge [sflag:s20], $0x2800  }
0xb7: {  	[sflag:s20] =	ssyncset.done $0x0  }
0xb8: {  	[sflag:s20] =	ssyncadd.s32 $0xFFFFD800  }
0xb9: {  	[bflag:$0x0] =	sbarrier.arrive $0xFFFF  }
0xba: {  	[tilespmem:s19], [sflag:$0x4] =	stream.linear.gather [spmem:s8], $0x1F40, $0x38;
	[tilespmem:$0x1CFC0] =	vst v63  }
0xbb: {  	_ =	swait.ge [sflag:s29], $0x1F40  }
0xbc: {  	s1 =	simm.s32 $0x4;
	[sflag:s29] =	ssyncset.done $0x0  }
0xbd: {  	s1 =	simm.s32 @!p0 $0x3;
	[sflag:s29] =	ssyncadd.s32 $0xFFFFE0C0  }
0xbe: {  	[hbm4b:s14+s4] =	stream.linear.scatter [tilespmem:s19], [sflag:s1], $0x1F40, $0x38;
	[tilespmem:$0x1CFC0] =	vst v63  }
0xbf: {  	_ =	swait.ge [sflag:s1], $0x1F40  }
0xc0: {  	[sflag:s1] =	ssyncset.done $0x0  }
0xc1: {  	[sflag:s1] =	ssyncadd.s32 $0xFFFFE0C0  }
0xc2: {  	[tilespmem:s19], [sflag:$0x4] =	stream.linear.gather [spmem:s10], $0x1F40, $0x38;
	[tilespmem:$0x1CFC0] =	vst v63  }
0xc3: {  	_ =	swait.ge [sflag:s29], $0x1F40  }
0xc4: {  	[sflag:s29] =	ssyncset.done $0x0  }
0xc5: {  	[sflag:s29] =	ssyncadd.s32 $0xFFFFE0C0  }
0xc6: {  	[hbm4b:s15+s4] =	stream.linear.scatter [tilespmem:s19], [sflag:s1], $0x1F40, $0x38;
	[tilespmem:$0x1CFC0] =	vst v63  }
0xc7: {  	_ =	swait.ge [sflag:s1], $0x1F40  }
0xc8: {  	[sflag:s1] =	ssyncset.done $0x0  }
0xc9: {  	[sflag:s1] =	ssyncadd.s32 $0xFFFFE0C0  }
0xca: {  	[tilespmem:s19], [sflag:$0x4] =	stream.linear.gather [spmem:s11], $0x1F40, $0x38;
	[tilespmem:$0x1CFC0] =	vst v63  }
0xcb: {  	_ =	swait.ge [sflag:s29], $0x1F40  }
0xcc: {  	[sflag:s29] =	ssyncset.done $0x0  }
0xcd: {  	[sflag:s29] =	ssyncadd.s32 $0xFFFFE0C0  }
0xce: {  	[hbm4b:s16+s4] =	stream.linear.scatter [tilespmem:s19], [sflag:s1], $0x1F40, $0x38;
	[tilespmem:$0x1CFC0] =	vst v63  }
0xcf: {  	_ =	swait.ge [sflag:s1], $0x1F40  }
0xd0: {  	[sflag:s1] =	ssyncset.done $0x0  }
0xd1: {  	[sflag:s1] =	ssyncadd.s32 $0xFFFFE0C0  }
0xd2: {  	[tilespmem:s19], [sflag:$0x4] =	stream.linear.gather [spmem:s12], $0x1F40, $0x38;
	[tilespmem:$0x1CFC0] =	vst v63  }
0xd3: {  	_ =	swait.ge [sflag:s29], $0x1F40  }
0xd4: {  	[sflag:s29] =	ssyncset.done $0x0  }
0xd5: {  	[sflag:s29] =	ssyncadd.s32 $0xFFFFE0C0  }
0xd6: {  	[hbm4b:s17+s4] =	stream.linear.scatter [tilespmem:s19], [sflag:s1], $0x1F40, $0x38;
	[tilespmem:$0x1CFC0] =	vst v63  }
0xd7: {  	_ =	swait.ge [sflag:s1], $0x1F40  }
0xd8: {  	[sflag:s1] =	ssyncset.done $0x0  }
0xd9: {  	[sflag:s1] =	ssyncadd.s32 $0xFFFFE0C0  }
0xda: {  	[tilespmem:s19], [sflag:$0x4] =	stream.linear.gather [spmem:s13], $0x1F40, $0x38;
	[tilespmem:$0x1CFC0] =	vst v63  }
0xdb: {  	_ =	swait.ge [sflag:s29], $0x1F40  }
0xdc: {  	[sflag:s29] =	ssyncset.done $0x0  }
0xdd: {  	[sflag:s29] =	ssyncadd.s32 $0xFFFFE0C0  }
0xde: {  	[hbm4b:s18+s4] =	stream.linear.scatter [tilespmem:s19], [sflag:s1], $0x1F40, $0x38;
	[tilespmem:$0x1CFC0] =	vst v63  }
0xdf: {  	_ =	swait.ge [sflag:s1], $0x1F40  }
0xe0: {  	s30 =	sadd.s32 $0x1, s30;
	s2 =	rddreg [dreg:$0x6]  }
0xe1: {  	p1 =	sne.s32 s30, s2  }
.Ltmp3:
0xe2: {  	_ = 	snop;
	(pc) =	sbr.rel @p1 .LBB2_1-.Ltmp3, $3  }
0xe3: {  	_ =	sdelay $0x1  }
0xe4: {  	[sflag:s1] =	ssyncset.done $0x0  }
0xe5: {  	[sflag:s1] =	ssyncadd.s32 $0xFFFFE0C0  }
0xe6: {  	_ =	sfence.sel $0x180000  }
0xe7: {  	[bflag:$0x0] =	sbarrier.arrive $0xFFFF  }
0xe8: {  	_ =	strace $0x90000047  }
0xe9: {  	s0 =	stileid.u32;
	[bflag:$0x2] =	sbarrier.arrive $0xFFFF  }
0xea: {  	p0 =	sne.s32 s0, $0x0;
	s0 =	rddreg [dreg:$0x3]  }
0xeb: {  	s0 =	sadd.s32 @!p0 $0x100000, s0  }
0xec: {  	[sflag:s0] =	ssyncadd.tile.s32 @!p0 $0x1;
	_ =	shalt  }
.Lfunc_end2:
_tile_overlayer_lowered:
.L_overlay_start_2:
0xed: {  	(tag) =	ssettag $0x2  }
0xee: {  	s0 =	rddreg [dreg:$0x0];
	s2 =	stileid.u32  }
0xef: {  	s1 =	rddreg [dreg:$0x1];
	p0 =	sne.s32 s2, $0x0  }
0xf0: {  	s3 =	rddreg [dreg:$0x2];
	[bflag:$0x3] =	sbarrier.arrive $0xFFFF;
	s2 =	simm.s32 @!p0 $0x1C03  }
0xf1: {  	[timem:s3], [sflag:s2] =	dma.local @!p0 [hbm:s0], s1  }
0xf2: {  	s0 =	simm.s32 @!p0 $0x3  }
0xf3: {  	_ =	swait.ge @!p0 [sflag:s0], s1  }
0xf4: {  	s1 =	ssub.s32 @!p0 $0x0, s1;
	[sflag:s0] =	ssyncset.done @!p0 $0x0  }
0xf5: {  	[sflag:s0] =	ssyncadd.s32 @!p0 s1  }
0xf6: {  	[bflag:$0x3] =	sbarrier.arrive $0xFFFF  }
0xf7: {  	_ =	shalt  }

// kernel: kernel.18.cloned.1.call-start
scs
__scs_entry_jumppad:
0x0: {  	(pc) =	sbr.rel $0x88, $3  }
0x1: {  	(tag) =	ssettag $0x0;
	lr =	simm.s32 $0x1  }
0x2: {  	[smem:$0x3F89] =	sst lr;
	_ =	strace $0xD0000000  }
0x3: {  	_ = 	snop  }
0x4: {  	_ = 	snop  }
0x5: {  	_ = 	snop  }
0x6: {  	_ = 	snop  }
0x7: {  	_ = 	snop  }
__scs_overlays_trampoline_lowered:
0x8: {  	[smem:$0x3F98] =	sst s0  }
0x9: {  	[smem:$0x3F99] =	sst s1  }
0xa: {  	[smem:$0x3F9A] =	sst s2  }
0xb: {  	[smem:$0x3F9B] =	sst s3  }
0xc: {  	[smem:$0x3F9C] =	sst s4  }
0xd: {  	[smem:$0x3F9D] =	sst s5  }
0xe: {  	[smem:$0x3F9E] =	sst s6  }
0xf: {  	[smem:$0x3F9F] =	sst s7  }
0x10: {  	[smem:$0x3FA0] =	sst s8  }
0x11: {  	[smem:$0x3FA1] =	sst s9;
	s0 =	simm.s32 @!p0 $0x0  }
0x12: {  	s1 =	sld [smem:$0x3F87];
	s0 =	simm.s32 @p0 $0x1  }
0x13: {  	[smem:$0x3FA2] =	sst s0;
	s0 =	simm.s32 @!p1 $0x0  }
0x14: {  	s2 =	sld [smem:$0x3F86];
	s0 =	simm.s32 @p1 $0x1  }
0x15: {  	[smem:$0x3FA3] =	sst s0;
	s0 =	simm.s32 @!p2 $0x0  }
0x16: {  	s3 =	sld [smem:$0x3FDB];
	s0 =	simm.s32 @p2 $0x1  }
0x17: {  	s4 =	simm.s32 $0x1BF5;
	[smem:$0x3FA5] =	sst s0  }
0x18: {  	s0 =	sld [smem:$0x3F88];
	_ =	swait.ge [sflag:s4], $0x0  }
0x19: {  	s7 =	sld [smem:$0x3F89]  }
0x1a: {  	s8 =	sadd.s32 $0xFFFFE003, lr  }
0x1b: {  	s9 =	sadd.s32 $0xFFFFFEF7, lr;
	s5 =	simm.s32 $0xFFFFFFFF;
	p2 =	slt.u32 s8, $0xFFFFF086  }
0x1c: {  	p1 =	slt.u32 s9, $0xF7A;
	s5 =	simm.s32 @!p2 $0x0  }
0x1d: {  	s5 =	simm.s32 @p1 $0x1;
	p0 =	seq.s32 s7, s2  }
0x1e: {  	s7 =	smul.u32 @!p0 $0xF7A, s2;
	p2 =	seq.s32 @!p0 s5, $0x0  }
0x1f: {  	s9 =	smul.u32 $0xF7A, s1;
	s8 =	simm.s32 @!p0 $0x1BF5;
	p2 =	por !p2, p0  }
0x20: {  	[sflag:s8] =	ssyncset.s32 @!p0 $0xFFFFF086;
	s6 =	sadd.s32 @!p0 s3, s7;
	s7 =	simm.s32 @!p0 $0x108  }
0x21: {  	s3 =	sadd.s32 s3, s9;
	s6 =	sadd.s32 @!p0 $0x88, s6;
	s7 =	simm.s32 @p2 $0x1082  }
0x22: {  	[simem:s7], [sflag:s8] =	dma.local @!p0 [hbm:s6], $0xF7A  }
0x23: {  	s9 =	sor.u32 $0xD0000000, s2;
	s6 =	simm.s32 $0x108;
	_ =	swait.ge @!p0 [sflag:s8], $0x0  }
0x24: {  	s3 =	sadd.s32 $0x88, s3;
	s6 =	simm.s32 @!p1 $0x1082;
	[sflag:s4] =	ssyncset.s32 $0xFFFFF086  }
0x25: {  	[simem:s6], [sflag:s4] =	dma.local [hbm:s3], $0xF7A  }
0x26: {  	[smem:$0x3F89] =	sst s1;
	(tag) =	ssettag s2;
	_ =	strace s9  }
0x27: {  	s1 =	sld [smem:$0x3F99]  }
0x28: {  	s2 =	sld [smem:$0x3F9A]  }
0x29: {  	s4 =	sld [smem:$0x3F9C]  }
0x2a: {  	p0 =	seq.s32 s5, $0x0;
	s5 =	sld [smem:$0x3F9D]  }
0x2b: {  	s6 =	sld [smem:$0x3F9E]  }
0x2c: {  	s7 =	sld [smem:$0x3F9F]  }
0x2d: {  	s3 =	simm.s32 $0x108;
	s8 =	sld [smem:$0x3FA0]  }
0x2e: {  	s3 =	simm.s32 @!p0 $0x1082;
	s9 =	sld [smem:$0x3FA1]  }
0x2f: {  	lr =	sadd.s32 s0, s3;
	s0 =	sld [smem:$0x3F98]  }
0x30: {  	s3 =	sld [smem:$0x3F9B]  }
0x31: {  	[smem:$0x3FA4] =	sst s10  }
0x32: {  	s10 =	sld [smem:$0x3FA2];
	_ =	sdelay $0x3  }
0x33: {  	p0 =	seq.s32 s10, $0x1;
	s10 =	sld [smem:$0x3FA4];
	_ =	sdelay $0x3  }
0x34: {  	[smem:$0x3FA4] =	sst s10  }
0x35: {  	s10 =	sld [smem:$0x3FA3];
	_ =	sdelay $0x3  }
0x36: {  	p1 =	seq.s32 s10, $0x1;
	s10 =	sld [smem:$0x3FA4];
	_ =	sdelay $0x3  }
0x37: {  	[smem:$0x3FA4] =	sst s10  }
0x38: {  	s10 =	sld [smem:$0x3FA5]  }
0x39: {  	_ = 	snop;
	(pc) =	sbr.ind lr, $3  }
0x3a: {  	_ = 	snop  }
0x3b: {  	_ = 	snop  }
0x3c: {  	p2 =	seq.s32 s10, $0x1;
	s10 =	sld [smem:$0x3FA4]  }
0x3d: {  	_ =	shalt  }
0x3e: {  	_ =	shalt  }
0x3f: {  	_ =	shalt  }
0x40: {  	_ =	shalt  }
0x41: {  	_ =	shalt  }
0x42: {  	_ =	shalt  }
0x43: {  	_ =	shalt  }
0x44: {  	_ =	shalt  }
0x45: {  	_ =	shalt  }
0x46: {  	_ =	shalt  }
0x47: {  	_ =	shalt  }
0x48: {  	_ =	shalt  }
0x49: {  	_ =	shalt  }
0x4a: {  	_ =	shalt  }
0x4b: {  	_ =	shalt  }
0x4c: {  	_ =	shalt  }
0x4d: {  	_ =	shalt  }
0x4e: {  	_ =	shalt  }
0x4f: {  	_ =	shalt  }
0x50: {  	_ =	shalt  }
0x51: {  	_ =	shalt  }
0x52: {  	_ =	shalt  }
0x53: {  	_ =	shalt  }
0x54: {  	_ =	shalt  }
0x55: {  	_ =	shalt  }
0x56: {  	_ =	shalt  }
0x57: {  	_ =	shalt  }
0x58: {  	_ =	shalt  }
0x59: {  	_ =	shalt  }
0x5a: {  	_ =	shalt  }
0x5b: {  	_ =	shalt  }
0x5c: {  	_ =	shalt  }
0x5d: {  	_ =	shalt  }
0x5e: {  	_ =	shalt  }
0x5f: {  	_ =	shalt  }
0x60: {  	_ =	shalt  }
0x61: {  	_ =	shalt  }
0x62: {  	_ =	shalt  }
0x63: {  	_ =	shalt  }
0x64: {  	_ =	shalt  }
0x65: {  	_ =	shalt  }
0x66: {  	_ =	shalt  }
0x67: {  	_ =	shalt  }
0x68: {  	_ =	shalt  }
0x69: {  	_ =	shalt  }
0x6a: {  	_ =	shalt  }
0x6b: {  	_ =	shalt  }
0x6c: {  	_ =	shalt  }
0x6d: {  	_ =	shalt  }
0x6e: {  	_ =	shalt  }
0x6f: {  	_ =	shalt  }
0x70: {  	_ =	shalt  }
0x71: {  	_ =	shalt  }
0x72: {  	_ =	shalt  }
0x73: {  	_ =	shalt  }
0x74: {  	_ =	shalt  }
0x75: {  	_ =	shalt  }
0x76: {  	_ =	shalt  }
0x77: {  	_ =	shalt  }
0x78: {  	_ =	shalt  }
0x79: {  	_ =	shalt  }
0x7a: {  	_ =	shalt  }
0x7b: {  	_ =	shalt  }
0x7c: {  	_ =	shalt  }
0x7d: {  	_ =	shalt  }
0x7e: {  	_ =	shalt  }
0x7f: {  	_ =	shalt  }
0x80: {  	_ =	shalt  }
0x81: {  	_ =	shalt  }
0x82: {  	_ =	shalt  }
0x83: {  	_ =	shalt  }
0x84: {  	_ =	shalt  }
0x85: {  	_ =	shalt  }
0x86: {  	_ =	shalt  }
0x87: {  	_ =	shalt  }
.Lfunc_end0:
.L_simem_size_0:
called_computation.1_lowered:
.L_overlay_start_0:
0x88: {  	s2 =	sld [smem:$0x3FD9]  }
0x89: {  	s3 =	sld [smem:$0x3FFE];
	_ =	sdelay $0x1  }
0x8a: {  	s1 =	srdreg.scid  }
0x8b: {  	s0 =	sand.u32 $0x1, s1  }
0x8c: {  	s17 =	sshll.u32 s0, $0xA;
	s2 =	sadd.s32 s3, s2  }
0x8d: {  	s2 =	sadd.s32 s2, s17  }
0x8e: {  	[smem:$0x3FB0] =	sst s2  }
0x8f: {  	_ = 	snop  }
0x90: {  	s2 =	sld [smem:$0x3FD0];
	(tm) =	ssettm $0x1  }
0x91: {  	s18 =	sld [smem:$0x3FFB];
	_ =	sdelay $0x3  }
0x92: {  	_ =	strace s18  }
0x93: {  	s3 =	sld [smem:$0x3FFC];
	_ =	sdelay $0x3  }
0x94: {  	_ =	strace s3  }
0x95: {  	s3 =	sld [smem:$0x3FFD];
	_ =	sdelay $0x3  }
0x96: {  	_ =	strace s3  }
0x97: {  	_ =	strace $0x8FFFFFFF  }
0x98: {  	s19 =	sld [smem:$0x3FDB];
	_ =	sdelay $0x1  }
0x99: {  	s4 =	simm.s32 $_scs_section_size  }
0x9a: {  	s5 =	simm.s32 $_size__tile_overlayer_lowered;
	s6 =	simm.s32 $_tile_overlayer_lowered  }
0x9b: {  	s22 =	simm.s32 $0x1BFF;
	s21 =	sshll.u32 s6, $0x1;
	s3 =	sadd.s32 s4, s19  }
0x9c: {  	s7 =	simm.s32 $0x0;
	s20 =	sshll.u32 s5, $0x1;
	s5 =	sadd.s32 s21, s3  }
0x9d: {  	[timem:s7], [sflag:s22] =	dma.local [hbm:s5], s20  }
0x9e: {  	_ =	swait.ge [sflag:s22], s20  }
0x9f: {  	s4 =	ssub.s32 $0x0, s20;
	[sflag:s22] =	ssyncset.done $0x0  }
0xa0: {  	[sflag:s22] =	ssyncadd.s32 s4;
	_ =	sdelay $0x1  }
0xa1: {  	s23 =	simm.s32 $0x1B8B  }
0xa2: {  	_ =	swait.ge [sflag:s23], $0x1  }
0xa3: {  	[sflag:s23] =	ssyncset.done $0x0  }
0xa4: {  	s25 =	simm.s32 $0x1B8E;
	s24 =	sld [smem:$0x3FFE];
	[sflag:s23] =	ssyncadd.s32 $0xFFFFFFFF  }
0xa5: {  	s26 =	simm.s32 $execute0_lowered;
	[smem:$0x3FD2] =	sst s25  }
0xa6: {  	s5 =	sshll.u32 s26, $0x1;
	_ =	strace $0x80000049;
	[dreg:$0x1] =	wrdreg $0xFFFFFFFF  }
0xa7: {  	s28 =	simm.s32 $_size_execute0_lowered;
	s3 =	sadd.s32 s3, s5;
	[dreg:$0x0] =	wrdreg $0x0  }
0xa8: {  	s5 =	sshll.u32 s28, $0x1;
	[dreg:$0x2] =	wrdreg s3  }
0xa9: {  	[dreg:$0x3] =	wrdreg s5  }
0xaa: {  	[dreg:$0x4] =	wrdreg $0xC0  }
0xab: {  	_ =	task [dreg:s7], $0x5FFFF  }
0xac: {  	[dreg:$0x1] =	wrdreg $0xFFFFFFFF  }
0xad: {  	[dreg:$0x0] =	wrdreg $0x60  }
0xae: {  	[dreg:$0x2] =	wrdreg s2  }
0xaf: {  	[dreg:$0x3] =	wrdreg s24  }
0xb0: {  	[dreg:$0x4] =	wrdreg $0x133800  }
0xb1: {  	[dreg:$0x5] =	wrdreg $0x9  }
0xb2: {  	_ =	task.clear_ibuf [dreg:s7], $0x6FFFF;
	_ =	strace $0x90000049  }
0xb3: {  	s29 =	simm.s32 $0x9;
	_ =	strace $0x8000004B  }
0xb4: {  	_ =	swait.ge [sflag:s29], $0x1  }
0xb5: {  	[sflag:s29] =	ssyncadd.s32 $0xFFFFFFFF  }
0xb6: {  	_ =	strace $0x9000004B  }
0xb7: {  	_ =	sfence  }
0xb8: {  	s30 =	sld [smem:$0x0];
	_ =	sdelay $0x2  }
0xb9: {  	s31 =	sshll.u32 s1, $0xD;
	s1 =	sshrl.u32 s1, $0x2  }
0xba: {  	s3 =	sand.u32 $0x4000, s31;
	s1 =	sadd.s32 s1, s30  }
0xbb: {  	s0 =	sor.u32 s3, s0;
	s1 =	sshll.u32 s1, $0x11  }
0xbc: {  	s0 =	sor.u32 s1, s0  }
0xbd: {  	s0 =	sadd.s32 $0x8F2B, s0  }
0xbe: {  	[sflag:s0] =	ssyncadd.remote.s32 $0x1  }
0xbf: {  	_ =	sfence.sel $0xFFFF  }
0xc0: {  	[dreg:$0x0] =	wrdreg $0xFFFFFFFF;
	(pc) =	sbr.abs _section_cstart, $3  }
0xc1: {  	[dreg:$0x1] =	wrdreg $0xFFFFFFFF  }
0xc2: {  	_ =	task.clear_ibuf [dreg:s7], $0x2FFFF;
	_ =	strace $0x9FFFFFFF  }
0xc3: {  	(tm) =	ssettm $0x7FFFFFFF  }
tec
execute0_lowered:
.L_overlay_start_1:
0x0: {  	(tag) =	ssettag $0x1  }
0x1: {  	s0 =	rddreg [dreg:$0x0]  }
0x2: {  	s1 =	srdreg.scid;
	s2 =	rddreg [dreg:$0x1]  }
0x3: {  	s3 =	rddreg [dreg:$0x2];
	s10 =	stileid.u32;
	s4 =	simm.s32 $0x0  }
0x4: {  	s19 =	simm.s32 $0x11440;
	s20 =	simm.s32 $0x3;
	s22 =	simm.s32 $0xA0  }
0x5: {  	s23 =	simm.s32 $0x9C40;
	s28 =	simm.s32 $0xEC40;
	s29 =	simm.s32 $0x4  }
0x6: {  	s30 =	simm.s32 $0x0;
	s1 =	sand.u32 $0x1, s1;
	s9 =	smul.u32 $0x27100, s10  }
0x7: {  	[smem:$0x7FF] =	sst s4;
	s26 =	smul.u32 $0x9C40, s10;
	s5 =	sshll.u32 s1, $0x4  }
0x8: {  	_ =	strace $0x8000004A;
	s6 =	ssub.s32 $0x2, s1;
	p0 =	seq.s32 s1, $0x0  }
0x9: {  	s1 =	simm.s32 $0x55A00;
	s5 =	sor.u32 s10, s5;
	s8 =	sshrl.u32 s6, $0x1  }
0xa: {  	s25 =	sshrl.u32 s9, $0x2;
	s1 =	simm.s32 @!p0 $0x42000;
	s31 =	sshrl.u32 s26, $0x3  }
0xb: {  	s26 =	simm.s32 $0x2;
	s5 =	smul.u32 $0x9C4, s5;
	s6 =	ssub.s32 s6, s8  }
0xc: {  	s8 =	sadd.s32 s25, s3;
	s1 =	sadd.s32 s1, s2;
	s25 =	simm.s32 $0x1  }
0xd: {  	s6 =	smax.u32 s6, $0x1;
	s10 =	sadd.s32 $0x1F40, s8;
	s11 =	sadd.s32 $0x3E80, s8  }
0xe: {  	s12 =	sadd.s32 $0x5DC0, s8;
	s13 =	sadd.s32 $0x7D00, s8;
	s14 =	sadd.s32 s1, s31  }
0xf: {  	s7 =	sadd.s32 s5, s2;
	s5 =	sadd.s32 $0x2E600, s2;
	[dreg:$0x6] =	wrdreg s6  }
0x10: {  	s15 =	sadd.s32 $0x3E8, s14;
	s16 =	sadd.s32 $0x7D0, s14;
	s24 =	sadd.s32 $0x1AC00, s7  }
0x11: {  	s17 =	sadd.s32 $0xBB8, s14;
	s7 =	sadd.s32 $0x7200, s7;
	[dreg:$0x4] =	wrdreg s24  }
0x12: {  	v0 =	vimm.f32 $0.0e+00;
	s18 =	sadd.s32 $0xFA0, s14;
	[dreg:$0x5] =	wrdreg s7;
	s24 =	simm.s32 $0xC440  }
.LBB2_1:
0x13: {  	s2 =	simm.s32 $0x100;
	s1 =	simm.s32 $0x0  }
.LBB2_2:
0x14: {  	p1 =	sne.s32 s2, $0x7C00;
	[tilespmem:s1+$0x11470] =	vst v0;
	s6 =	smov.u32 s2;
	s2 =	sadd.s32 $0x100, s2  }
.Ltmp0:
0x15: {  	[tilespmem:s1+$0x11460] =	vst v0;
	(pc) =	sbr.rel @p1 .LBB2_2-.Ltmp0, $3  }
0x16: {  	[tilespmem:s1+$0x11440] =	vst v0  }
0x17: {  	[tilespmem:s1+$0x11450] =	vst v0;
	_ =	sdelay $0x1  }
0x18: {  	s1 =	sshra.s32 s6, $0x2  }
0x19: {  	[tilespmem:s1+$0x11470] =	vst v0  }
0x1a: {  	[tilespmem:s1+$0x11460] =	vst v0  }
0x1b: {  	[tilespmem:s1+$0x11440] =	vst v0  }
0x1c: {  	[tilespmem:s1+$0x11450] =	vst v0  }
0x1d: {  	[spmem:s8] =	stream.linear.scatter [tilespmem:s19], [sflag:$0x3], $0x1F40, $0x38;
	[tilespmem:$0x1CFC0] =	vst v63  }
0x1e: {  	_ =	swait.ge [sflag:s20], $0x1F40  }
0x1f: {  	[sflag:s20] =	ssyncset.done $0x0  }
0x20: {  	[sflag:s20] =	ssyncadd.s32 $0xFFFFE0C0  }
0x21: {  	[spmem:s10] =	stream.linear.scatter [tilespmem:s19], [sflag:$0x3], $0x1F40, $0x38;
	[tilespmem:$0x1CFC0] =	vst v63  }
0x22: {  	_ =	swait.ge [sflag:s20], $0x1F40  }
0x23: {  	[sflag:s20] =	ssyncset.done $0x0  }
0x24: {  	[sflag:s20] =	ssyncadd.s32 $0xFFFFE0C0  }
0x25: {  	[spmem:s11] =	stream.linear.scatter [tilespmem:s19], [sflag:$0x3], $0x1F40, $0x38;
	[tilespmem:$0x1CFC0] =	vst v63  }
0x26: {  	_ =	swait.ge [sflag:s20], $0x1F40  }
0x27: {  	[sflag:s20] =	ssyncset.done $0x0  }
0x28: {  	[sflag:s20] =	ssyncadd.s32 $0xFFFFE0C0  }
0x29: {  	[spmem:s12] =	stream.linear.scatter [tilespmem:s19], [sflag:$0x3], $0x1F40, $0x38;
	[tilespmem:$0x1CFC0] =	vst v63  }
0x2a: {  	_ =	swait.ge [sflag:s20], $0x1F40  }
0x2b: {  	[sflag:s20] =	ssyncset.done $0x0  }
0x2c: {  	[sflag:s20] =	ssyncadd.s32 $0xFFFFE0C0  }
0x2d: {  	[spmem:s13] =	stream.linear.scatter [tilespmem:s19], [sflag:$0x3], $0x1F40, $0x38;
	[tilespmem:$0x1CFC0] =	vst v63  }
0x2e: {  	_ =	swait.ge [sflag:s20], $0x1F40  }
0x2f: {  	[sflag:s20] =	ssyncset.done $0x0  }
0x30: {  	s31 =	simm.s32 $0x0;
	s9 =	rddreg [dreg:$0x4];
	[sflag:s20] =	ssyncadd.s32 $0xFFFFE0C0  }
0x31: {  	[tilespmem:s31], [sflag:$0x3] =	stream.linear.gather [hbm4b:s9+s31], $0x4E20, $0x38;
	[tilespmem:$0x1CFC0] =	vst v63  }
0x32: {  	_ =	swait.ge [sflag:s20], $0x4E20  }
0x33: {  	[sflag:s20] =	ssyncset.done $0x0  }
0x34: {  	s2 =	simm.s32 $0x4E20;
	s21 =	rddreg [dreg:$0x5];
	[sflag:s20] =	ssyncadd.s32 $0xFFFFB1E0  }
0x35: {  	[tilespmem:s2], [sflag:$0x3] =	stream.linear.gather [hbm4b:s21+s31], $0x4E20, $0x38;
	[tilespmem:$0x1CFC0] =	vst v63  }
0x36: {  	_ =	swait.ge [sflag:s20], $0x4E20  }
0x37: {  	[sflag:s20] =	ssyncset.done $0x0  }
0x38: {  	[sflag:s20] =	ssyncadd.s32 $0xFFFFB1E0  }
0x39: {  	[bflag:$0x0] =	sbarrier.arrive $0xFFFF  }
.LBB2_4:
0x3a: {  	s1 =	smul.u32 $0xA0, s31;
	_ =	sdelay $0x1  }
0x3b: {  	[tilespmem:s23], [sflag:$0x1] =	stream.indirect.gather [hbm4b:s0+s22], $0x40, s1, s22, $0xb8;
	[tilespmem:$0x1CFC0] =	vst v63  }
0x3c: {  	s1 =	sadd.s32 $0x4E20, s1  }
0x3d: {  	[tilespmem:s24], [sflag:$0x2] =	stream.indirect.gather [hbm4b:s5+s22], $0x40, s1, s22, $0xb8;
	[tilespmem:$0x1CFC0] =	vst v63  }
0x3e: {  	_ =	swait.ge [sflag:s25], $0x2800  }
0x3f: {  	[sflag:s25] =	ssyncset.done $0x0  }
0x40: {  	[sflag:s25] =	ssyncadd.s32 $0xFFFFD800  }
0x41: {  	_ =	swait.ge [sflag:s26], $0x2800  }
0x42: {  	[sflag:s26] =	ssyncset.done $0x0  }
0x43: {  	s2 =	simm.s32 $0x0;
	[sflag:s26] =	ssyncadd.s32 $0xFFFFD800  }
0x44: {  	v1 =	vld [tilespmem:s2+$0x9C70]  }
0x45: {  	v2 =	vld [tilespmem:s2+$0xC470]  }
0x46: {  	v3 =	vld [tilespmem:s2+$0x9C40]  }
0x47: {  	v4 =	vld [tilespmem:s2+$0xC440]  }
0x48: {  	v5 =	vld [tilespmem:s2+$0x9C50]  }
0x49: {  	v6 =	vld [tilespmem:s2+$0xC450]  }
0x4a: {  	v7 =	vld [tilespmem:s2+$0xC460];
	v1 =	vadd.f32 v2, v1  }
0x4b: {  	v2 =	vld [tilespmem:s2+$0x9C60]  }
0x4c: {  	v15 =	vmax.f32 v1, $-3.000000000e+01;
	v1 =	vadd.f32 v4, v3  }
0x4d: {  	v3 =	vsub.f32 $0.0e+00, v15  }
0x4e: {  	v4 =	vadd.f32 v6, v5;
	v1 =	vmax.f32 v1, $-3.000000000e+01  }
0x4f: {  	v3 =	vmul.f32 $1.442695020e+00, v3;
	v5 =	vsub.f32 $0.0e+00, v1  }
0x50: {  	v9 =	vmax.f32 v4, $-3.000000000e+01;
	v2 =	vadd.f32 v7, v2  }
0x51: {  	s21 =	simm.s32 $0x40;
	v4 =	vsub.f32 $0.0e+00, v9;
	(erf) = vpow2.f32 v3;
	v3 =	vmul.f32 $1.442695020e+00, v5  }
0x52: {  	v10 =	vmax.f32 v2, $-3.000000000e+01;
	v5 =	vld [tilespmem:s21+$0xC470]  }
0x53: {  	v2 =	vmul.f32 $1.442695020e+00, v4;
	v4 =	vsub.f32 $0.0e+00, v10;
	(erf) = vpow2.f32 v3;
	v3 =	vld [tilespmem:s21+$0x9C70]  }
0x54: {  	v6 =	vld [tilespmem:s21+$0xC440]  }
0x55: {  	(erf) = vpow2.f32 v2;
	v2 =	vmul.f32 $1.442695020e+00, v4;
	v4 =	vld [tilespmem:s21+$0x9C40];
	_ =	sdelay $0x1  }
0x56: {  	v7 =	vld [tilespmem:s21+$0xC450]  }
0x57: {  	(erf) = vpow2.f32 v2;
	v2 =	vld [tilespmem:s21+$0x9C50];
	v3 =	vadd.f32 v5, v3;
	_ =	sdelay $0x1  }
0x58: {  	v8 =	vld [tilespmem:s21+$0x9C60];
	v6 =	vadd.f32 v6, v4;
	v5 =	vpop (erf)  }
0x59: {  	v12 =	vld [tilespmem:s21+$0xC460];
	v4 =	vmax.f32 v3, $-3.000000000e+01;
	v5 =	vadd.f32 $1.000000000e+00, v5  }
0x5a: {  	v13 =	vsub.f32 $0.0e+00, v4;
	v11 =	vmax.f32 v6, $-3.000000000e+01;
	v3 =	vpop (erf)  }
0x5b: {  	v2 =	vadd.f32 v7, v2;
	(erf) = vrcp.f32 v5;
	v6 =	vadd.f32 $1.000000000e+00, v3  }
0x5c: {  	v13 =	vmul.f32 $1.442695020e+00, v13  }
0x5d: {  	v7 =	vsub.f32 $0.0e+00, v11;
	v3 =	vpop (erf);
	v2 =	vmax.f32 v2, $-3.000000000e+01;
	(erf) = vrcp.f32 v6  }
0x5e: {  	v16 =	vadd.f32 $1.000000000e+00, v3;
	v3 =	vadd.f32 v12, v8;
	(erf) = vpow2.f32 v13  }
0x5f: {  	s6 =	simm.s32 $0x80;
	v7 =	vmul.f32 $1.442695020e+00, v7;
	v12 =	vsub.f32 $0.0e+00, v2;
	v8 =	vpop (erf)  }
0x60: {  	v14 =	vld [tilespmem:s6+$0xC470];
	v21 =	vadd.f32 $1.000000000e+00, v8;
	v3 =	vmax.f32 v3, $-3.000000000e+01;
	(erf) = vrcp.f32 v16  }
0x61: {  	v8 =	vmul.f32 $1.442695020e+00, v12;
	v13 =	vld [tilespmem:s6+$0x9C70];
	(erf) = vpow2.f32 v7;
	v7 =	vsub.f32 $0.0e+00, v3  }
0x62: {  	v18 =	vld [tilespmem:s6+$0xC440];
	(erf) = vrcp.f32 v21  }
0x63: {  	(erf) = vpow2.f32 v8;
	v7 =	vmul.f32 $1.442695020e+00, v7;
	v8 =	vld [tilespmem:s6+$0x9C40]  }
0x64: {  	v19 =	vld [tilespmem:s6+$0xC450];
	v17 =	vpop (erf)  }
0x65: {  	(erf) = vpow2.f32 v7;
	v7 =	vld [tilespmem:s6+$0x9C50];
	v5 =	vmul.f32 v17, v5  }
0x66: {  	v22 =	vadd.f32 v14, v13;
	v12 =	vpop (erf)  }
0x67: {  	v20 =	vld [tilespmem:s6+$0x9C60];
	v5 =	vsub.f32 $2.000000000e+00, v5;
	v13 =	vpop (erf);
	v25 =	vmul.f32 v12, v6  }
0x68: {  	v6 =	vld [tilespmem:s6+$0xC460];
	v23 =	vadd.f32 v18, v8;
	v8 =	vmax.f32 v22, $-3.000000000e+01;
	v14 =	vadd.f32 $1.000000000e+00, v13  }
0x69: {  	v13 =	vpop (erf);
	v24 =	vsub.f32 $0.0e+00, v8;
	v5 =	vmul.f32 v5, v17  }
0x6a: {  	v22 =	vpop (erf);
	v18 =	vmul.f32 v13, v16;
	v7 =	vadd.f32 v19, v7;
	(erf) = vrcp.f32 v14  }
0x6b: {  	v17 =	vpop (erf);
	v16 =	vadd.f32 $1.000000000e+00, v22;
	v26 =	vmul.f32 v5, v15;
	v5 =	vmax.f32 v23, $-3.000000000e+01  }
0x6c: {  	v22 =	vmul.f32 $1.442695020e+00, v24;
	v15 =	vpop (erf);
	v7 =	vmax.f32 v7, $-3.000000000e+01;
	v19 =	vsub.f32 $0.0e+00, v5  }
0x6d: {  	v15 =	vadd.f32 $1.000000000e+00, v15;
	v6 =	vadd.f32 v6, v20;
	(erf) = vrcp.f32 v16  }
0x6e: {  	v20 =	vpop (erf);
	(erf) = vpow2.f32 v22;
	v22 =	vsub.f32 $0.0e+00, v7;
	v27 =	vmul.f32 $1.442695020e+00, v19  }
0x6f: {  	v6 =	vmax.f32 v6, $-3.000000000e+01;
	v19 =	vadd.f32 $1.000000000e+00, v20;
	(erf) = vrcp.f32 v15  }
0x70: {  	s7 =	simm.s32 $0xC0;
	[tilespmem:s2+$0xEC70] =	vst v26;
	v23 =	vmul.f32 $1.442695020e+00, v22;
	v24 =	vsub.f32 $0.0e+00, v6;
	(erf) = vpow2.f32 v27  }
0x71: {  	s9 =	simm.s32 $0x400;
	v21 =	vmul.f32 v17, v21;
	v20 =	vsub.f32 $2.000000000e+00, v25;
	v22 =	vld [tilespmem:s7+$0x9C70];
	(erf) = vrcp.f32 v19  }
.LBB2_5:
0x72: {  	p1 =	sne.s32 s9, $0x9F00;
	v25 =	vld [tilespmem:s7+$0xC470];
	v24 =	vmul.f32 $1.442695020e+00, v24;
	(erf) = vpow2.f32 v23;
	v18 =	vsub.f32 $2.000000000e+00, v18;
	v26 =	vmovc v19  }
0x73: {  	v19 =	vld [tilespmem:s7+$0x9C40];
	v23 =	vpop (erf);
	v20 =	vmul.f32 v20, v12;
	v28 =	vsub.f32 $2.000000000e+00, v21  }
0x74: {  	v21 =	vld [tilespmem:s7+$0xC440];
	(erf) = vpow2.f32 v24;
	v29 =	vmul.f32 v23, v14  }
0x75: {  	v30 =	vmul.f32 v18, v13;
	v24 =	vld [tilespmem:s7+$0x9C50];
	v17 =	vmul.f32 v28, v17  }
0x76: {  	v20 =	vmul.f32 v20, v1;
	v1 =	vmov v11;
	v27 =	vld [tilespmem:s7+$0xC450];
	v18 =	vsub.f32 $2.000000000e+00, v29;
	v12 =	vpop (erf)  }
0x77: {  	v9 =	vmul.f32 v30, v9;
	v11 =	vld [tilespmem:s7+$0x9C60];
	v22 =	vadd.f32 v25, v22;
	v14 =	vpop (erf);
	v25 =	vmul.f32 v12, v16  }
0x78: {  	v10 =	vmul.f32 v17, v10;
	v28 =	vld [tilespmem:s7+$0xC460];
	v14 =	vadd.f32 $1.000000000e+00, v14;
	v16 =	vmul.f32 v18, v23;
	v13 =	vpop (erf);
	[tilespmem:s2+$0xEC40] =	vst v20  }
0x79: {  	v19 =	vadd.f32 v21, v19;
	v20 =	vmax.f32 v22, $-3.000000000e+01;
	v21 =	vpop (erf);
	v18 =	vmul.f32 v13, v15;
	[tilespmem:s2+$0xEC50] =	vst v9  }
0x7a: {  	v9 =	vsub.f32 $0.0e+00, v20;
	(erf) = vrcp.f32 v14;
	v23 =	vmul.f32 v16, v4;
	v17 =	vpop (erf);
	[tilespmem:s2+$0xEC60] =	vst v10;
	s2 =	smov.u32 s21;
	s21 =	smov.u32 s6;
	s6 =	smov.u32 s7  }
0x7b: {  	v16 =	vadd.f32 $1.000000000e+00, v21;
	v10 =	vmax.f32 v19, $-3.000000000e+01;
	v19 =	vadd.f32 v27, v24;
	v15 =	vpop (erf)  }
0x7c: {  	v4 =	vmovc v8;
	v8 =	vmovc v20;
	v21 =	vsub.f32 $0.0e+00, v10;
	v24 =	vmul.f32 $1.442695020e+00, v9;
	v15 =	vadd.f32 $1.000000000e+00, v15;
	[tilespmem:s2+$0xEC70] =	vst v23  }
.Ltmp1:
0x7d: {  	v20 =	vmax.f32 v19, $-3.000000000e+01;
	v19 =	vadd.f32 v28, v11;
	(erf) = vrcp.f32 v16;
	v22 =	vpop (erf);
	(pc) =	sbr.rel @p1 .LBB2_5-.Ltmp1, $4  }
0x7e: {  	v11 =	vmovc v5;
	v5 =	vmovc v10;
	v21 =	vmul.f32 $1.442695020e+00, v21;
	v23 =	vsub.f32 $0.0e+00, v20;
	(erf) = vpow2.f32 v24  }
0x7f: {  	v9 =	vmovc v2;
	v2 =	vmovc v7;
	v27 =	vmax.f32 v19, $-3.000000000e+01;
	v19 =	vadd.f32 $1.000000000e+00, v22;
	(erf) = vrcp.f32 v15  }
0x80: {  	s7 =	sshra.s32 s9, $0x2;
	v7 =	vmovc v20;
	v10 =	vmovc v3;
	v23 =	vmul.f32 $1.442695020e+00, v23;
	v24 =	vsub.f32 $0.0e+00, v27;
	(erf) = vpow2.f32 v21  }
0x81: {  	s9 =	sadd.s32 $0x100, s9;
	v20 =	vsub.f32 $2.000000000e+00, v25;
	v3 =	vmovc v6;
	v21 =	vmul.f32 v17, v26;
	v6 =	vmovc v27;
	v22 =	vld [tilespmem:s7+$0x9C70];
	(erf) = vrcp.f32 v19  }
0x82: {  	v25 =	vld [tilespmem:s7+$0xC470]  }
0x83: {  	v49 =	vld [tilespmem:s7+$0x9C40]  }
0x84: {  	v26 =	vld [tilespmem:s7+$0xC440]  }
0x85: {  	v27 =	vld [tilespmem:s7+$0x9C50]  }
0x86: {  	v50 =	vld [tilespmem:s7+$0xC450]  }
0x87: {  	(erf) = vpow2.f32 v23;
	v24 =	vmul.f32 $1.442695020e+00, v24;
	v30 =	vld [tilespmem:s7+$0x9C60]  }
0x88: {  	v31 =	vld [tilespmem:s7+$0xC460]  }
0x89: {  	(erf) = vpow2.f32 v24  }
0x8a: {  	v28 =	vpop (erf)  }
0x8b: {  	v29 =	vpop (erf);
	v22 =	vadd.f32 v25, v22  }
0x8c: {  	v51 =	vpop (erf);
	v23 =	vadd.f32 v26, v49  }
0x8d: {  	v24 =	vadd.f32 v50, v27;
	v30 =	vadd.f32 v31, v30;
	v32 =	vpop (erf);
	v22 =	vmax.f32 v22, $-3.000000000e+01  }
0x8e: {  	v25 =	vadd.f32 $1.000000000e+00, v51;
	v52 =	vpop (erf);
	v33 =	vsub.f32 $0.0e+00, v22  }
0x8f: {  	v23 =	vmax.f32 v23, $-3.000000000e+01;
	v24 =	vmax.f32 v24, $-3.000000000e+01;
	v34 =	vpop (erf);
	v26 =	vadd.f32 $1.000000000e+00, v52  }
0x90: {  	(erf) = vrcp.f32 v25;
	v35 =	vsub.f32 $0.0e+00, v23;
	v53 =	vpop (erf);
	v33 =	vmul.f32 $1.442695020e+00, v33  }
0x91: {  	v30 =	vmax.f32 v30, $-3.000000000e+01;
	v27 =	vadd.f32 $1.000000000e+00, v53;
	(erf) = vrcp.f32 v26  }
0x92: {  	v36 =	vsub.f32 $0.0e+00, v24;
	v54 =	vmul.f32 $1.442695020e+00, v35;
	v55 =	vpop (erf);
	(erf) = vpow2.f32 v33  }
0x93: {  	v57 =	vsub.f32 $0.0e+00, v30;
	v56 =	vadd.f32 $1.000000000e+00, v55;
	(erf) = vrcp.f32 v27  }
0x94: {  	v58 =	vmul.f32 $1.442695020e+00, v36;
	(erf) = vpow2.f32 v54  }
0x95: {  	v35 =	vmul.f32 $1.442695020e+00, v57;
	(erf) = vrcp.f32 v56  }
0x96: {  	(erf) = vpow2.f32 v58  }
0x97: {  	(erf) = vpow2.f32 v35;
	_ =	sdelay $0x1  }
0x98: {  	v59 =	vpop (erf)  }
0x99: {  	v18 =	vsub.f32 $2.000000000e+00, v18;
	v60 =	vpop (erf)  }
0x9a: {  	v12 =	vmul.f32 v20, v12;
	v61 =	vsub.f32 $2.000000000e+00, v21;
	v14 =	vmul.f32 v28, v14;
	v62 =	vpop (erf)  }
0x9b: {  	v13 =	vmul.f32 v18, v13;
	v63 =	vpop (erf)  }
0x9c: {  	v17 =	vmul.f32 v61, v17;
	v1 =	vmul.f32 v12, v1;
	v14 =	vsub.f32 $2.000000000e+00, v14;
	v36 =	vpop (erf)  }
0x9d: {  	v9 =	vmul.f32 v13, v9;
	v16 =	vmul.f32 v29, v16;
	v37 =	vadd.f32 $1.000000000e+00, v62;
	v38 =	vpop (erf)  }
0x9e: {  	v10 =	vmul.f32 v17, v10;
	v15 =	vmul.f32 v32, v15;
	v12 =	vadd.f32 $1.000000000e+00, v36;
	v39 =	vpop (erf)  }
0x9f: {  	v16 =	vsub.f32 $2.000000000e+00, v16;
	(erf) = vrcp.f32 v37;
	v17 =	vadd.f32 $1.000000000e+00, v39;
	v40 =	vpop (erf)  }
0xa0: {  	v19 =	vmul.f32 v34, v19;
	(erf) = vrcp.f32 v12;
	v21 =	vadd.f32 $1.000000000e+00, v40  }
0xa1: {  	v14 =	vmul.f32 v14, v28;
	v15 =	vsub.f32 $2.000000000e+00, v15;
	(erf) = vrcp.f32 v17  }
0xa2: {  	v41 =	vmul.f32 v16, v29;
	v19 =	vsub.f32 $2.000000000e+00, v19;
	(erf) = vrcp.f32 v21  }
0xa3: {  	v15 =	vmul.f32 v15, v32;
	v25 =	vmul.f32 v59, v25  }
0xa4: {  	v42 =	vmul.f32 v19, v34;
	v44 =	vmul.f32 v60, v26  }
0xa5: {  	v4 =	vmul.f32 v14, v4;
	v11 =	vmul.f32 v41, v11;
	v43 =	vsub.f32 $2.000000000e+00, v25  }
0xa6: {  	[tilespmem:s2+$0xEC40] =	vst v1;
	v2 =	vmul.f32 v15, v2;
	v3 =	vmul.f32 v42, v3;
	v46 =	vsub.f32 $2.000000000e+00, v44  }
0xa7: {  	[tilespmem:s2+$0xEC50] =	vst v9;
	v1 =	vmul.f32 v43, v59;
	v45 =	vmul.f32 v63, v27  }
0xa8: {  	[tilespmem:s2+$0xEC60] =	vst v10;
	v50 =	vmul.f32 v46, v60;
	v47 =	vmul.f32 v38, v56;
	v49 =	vpop (erf)  }
0xa9: {  	[tilespmem:s21+$0xEC70] =	vst v4;
	v1 =	vmul.f32 v1, v8;
	v48 =	vsub.f32 $2.000000000e+00, v45;
	v13 =	vmul.f32 v49, v37;
	v52 =	vpop (erf)  }
0xaa: {  	[tilespmem:s21+$0xEC60] =	vst v3;
	v3 =	vmul.f32 v50, v5;
	v51 =	vsub.f32 $2.000000000e+00, v47;
	v53 =	vmul.f32 v52, v12;
	v54 =	vpop (erf)  }
0xab: {  	[tilespmem:s21+$0xEC40] =	vst v11;
	v8 =	vmul.f32 v48, v63;
	v55 =	vsub.f32 $2.000000000e+00, v13;
	v56 =	vmul.f32 v54, v17;
	v57 =	vpop (erf)  }
0xac: {  	[tilespmem:s21+$0xEC50] =	vst v2;
	v2 =	vmul.f32 v51, v38;
	v58 =	vsub.f32 $2.000000000e+00, v53;
	v59 =	vmul.f32 v57, v21  }
0xad: {  	[tilespmem:s6+$0xEC70] =	vst v1;
	v1 =	vmul.f32 v8, v7;
	v60 =	vmul.f32 v55, v49;
	v61 =	vsub.f32 $2.000000000e+00, v56  }
0xae: {  	[tilespmem:s6+$0xEC40] =	vst v3;
	v2 =	vmul.f32 v2, v6;
	v3 =	vmul.f32 v58, v52;
	v62 =	vsub.f32 $2.000000000e+00, v59  }
0xaf: {  	[tilespmem:s6+$0xEC50] =	vst v1;
	v1 =	vmul.f32 v60, v22;
	v63 =	vmul.f32 v61, v54  }
0xb0: {  	[tilespmem:s6+$0xEC60] =	vst v2;
	v3 =	vmul.f32 v3, v23;
	v2 =	vmul.f32 v62, v57  }
0xb1: {  	[tilespmem:s7+$0xEC70] =	vst v1;
	v1 =	vmul.f32 v63, v24  }
0xb2: {  	s31 =	sadd.s32 $0x1, s31;
	[tilespmem:s7+$0xEC40] =	vst v3;
	v2 =	vmul.f32 v2, v30  }
0xb3: {  	p1 =	sne.s32 s31, $0x7D;
	[tilespmem:s7+$0xEC50] =	vst v1  }
.Ltmp2:
0xb4: {  	[tilespmem:s7+$0xEC60] =	vst v2;
	(pc) =	sbr.rel @p1 .LBB2_4-.Ltmp2, $4  }
0xb5: {  	[spmem:s3] =	stream.indirect.scatter.add.f32 [tilespmem:s28], [sflag:$0x3], $0x40, s1, s22, $0xb8;
	[tilespmem:$0x1CFC0] =	vst v63  }
0xb6: {  	_ =	swait.ge [sflag:s20], $0x2800  }
0xb7: {  	[sflag:s20] =	ssyncset.done $0x0  }
0xb8: {  	[sflag:s20] =	ssyncadd.s32 $0xFFFFD800  }
0xb9: {  	[bflag:$0x0] =	sbarrier.arrive $0xFFFF  }
0xba: {  	[tilespmem:s19], [sflag:$0x4] =	stream.linear.gather [spmem:s8], $0x1F40, $0x38;
	[tilespmem:$0x1CFC0] =	vst v63  }
0xbb: {  	_ =	swait.ge [sflag:s29], $0x1F40  }
0xbc: {  	s1 =	simm.s32 $0x4;
	[sflag:s29] =	ssyncset.done $0x0  }
0xbd: {  	s1 =	simm.s32 @!p0 $0x3;
	[sflag:s29] =	ssyncadd.s32 $0xFFFFE0C0  }
0xbe: {  	[hbm4b:s14+s4] =	stream.linear.scatter [tilespmem:s19], [sflag:s1], $0x1F40, $0x38;
	[tilespmem:$0x1CFC0] =	vst v63  }
0xbf: {  	_ =	swait.ge [sflag:s1], $0x1F40  }
0xc0: {  	[sflag:s1] =	ssyncset.done $0x0  }
0xc1: {  	[sflag:s1] =	ssyncadd.s32 $0xFFFFE0C0  }
0xc2: {  	[tilespmem:s19], [sflag:$0x4] =	stream.linear.gather [spmem:s10], $0x1F40, $0x38;
	[tilespmem:$0x1CFC0] =	vst v63  }
0xc3: {  	_ =	swait.ge [sflag:s29], $0x1F40  }
0xc4: {  	[sflag:s29] =	ssyncset.done $0x0  }
0xc5: {  	[sflag:s29] =	ssyncadd.s32 $0xFFFFE0C0  }
0xc6: {  	[hbm4b:s15+s4] =	stream.linear.scatter [tilespmem:s19], [sflag:s1], $0x1F40, $0x38;
	[tilespmem:$0x1CFC0] =	vst v63  }
0xc7: {  	_ =	swait.ge [sflag:s1], $0x1F40  }
0xc8: {  	[sflag:s1] =	ssyncset.done $0x0  }
0xc9: {  	[sflag:s1] =	ssyncadd.s32 $0xFFFFE0C0  }
0xca: {  	[tilespmem:s19], [sflag:$0x4] =	stream.linear.gather [spmem:s11], $0x1F40, $0x38;
	[tilespmem:$0x1CFC0] =	vst v63  }
0xcb: {  	_ =	swait.ge [sflag:s29], $0x1F40  }
0xcc: {  	[sflag:s29] =	ssyncset.done $0x0  }
0xcd: {  	[sflag:s29] =	ssyncadd.s32 $0xFFFFE0C0  }
0xce: {  	[hbm4b:s16+s4] =	stream.linear.scatter [tilespmem:s19], [sflag:s1], $0x1F40, $0x38;
	[tilespmem:$0x1CFC0] =	vst v63  }
0xcf: {  	_ =	swait.ge [sflag:s1], $0x1F40  }
0xd0: {  	[sflag:s1] =	ssyncset.done $0x0  }
0xd1: {  	[sflag:s1] =	ssyncadd.s32 $0xFFFFE0C0  }
0xd2: {  	[tilespmem:s19], [sflag:$0x4] =	stream.linear.gather [spmem:s12], $0x1F40, $0x38;
	[tilespmem:$0x1CFC0] =	vst v63  }
0xd3: {  	_ =	swait.ge [sflag:s29], $0x1F40  }
0xd4: {  	[sflag:s29] =	ssyncset.done $0x0  }
0xd5: {  	[sflag:s29] =	ssyncadd.s32 $0xFFFFE0C0  }
0xd6: {  	[hbm4b:s17+s4] =	stream.linear.scatter [tilespmem:s19], [sflag:s1], $0x1F40, $0x38;
	[tilespmem:$0x1CFC0] =	vst v63  }
0xd7: {  	_ =	swait.ge [sflag:s1], $0x1F40  }
0xd8: {  	[sflag:s1] =	ssyncset.done $0x0  }
0xd9: {  	[sflag:s1] =	ssyncadd.s32 $0xFFFFE0C0  }
0xda: {  	[tilespmem:s19], [sflag:$0x4] =	stream.linear.gather [spmem:s13], $0x1F40, $0x38;
	[tilespmem:$0x1CFC0] =	vst v63  }
0xdb: {  	_ =	swait.ge [sflag:s29], $0x1F40  }
0xdc: {  	[sflag:s29] =	ssyncset.done $0x0  }
0xdd: {  	[sflag:s29] =	ssyncadd.s32 $0xFFFFE0C0  }
0xde: {  	[hbm4b:s18+s4] =	stream.linear.scatter [tilespmem:s19], [sflag:s1], $0x1F40, $0x38;
	[tilespmem:$0x1CFC0] =	vst v63  }
0xdf: {  	_ =	swait.ge [sflag:s1], $0x1F40  }
0xe0: {  	s30 =	sadd.s32 $0x1, s30;
	s2 =	rddreg [dreg:$0x6]  }
0xe1: {  	p1 =	sne.s32 s30, s2  }
.Ltmp3:
0xe2: {  	_ = 	snop;
	(pc) =	sbr.rel @p1 .LBB2_1-.Ltmp3, $3  }
0xe3: {  	_ =	sdelay $0x1  }
0xe4: {  	[sflag:s1] =	ssyncset.done $0x0  }
0xe5: {  	[sflag:s1] =	ssyncadd.s32 $0xFFFFE0C0  }
0xe6: {  	_ =	sfence.sel $0x180000  }
0xe7: {  	[bflag:$0x0] =	sbarrier.arrive $0xFFFF  }
0xe8: {  	_ =	strace $0x9000004A  }
0xe9: {  	s0 =	stileid.u32;
	[bflag:$0x2] =	sbarrier.arrive $0xFFFF  }
0xea: {  	p0 =	sne.s32 s0, $0x0;
	s0 =	rddreg [dreg:$0x3]  }
0xeb: {  	s0 =	sadd.s32 @!p0 $0x100000, s0  }
0xec: {  	[sflag:s0] =	ssyncadd.tile.s32 @!p0 $0x1;
	_ =	shalt  }
.Lfunc_end2:
_tile_overlayer_lowered:
.L_overlay_start_2:
0xed: {  	(tag) =	ssettag $0x2  }
0xee: {  	s0 =	rddreg [dreg:$0x0];
	s2 =	stileid.u32  }
0xef: {  	s1 =	rddreg [dreg:$0x1];
	p0 =	sne.s32 s2, $0x0  }
0xf0: {  	s3 =	rddreg [dreg:$0x2];
	[bflag:$0x3] =	sbarrier.arrive $0xFFFF;
	s2 =	simm.s32 @!p0 $0x1C03  }
0xf1: {  	[timem:s3], [sflag:s2] =	dma.local @!p0 [hbm:s0], s1  }
0xf2: {  	s0 =	simm.s32 @!p0 $0x3  }
0xf3: {  	_ =	swait.ge @!p0 [sflag:s0], s1  }
0xf4: {  	s1 =	ssub.s32 @!p0 $0x0, s1;
	[sflag:s0] =	ssyncset.done @!p0 $0x0  }
0xf5: {  	[sflag:s0] =	ssyncadd.s32 @!p0 s1  }
0xf6: {  	[bflag:$0x3] =	sbarrier.arrive $0xFFFF  }
0xf7: {  	_ =	shalt  }

// kernel: kernel.21.cloned.1.call-start
scs
__scs_entry_jumppad:
0x0: {  	(pc) =	sbr.rel $0x88, $3  }
0x1: {  	(tag) =	ssettag $0x0;
	lr =	simm.s32 $0x1  }
0x2: {  	[smem:$0x3F89] =	sst lr;
	_ =	strace $0xD0000000  }
0x3: {  	_ = 	snop  }
0x4: {  	_ = 	snop  }
0x5: {  	_ = 	snop  }
0x6: {  	_ = 	snop  }
0x7: {  	_ = 	snop  }
__scs_overlays_trampoline_lowered:
0x8: {  	[smem:$0x3F98] =	sst s0  }
0x9: {  	[smem:$0x3F99] =	sst s1  }
0xa: {  	[smem:$0x3F9A] =	sst s2  }
0xb: {  	[smem:$0x3F9B] =	sst s3  }
0xc: {  	[smem:$0x3F9C] =	sst s4  }
0xd: {  	[smem:$0x3F9D] =	sst s5  }
0xe: {  	[smem:$0x3F9E] =	sst s6  }
0xf: {  	[smem:$0x3F9F] =	sst s7  }
0x10: {  	[smem:$0x3FA0] =	sst s8  }
0x11: {  	[smem:$0x3FA1] =	sst s9;
	s0 =	simm.s32 @!p0 $0x0  }
0x12: {  	s1 =	sld [smem:$0x3F87];
	s0 =	simm.s32 @p0 $0x1  }
0x13: {  	[smem:$0x3FA2] =	sst s0;
	s0 =	simm.s32 @!p1 $0x0  }
0x14: {  	s2 =	sld [smem:$0x3F86];
	s0 =	simm.s32 @p1 $0x1  }
0x15: {  	[smem:$0x3FA3] =	sst s0;
	s0 =	simm.s32 @!p2 $0x0  }
0x16: {  	s3 =	sld [smem:$0x3FDB];
	s0 =	simm.s32 @p2 $0x1  }
0x17: {  	s4 =	simm.s32 $0x1BF5;
	[smem:$0x3FA5] =	sst s0  }
0x18: {  	s0 =	sld [smem:$0x3F88];
	_ =	swait.ge [sflag:s4], $0x0  }
0x19: {  	s7 =	sld [smem:$0x3F89]  }
0x1a: {  	s8 =	sadd.s32 $0xFFFFE003, lr  }
0x1b: {  	s9 =	sadd.s32 $0xFFFFFEF7, lr;
	s5 =	simm.s32 $0xFFFFFFFF;
	p2 =	slt.u32 s8, $0xFFFFF086  }
0x1c: {  	p1 =	slt.u32 s9, $0xF7A;
	s5 =	simm.s32 @!p2 $0x0  }
0x1d: {  	s5 =	simm.s32 @p1 $0x1;
	p0 =	seq.s32 s7, s2  }
0x1e: {  	s7 =	smul.u32 @!p0 $0xF7A, s2;
	p2 =	seq.s32 @!p0 s5, $0x0  }
0x1f: {  	s9 =	smul.u32 $0xF7A, s1;
	s8 =	simm.s32 @!p0 $0x1BF5;
	p2 =	por !p2, p0  }
0x20: {  	[sflag:s8] =	ssyncset.s32 @!p0 $0xFFFFF086;
	s6 =	sadd.s32 @!p0 s3, s7;
	s7 =	simm.s32 @!p0 $0x108  }
0x21: {  	s3 =	sadd.s32 s3, s9;
	s6 =	sadd.s32 @!p0 $0x88, s6;
	s7 =	simm.s32 @p2 $0x1082  }
0x22: {  	[simem:s7], [sflag:s8] =	dma.local @!p0 [hbm:s6], $0xF7A  }
0x23: {  	s9 =	sor.u32 $0xD0000000, s2;
	s6 =	simm.s32 $0x108;
	_ =	swait.ge @!p0 [sflag:s8], $0x0  }
0x24: {  	s3 =	sadd.s32 $0x88, s3;
	s6 =	simm.s32 @!p1 $0x1082;
	[sflag:s4] =	ssyncset.s32 $0xFFFFF086  }
0x25: {  	[simem:s6], [sflag:s4] =	dma.local [hbm:s3], $0xF7A  }
0x26: {  	[smem:$0x3F89] =	sst s1;
	(tag) =	ssettag s2;
	_ =	strace s9  }
0x27: {  	s1 =	sld [smem:$0x3F99]  }
0x28: {  	s2 =	sld [smem:$0x3F9A]  }
0x29: {  	s4 =	sld [smem:$0x3F9C]  }
0x2a: {  	p0 =	seq.s32 s5, $0x0;
	s5 =	sld [smem:$0x3F9D]  }
0x2b: {  	s6 =	sld [smem:$0x3F9E]  }
0x2c: {  	s7 =	sld [smem:$0x3F9F]  }
0x2d: {  	s3 =	simm.s32 $0x108;
	s8 =	sld [smem:$0x3FA0]  }
0x2e: {  	s3 =	simm.s32 @!p0 $0x1082;
	s9 =	sld [smem:$0x3FA1]  }
0x2f: {  	lr =	sadd.s32 s0, s3;
	s0 =	sld [smem:$0x3F98]  }
0x30: {  	s3 =	sld [smem:$0x3F9B]  }
0x31: {  	[smem:$0x3FA4] =	sst s10  }
0x32: {  	s10 =	sld [smem:$0x3FA2];
	_ =	sdelay $0x3  }
0x33: {  	p0 =	seq.s32 s10, $0x1;
	s10 =	sld [smem:$0x3FA4];
	_ =	sdelay $0x3  }
0x34: {  	[smem:$0x3FA4] =	sst s10  }
0x35: {  	s10 =	sld [smem:$0x3FA3];
	_ =	sdelay $0x3  }
0x36: {  	p1 =	seq.s32 s10, $0x1;
	s10 =	sld [smem:$0x3FA4];
	_ =	sdelay $0x3  }
0x37: {  	[smem:$0x3FA4] =	sst s10  }
0x38: {  	s10 =	sld [smem:$0x3FA5]  }
0x39: {  	_ = 	snop;
	(pc) =	sbr.ind lr, $3  }
0x3a: {  	_ = 	snop  }
0x3b: {  	_ = 	snop  }
0x3c: {  	p2 =	seq.s32 s10, $0x1;
	s10 =	sld [smem:$0x3FA4]  }
0x3d: {  	_ =	shalt  }
0x3e: {  	_ =	shalt  }
0x3f: {  	_ =	shalt  }
0x40: {  	_ =	shalt  }
0x41: {  	_ =	shalt  }
0x42: {  	_ =	shalt  }
0x43: {  	_ =	shalt  }
0x44: {  	_ =	shalt  }
0x45: {  	_ =	shalt  }
0x46: {  	_ =	shalt  }
0x47: {  	_ =	shalt  }
0x48: {  	_ =	shalt  }
0x49: {  	_ =	shalt  }
0x4a: {  	_ =	shalt  }
0x4b: {  	_ =	shalt  }
0x4c: {  	_ =	shalt  }
0x4d: {  	_ =	shalt  }
0x4e: {  	_ =	shalt  }
0x4f: {  	_ =	shalt  }
0x50: {  	_ =	shalt  }
0x51: {  	_ =	shalt  }
0x52: {  	_ =	shalt  }
0x53: {  	_ =	shalt  }
0x54: {  	_ =	shalt  }
0x55: {  	_ =	shalt  }
0x56: {  	_ =	shalt  }
0x57: {  	_ =	shalt  }
0x58: {  	_ =	shalt  }
0x59: {  	_ =	shalt  }
0x5a: {  	_ =	shalt  }
0x5b: {  	_ =	shalt  }
0x5c: {  	_ =	shalt  }
0x5d: {  	_ =	shalt  }
0x5e: {  	_ =	shalt  }
0x5f: {  	_ =	shalt  }
0x60: {  	_ =	shalt  }
0x61: {  	_ =	shalt  }
0x62: {  	_ =	shalt  }
0x63: {  	_ =	shalt  }
0x64: {  	_ =	shalt  }
0x65: {  	_ =	shalt  }
0x66: {  	_ =	shalt  }
0x67: {  	_ =	shalt  }
0x68: {  	_ =	shalt  }
0x69: {  	_ =	shalt  }
0x6a: {  	_ =	shalt  }
0x6b: {  	_ =	shalt  }
0x6c: {  	_ =	shalt  }
0x6d: {  	_ =	shalt  }
0x6e: {  	_ =	shalt  }
0x6f: {  	_ =	shalt  }
0x70: {  	_ =	shalt  }
0x71: {  	_ =	shalt  }
0x72: {  	_ =	shalt  }
0x73: {  	_ =	shalt  }
0x74: {  	_ =	shalt  }
0x75: {  	_ =	shalt  }
0x76: {  	_ =	shalt  }
0x77: {  	_ =	shalt  }
0x78: {  	_ =	shalt  }
0x79: {  	_ =	shalt  }
0x7a: {  	_ =	shalt  }
0x7b: {  	_ =	shalt  }
0x7c: {  	_ =	shalt  }
0x7d: {  	_ =	shalt  }
0x7e: {  	_ =	shalt  }
0x7f: {  	_ =	shalt  }
0x80: {  	_ =	shalt  }
0x81: {  	_ =	shalt  }
0x82: {  	_ =	shalt  }
0x83: {  	_ =	shalt  }
0x84: {  	_ =	shalt  }
0x85: {  	_ =	shalt  }
0x86: {  	_ =	shalt  }
0x87: {  	_ =	shalt  }
.Lfunc_end0:
.L_simem_size_0:
called_computation.2_lowered:
.L_overlay_start_0:
0x88: {  	s2 =	sld [smem:$0x3FD9]  }
0x89: {  	s3 =	sld [smem:$0x3FFE];
	_ =	sdelay $0x1  }
0x8a: {  	s1 =	srdreg.scid  }
0x8b: {  	s0 =	sand.u32 $0x1, s1  }
0x8c: {  	s17 =	sshll.u32 s0, $0xA;
	s2 =	sadd.s32 s3, s2  }
0x8d: {  	s2 =	sadd.s32 s2, s17  }
0x8e: {  	[smem:$0x3FB0] =	sst s2  }
0x8f: {  	_ = 	snop  }
0x90: {  	s2 =	sld [smem:$0x3FD0];
	(tm) =	ssettm $0x1  }
0x91: {  	s18 =	sld [smem:$0x3FFB];
	_ =	sdelay $0x3  }
0x92: {  	_ =	strace s18  }
0x93: {  	s3 =	sld [smem:$0x3FFC];
	_ =	sdelay $0x3  }
0x94: {  	_ =	strace s3  }
0x95: {  	s3 =	sld [smem:$0x3FFD];
	_ =	sdelay $0x3  }
0x96: {  	_ =	strace s3  }
0x97: {  	_ =	strace $0x8FFFFFFF  }
0x98: {  	s19 =	sld [smem:$0x3FDB];
	_ =	sdelay $0x1  }
0x99: {  	s4 =	simm.s32 $_scs_section_size  }
0x9a: {  	s5 =	simm.s32 $_size__tile_overlayer_lowered;
	s6 =	simm.s32 $_tile_overlayer_lowered  }
0x9b: {  	s22 =	simm.s32 $0x1BFF;
	s21 =	sshll.u32 s6, $0x1;
	s3 =	sadd.s32 s4, s19  }
0x9c: {  	s7 =	simm.s32 $0x0;
	s20 =	sshll.u32 s5, $0x1;
	s5 =	sadd.s32 s21, s3  }
0x9d: {  	[timem:s7], [sflag:s22] =	dma.local [hbm:s5], s20  }
0x9e: {  	_ =	swait.ge [sflag:s22], s20  }
0x9f: {  	s4 =	ssub.s32 $0x0, s20;
	[sflag:s22] =	ssyncset.done $0x0  }
0xa0: {  	[sflag:s22] =	ssyncadd.s32 s4;
	_ =	sdelay $0x1  }
0xa1: {  	s23 =	simm.s32 $0x1B8B  }
0xa2: {  	_ =	swait.ge [sflag:s23], $0x1  }
0xa3: {  	[sflag:s23] =	ssyncset.done $0x0  }
0xa4: {  	s25 =	simm.s32 $0x1B8E;
	s24 =	sld [smem:$0x3FFE];
	[sflag:s23] =	ssyncadd.s32 $0xFFFFFFFF  }
0xa5: {  	s26 =	simm.s32 $execute0_lowered;
	[smem:$0x3FD2] =	sst s25  }
0xa6: {  	s5 =	sshll.u32 s26, $0x1;
	_ =	strace $0x8000004C;
	[dreg:$0x1] =	wrdreg $0xFFFFFFFF  }
0xa7: {  	s28 =	simm.s32 $_size_execute0_lowered;
	s3 =	sadd.s32 s3, s5;
	[dreg:$0x0] =	wrdreg $0x0  }
0xa8: {  	s5 =	sshll.u32 s28, $0x1;
	[dreg:$0x2] =	wrdreg s3  }
0xa9: {  	[dreg:$0x3] =	wrdreg s5  }
0xaa: {  	[dreg:$0x4] =	wrdreg $0xC0  }
0xab: {  	_ =	task [dreg:s7], $0x5FFFF  }
0xac: {  	[dreg:$0x1] =	wrdreg $0xFFFFFFFF  }
0xad: {  	[dreg:$0x0] =	wrdreg $0x60  }
0xae: {  	[dreg:$0x2] =	wrdreg s2  }
0xaf: {  	[dreg:$0x3] =	wrdreg s24  }
0xb0: {  	[dreg:$0x4] =	wrdreg $0x133800  }
0xb1: {  	[dreg:$0x5] =	wrdreg $0x9  }
0xb2: {  	_ =	task.clear_ibuf [dreg:s7], $0x6FFFF;
	_ =	strace $0x9000004C  }
0xb3: {  	s29 =	simm.s32 $0x9;
	_ =	strace $0x8000004E  }
0xb4: {  	_ =	swait.ge [sflag:s29], $0x1  }
0xb5: {  	[sflag:s29] =	ssyncadd.s32 $0xFFFFFFFF  }
0xb6: {  	_ =	strace $0x9000004E  }
0xb7: {  	_ =	sfence  }
0xb8: {  	s30 =	sld [smem:$0x0];
	_ =	sdelay $0x2  }
0xb9: {  	s31 =	sshll.u32 s1, $0xD;
	s1 =	sshrl.u32 s1, $0x2  }
0xba: {  	s3 =	sand.u32 $0x4000, s31;
	s1 =	sadd.s32 s1, s30  }
0xbb: {  	s0 =	sor.u32 s3, s0;
	s1 =	sshll.u32 s1, $0x11  }
0xbc: {  	s0 =	sor.u32 s1, s0  }
0xbd: {  	s0 =	sadd.s32 $0x8F2B, s0  }
0xbe: {  	[sflag:s0] =	ssyncadd.remote.s32 $0x1  }
0xbf: {  	_ =	sfence.sel $0xFFFF  }
0xc0: {  	[dreg:$0x0] =	wrdreg $0xFFFFFFFF;
	(pc) =	sbr.abs _section_cstart, $3  }
0xc1: {  	[dreg:$0x1] =	wrdreg $0xFFFFFFFF  }
0xc2: {  	_ =	task.clear_ibuf [dreg:s7], $0x2FFFF;
	_ =	strace $0x9FFFFFFF  }
0xc3: {  	(tm) =	ssettm $0x7FFFFFFF  }
tec
execute0_lowered:
.L_overlay_start_1:
0x0: {  	(tag) =	ssettag $0x1  }
0x1: {  	s0 =	rddreg [dreg:$0x0]  }
0x2: {  	s1 =	srdreg.scid;
	s2 =	rddreg [dreg:$0x1]  }
0x3: {  	s3 =	rddreg [dreg:$0x2];
	s10 =	stileid.u32;
	s4 =	simm.s32 $0x0  }
0x4: {  	s19 =	simm.s32 $0x11440;
	s20 =	simm.s32 $0x3;
	s22 =	simm.s32 $0xA0  }
0x5: {  	s23 =	simm.s32 $0x9C40;
	s28 =	simm.s32 $0xEC40;
	s29 =	simm.s32 $0x4  }
0x6: {  	s30 =	simm.s32 $0x0;
	s1 =	sand.u32 $0x1, s1;
	s9 =	smul.u32 $0x27100, s10  }
0x7: {  	[smem:$0x7FF] =	sst s4;
	s26 =	smul.u32 $0x9C40, s10;
	s5 =	sshll.u32 s1, $0x4  }
0x8: {  	_ =	strace $0x8000004D;
	s6 =	ssub.s32 $0x2, s1;
	p0 =	seq.s32 s1, $0x0  }
0x9: {  	s1 =	simm.s32 $0x55A00;
	s5 =	sor.u32 s10, s5;
	s8 =	sshrl.u32 s6, $0x1  }
0xa: {  	s25 =	sshrl.u32 s9, $0x2;
	s1 =	simm.s32 @!p0 $0x42000;
	s31 =	sshrl.u32 s26, $0x3  }
0xb: {  	s26 =	simm.s32 $0x2;
	s5 =	smul.u32 $0x9C4, s5;
	s6 =	ssub.s32 s6, s8  }
0xc: {  	s8 =	sadd.s32 s25, s3;
	s1 =	sadd.s32 s1, s2;
	s25 =	simm.s32 $0x1  }
0xd: {  	s6 =	smax.u32 s6, $0x1;
	s10 =	sadd.s32 $0x1F40, s8;
	s11 =	sadd.s32 $0x3E80, s8  }
0xe: {  	s12 =	sadd.s32 $0x5DC0, s8;
	s13 =	sadd.s32 $0x7D00, s8;
	s14 =	sadd.s32 s1, s31  }
0xf: {  	s7 =	sadd.s32 s5, s2;
	s5 =	sadd.s32 $0x2E600, s2;
	[dreg:$0x6] =	wrdreg s6  }
0x10: {  	s15 =	sadd.s32 $0x3E8, s14;
	s16 =	sadd.s32 $0x7D0, s14;
	s24 =	sadd.s32 $0x1AC00, s7  }
0x11: {  	s17 =	sadd.s32 $0xBB8, s14;
	s7 =	sadd.s32 $0x7200, s7;
	[dreg:$0x4] =	wrdreg s24  }
0x12: {  	v0 =	vimm.f32 $0.0e+00;
	s18 =	sadd.s32 $0xFA0, s14;
	[dreg:$0x5] =	wrdreg s7;
	s24 =	simm.s32 $0xC440  }
.LBB2_1:
0x13: {  	s2 =	simm.s32 $0x100;
	s1 =	simm.s32 $0x0  }
.LBB2_2:
0x14: {  	p1 =	sne.s32 s2, $0x7C00;
	[tilespmem:s1+$0x11470] =	vst v0;
	s6 =	smov.u32 s2;
	s2 =	sadd.s32 $0x100, s2  }
.Ltmp0:
0x15: {  	[tilespmem:s1+$0x11460] =	vst v0;
	(pc) =	sbr.rel @p1 .LBB2_2-.Ltmp0, $3  }
0x16: {  	[tilespmem:s1+$0x11440] =	vst v0  }
0x17: {  	[tilespmem:s1+$0x11450] =	vst v0;
	_ =	sdelay $0x1  }
0x18: {  	s1 =	sshra.s32 s6, $0x2  }
0x19: {  	[tilespmem:s1+$0x11470] =	vst v0  }
0x1a: {  	[tilespmem:s1+$0x11460] =	vst v0  }
0x1b: {  	[tilespmem:s1+$0x11440] =	vst v0  }
0x1c: {  	[tilespmem:s1+$0x11450] =	vst v0  }
0x1d: {  	[spmem:s8] =	stream.linear.scatter [tilespmem:s19], [sflag:$0x3], $0x1F40, $0x38;
	[tilespmem:$0x1CFC0] =	vst v63  }
0x1e: {  	_ =	swait.ge [sflag:s20], $0x1F40  }
0x1f: {  	[sflag:s20] =	ssyncset.done $0x0  }
0x20: {  	[sflag:s20] =	ssyncadd.s32 $0xFFFFE0C0  }
0x21: {  	[spmem:s10] =	stream.linear.scatter [tilespmem:s19], [sflag:$0x3], $0x1F40, $0x38;
	[tilespmem:$0x1CFC0] =	vst v63  }
0x22: {  	_ =	swait.ge [sflag:s20], $0x1F40  }
0x23: {  	[sflag:s20] =	ssyncset.done $0x0  }
0x24: {  	[sflag:s20] =	ssyncadd.s32 $0xFFFFE0C0  }
0x25: {  	[spmem:s11] =	stream.linear.scatter [tilespmem:s19], [sflag:$0x3], $0x1F40, $0x38;
	[tilespmem:$0x1CFC0] =	vst v63  }
0x26: {  	_ =	swait.ge [sflag:s20], $0x1F40  }
0x27: {  	[sflag:s20] =	ssyncset.done $0x0  }
0x28: {  	[sflag:s20] =	ssyncadd.s32 $0xFFFFE0C0  }
0x29: {  	[spmem:s12] =	stream.linear.scatter [tilespmem:s19], [sflag:$0x3], $0x1F40, $0x38;
	[tilespmem:$0x1CFC0] =	vst v63  }
0x2a: {  	_ =	swait.ge [sflag:s20], $0x1F40  }
0x2b: {  	[sflag:s20] =	ssyncset.done $0x0  }
0x2c: {  	[sflag:s20] =	ssyncadd.s32 $0xFFFFE0C0  }
0x2d: {  	[spmem:s13] =	stream.linear.scatter [tilespmem:s19], [sflag:$0x3], $0x1F40, $0x38;
	[tilespmem:$0x1CFC0] =	vst v63  }
0x2e: {  	_ =	swait.ge [sflag:s20], $0x1F40  }
0x2f: {  	[sflag:s20] =	ssyncset.done $0x0  }
0x30: {  	s31 =	simm.s32 $0x0;
	s9 =	rddreg [dreg:$0x4];
	[sflag:s20] =	ssyncadd.s32 $0xFFFFE0C0  }
0x31: {  	[tilespmem:s31], [sflag:$0x3] =	stream.linear.gather [hbm4b:s9+s31], $0x4E20, $0x38;
	[tilespmem:$0x1CFC0] =	vst v63  }
0x32: {  	_ =	swait.ge [sflag:s20], $0x4E20  }
0x33: {  	[sflag:s20] =	ssyncset.done $0x0  }
0x34: {  	s2 =	simm.s32 $0x4E20;
	s21 =	rddreg [dreg:$0x5];
	[sflag:s20] =	ssyncadd.s32 $0xFFFFB1E0  }
0x35: {  	[tilespmem:s2], [sflag:$0x3] =	stream.linear.gather [hbm4b:s21+s31], $0x4E20, $0x38;
	[tilespmem:$0x1CFC0] =	vst v63  }
0x36: {  	_ =	swait.ge [sflag:s20], $0x4E20  }
0x37: {  	[sflag:s20] =	ssyncset.done $0x0  }
0x38: {  	[sflag:s20] =	ssyncadd.s32 $0xFFFFB1E0  }
0x39: {  	[bflag:$0x0] =	sbarrier.arrive $0xFFFF  }
.LBB2_4:
0x3a: {  	s1 =	smul.u32 $0xA0, s31;
	_ =	sdelay $0x1  }
0x3b: {  	[tilespmem:s23], [sflag:$0x1] =	stream.indirect.gather [hbm4b:s0+s22], $0x40, s1, s22, $0xb8;
	[tilespmem:$0x1CFC0] =	vst v63  }
0x3c: {  	s1 =	sadd.s32 $0x4E20, s1  }
0x3d: {  	[tilespmem:s24], [sflag:$0x2] =	stream.indirect.gather [hbm4b:s5+s22], $0x40, s1, s22, $0xb8;
	[tilespmem:$0x1CFC0] =	vst v63  }
0x3e: {  	_ =	swait.ge [sflag:s25], $0x2800  }
0x3f: {  	[sflag:s25] =	ssyncset.done $0x0  }
0x40: {  	[sflag:s25] =	ssyncadd.s32 $0xFFFFD800  }
0x41: {  	_ =	swait.ge [sflag:s26], $0x2800  }
0x42: {  	[sflag:s26] =	ssyncset.done $0x0  }
0x43: {  	s2 =	simm.s32 $0x0;
	[sflag:s26] =	ssyncadd.s32 $0xFFFFD800  }
0x44: {  	v1 =	vld [tilespmem:s2+$0x9C70]  }
0x45: {  	v2 =	vld [tilespmem:s2+$0xC470]  }
0x46: {  	v3 =	vld [tilespmem:s2+$0x9C40]  }
0x47: {  	v4 =	vld [tilespmem:s2+$0xC440]  }
0x48: {  	v5 =	vld [tilespmem:s2+$0x9C50]  }
0x49: {  	v6 =	vld [tilespmem:s2+$0xC450]  }
0x4a: {  	v7 =	vld [tilespmem:s2+$0xC460];
	v1 =	vadd.f32 v2, v1  }
0x4b: {  	v2 =	vld [tilespmem:s2+$0x9C60]  }
0x4c: {  	v15 =	vmax.f32 v1, $-3.000000000e+01;
	v1 =	vadd.f32 v4, v3  }
0x4d: {  	v3 =	vsub.f32 $0.0e+00, v15  }
0x4e: {  	v4 =	vadd.f32 v6, v5;
	v1 =	vmax.f32 v1, $-3.000000000e+01  }
0x4f: {  	v3 =	vmul.f32 $1.442695020e+00, v3;
	v5 =	vsub.f32 $0.0e+00, v1  }
0x50: {  	v9 =	vmax.f32 v4, $-3.000000000e+01;
	v2 =	vadd.f32 v7, v2  }
0x51: {  	s21 =	simm.s32 $0x40;
	v4 =	vsub.f32 $0.0e+00, v9;
	(erf) = vpow2.f32 v3;
	v3 =	vmul.f32 $1.442695020e+00, v5  }
0x52: {  	v10 =	vmax.f32 v2, $-3.000000000e+01;
	v5 =	vld [tilespmem:s21+$0xC470]  }
0x53: {  	v2 =	vmul.f32 $1.442695020e+00, v4;
	v4 =	vsub.f32 $0.0e+00, v10;
	(erf) = vpow2.f32 v3;
	v3 =	vld [tilespmem:s21+$0x9C70]  }
0x54: {  	v6 =	vld [tilespmem:s21+$0xC440]  }
0x55: {  	(erf) = vpow2.f32 v2;
	v2 =	vmul.f32 $1.442695020e+00, v4;
	v4 =	vld [tilespmem:s21+$0x9C40];
	_ =	sdelay $0x1  }
0x56: {  	v7 =	vld [tilespmem:s21+$0xC450]  }
0x57: {  	(erf) = vpow2.f32 v2;
	v2 =	vld [tilespmem:s21+$0x9C50];
	v3 =	vadd.f32 v5, v3;
	_ =	sdelay $0x1  }
0x58: {  	v8 =	vld [tilespmem:s21+$0x9C60];
	v6 =	vadd.f32 v6, v4;
	v5 =	vpop (erf)  }
0x59: {  	v12 =	vld [tilespmem:s21+$0xC460];
	v4 =	vmax.f32 v3, $-3.000000000e+01;
	v5 =	vadd.f32 $1.000000000e+00, v5  }
0x5a: {  	v13 =	vsub.f32 $0.0e+00, v4;
	v11 =	vmax.f32 v6, $-3.000000000e+01;
	v3 =	vpop (erf)  }
0x5b: {  	v2 =	vadd.f32 v7, v2;
	(erf) = vrcp.f32 v5;
	v6 =	vadd.f32 $1.000000000e+00, v3  }
0x5c: {  	v13 =	vmul.f32 $1.442695020e+00, v13  }
0x5d: {  	v7 =	vsub.f32 $0.0e+00, v11;
	v3 =	vpop (erf);
	v2 =	vmax.f32 v2, $-3.000000000e+01;
	(erf) = vrcp.f32 v6  }
0x5e: {  	v16 =	vadd.f32 $1.000000000e+00, v3;
	v3 =	vadd.f32 v12, v8;
	(erf) = vpow2.f32 v13  }
0x5f: {  	s6 =	simm.s32 $0x80;
	v7 =	vmul.f32 $1.442695020e+00, v7;
	v12 =	vsub.f32 $0.0e+00, v2;
	v8 =	vpop (erf)  }
0x60: {  	v14 =	vld [tilespmem:s6+$0xC470];
	v21 =	vadd.f32 $1.000000000e+00, v8;
	v3 =	vmax.f32 v3, $-3.000000000e+01;
	(erf) = vrcp.f32 v16  }
0x61: {  	v8 =	vmul.f32 $1.442695020e+00, v12;
	v13 =	vld [tilespmem:s6+$0x9C70];
	(erf) = vpow2.f32 v7;
	v7 =	vsub.f32 $0.0e+00, v3  }
0x62: {  	v18 =	vld [tilespmem:s6+$0xC440];
	(erf) = vrcp.f32 v21  }
0x63: {  	(erf) = vpow2.f32 v8;
	v7 =	vmul.f32 $1.442695020e+00, v7;
	v8 =	vld [tilespmem:s6+$0x9C40]  }
0x64: {  	v19 =	vld [tilespmem:s6+$0xC450];
	v17 =	vpop (erf)  }
0x65: {  	(erf) = vpow2.f32 v7;
	v7 =	vld [tilespmem:s6+$0x9C50];
	v5 =	vmul.f32 v17, v5  }
0x66: {  	v22 =	vadd.f32 v14, v13;
	v12 =	vpop (erf)  }
0x67: {  	v20 =	vld [tilespmem:s6+$0x9C60];
	v5 =	vsub.f32 $2.000000000e+00, v5;
	v13 =	vpop (erf);
	v25 =	vmul.f32 v12, v6  }
0x68: {  	v6 =	vld [tilespmem:s6+$0xC460];
	v23 =	vadd.f32 v18, v8;
	v8 =	vmax.f32 v22, $-3.000000000e+01;
	v14 =	vadd.f32 $1.000000000e+00, v13  }
0x69: {  	v13 =	vpop (erf);
	v24 =	vsub.f32 $0.0e+00, v8;
	v5 =	vmul.f32 v5, v17  }
0x6a: {  	v22 =	vpop (erf);
	v18 =	vmul.f32 v13, v16;
	v7 =	vadd.f32 v19, v7;
	(erf) = vrcp.f32 v14  }
0x6b: {  	v17 =	vpop (erf);
	v16 =	vadd.f32 $1.000000000e+00, v22;
	v26 =	vmul.f32 v5, v15;
	v5 =	vmax.f32 v23, $-3.000000000e+01  }
0x6c: {  	v22 =	vmul.f32 $1.442695020e+00, v24;
	v15 =	vpop (erf);
	v7 =	vmax.f32 v7, $-3.000000000e+01;
	v19 =	vsub.f32 $0.0e+00, v5  }
0x6d: {  	v15 =	vadd.f32 $1.000000000e+00, v15;
	v6 =	vadd.f32 v6, v20;
	(erf) = vrcp.f32 v16  }
0x6e: {  	v20 =	vpop (erf);
	(erf) = vpow2.f32 v22;
	v22 =	vsub.f32 $0.0e+00, v7;
	v27 =	vmul.f32 $1.442695020e+00, v19  }
0x6f: {  	v6 =	vmax.f32 v6, $-3.000000000e+01;
	v19 =	vadd.f32 $1.000000000e+00, v20;
	(erf) = vrcp.f32 v15  }
0x70: {  	s7 =	simm.s32 $0xC0;
	[tilespmem:s2+$0xEC70] =	vst v26;
	v23 =	vmul.f32 $1.442695020e+00, v22;
	v24 =	vsub.f32 $0.0e+00, v6;
	(erf) = vpow2.f32 v27  }
0x71: {  	s9 =	simm.s32 $0x400;
	v21 =	vmul.f32 v17, v21;
	v20 =	vsub.f32 $2.000000000e+00, v25;
	v22 =	vld [tilespmem:s7+$0x9C70];
	(erf) = vrcp.f32 v19  }
.LBB2_5:
0x72: {  	p1 =	sne.s32 s9, $0x9F00;
	v25 =	vld [tilespmem:s7+$0xC470];
	v24 =	vmul.f32 $1.442695020e+00, v24;
	(erf) = vpow2.f32 v23;
	v18 =	vsub.f32 $2.000000000e+00, v18;
	v26 =	vmovc v19  }
0x73: {  	v19 =	vld [tilespmem:s7+$0x9C40];
	v23 =	vpop (erf);
	v20 =	vmul.f32 v20, v12;
	v28 =	vsub.f32 $2.000000000e+00, v21  }
0x74: {  	v21 =	vld [tilespmem:s7+$0xC440];
	(erf) = vpow2.f32 v24;
	v29 =	vmul.f32 v23, v14  }
0x75: {  	v30 =	vmul.f32 v18, v13;
	v24 =	vld [tilespmem:s7+$0x9C50];
	v17 =	vmul.f32 v28, v17  }
0x76: {  	v20 =	vmul.f32 v20, v1;
	v1 =	vmov v11;
	v27 =	vld [tilespmem:s7+$0xC450];
	v18 =	vsub.f32 $2.000000000e+00, v29;
	v12 =	vpop (erf)  }
0x77: {  	v9 =	vmul.f32 v30, v9;
	v11 =	vld [tilespmem:s7+$0x9C60];
	v22 =	vadd.f32 v25, v22;
	v14 =	vpop (erf);
	v25 =	vmul.f32 v12, v16  }
0x78: {  	v10 =	vmul.f32 v17, v10;
	v28 =	vld [tilespmem:s7+$0xC460];
	v14 =	vadd.f32 $1.000000000e+00, v14;
	v16 =	vmul.f32 v18, v23;
	v13 =	vpop (erf);
	[tilespmem:s2+$0xEC40] =	vst v20  }
0x79: {  	v19 =	vadd.f32 v21, v19;
	v20 =	vmax.f32 v22, $-3.000000000e+01;
	v21 =	vpop (erf);
	v18 =	vmul.f32 v13, v15;
	[tilespmem:s2+$0xEC50] =	vst v9  }
0x7a: {  	v9 =	vsub.f32 $0.0e+00, v20;
	(erf) = vrcp.f32 v14;
	v23 =	vmul.f32 v16, v4;
	v17 =	vpop (erf);
	[tilespmem:s2+$0xEC60] =	vst v10;
	s2 =	smov.u32 s21;
	s21 =	smov.u32 s6;
	s6 =	smov.u32 s7  }
0x7b: {  	v16 =	vadd.f32 $1.000000000e+00, v21;
	v10 =	vmax.f32 v19, $-3.000000000e+01;
	v19 =	vadd.f32 v27, v24;
	v15 =	vpop (erf)  }
0x7c: {  	v4 =	vmovc v8;
	v8 =	vmovc v20;
	v21 =	vsub.f32 $0.0e+00, v10;
	v24 =	vmul.f32 $1.442695020e+00, v9;
	v15 =	vadd.f32 $1.000000000e+00, v15;
	[tilespmem:s2+$0xEC70] =	vst v23  }
.Ltmp1:
0x7d: {  	v20 =	vmax.f32 v19, $-3.000000000e+01;
	v19 =	vadd.f32 v28, v11;
	(erf) = vrcp.f32 v16;
	v22 =	vpop (erf);
	(pc) =	sbr.rel @p1 .LBB2_5-.Ltmp1, $4  }
0x7e: {  	v11 =	vmovc v5;
	v5 =	vmovc v10;
	v21 =	vmul.f32 $1.442695020e+00, v21;
	v23 =	vsub.f32 $0.0e+00, v20;
	(erf) = vpow2.f32 v24  }
0x7f: {  	v9 =	vmovc v2;
	v2 =	vmovc v7;
	v27 =	vmax.f32 v19, $-3.000000000e+01;
	v19 =	vadd.f32 $1.000000000e+00, v22;
	(erf) = vrcp.f32 v15  }
0x80: {  	s7 =	sshra.s32 s9, $0x2;
	v7 =	vmovc v20;
	v10 =	vmovc v3;
	v23 =	vmul.f32 $1.442695020e+00, v23;
	v24 =	vsub.f32 $0.0e+00, v27;
	(erf) = vpow2.f32 v21  }
0x81: {  	s9 =	sadd.s32 $0x100, s9;
	v20 =	vsub.f32 $2.000000000e+00, v25;
	v3 =	vmovc v6;
	v21 =	vmul.f32 v17, v26;
	v6 =	vmovc v27;
	v22 =	vld [tilespmem:s7+$0x9C70];
	(erf) = vrcp.f32 v19  }
0x82: {  	v25 =	vld [tilespmem:s7+$0xC470]  }
0x83: {  	v49 =	vld [tilespmem:s7+$0x9C40]  }
0x84: {  	v26 =	vld [tilespmem:s7+$0xC440]  }
0x85: {  	v27 =	vld [tilespmem:s7+$0x9C50]  }
0x86: {  	v50 =	vld [tilespmem:s7+$0xC450]  }
0x87: {  	(erf) = vpow2.f32 v23;
	v24 =	vmul.f32 $1.442695020e+00, v24;
	v30 =	vld [tilespmem:s7+$0x9C60]  }
0x88: {  	v31 =	vld [tilespmem:s7+$0xC460]  }
0x89: {  	(erf) = vpow2.f32 v24  }
0x8a: {  	v28 =	vpop (erf)  }
0x8b: {  	v29 =	vpop (erf);
	v22 =	vadd.f32 v25, v22  }
0x8c: {  	v51 =	vpop (erf);
	v23 =	vadd.f32 v26, v49  }
0x8d: {  	v24 =	vadd.f32 v50, v27;
	v30 =	vadd.f32 v31, v30;
	v32 =	vpop (erf);
	v22 =	vmax.f32 v22, $-3.000000000e+01  }
0x8e: {  	v25 =	vadd.f32 $1.000000000e+00, v51;
	v52 =	vpop (erf);
	v33 =	vsub.f32 $0.0e+00, v22  }
0x8f: {  	v23 =	vmax.f32 v23, $-3.000000000e+01;
	v24 =	vmax.f32 v24, $-3.000000000e+01;
	v34 =	vpop (erf);
	v26 =	vadd.f32 $1.000000000e+00, v52  }
0x90: {  	(erf) = vrcp.f32 v25;
	v35 =	vsub.f32 $0.0e+00, v23;
	v53 =	vpop (erf);
	v33 =	vmul.f32 $1.442695020e+00, v33  }
0x91: {  	v30 =	vmax.f32 v30, $-3.000000000e+01;
	v27 =	vadd.f32 $1.000000000e+00, v53;
	(erf) = vrcp.f32 v26  }
0x92: {  	v36 =	vsub.f32 $0.0e+00, v24;
	v54 =	vmul.f32 $1.442695020e+00, v35;
	v55 =	vpop (erf);
	(erf) = vpow2.f32 v33  }
0x93: {  	v57 =	vsub.f32 $0.0e+00, v30;
	v56 =	vadd.f32 $1.000000000e+00, v55;
	(erf) = vrcp.f32 v27  }
0x94: {  	v58 =	vmul.f32 $1.442695020e+00, v36;
	(erf) = vpow2.f32 v54  }
0x95: {  	v35 =	vmul.f32 $1.442695020e+00, v57;
	(erf) = vrcp.f32 v56  }
0x96: {  	(erf) = vpow2.f32 v58  }
0x97: {  	(erf) = vpow2.f32 v35;
	_ =	sdelay $0x1  }
0x98: {  	v59 =	vpop (erf)  }
0x99: {  	v18 =	vsub.f32 $2.000000000e+00, v18;
	v60 =	vpop (erf)  }
0x9a: {  	v12 =	vmul.f32 v20, v12;
	v61 =	vsub.f32 $2.000000000e+00, v21;
	v14 =	vmul.f32 v28, v14;
	v62 =	vpop (erf)  }
0x9b: {  	v13 =	vmul.f32 v18, v13;
	v63 =	vpop (erf)  }
0x9c: {  	v17 =	vmul.f32 v61, v17;
	v1 =	vmul.f32 v12, v1;
	v14 =	vsub.f32 $2.000000000e+00, v14;
	v36 =	vpop (erf)  }
0x9d: {  	v9 =	vmul.f32 v13, v9;
	v16 =	vmul.f32 v29, v16;
	v37 =	vadd.f32 $1.000000000e+00, v62;
	v38 =	vpop (erf)  }
0x9e: {  	v10 =	vmul.f32 v17, v10;
	v15 =	vmul.f32 v32, v15;
	v12 =	vadd.f32 $1.000000000e+00, v36;
	v39 =	vpop (erf)  }
0x9f: {  	v16 =	vsub.f32 $2.000000000e+00, v16;
	(erf) = vrcp.f32 v37;
	v17 =	vadd.f32 $1.000000000e+00, v39;
	v40 =	vpop (erf)  }
0xa0: {  	v19 =	vmul.f32 v34, v19;
	(erf) = vrcp.f32 v12;
	v21 =	vadd.f32 $1.000000000e+00, v40  }
0xa1: {  	v14 =	vmul.f32 v14, v28;
	v15 =	vsub.f32 $2.000000000e+00, v15;
	(erf) = vrcp.f32 v17  }
0xa2: {  	v41 =	vmul.f32 v16, v29;
	v19 =	vsub.f32 $2.000000000e+00, v19;
	(erf) = vrcp.f32 v21  }
0xa3: {  	v15 =	vmul.f32 v15, v32;
	v25 =	vmul.f32 v59, v25  }
0xa4: {  	v42 =	vmul.f32 v19, v34;
	v44 =	vmul.f32 v60, v26  }
0xa5: {  	v4 =	vmul.f32 v14, v4;
	v11 =	vmul.f32 v41, v11;
	v43 =	vsub.f32 $2.000000000e+00, v25  }
0xa6: {  	[tilespmem:s2+$0xEC40] =	vst v1;
	v2 =	vmul.f32 v15, v2;
	v3 =	vmul.f32 v42, v3;
	v46 =	vsub.f32 $2.000000000e+00, v44  }
0xa7: {  	[tilespmem:s2+$0xEC50] =	vst v9;
	v1 =	vmul.f32 v43, v59;
	v45 =	vmul.f32 v63, v27  }
0xa8: {  	[tilespmem:s2+$0xEC60] =	vst v10;
	v50 =	vmul.f32 v46, v60;
	v47 =	vmul.f32 v38, v56;
	v49 =	vpop (erf)  }
0xa9: {  	[tilespmem:s21+$0xEC70] =	vst v4;
	v1 =	vmul.f32 v1, v8;
	v48 =	vsub.f32 $2.000000000e+00, v45;
	v13 =	vmul.f32 v49, v37;
	v52 =	vpop (erf)  }
0xaa: {  	[tilespmem:s21+$0xEC60] =	vst v3;
	v3 =	vmul.f32 v50, v5;
	v51 =	vsub.f32 $2.000000000e+00, v47;
	v53 =	vmul.f32 v52, v12;
	v54 =	vpop (erf)  }
0xab: {  	[tilespmem:s21+$0xEC40] =	vst v11;
	v8 =	vmul.f32 v48, v63;
	v55 =	vsub.f32 $2.000000000e+00, v13;
	v56 =	vmul.f32 v54, v17;
	v57 =	vpop (erf)  }
0xac: {  	[tilespmem:s21+$0xEC50] =	vst v2;
	v2 =	vmul.f32 v51, v38;
	v58 =	vsub.f32 $2.000000000e+00, v53;
	v59 =	vmul.f32 v57, v21  }
0xad: {  	[tilespmem:s6+$0xEC70] =	vst v1;
	v1 =	vmul.f32 v8, v7;
	v60 =	vmul.f32 v55, v49;
	v61 =	vsub.f32 $2.000000000e+00, v56  }
0xae: {  	[tilespmem:s6+$0xEC40] =	vst v3;
	v2 =	vmul.f32 v2, v6;
	v3 =	vmul.f32 v58, v52;
	v62 =	vsub.f32 $2.000000000e+00, v59  }
0xaf: {  	[tilespmem:s6+$0xEC50] =	vst v1;
	v1 =	vmul.f32 v60, v22;
	v63 =	vmul.f32 v61, v54  }
0xb0: {  	[tilespmem:s6+$0xEC60] =	vst v2;
	v3 =	vmul.f32 v3, v23;
	v2 =	vmul.f32 v62, v57  }
0xb1: {  	[tilespmem:s7+$0xEC70] =	vst v1;
	v1 =	vmul.f32 v63, v24  }
0xb2: {  	s31 =	sadd.s32 $0x1, s31;
	[tilespmem:s7+$0xEC40] =	vst v3;
	v2 =	vmul.f32 v2, v30  }
0xb3: {  	p1 =	sne.s32 s31, $0x7D;
	[tilespmem:s7+$0xEC50] =	vst v1  }
.Ltmp2:
0xb4: {  	[tilespmem:s7+$0xEC60] =	vst v2;
	(pc) =	sbr.rel @p1 .LBB2_4-.Ltmp2, $4  }
0xb5: {  	[spmem:s3] =	stream.indirect.scatter.add.f32 [tilespmem:s28], [sflag:$0x3], $0x40, s1, s22, $0xb8;
	[tilespmem:$0x1CFC0] =	vst v63  }
0xb6: {  	_ =	swait.ge [sflag:s20], $0x2800  }
0xb7: {  	[sflag:s20] =	ssyncset.done $0x0  }
0xb8: {  	[sflag:s20] =	ssyncadd.s32 $0xFFFFD800  }
0xb9: {  	[bflag:$0x0] =	sbarrier.arrive $0xFFFF  }
0xba: {  	[tilespmem:s19], [sflag:$0x4] =	stream.linear.gather [spmem:s8], $0x1F40, $0x38;
	[tilespmem:$0x1CFC0] =	vst v63  }
0xbb: {  	_ =	swait.ge [sflag:s29], $0x1F40  }
0xbc: {  	s1 =	simm.s32 $0x4;
	[sflag:s29] =	ssyncset.done $0x0  }
0xbd: {  	s1 =	simm.s32 @!p0 $0x3;
	[sflag:s29] =	ssyncadd.s32 $0xFFFFE0C0  }
0xbe: {  	[hbm4b:s14+s4] =	stream.linear.scatter [tilespmem:s19], [sflag:s1], $0x1F40, $0x38;
	[tilespmem:$0x1CFC0] =	vst v63  }
0xbf: {  	_ =	swait.ge [sflag:s1], $0x1F40  }
0xc0: {  	[sflag:s1] =	ssyncset.done $0x0  }
0xc1: {  	[sflag:s1] =	ssyncadd.s32 $0xFFFFE0C0  }
0xc2: {  	[tilespmem:s19], [sflag:$0x4] =	stream.linear.gather [spmem:s10], $0x1F40, $0x38;
	[tilespmem:$0x1CFC0] =	vst v63  }
0xc3: {  	_ =	swait.ge [sflag:s29], $0x1F40  }
0xc4: {  	[sflag:s29] =	ssyncset.done $0x0  }
0xc5: {  	[sflag:s29] =	ssyncadd.s32 $0xFFFFE0C0  }
0xc6: {  	[hbm4b:s15+s4] =	stream.linear.scatter [tilespmem:s19], [sflag:s1], $0x1F40, $0x38;
	[tilespmem:$0x1CFC0] =	vst v63  }
0xc7: {  	_ =	swait.ge [sflag:s1], $0x1F40  }
0xc8: {  	[sflag:s1] =	ssyncset.done $0x0  }
0xc9: {  	[sflag:s1] =	ssyncadd.s32 $0xFFFFE0C0  }
0xca: {  	[tilespmem:s19], [sflag:$0x4] =	stream.linear.gather [spmem:s11], $0x1F40, $0x38;
	[tilespmem:$0x1CFC0] =	vst v63  }
0xcb: {  	_ =	swait.ge [sflag:s29], $0x1F40  }
0xcc: {  	[sflag:s29] =	ssyncset.done $0x0  }
0xcd: {  	[sflag:s29] =	ssyncadd.s32 $0xFFFFE0C0  }
0xce: {  	[hbm4b:s16+s4] =	stream.linear.scatter [tilespmem:s19], [sflag:s1], $0x1F40, $0x38;
	[tilespmem:$0x1CFC0] =	vst v63  }
0xcf: {  	_ =	swait.ge [sflag:s1], $0x1F40  }
0xd0: {  	[sflag:s1] =	ssyncset.done $0x0  }
0xd1: {  	[sflag:s1] =	ssyncadd.s32 $0xFFFFE0C0  }
0xd2: {  	[tilespmem:s19], [sflag:$0x4] =	stream.linear.gather [spmem:s12], $0x1F40, $0x38;
	[tilespmem:$0x1CFC0] =	vst v63  }
0xd3: {  	_ =	swait.ge [sflag:s29], $0x1F40  }
0xd4: {  	[sflag:s29] =	ssyncset.done $0x0  }
0xd5: {  	[sflag:s29] =	ssyncadd.s32 $0xFFFFE0C0  }
0xd6: {  	[hbm4b:s17+s4] =	stream.linear.scatter [tilespmem:s19], [sflag:s1], $0x1F40, $0x38;
	[tilespmem:$0x1CFC0] =	vst v63  }
0xd7: {  	_ =	swait.ge [sflag:s1], $0x1F40  }
0xd8: {  	[sflag:s1] =	ssyncset.done $0x0  }
0xd9: {  	[sflag:s1] =	ssyncadd.s32 $0xFFFFE0C0  }
0xda: {  	[tilespmem:s19], [sflag:$0x4] =	stream.linear.gather [spmem:s13], $0x1F40, $0x38;
	[tilespmem:$0x1CFC0] =	vst v63  }
0xdb: {  	_ =	swait.ge [sflag:s29], $0x1F40  }
0xdc: {  	[sflag:s29] =	ssyncset.done $0x0  }
0xdd: {  	[sflag:s29] =	ssyncadd.s32 $0xFFFFE0C0  }
0xde: {  	[hbm4b:s18+s4] =	stream.linear.scatter [tilespmem:s19], [sflag:s1], $0x1F40, $0x38;
	[tilespmem:$0x1CFC0] =	vst v63  }
0xdf: {  	_ =	swait.ge [sflag:s1], $0x1F40  }
0xe0: {  	s30 =	sadd.s32 $0x1, s30;
	s2 =	rddreg [dreg:$0x6]  }
0xe1: {  	p1 =	sne.s32 s30, s2  }
.Ltmp3:
0xe2: {  	_ = 	snop;
	(pc) =	sbr.rel @p1 .LBB2_1-.Ltmp3, $3  }
0xe3: {  	_ =	sdelay $0x1  }
0xe4: {  	[sflag:s1] =	ssyncset.done $0x0  }
0xe5: {  	[sflag:s1] =	ssyncadd.s32 $0xFFFFE0C0  }
0xe6: {  	_ =	sfence.sel $0x180000  }
0xe7: {  	[bflag:$0x0] =	sbarrier.arrive $0xFFFF  }
0xe8: {  	_ =	strace $0x9000004D  }
0xe9: {  	s0 =	stileid.u32;
	[bflag:$0x2] =	sbarrier.arrive $0xFFFF  }
0xea: {  	p0 =	sne.s32 s0, $0x0;
	s0 =	rddreg [dreg:$0x3]  }
0xeb: {  	s0 =	sadd.s32 @!p0 $0x100000, s0  }
0xec: {  	[sflag:s0] =	ssyncadd.tile.s32 @!p0 $0x1;
	_ =	shalt  }
.Lfunc_end2:
_tile_overlayer_lowered:
.L_overlay_start_2:
0xed: {  	(tag) =	ssettag $0x2  }
0xee: {  	s0 =	rddreg [dreg:$0x0];
	s2 =	stileid.u32  }
0xef: {  	s1 =	rddreg [dreg:$0x1];
	p0 =	sne.s32 s2, $0x0  }
0xf0: {  	s3 =	rddreg [dreg:$0x2];
	[bflag:$0x3] =	sbarrier.arrive $0xFFFF;
	s2 =	simm.s32 @!p0 $0x1C03  }
0xf1: {  	[timem:s3], [sflag:s2] =	dma.local @!p0 [hbm:s0], s1  }
0xf2: {  	s0 =	simm.s32 @!p0 $0x3  }
0xf3: {  	_ =	swait.ge @!p0 [sflag:s0], s1  }
0xf4: {  	s1 =	ssub.s32 @!p0 $0x0, s1;
	[sflag:s0] =	ssyncset.done @!p0 $0x0  }
0xf5: {  	[sflag:s0] =	ssyncadd.s32 @!p0 s1  }
0xf6: {  	[bflag:$0x3] =	sbarrier.arrive $0xFFFF  }
0xf7: {  	_ =	shalt  }

// kernel: kernel.24.cloned.1.call-start
scs
__scs_entry_jumppad:
0x0: {  	(pc) =	sbr.rel $0x88, $3  }
0x1: {  	(tag) =	ssettag $0x0;
	lr =	simm.s32 $0x1  }
0x2: {  	[smem:$0x3F89] =	sst lr;
	_ =	strace $0xD0000000  }
0x3: {  	_ = 	snop  }
0x4: {  	_ = 	snop  }
0x5: {  	_ = 	snop  }
0x6: {  	_ = 	snop  }
0x7: {  	_ = 	snop  }
__scs_overlays_trampoline_lowered:
0x8: {  	[smem:$0x3F98] =	sst s0  }
0x9: {  	[smem:$0x3F99] =	sst s1  }
0xa: {  	[smem:$0x3F9A] =	sst s2  }
0xb: {  	[smem:$0x3F9B] =	sst s3  }
0xc: {  	[smem:$0x3F9C] =	sst s4  }
0xd: {  	[smem:$0x3F9D] =	sst s5  }
0xe: {  	[smem:$0x3F9E] =	sst s6  }
0xf: {  	[smem:$0x3F9F] =	sst s7  }
0x10: {  	[smem:$0x3FA0] =	sst s8  }
0x11: {  	[smem:$0x3FA1] =	sst s9;
	s0 =	simm.s32 @!p0 $0x0  }
0x12: {  	s1 =	sld [smem:$0x3F87];
	s0 =	simm.s32 @p0 $0x1  }
0x13: {  	[smem:$0x3FA2] =	sst s0;
	s0 =	simm.s32 @!p1 $0x0  }
0x14: {  	s2 =	sld [smem:$0x3F86];
	s0 =	simm.s32 @p1 $0x1  }
0x15: {  	[smem:$0x3FA3] =	sst s0;
	s0 =	simm.s32 @!p2 $0x0  }
0x16: {  	s3 =	sld [smem:$0x3FDB];
	s0 =	simm.s32 @p2 $0x1  }
0x17: {  	s4 =	simm.s32 $0x1BF5;
	[smem:$0x3FA5] =	sst s0  }
0x18: {  	s0 =	sld [smem:$0x3F88];
	_ =	swait.ge [sflag:s4], $0x0  }
0x19: {  	s7 =	sld [smem:$0x3F89]  }
0x1a: {  	s8 =	sadd.s32 $0xFFFFE003, lr  }
0x1b: {  	s9 =	sadd.s32 $0xFFFFFEF7, lr;
	s5 =	simm.s32 $0xFFFFFFFF;
	p2 =	slt.u32 s8, $0xFFFFF086  }
0x1c: {  	p1 =	slt.u32 s9, $0xF7A;
	s5 =	simm.s32 @!p2 $0x0  }
0x1d: {  	s5 =	simm.s32 @p1 $0x1;
	p0 =	seq.s32 s7, s2  }
0x1e: {  	s7 =	smul.u32 @!p0 $0xF7A, s2;
	p2 =	seq.s32 @!p0 s5, $0x0  }
0x1f: {  	s9 =	smul.u32 $0xF7A, s1;
	s8 =	simm.s32 @!p0 $0x1BF5;
	p2 =	por !p2, p0  }
0x20: {  	[sflag:s8] =	ssyncset.s32 @!p0 $0xFFFFF086;
	s6 =	sadd.s32 @!p0 s3, s7;
	s7 =	simm.s32 @!p0 $0x108  }
0x21: {  	s3 =	sadd.s32 s3, s9;
	s6 =	sadd.s32 @!p0 $0x88, s6;
	s7 =	simm.s32 @p2 $0x1082  }
0x22: {  	[simem:s7], [sflag:s8] =	dma.local @!p0 [hbm:s6], $0xF7A  }
0x23: {  	s9 =	sor.u32 $0xD0000000, s2;
	s6 =	simm.s32 $0x108;
	_ =	swait.ge @!p0 [sflag:s8], $0x0  }
0x24: {  	s3 =	sadd.s32 $0x88, s3;
	s6 =	simm.s32 @!p1 $0x1082;
	[sflag:s4] =	ssyncset.s32 $0xFFFFF086  }
0x25: {  	[simem:s6], [sflag:s4] =	dma.local [hbm:s3], $0xF7A  }
0x26: {  	[smem:$0x3F89] =	sst s1;
	(tag) =	ssettag s2;
	_ =	strace s9  }
0x27: {  	s1 =	sld [smem:$0x3F99]  }
0x28: {  	s2 =	sld [smem:$0x3F9A]  }
0x29: {  	s4 =	sld [smem:$0x3F9C]  }
0x2a: {  	p0 =	seq.s32 s5, $0x0;
	s5 =	sld [smem:$0x3F9D]  }
0x2b: {  	s6 =	sld [smem:$0x3F9E]  }
0x2c: {  	s7 =	sld [smem:$0x3F9F]  }
0x2d: {  	s3 =	simm.s32 $0x108;
	s8 =	sld [smem:$0x3FA0]  }
0x2e: {  	s3 =	simm.s32 @!p0 $0x1082;
	s9 =	sld [smem:$0x3FA1]  }
0x2f: {  	lr =	sadd.s32 s0, s3;
	s0 =	sld [smem:$0x3F98]  }
0x30: {  	s3 =	sld [smem:$0x3F9B]  }
0x31: {  	[smem:$0x3FA4] =	sst s10  }
0x32: {  	s10 =	sld [smem:$0x3FA2];
	_ =	sdelay $0x3  }
0x33: {  	p0 =	seq.s32 s10, $0x1;
	s10 =	sld [smem:$0x3FA4];
	_ =	sdelay $0x3  }
0x34: {  	[smem:$0x3FA4] =	sst s10  }
0x35: {  	s10 =	sld [smem:$0x3FA3];
	_ =	sdelay $0x3  }
0x36: {  	p1 =	seq.s32 s10, $0x1;
	s10 =	sld [smem:$0x3FA4];
	_ =	sdelay $0x3  }
0x37: {  	[smem:$0x3FA4] =	sst s10  }
0x38: {  	s10 =	sld [smem:$0x3FA5]  }
0x39: {  	_ = 	snop;
	(pc) =	sbr.ind lr, $3  }
0x3a: {  	_ = 	snop  }
0x3b: {  	_ = 	snop  }
0x3c: {  	p2 =	seq.s32 s10, $0x1;
	s10 =	sld [smem:$0x3FA4]  }
0x3d: {  	_ =	shalt  }
0x3e: {  	_ =	shalt  }
0x3f: {  	_ =	shalt  }
0x40: {  	_ =	shalt  }
0x41: {  	_ =	shalt  }
0x42: {  	_ =	shalt  }
0x43: {  	_ =	shalt  }
0x44: {  	_ =	shalt  }
0x45: {  	_ =	shalt  }
0x46: {  	_ =	shalt  }
0x47: {  	_ =	shalt  }
0x48: {  	_ =	shalt  }
0x49: {  	_ =	shalt  }
0x4a: {  	_ =	shalt  }
0x4b: {  	_ =	shalt  }
0x4c: {  	_ =	shalt  }
0x4d: {  	_ =	shalt  }
0x4e: {  	_ =	shalt  }
0x4f: {  	_ =	shalt  }
0x50: {  	_ =	shalt  }
0x51: {  	_ =	shalt  }
0x52: {  	_ =	shalt  }
0x53: {  	_ =	shalt  }
0x54: {  	_ =	shalt  }
0x55: {  	_ =	shalt  }
0x56: {  	_ =	shalt  }
0x57: {  	_ =	shalt  }
0x58: {  	_ =	shalt  }
0x59: {  	_ =	shalt  }
0x5a: {  	_ =	shalt  }
0x5b: {  	_ =	shalt  }
0x5c: {  	_ =	shalt  }
0x5d: {  	_ =	shalt  }
0x5e: {  	_ =	shalt  }
0x5f: {  	_ =	shalt  }
0x60: {  	_ =	shalt  }
0x61: {  	_ =	shalt  }
0x62: {  	_ =	shalt  }
0x63: {  	_ =	shalt  }
0x64: {  	_ =	shalt  }
0x65: {  	_ =	shalt  }
0x66: {  	_ =	shalt  }
0x67: {  	_ =	shalt  }
0x68: {  	_ =	shalt  }
0x69: {  	_ =	shalt  }
0x6a: {  	_ =	shalt  }
0x6b: {  	_ =	shalt  }
0x6c: {  	_ =	shalt  }
0x6d: {  	_ =	shalt  }
0x6e: {  	_ =	shalt  }
0x6f: {  	_ =	shalt  }
0x70: {  	_ =	shalt  }
0x71: {  	_ =	shalt  }
0x72: {  	_ =	shalt  }
0x73: {  	_ =	shalt  }
0x74: {  	_ =	shalt  }
0x75: {  	_ =	shalt  }
0x76: {  	_ =	shalt  }
0x77: {  	_ =	shalt  }
0x78: {  	_ =	shalt  }
0x79: {  	_ =	shalt  }
0x7a: {  	_ =	shalt  }
0x7b: {  	_ =	shalt  }
0x7c: {  	_ =	shalt  }
0x7d: {  	_ =	shalt  }
0x7e: {  	_ =	shalt  }
0x7f: {  	_ =	shalt  }
0x80: {  	_ =	shalt  }
0x81: {  	_ =	shalt  }
0x82: {  	_ =	shalt  }
0x83: {  	_ =	shalt  }
0x84: {  	_ =	shalt  }
0x85: {  	_ =	shalt  }
0x86: {  	_ =	shalt  }
0x87: {  	_ =	shalt  }
.Lfunc_end0:
.L_simem_size_0:
called_computation.3_lowered:
.L_overlay_start_0:
0x88: {  	s2 =	sld [smem:$0x3FD9]  }
0x89: {  	s3 =	sld [smem:$0x3FFE];
	_ =	sdelay $0x1  }
0x8a: {  	s1 =	srdreg.scid  }
0x8b: {  	s0 =	sand.u32 $0x1, s1  }
0x8c: {  	s17 =	sshll.u32 s0, $0xA;
	s2 =	sadd.s32 s3, s2  }
0x8d: {  	s2 =	sadd.s32 s2, s17  }
0x8e: {  	[smem:$0x3FB0] =	sst s2  }
0x8f: {  	_ = 	snop  }
0x90: {  	s2 =	sld [smem:$0x3FD0];
	(tm) =	ssettm $0x1  }
0x91: {  	s18 =	sld [smem:$0x3FFB];
	_ =	sdelay $0x3  }
0x92: {  	_ =	strace s18  }
0x93: {  	s3 =	sld [smem:$0x3FFC];
	_ =	sdelay $0x3  }
0x94: {  	_ =	strace s3  }
0x95: {  	s3 =	sld [smem:$0x3FFD];
	_ =	sdelay $0x3  }
0x96: {  	_ =	strace s3  }
0x97: {  	_ =	strace $0x8FFFFFFF  }
0x98: {  	s19 =	sld [smem:$0x3FDB];
	_ =	sdelay $0x1  }
0x99: {  	s4 =	simm.s32 $_scs_section_size  }
0x9a: {  	s5 =	simm.s32 $_size__tile_overlayer_lowered;
	s6 =	simm.s32 $_tile_overlayer_lowered  }
0x9b: {  	s22 =	simm.s32 $0x1BFF;
	s21 =	sshll.u32 s6, $0x1;
	s3 =	sadd.s32 s4, s19  }
0x9c: {  	s7 =	simm.s32 $0x0;
	s20 =	sshll.u32 s5, $0x1;
	s5 =	sadd.s32 s21, s3  }
0x9d: {  	[timem:s7], [sflag:s22] =	dma.local [hbm:s5], s20  }
0x9e: {  	_ =	swait.ge [sflag:s22], s20  }
0x9f: {  	s4 =	ssub.s32 $0x0, s20;
	[sflag:s22] =	ssyncset.done $0x0  }
0xa0: {  	[sflag:s22] =	ssyncadd.s32 s4;
	_ =	sdelay $0x1  }
0xa1: {  	s23 =	simm.s32 $0x1B8B  }
0xa2: {  	_ =	swait.ge [sflag:s23], $0x1  }
0xa3: {  	[sflag:s23] =	ssyncset.done $0x0  }
0xa4: {  	s25 =	simm.s32 $0x1B8E;
	s24 =	sld [smem:$0x3FFE];
	[sflag:s23] =	ssyncadd.s32 $0xFFFFFFFF  }
0xa5: {  	s26 =	simm.s32 $execute0_lowered;
	[smem:$0x3FD2] =	sst s25  }
0xa6: {  	s5 =	sshll.u32 s26, $0x1;
	_ =	strace $0x8000004F;
	[dreg:$0x1] =	wrdreg $0xFFFFFFFF  }
0xa7: {  	s28 =	simm.s32 $_size_execute0_lowered;
	s3 =	sadd.s32 s3, s5;
	[dreg:$0x0] =	wrdreg $0x0  }
0xa8: {  	s5 =	sshll.u32 s28, $0x1;
	[dreg:$0x2] =	wrdreg s3  }
0xa9: {  	[dreg:$0x3] =	wrdreg s5  }
0xaa: {  	[dreg:$0x4] =	wrdreg $0xC0  }
0xab: {  	_ =	task [dreg:s7], $0x5FFFF  }
0xac: {  	[dreg:$0x1] =	wrdreg $0xFFFFFFFF  }
0xad: {  	[dreg:$0x0] =	wrdreg $0x60  }
0xae: {  	[dreg:$0x2] =	wrdreg s2  }
0xaf: {  	[dreg:$0x3] =	wrdreg s24  }
0xb0: {  	[dreg:$0x4] =	wrdreg $0x133800  }
0xb1: {  	[dreg:$0x5] =	wrdreg $0x9  }
0xb2: {  	_ =	task.clear_ibuf [dreg:s7], $0x6FFFF;
	_ =	strace $0x9000004F  }
0xb3: {  	s29 =	simm.s32 $0x9;
	_ =	strace $0x80000051  }
0xb4: {  	_ =	swait.ge [sflag:s29], $0x1  }
0xb5: {  	[sflag:s29] =	ssyncadd.s32 $0xFFFFFFFF  }
0xb6: {  	_ =	strace $0x90000051  }
0xb7: {  	_ =	sfence  }
0xb8: {  	s30 =	sld [smem:$0x0];
	_ =	sdelay $0x2  }
0xb9: {  	s31 =	sshll.u32 s1, $0xD;
	s1 =	sshrl.u32 s1, $0x2  }
0xba: {  	s3 =	sand.u32 $0x4000, s31;
	s1 =	sadd.s32 s1, s30  }
0xbb: {  	s0 =	sor.u32 s3, s0;
	s1 =	sshll.u32 s1, $0x11  }
0xbc: {  	s0 =	sor.u32 s1, s0  }
0xbd: {  	s0 =	sadd.s32 $0x8F2B, s0  }
0xbe: {  	[sflag:s0] =	ssyncadd.remote.s32 $0x1  }
0xbf: {  	_ =	sfence.sel $0xFFFF  }
0xc0: {  	[dreg:$0x0] =	wrdreg $0xFFFFFFFF;
	(pc) =	sbr.abs _section_cstart, $3  }
0xc1: {  	[dreg:$0x1] =	wrdreg $0xFFFFFFFF  }
0xc2: {  	_ =	task.clear_ibuf [dreg:s7], $0x2FFFF;
	_ =	strace $0x9FFFFFFF  }
0xc3: {  	(tm) =	ssettm $0x7FFFFFFF  }
tec
execute0_lowered:
.L_overlay_start_1:
0x0: {  	(tag) =	ssettag $0x1  }
0x1: {  	s0 =	rddreg [dreg:$0x0]  }
0x2: {  	s1 =	srdreg.scid;
	s2 =	rddreg [dreg:$0x1]  }
0x3: {  	s3 =	rddreg [dreg:$0x2];
	s10 =	stileid.u32;
	s4 =	simm.s32 $0x0  }
0x4: {  	s19 =	simm.s32 $0x11440;
	s20 =	simm.s32 $0x3;
	s22 =	simm.s32 $0xA0  }
0x5: {  	s23 =	simm.s32 $0x9C40;
	s28 =	simm.s32 $0xEC40;
	s29 =	simm.s32 $0x4  }
0x6: {  	s30 =	simm.s32 $0x0;
	s1 =	sand.u32 $0x1, s1;
	s9 =	smul.u32 $0x27100, s10  }
0x7: {  	[smem:$0x7FF] =	sst s4;
	s26 =	smul.u32 $0x9C40, s10;
	s5 =	sshll.u32 s1, $0x4  }
0x8: {  	_ =	strace $0x80000050;
	s6 =	ssub.s32 $0x2, s1;
	p0 =	seq.s32 s1, $0x0  }
0x9: {  	s1 =	simm.s32 $0x55A00;
	s5 =	sor.u32 s10, s5;
	s8 =	sshrl.u32 s6, $0x1  }
0xa: {  	s25 =	sshrl.u32 s9, $0x2;
	s1 =	simm.s32 @!p0 $0x42000;
	s31 =	sshrl.u32 s26, $0x3  }
0xb: {  	s26 =	simm.s32 $0x2;
	s5 =	smul.u32 $0x9C4, s5;
	s6 =	ssub.s32 s6, s8  }
0xc: {  	s8 =	sadd.s32 s25, s3;
	s1 =	sadd.s32 s1, s2;
	s25 =	simm.s32 $0x1  }
0xd: {  	s6 =	smax.u32 s6, $0x1;
	s10 =	sadd.s32 $0x1F40, s8;
	s11 =	sadd.s32 $0x3E80, s8  }
0xe: {  	s12 =	sadd.s32 $0x5DC0, s8;
	s13 =	sadd.s32 $0x7D00, s8;
	s14 =	sadd.s32 s1, s31  }
0xf: {  	s7 =	sadd.s32 s5, s2;
	s5 =	sadd.s32 $0x2E600, s2;
	[dreg:$0x6] =	wrdreg s6  }
0x10: {  	s15 =	sadd.s32 $0x3E8, s14;
	s16 =	sadd.s32 $0x7D0, s14;
	s24 =	sadd.s32 $0x1AC00, s7  }
0x11: {  	s17 =	sadd.s32 $0xBB8, s14;
	s7 =	sadd.s32 $0x7200, s7;
	[dreg:$0x4] =	wrdreg s24  }
0x12: {  	v0 =	vimm.f32 $0.0e+00;
	s18 =	sadd.s32 $0xFA0, s14;
	[dreg:$0x5] =	wrdreg s7;
	s24 =	simm.s32 $0xC440  }
.LBB2_1:
0x13: {  	s2 =	simm.s32 $0x100;
	s1 =	simm.s32 $0x0  }
.LBB2_2:
0x14: {  	p1 =	sne.s32 s2, $0x7C00;
	[tilespmem:s1+$0x11470] =	vst v0;
	s6 =	smov.u32 s2;
	s2 =	sadd.s32 $0x100, s2  }
.Ltmp0:
0x15: {  	[tilespmem:s1+$0x11460] =	vst v0;
	(pc) =	sbr.rel @p1 .LBB2_2-.Ltmp0, $3  }
0x16: {  	[tilespmem:s1+$0x11440] =	vst v0  }
0x17: {  	[tilespmem:s1+$0x11450] =	vst v0;
	_ =	sdelay $0x1  }
0x18: {  	s1 =	sshra.s32 s6, $0x2  }
0x19: {  	[tilespmem:s1+$0x11470] =	vst v0  }
0x1a: {  	[tilespmem:s1+$0x11460] =	vst v0  }
0x1b: {  	[tilespmem:s1+$0x11440] =	vst v0  }
0x1c: {  	[tilespmem:s1+$0x11450] =	vst v0  }
0x1d: {  	[spmem:s8] =	stream.linear.scatter [tilespmem:s19], [sflag:$0x3], $0x1F40, $0x38;
	[tilespmem:$0x1CFC0] =	vst v63  }
0x1e: {  	_ =	swait.ge [sflag:s20], $0x1F40  }
0x1f: {  	[sflag:s20] =	ssyncset.done $0x0  }
0x20: {  	[sflag:s20] =	ssyncadd.s32 $0xFFFFE0C0  }
0x21: {  	[spmem:s10] =	stream.linear.scatter [tilespmem:s19], [sflag:$0x3], $0x1F40, $0x38;
	[tilespmem:$0x1CFC0] =	vst v63  }
0x22: {  	_ =	swait.ge [sflag:s20], $0x1F40  }
0x23: {  	[sflag:s20] =	ssyncset.done $0x0  }
0x24: {  	[sflag:s20] =	ssyncadd.s32 $0xFFFFE0C0  }
0x25: {  	[spmem:s11] =	stream.linear.scatter [tilespmem:s19], [sflag:$0x3], $0x1F40, $0x38;
	[tilespmem:$0x1CFC0] =	vst v63  }
0x26: {  	_ =	swait.ge [sflag:s20], $0x1F40  }
0x27: {  	[sflag:s20] =	ssyncset.done $0x0  }
0x28: {  	[sflag:s20] =	ssyncadd.s32 $0xFFFFE0C0  }
0x29: {  	[spmem:s12] =	stream.linear.scatter [tilespmem:s19], [sflag:$0x3], $0x1F40, $0x38;
	[tilespmem:$0x1CFC0] =	vst v63  }
0x2a: {  	_ =	swait.ge [sflag:s20], $0x1F40  }
0x2b: {  	[sflag:s20] =	ssyncset.done $0x0  }
0x2c: {  	[sflag:s20] =	ssyncadd.s32 $0xFFFFE0C0  }
0x2d: {  	[spmem:s13] =	stream.linear.scatter [tilespmem:s19], [sflag:$0x3], $0x1F40, $0x38;
	[tilespmem:$0x1CFC0] =	vst v63  }
0x2e: {  	_ =	swait.ge [sflag:s20], $0x1F40  }
0x2f: {  	[sflag:s20] =	ssyncset.done $0x0  }
0x30: {  	s31 =	simm.s32 $0x0;
	s9 =	rddreg [dreg:$0x4];
	[sflag:s20] =	ssyncadd.s32 $0xFFFFE0C0  }
0x31: {  	[tilespmem:s31], [sflag:$0x3] =	stream.linear.gather [hbm4b:s9+s31], $0x4E20, $0x38;
	[tilespmem:$0x1CFC0] =	vst v63  }
0x32: {  	_ =	swait.ge [sflag:s20], $0x4E20  }
0x33: {  	[sflag:s20] =	ssyncset.done $0x0  }
0x34: {  	s2 =	simm.s32 $0x4E20;
	s21 =	rddreg [dreg:$0x5];
	[sflag:s20] =	ssyncadd.s32 $0xFFFFB1E0  }
0x35: {  	[tilespmem:s2], [sflag:$0x3] =	stream.linear.gather [hbm4b:s21+s31], $0x4E20, $0x38;
	[tilespmem:$0x1CFC0] =	vst v63  }
0x36: {  	_ =	swait.ge [sflag:s20], $0x4E20  }
0x37: {  	[sflag:s20] =	ssyncset.done $0x0  }
0x38: {  	[sflag:s20] =	ssyncadd.s32 $0xFFFFB1E0  }
0x39: {  	[bflag:$0x0] =	sbarrier.arrive $0xFFFF  }
.LBB2_4:
0x3a: {  	s1 =	smul.u32 $0xA0, s31;
	_ =	sdelay $0x1  }
0x3b: {  	[tilespmem:s23], [sflag:$0x1] =	stream.indirect.gather [hbm4b:s0+s22], $0x40, s1, s22, $0xb8;
	[tilespmem:$0x1CFC0] =	vst v63  }
0x3c: {  	s1 =	sadd.s32 $0x4E20, s1  }
0x3d: {  	[tilespmem:s24], [sflag:$0x2] =	stream.indirect.gather [hbm4b:s5+s22], $0x40, s1, s22, $0xb8;
	[tilespmem:$0x1CFC0] =	vst v63  }
0x3e: {  	_ =	swait.ge [sflag:s25], $0x2800  }
0x3f: {  	[sflag:s25] =	ssyncset.done $0x0  }
0x40: {  	[sflag:s25] =	ssyncadd.s32 $0xFFFFD800  }
0x41: {  	_ =	swait.ge [sflag:s26], $0x2800  }
0x42: {  	[sflag:s26] =	ssyncset.done $0x0  }
0x43: {  	s2 =	simm.s32 $0x0;
	[sflag:s26] =	ssyncadd.s32 $0xFFFFD800  }
0x44: {  	v1 =	vld [tilespmem:s2+$0x9C70]  }
0x45: {  	v2 =	vld [tilespmem:s2+$0xC470]  }
0x46: {  	v3 =	vld [tilespmem:s2+$0x9C40]  }
0x47: {  	v4 =	vld [tilespmem:s2+$0xC440]  }
0x48: {  	v5 =	vld [tilespmem:s2+$0x9C50]  }
0x49: {  	v6 =	vld [tilespmem:s2+$0xC450]  }
0x4a: {  	v7 =	vld [tilespmem:s2+$0xC460];
	v1 =	vadd.f32 v2, v1  }
0x4b: {  	v2 =	vld [tilespmem:s2+$0x9C60]  }
0x4c: {  	v15 =	vmax.f32 v1, $-3.000000000e+01;
	v1 =	vadd.f32 v4, v3  }
0x4d: {  	v3 =	vsub.f32 $0.0e+00, v15  }
0x4e: {  	v4 =	vadd.f32 v6, v5;
	v1 =	vmax.f32 v1, $-3.000000000e+01  }
0x4f: {  	v3 =	vmul.f32 $1.442695020e+00, v3;
	v5 =	vsub.f32 $0.0e+00, v1  }
0x50: {  	v9 =	vmax.f32 v4, $-3.000000000e+01;
	v2 =	vadd.f32 v7, v2  }
0x51: {  	s21 =	simm.s32 $0x40;
	v4 =	vsub.f32 $0.0e+00, v9;
	(erf) = vpow2.f32 v3;
	v3 =	vmul.f32 $1.442695020e+00, v5  }
0x52: {  	v10 =	vmax.f32 v2, $-3.000000000e+01;
	v5 =	vld [tilespmem:s21+$0xC470]  }
0x53: {  	v2 =	vmul.f32 $1.442695020e+00, v4;
	v4 =	vsub.f32 $0.0e+00, v10;
	(erf) = vpow2.f32 v3;
	v3 =	vld [tilespmem:s21+$0x9C70]  }
0x54: {  	v6 =	vld [tilespmem:s21+$0xC440]  }
0x55: {  	(erf) = vpow2.f32 v2;
	v2 =	vmul.f32 $1.442695020e+00, v4;
	v4 =	vld [tilespmem:s21+$0x9C40];
	_ =	sdelay $0x1  }
0x56: {  	v7 =	vld [tilespmem:s21+$0xC450]  }
0x57: {  	(erf) = vpow2.f32 v2;
	v2 =	vld [tilespmem:s21+$0x9C50];
	v3 =	vadd.f32 v5, v3;
	_ =	sdelay $0x1  }
0x58: {  	v8 =	vld [tilespmem:s21+$0x9C60];
	v6 =	vadd.f32 v6, v4;
	v5 =	vpop (erf)  }
0x59: {  	v12 =	vld [tilespmem:s21+$0xC460];
	v4 =	vmax.f32 v3, $-3.000000000e+01;
	v5 =	vadd.f32 $1.000000000e+00, v5  }
0x5a: {  	v13 =	vsub.f32 $0.0e+00, v4;
	v11 =	vmax.f32 v6, $-3.000000000e+01;
	v3 =	vpop (erf)  }
0x5b: {  	v2 =	vadd.f32 v7, v2;
	(erf) = vrcp.f32 v5;
	v6 =	vadd.f32 $1.000000000e+00, v3  }
0x5c: {  	v13 =	vmul.f32 $1.442695020e+00, v13  }
0x5d: {  	v7 =	vsub.f32 $0.0e+00, v11;
	v3 =	vpop (erf);
	v2 =	vmax.f32 v2, $-3.000000000e+01;
	(erf) = vrcp.f32 v6  }
0x5e: {  	v16 =	vadd.f32 $1.000000000e+00, v3;
	v3 =	vadd.f32 v12, v8;
	(erf) = vpow2.f32 v13  }
0x5f: {  	s6 =	simm.s32 $0x80;
	v7 =	vmul.f32 $1.442695020e+00, v7;
	v12 =	vsub.f32 $0.0e+00, v2;
	v8 =	vpop (erf)  }
0x60: {  	v14 =	vld [tilespmem:s6+$0xC470];
	v21 =	vadd.f32 $1.000000000e+00, v8;
	v3 =	vmax.f32 v3, $-3.000000000e+01;
	(erf) = vrcp.f32 v16  }
0x61: {  	v8 =	vmul.f32 $1.442695020e+00, v12;
	v13 =	vld [tilespmem:s6+$0x9C70];
	(erf) = vpow2.f32 v7;
	v7 =	vsub.f32 $0.0e+00, v3  }
0x62: {  	v18 =	vld [tilespmem:s6+$0xC440];
	(erf) = vrcp.f32 v21  }
0x63: {  	(erf) = vpow2.f32 v8;
	v7 =	vmul.f32 $1.442695020e+00, v7;
	v8 =	vld [tilespmem:s6+$0x9C40]  }
0x64: {  	v19 =	vld [tilespmem:s6+$0xC450];
	v17 =	vpop (erf)  }
0x65: {  	(erf) = vpow2.f32 v7;
	v7 =	vld [tilespmem:s6+$0x9C50];
	v5 =	vmul.f32 v17, v5  }
0x66: {  	v22 =	vadd.f32 v14, v13;
	v12 =	vpop (erf)  }
0x67: {  	v20 =	vld [tilespmem:s6+$0x9C60];
	v5 =	vsub.f32 $2.000000000e+00, v5;
	v13 =	vpop (erf);
	v25 =	vmul.f32 v12, v6  }
0x68: {  	v6 =	vld [tilespmem:s6+$0xC460];
	v23 =	vadd.f32 v18, v8;
	v8 =	vmax.f32 v22, $-3.000000000e+01;
	v14 =	vadd.f32 $1.000000000e+00, v13  }
0x69: {  	v13 =	vpop (erf);
	v24 =	vsub.f32 $0.0e+00, v8;
	v5 =	vmul.f32 v5, v17  }
0x6a: {  	v22 =	vpop (erf);
	v18 =	vmul.f32 v13, v16;
	v7 =	vadd.f32 v19, v7;
	(erf) = vrcp.f32 v14  }
0x6b: {  	v17 =	vpop (erf);
	v16 =	vadd.f32 $1.000000000e+00, v22;
	v26 =	vmul.f32 v5, v15;
	v5 =	vmax.f32 v23, $-3.000000000e+01  }
0x6c: {  	v22 =	vmul.f32 $1.442695020e+00, v24;
	v15 =	vpop (erf);
	v7 =	vmax.f32 v7, $-3.000000000e+01;
	v19 =	vsub.f32 $0.0e+00, v5  }
0x6d: {  	v15 =	vadd.f32 $1.000000000e+00, v15;
	v6 =	vadd.f32 v6, v20;
	(erf) = vrcp.f32 v16  }
0x6e: {  	v20 =	vpop (erf);
	(erf) = vpow2.f32 v22;
	v22 =	vsub.f32 $0.0e+00, v7;
	v27 =	vmul.f32 $1.442695020e+00, v19  }
0x6f: {  	v6 =	vmax.f32 v6, $-3.000000000e+01;
	v19 =	vadd.f32 $1.000000000e+00, v20;
	(erf) = vrcp.f32 v15  }
0x70: {  	s7 =	simm.s32 $0xC0;
	[tilespmem:s2+$0xEC70] =	vst v26;
	v23 =	vmul.f32 $1.442695020e+00, v22;
	v24 =	vsub.f32 $0.0e+00, v6;
	(erf) = vpow2.f32 v27  }
0x71: {  	s9 =	simm.s32 $0x400;
	v21 =	vmul.f32 v17, v21;
	v20 =	vsub.f32 $2.000000000e+00, v25;
	v22 =	vld [tilespmem:s7+$0x9C70];
	(erf) = vrcp.f32 v19  }
.LBB2_5:
0x72: {  	p1 =	sne.s32 s9, $0x9F00;
	v25 =	vld [tilespmem:s7+$0xC470];
	v24 =	vmul.f32 $1.442695020e+00, v24;
	(erf) = vpow2.f32 v23;
	v18 =	vsub.f32 $2.000000000e+00, v18;
	v26 =	vmovc v19  }
0x73: {  	v19 =	vld [tilespmem:s7+$0x9C40];
	v23 =	vpop (erf);
	v20 =	vmul.f32 v20, v12;
	v28 =	vsub.f32 $2.000000000e+00, v21  }
0x74: {  	v21 =	vld [tilespmem:s7+$0xC440];
	(erf) = vpow2.f32 v24;
	v29 =	vmul.f32 v23, v14  }
0x75: {  	v30 =	vmul.f32 v18, v13;
	v24 =	vld [tilespmem:s7+$0x9C50];
	v17 =	vmul.f32 v28, v17  }
0x76: {  	v20 =	vmul.f32 v20, v1;
	v1 =	vmov v11;
	v27 =	vld [tilespmem:s7+$0xC450];
	v18 =	vsub.f32 $2.000000000e+00, v29;
	v12 =	vpop (erf)  }
0x77: {  	v9 =	vmul.f32 v30, v9;
	v11 =	vld [tilespmem:s7+$0x9C60];
	v22 =	vadd.f32 v25, v22;
	v14 =	vpop (erf);
	v25 =	vmul.f32 v12, v16  }
0x78: {  	v10 =	vmul.f32 v17, v10;
	v28 =	vld [tilespmem:s7+$0xC460];
	v14 =	vadd.f32 $1.000000000e+00, v14;
	v16 =	vmul.f32 v18, v23;
	v13 =	vpop (erf);
	[tilespmem:s2+$0xEC40] =	vst v20  }
0x79: {  	v19 =	vadd.f32 v21, v19;
	v20 =	vmax.f32 v22, $-3.000000000e+01;
	v21 =	vpop (erf);
	v18 =	vmul.f32 v13, v15;
	[tilespmem:s2+$0xEC50] =	vst v9  }
0x7a: {  	v9 =	vsub.f32 $0.0e+00, v20;
	(erf) = vrcp.f32 v14;
	v23 =	vmul.f32 v16, v4;
	v17 =	vpop (erf);
	[tilespmem:s2+$0xEC60] =	vst v10;
	s2 =	smov.u32 s21;
	s21 =	smov.u32 s6;
	s6 =	smov.u32 s7  }
0x7b: {  	v16 =	vadd.f32 $1.000000000e+00, v21;
	v10 =	vmax.f32 v19, $-3.000000000e+01;
	v19 =	vadd.f32 v27, v24;
	v15 =	vpop (erf)  }
0x7c: {  	v4 =	vmovc v8;
	v8 =	vmovc v20;
	v21 =	vsub.f32 $0.0e+00, v10;
	v24 =	vmul.f32 $1.442695020e+00, v9;
	v15 =	vadd.f32 $1.000000000e+00, v15;
	[tilespmem:s2+$0xEC70] =	vst v23  }
.Ltmp1:
0x7d: {  	v20 =	vmax.f32 v19, $-3.000000000e+01;
	v19 =	vadd.f32 v28, v11;
	(erf) = vrcp.f32 v16;
	v22 =	vpop (erf);
	(pc) =	sbr.rel @p1 .LBB2_5-.Ltmp1, $4  }
0x7e: {  	v11 =	vmovc v5;
	v5 =	vmovc v10;
	v21 =	vmul.f32 $1.442695020e+00, v21;
	v23 =	vsub.f32 $0.0e+00, v20;
	(erf) = vpow2.f32 v24  }
0x7f: {  	v9 =	vmovc v2;
	v2 =	vmovc v7;
	v27 =	vmax.f32 v19, $-3.000000000e+01;
	v19 =	vadd.f32 $1.000000000e+00, v22;
	(erf) = vrcp.f32 v15  }
0x80: {  	s7 =	sshra.s32 s9, $0x2;
	v7 =	vmovc v20;
	v10 =	vmovc v3;
	v23 =	vmul.f32 $1.442695020e+00, v23;
	v24 =	vsub.f32 $0.0e+00, v27;
	(erf) = vpow2.f32 v21  }
0x81: {  	s9 =	sadd.s32 $0x100, s9;
	v20 =	vsub.f32 $2.000000000e+00, v25;
	v3 =	vmovc v6;
	v21 =	vmul.f32 v17, v26;
	v6 =	vmovc v27;
	v22 =	vld [tilespmem:s7+$0x9C70];
	(erf) = vrcp.f32 v19  }
0x82: {  	v25 =	vld [tilespmem:s7+$0xC470]  }
0x83: {  	v49 =	vld [tilespmem:s7+$0x9C40]  }
0x84: {  	v26 =	vld [tilespmem:s7+$0xC440]  }
0x85: {  	v27 =	vld [tilespmem:s7+$0x9C50]  }
0x86: {  	v50 =	vld [tilespmem:s7+$0xC450]  }
0x87: {  	(erf) = vpow2.f32 v23;
	v24 =	vmul.f32 $1.442695020e+00, v24;
	v30 =	vld [tilespmem:s7+$0x9C60]  }
0x88: {  	v31 =	vld [tilespmem:s7+$0xC460]  }
0x89: {  	(erf) = vpow2.f32 v24  }
0x8a: {  	v28 =	vpop (erf)  }
0x8b: {  	v29 =	vpop (erf);
	v22 =	vadd.f32 v25, v22  }
0x8c: {  	v51 =	vpop (erf);
	v23 =	vadd.f32 v26, v49  }
0x8d: {  	v24 =	vadd.f32 v50, v27;
	v30 =	vadd.f32 v31, v30;
	v32 =	vpop (erf);
	v22 =	vmax.f32 v22, $-3.000000000e+01  }
0x8e: {  	v25 =	vadd.f32 $1.000000000e+00, v51;
	v52 =	vpop (erf);
	v33 =	vsub.f32 $0.0e+00, v22  }
0x8f: {  	v23 =	vmax.f32 v23, $-3.000000000e+01;
	v24 =	vmax.f32 v24, $-3.000000000e+01;
	v34 =	vpop (erf);
	v26 =	vadd.f32 $1.000000000e+00, v52  }
0x90: {  	(erf) = vrcp.f32 v25;
	v35 =	vsub.f32 $0.0e+00, v23;
	v53 =	vpop (erf);
	v33 =	vmul.f32 $1.442695020e+00, v33  }
0x91: {  	v30 =	vmax.f32 v30, $-3.000000000e+01;
	v27 =	vadd.f32 $1.000000000e+00, v53;
	(erf) = vrcp.f32 v26  }
0x92: {  	v36 =	vsub.f32 $0.0e+00, v24;
	v54 =	vmul.f32 $1.442695020e+00, v35;
	v55 =	vpop (erf);
	(erf) = vpow2.f32 v33  }
0x93: {  	v57 =	vsub.f32 $0.0e+00, v30;
	v56 =	vadd.f32 $1.000000000e+00, v55;
	(erf) = vrcp.f32 v27  }
0x94: {  	v58 =	vmul.f32 $1.442695020e+00, v36;
	(erf) = vpow2.f32 v54  }
0x95: {  	v35 =	vmul.f32 $1.442695020e+00, v57;
	(erf) = vrcp.f32 v56  }
0x96: {  	(erf) = vpow2.f32 v58  }
0x97: {  	(erf) = vpow2.f32 v35;
	_ =	sdelay $0x1  }
0x98: {  	v59 =	vpop (erf)  }
0x99: {  	v18 =	vsub.f32 $2.000000000e+00, v18;
	v60 =	vpop (erf)  }
0x9a: {  	v12 =	vmul.f32 v20, v12;
	v61 =	vsub.f32 $2.000000000e+00, v21;
	v14 =	vmul.f32 v28, v14;
	v62 =	vpop (erf)  }
0x9b: {  	v13 =	vmul.f32 v18, v13;
	v63 =	vpop (erf)  }
0x9c: {  	v17 =	vmul.f32 v61, v17;
	v1 =	vmul.f32 v12, v1;
	v14 =	vsub.f32 $2.000000000e+00, v14;
	v36 =	vpop (erf)  }
0x9d: {  	v9 =	vmul.f32 v13, v9;
	v16 =	vmul.f32 v29, v16;
	v37 =	vadd.f32 $1.000000000e+00, v62;
	v38 =	vpop (erf)  }
0x9e: {  	v10 =	vmul.f32 v17, v10;
	v15 =	vmul.f32 v32, v15;
	v12 =	vadd.f32 $1.000000000e+00, v36;
	v39 =	vpop (erf)  }
0x9f: {  	v16 =	vsub.f32 $2.000000000e+00, v16;
	(erf) = vrcp.f32 v37;
	v17 =	vadd.f32 $1.000000000e+00, v39;
	v40 =	vpop (erf)  }
0xa0: {  	v19 =	vmul.f32 v34, v19;
	(erf) = vrcp.f32 v12;
	v21 =	vadd.f32 $1.000000000e+00, v40  }
0xa1: {  	v14 =	vmul.f32 v14, v28;
	v15 =	vsub.f32 $2.000000000e+00, v15;
	(erf) = vrcp.f32 v17  }
0xa2: {  	v41 =	vmul.f32 v16, v29;
	v19 =	vsub.f32 $2.000000000e+00, v19;
	(erf) = vrcp.f32 v21  }
0xa3: {  	v15 =	vmul.f32 v15, v32;
	v25 =	vmul.f32 v59, v25  }
0xa4: {  	v42 =	vmul.f32 v19, v34;
	v44 =	vmul.f32 v60, v26  }
0xa5: {  	v4 =	vmul.f32 v14, v4;
	v11 =	vmul.f32 v41, v11;
	v43 =	vsub.f32 $2.000000000e+00, v25  }
0xa6: {  	[tilespmem:s2+$0xEC40] =	vst v1;
	v2 =	vmul.f32 v15, v2;
	v3 =	vmul.f32 v42, v3;
	v46 =	vsub.f32 $2.000000000e+00, v44  }
0xa7: {  	[tilespmem:s2+$0xEC50] =	vst v9;
	v1 =	vmul.f32 v43, v59;
	v45 =	vmul.f32 v63, v27  }
0xa8: {  	[tilespmem:s2+$0xEC60] =	vst v10;
	v50 =	vmul.f32 v46, v60;
	v47 =	vmul.f32 v38, v56;
	v49 =	vpop (erf)  }
0xa9: {  	[tilespmem:s21+$0xEC70] =	vst v4;
	v1 =	vmul.f32 v1, v8;
	v48 =	vsub.f32 $2.000000000e+00, v45;
	v13 =	vmul.f32 v49, v37;
	v52 =	vpop (erf)  }
0xaa: {  	[tilespmem:s21+$0xEC60] =	vst v3;
	v3 =	vmul.f32 v50, v5;
	v51 =	vsub.f32 $2.000000000e+00, v47;
	v53 =	vmul.f32 v52, v12;
	v54 =	vpop (erf)  }
0xab: {  	[tilespmem:s21+$0xEC40] =	vst v11;
	v8 =	vmul.f32 v48, v63;
	v55 =	vsub.f32 $2.000000000e+00, v13;
	v56 =	vmul.f32 v54, v17;
	v57 =	vpop (erf)  }
0xac: {  	[tilespmem:s21+$0xEC50] =	vst v2;
	v2 =	vmul.f32 v51, v38;
	v58 =	vsub.f32 $2.000000000e+00, v53;
	v59 =	vmul.f32 v57, v21  }
0xad: {  	[tilespmem:s6+$0xEC70] =	vst v1;
	v1 =	vmul.f32 v8, v7;
	v60 =	vmul.f32 v55, v49;
	v61 =	vsub.f32 $2.000000000e+00, v56  }
0xae: {  	[tilespmem:s6+$0xEC40] =	vst v3;
	v2 =	vmul.f32 v2, v6;
	v3 =	vmul.f32 v58, v52;
	v62 =	vsub.f32 $2.000000000e+00, v59  }
0xaf: {  	[tilespmem:s6+$0xEC50] =	vst v1;
	v1 =	vmul.f32 v60, v22;
	v63 =	vmul.f32 v61, v54  }
0xb0: {  	[tilespmem:s6+$0xEC60] =	vst v2;
	v3 =	vmul.f32 v3, v23;
	v2 =	vmul.f32 v62, v57  }
0xb1: {  	[tilespmem:s7+$0xEC70] =	vst v1;
	v1 =	vmul.f32 v63, v24  }
0xb2: {  	s31 =	sadd.s32 $0x1, s31;
	[tilespmem:s7+$0xEC40] =	vst v3;
	v2 =	vmul.f32 v2, v30  }
0xb3: {  	p1 =	sne.s32 s31, $0x7D;
	[tilespmem:s7+$0xEC50] =	vst v1  }
.Ltmp2:
0xb4: {  	[tilespmem:s7+$0xEC60] =	vst v2;
	(pc) =	sbr.rel @p1 .LBB2_4-.Ltmp2, $4  }
0xb5: {  	[spmem:s3] =	stream.indirect.scatter.add.f32 [tilespmem:s28], [sflag:$0x3], $0x40, s1, s22, $0xb8;
	[tilespmem:$0x1CFC0] =	vst v63  }
0xb6: {  	_ =	swait.ge [sflag:s20], $0x2800  }
0xb7: {  	[sflag:s20] =	ssyncset.done $0x0  }
0xb8: {  	[sflag:s20] =	ssyncadd.s32 $0xFFFFD800  }
0xb9: {  	[bflag:$0x0] =	sbarrier.arrive $0xFFFF  }
0xba: {  	[tilespmem:s19], [sflag:$0x4] =	stream.linear.gather [spmem:s8], $0x1F40, $0x38;
	[tilespmem:$0x1CFC0] =	vst v63  }
0xbb: {  	_ =	swait.ge [sflag:s29], $0x1F40  }
0xbc: {  	s1 =	simm.s32 $0x4;
	[sflag:s29] =	ssyncset.done $0x0  }
0xbd: {  	s1 =	simm.s32 @!p0 $0x3;
	[sflag:s29] =	ssyncadd.s32 $0xFFFFE0C0  }
0xbe: {  	[hbm4b:s14+s4] =	stream.linear.scatter [tilespmem:s19], [sflag:s1], $0x1F40, $0x38;
	[tilespmem:$0x1CFC0] =	vst v63  }
0xbf: {  	_ =	swait.ge [sflag:s1], $0x1F40  }
0xc0: {  	[sflag:s1] =	ssyncset.done $0x0  }
0xc1: {  	[sflag:s1] =	ssyncadd.s32 $0xFFFFE0C0  }
0xc2: {  	[tilespmem:s19], [sflag:$0x4] =	stream.linear.gather [spmem:s10], $0x1F40, $0x38;
	[tilespmem:$0x1CFC0] =	vst v63  }
0xc3: {  	_ =	swait.ge [sflag:s29], $0x1F40  }
0xc4: {  	[sflag:s29] =	ssyncset.done $0x0  }
0xc5: {  	[sflag:s29] =	ssyncadd.s32 $0xFFFFE0C0  }
0xc6: {  	[hbm4b:s15+s4] =	stream.linear.scatter [tilespmem:s19], [sflag:s1], $0x1F40, $0x38;
	[tilespmem:$0x1CFC0] =	vst v63  }
0xc7: {  	_ =	swait.ge [sflag:s1], $0x1F40  }
0xc8: {  	[sflag:s1] =	ssyncset.done $0x0  }
0xc9: {  	[sflag:s1] =	ssyncadd.s32 $0xFFFFE0C0  }
0xca: {  	[tilespmem:s19], [sflag:$0x4] =	stream.linear.gather [spmem:s11], $0x1F40, $0x38;
	[tilespmem:$0x1CFC0] =	vst v63  }
0xcb: {  	_ =	swait.ge [sflag:s29], $0x1F40  }
0xcc: {  	[sflag:s29] =	ssyncset.done $0x0  }
0xcd: {  	[sflag:s29] =	ssyncadd.s32 $0xFFFFE0C0  }
0xce: {  	[hbm4b:s16+s4] =	stream.linear.scatter [tilespmem:s19], [sflag:s1], $0x1F40, $0x38;
	[tilespmem:$0x1CFC0] =	vst v63  }
0xcf: {  	_ =	swait.ge [sflag:s1], $0x1F40  }
0xd0: {  	[sflag:s1] =	ssyncset.done $0x0  }
0xd1: {  	[sflag:s1] =	ssyncadd.s32 $0xFFFFE0C0  }
0xd2: {  	[tilespmem:s19], [sflag:$0x4] =	stream.linear.gather [spmem:s12], $0x1F40, $0x38;
	[tilespmem:$0x1CFC0] =	vst v63  }
0xd3: {  	_ =	swait.ge [sflag:s29], $0x1F40  }
0xd4: {  	[sflag:s29] =	ssyncset.done $0x0  }
0xd5: {  	[sflag:s29] =	ssyncadd.s32 $0xFFFFE0C0  }
0xd6: {  	[hbm4b:s17+s4] =	stream.linear.scatter [tilespmem:s19], [sflag:s1], $0x1F40, $0x38;
	[tilespmem:$0x1CFC0] =	vst v63  }
0xd7: {  	_ =	swait.ge [sflag:s1], $0x1F40  }
0xd8: {  	[sflag:s1] =	ssyncset.done $0x0  }
0xd9: {  	[sflag:s1] =	ssyncadd.s32 $0xFFFFE0C0  }
0xda: {  	[tilespmem:s19], [sflag:$0x4] =	stream.linear.gather [spmem:s13], $0x1F40, $0x38;
	[tilespmem:$0x1CFC0] =	vst v63  }
0xdb: {  	_ =	swait.ge [sflag:s29], $0x1F40  }
0xdc: {  	[sflag:s29] =	ssyncset.done $0x0  }
0xdd: {  	[sflag:s29] =	ssyncadd.s32 $0xFFFFE0C0  }
0xde: {  	[hbm4b:s18+s4] =	stream.linear.scatter [tilespmem:s19], [sflag:s1], $0x1F40, $0x38;
	[tilespmem:$0x1CFC0] =	vst v63  }
0xdf: {  	_ =	swait.ge [sflag:s1], $0x1F40  }
0xe0: {  	s30 =	sadd.s32 $0x1, s30;
	s2 =	rddreg [dreg:$0x6]  }
0xe1: {  	p1 =	sne.s32 s30, s2  }
.Ltmp3:
0xe2: {  	_ = 	snop;
	(pc) =	sbr.rel @p1 .LBB2_1-.Ltmp3, $3  }
0xe3: {  	_ =	sdelay $0x1  }
0xe4: {  	[sflag:s1] =	ssyncset.done $0x0  }
0xe5: {  	[sflag:s1] =	ssyncadd.s32 $0xFFFFE0C0  }
0xe6: {  	_ =	sfence.sel $0x180000  }
0xe7: {  	[bflag:$0x0] =	sbarrier.arrive $0xFFFF  }
0xe8: {  	_ =	strace $0x90000050  }
0xe9: {  	s0 =	stileid.u32;
	[bflag:$0x2] =	sbarrier.arrive $0xFFFF  }
0xea: {  	p0 =	sne.s32 s0, $0x0;
	s0 =	rddreg [dreg:$0x3]  }
0xeb: {  	s0 =	sadd.s32 @!p0 $0x100000, s0  }
0xec: {  	[sflag:s0] =	ssyncadd.tile.s32 @!p0 $0x1;
	_ =	shalt  }
.Lfunc_end2:
_tile_overlayer_lowered:
.L_overlay_start_2:
0xed: {  	(tag) =	ssettag $0x2  }
0xee: {  	s0 =	rddreg [dreg:$0x0];
	s2 =	stileid.u32  }
0xef: {  	s1 =	rddreg [dreg:$0x1];
	p0 =	sne.s32 s2, $0x0  }
0xf0: {  	s3 =	rddreg [dreg:$0x2];
	[bflag:$0x3] =	sbarrier.arrive $0xFFFF;
	s2 =	simm.s32 @!p0 $0x1C03  }
0xf1: {  	[timem:s3], [sflag:s2] =	dma.local @!p0 [hbm:s0], s1  }
0xf2: {  	s0 =	simm.s32 @!p0 $0x3  }
0xf3: {  	_ =	swait.ge @!p0 [sflag:s0], s1  }
0xf4: {  	s1 =	ssub.s32 @!p0 $0x0, s1;
	[sflag:s0] =	ssyncset.done @!p0 $0x0  }
0xf5: {  	[sflag:s0] =	ssyncadd.s32 @!p0 s1  }
0xf6: {  	[bflag:$0x3] =	sbarrier.arrive $0xFFFF  }
0xf7: {  	_ =	shalt  }

// kernel: kernel.27.cloned.1.call-start
scs
__scs_entry_jumppad:
0x0: {  	(pc) =	sbr.rel $0x88, $3  }
0x1: {  	(tag) =	ssettag $0x0;
	lr =	simm.s32 $0x1  }
0x2: {  	[smem:$0x3F89] =	sst lr;
	_ =	strace $0xD0000000  }
0x3: {  	_ = 	snop  }
0x4: {  	_ = 	snop  }
0x5: {  	_ = 	snop  }
0x6: {  	_ = 	snop  }
0x7: {  	_ = 	snop  }
__scs_overlays_trampoline_lowered:
0x8: {  	[smem:$0x3F98] =	sst s0  }
0x9: {  	[smem:$0x3F99] =	sst s1  }
0xa: {  	[smem:$0x3F9A] =	sst s2  }
0xb: {  	[smem:$0x3F9B] =	sst s3  }
0xc: {  	[smem:$0x3F9C] =	sst s4  }
0xd: {  	[smem:$0x3F9D] =	sst s5  }
0xe: {  	[smem:$0x3F9E] =	sst s6  }
0xf: {  	[smem:$0x3F9F] =	sst s7  }
0x10: {  	[smem:$0x3FA0] =	sst s8  }
0x11: {  	[smem:$0x3FA1] =	sst s9;
	s0 =	simm.s32 @!p0 $0x0  }
0x12: {  	s1 =	sld [smem:$0x3F87];
	s0 =	simm.s32 @p0 $0x1  }
0x13: {  	[smem:$0x3FA2] =	sst s0;
	s0 =	simm.s32 @!p1 $0x0  }
0x14: {  	s2 =	sld [smem:$0x3F86];
	s0 =	simm.s32 @p1 $0x1  }
0x15: {  	[smem:$0x3FA3] =	sst s0;
	s0 =	simm.s32 @!p2 $0x0  }
0x16: {  	s3 =	sld [smem:$0x3FDB];
	s0 =	simm.s32 @p2 $0x1  }
0x17: {  	s4 =	simm.s32 $0x1BF5;
	[smem:$0x3FA5] =	sst s0  }
0x18: {  	s0 =	sld [smem:$0x3F88];
	_ =	swait.ge [sflag:s4], $0x0  }
0x19: {  	s7 =	sld [smem:$0x3F89]  }
0x1a: {  	s8 =	sadd.s32 $0xFFFFE003, lr  }
0x1b: {  	s9 =	sadd.s32 $0xFFFFFEF7, lr;
	s5 =	simm.s32 $0xFFFFFFFF;
	p2 =	slt.u32 s8, $0xFFFFF086  }
0x1c: {  	p1 =	slt.u32 s9, $0xF7A;
	s5 =	simm.s32 @!p2 $0x0  }
0x1d: {  	s5 =	simm.s32 @p1 $0x1;
	p0 =	seq.s32 s7, s2  }
0x1e: {  	s7 =	smul.u32 @!p0 $0xF7A, s2;
	p2 =	seq.s32 @!p0 s5, $0x0  }
0x1f: {  	s9 =	smul.u32 $0xF7A, s1;
	s8 =	simm.s32 @!p0 $0x1BF5;
	p2 =	por !p2, p0  }
0x20: {  	[sflag:s8] =	ssyncset.s32 @!p0 $0xFFFFF086;
	s6 =	sadd.s32 @!p0 s3, s7;
	s7 =	simm.s32 @!p0 $0x108  }
0x21: {  	s3 =	sadd.s32 s3, s9;
	s6 =	sadd.s32 @!p0 $0x88, s6;
	s7 =	simm.s32 @p2 $0x1082  }
0x22: {  	[simem:s7], [sflag:s8] =	dma.local @!p0 [hbm:s6], $0xF7A  }
0x23: {  	s9 =	sor.u32 $0xD0000000, s2;
	s6 =	simm.s32 $0x108;
	_ =	swait.ge @!p0 [sflag:s8], $0x0  }
0x24: {  	s3 =	sadd.s32 $0x88, s3;
	s6 =	simm.s32 @!p1 $0x1082;
	[sflag:s4] =	ssyncset.s32 $0xFFFFF086  }
0x25: {  	[simem:s6], [sflag:s4] =	dma.local [hbm:s3], $0xF7A  }
0x26: {  	[smem:$0x3F89] =	sst s1;
	(tag) =	ssettag s2;
	_ =	strace s9  }
0x27: {  	s1 =	sld [smem:$0x3F99]  }
0x28: {  	s2 =	sld [smem:$0x3F9A]  }
0x29: {  	s4 =	sld [smem:$0x3F9C]  }
0x2a: {  	p0 =	seq.s32 s5, $0x0;
	s5 =	sld [smem:$0x3F9D]  }
0x2b: {  	s6 =	sld [smem:$0x3F9E]  }
0x2c: {  	s7 =	sld [smem:$0x3F9F]  }
0x2d: {  	s3 =	simm.s32 $0x108;
	s8 =	sld [smem:$0x3FA0]  }
0x2e: {  	s3 =	simm.s32 @!p0 $0x1082;
	s9 =	sld [smem:$0x3FA1]  }
0x2f: {  	lr =	sadd.s32 s0, s3;
	s0 =	sld [smem:$0x3F98]  }
0x30: {  	s3 =	sld [smem:$0x3F9B]  }
0x31: {  	[smem:$0x3FA4] =	sst s10  }
0x32: {  	s10 =	sld [smem:$0x3FA2];
	_ =	sdelay $0x3  }
0x33: {  	p0 =	seq.s32 s10, $0x1;
	s10 =	sld [smem:$0x3FA4];
	_ =	sdelay $0x3  }
0x34: {  	[smem:$0x3FA4] =	sst s10  }
0x35: {  	s10 =	sld [smem:$0x3FA3];
	_ =	sdelay $0x3  }
0x36: {  	p1 =	seq.s32 s10, $0x1;
	s10 =	sld [smem:$0x3FA4];
	_ =	sdelay $0x3  }
0x37: {  	[smem:$0x3FA4] =	sst s10  }
0x38: {  	s10 =	sld [smem:$0x3FA5]  }
0x39: {  	_ = 	snop;
	(pc) =	sbr.ind lr, $3  }
0x3a: {  	_ = 	snop  }
0x3b: {  	_ = 	snop  }
0x3c: {  	p2 =	seq.s32 s10, $0x1;
	s10 =	sld [smem:$0x3FA4]  }
0x3d: {  	_ =	shalt  }
0x3e: {  	_ =	shalt  }
0x3f: {  	_ =	shalt  }
0x40: {  	_ =	shalt  }
0x41: {  	_ =	shalt  }
0x42: {  	_ =	shalt  }
0x43: {  	_ =	shalt  }
0x44: {  	_ =	shalt  }
0x45: {  	_ =	shalt  }
0x46: {  	_ =	shalt  }
0x47: {  	_ =	shalt  }
0x48: {  	_ =	shalt  }
0x49: {  	_ =	shalt  }
0x4a: {  	_ =	shalt  }
0x4b: {  	_ =	shalt  }
0x4c: {  	_ =	shalt  }
0x4d: {  	_ =	shalt  }
0x4e: {  	_ =	shalt  }
0x4f: {  	_ =	shalt  }
0x50: {  	_ =	shalt  }
0x51: {  	_ =	shalt  }
0x52: {  	_ =	shalt  }
0x53: {  	_ =	shalt  }
0x54: {  	_ =	shalt  }
0x55: {  	_ =	shalt  }
0x56: {  	_ =	shalt  }
0x57: {  	_ =	shalt  }
0x58: {  	_ =	shalt  }
0x59: {  	_ =	shalt  }
0x5a: {  	_ =	shalt  }
0x5b: {  	_ =	shalt  }
0x5c: {  	_ =	shalt  }
0x5d: {  	_ =	shalt  }
0x5e: {  	_ =	shalt  }
0x5f: {  	_ =	shalt  }
0x60: {  	_ =	shalt  }
0x61: {  	_ =	shalt  }
0x62: {  	_ =	shalt  }
0x63: {  	_ =	shalt  }
0x64: {  	_ =	shalt  }
0x65: {  	_ =	shalt  }
0x66: {  	_ =	shalt  }
0x67: {  	_ =	shalt  }
0x68: {  	_ =	shalt  }
0x69: {  	_ =	shalt  }
0x6a: {  	_ =	shalt  }
0x6b: {  	_ =	shalt  }
0x6c: {  	_ =	shalt  }
0x6d: {  	_ =	shalt  }
0x6e: {  	_ =	shalt  }
0x6f: {  	_ =	shalt  }
0x70: {  	_ =	shalt  }
0x71: {  	_ =	shalt  }
0x72: {  	_ =	shalt  }
0x73: {  	_ =	shalt  }
0x74: {  	_ =	shalt  }
0x75: {  	_ =	shalt  }
0x76: {  	_ =	shalt  }
0x77: {  	_ =	shalt  }
0x78: {  	_ =	shalt  }
0x79: {  	_ =	shalt  }
0x7a: {  	_ =	shalt  }
0x7b: {  	_ =	shalt  }
0x7c: {  	_ =	shalt  }
0x7d: {  	_ =	shalt  }
0x7e: {  	_ =	shalt  }
0x7f: {  	_ =	shalt  }
0x80: {  	_ =	shalt  }
0x81: {  	_ =	shalt  }
0x82: {  	_ =	shalt  }
0x83: {  	_ =	shalt  }
0x84: {  	_ =	shalt  }
0x85: {  	_ =	shalt  }
0x86: {  	_ =	shalt  }
0x87: {  	_ =	shalt  }
.Lfunc_end0:
.L_simem_size_0:
called_computation.4_lowered:
.L_overlay_start_0:
0x88: {  	s2 =	sld [smem:$0x3FD9]  }
0x89: {  	s3 =	sld [smem:$0x3FFE];
	_ =	sdelay $0x1  }
0x8a: {  	s1 =	srdreg.scid  }
0x8b: {  	s0 =	sand.u32 $0x1, s1  }
0x8c: {  	s17 =	sshll.u32 s0, $0xA;
	s2 =	sadd.s32 s3, s2  }
0x8d: {  	s2 =	sadd.s32 s2, s17  }
0x8e: {  	[smem:$0x3FB0] =	sst s2  }
0x8f: {  	_ = 	snop  }
0x90: {  	s2 =	sld [smem:$0x3FD0];
	(tm) =	ssettm $0x1  }
0x91: {  	s18 =	sld [smem:$0x3FFB];
	_ =	sdelay $0x3  }
0x92: {  	_ =	strace s18  }
0x93: {  	s3 =	sld [smem:$0x3FFC];
	_ =	sdelay $0x3  }
0x94: {  	_ =	strace s3  }
0x95: {  	s3 =	sld [smem:$0x3FFD];
	_ =	sdelay $0x3  }
0x96: {  	_ =	strace s3  }
0x97: {  	_ =	strace $0x8FFFFFFF  }
0x98: {  	s19 =	sld [smem:$0x3FDB];
	_ =	sdelay $0x1  }
0x99: {  	s4 =	simm.s32 $_scs_section_size  }
0x9a: {  	s5 =	simm.s32 $_size__tile_overlayer_lowered;
	s6 =	simm.s32 $_tile_overlayer_lowered  }
0x9b: {  	s22 =	simm.s32 $0x1BFF;
	s21 =	sshll.u32 s6, $0x1;
	s3 =	sadd.s32 s4, s19  }
0x9c: {  	s7 =	simm.s32 $0x0;
	s20 =	sshll.u32 s5, $0x1;
	s5 =	sadd.s32 s21, s3  }
0x9d: {  	[timem:s7], [sflag:s22] =	dma.local [hbm:s5], s20  }
0x9e: {  	_ =	swait.ge [sflag:s22], s20  }
0x9f: {  	s4 =	ssub.s32 $0x0, s20;
	[sflag:s22] =	ssyncset.done $0x0  }
0xa0: {  	[sflag:s22] =	ssyncadd.s32 s4;
	_ =	sdelay $0x1  }
0xa1: {  	s23 =	simm.s32 $0x1B8B  }
0xa2: {  	_ =	swait.ge [sflag:s23], $0x1  }
0xa3: {  	[sflag:s23] =	ssyncset.done $0x0  }
0xa4: {  	s25 =	simm.s32 $0x1B8E;
	s24 =	sld [smem:$0x3FFE];
	[sflag:s23] =	ssyncadd.s32 $0xFFFFFFFF  }
0xa5: {  	s26 =	simm.s32 $execute0_lowered;
	[smem:$0x3FD2] =	sst s25  }
0xa6: {  	s5 =	sshll.u32 s26, $0x1;
	_ =	strace $0x80000052;
	[dreg:$0x1] =	wrdreg $0xFFFFFFFF  }
0xa7: {  	s28 =	simm.s32 $_size_execute0_lowered;
	s3 =	sadd.s32 s3, s5;
	[dreg:$0x0] =	wrdreg $0x0  }
0xa8: {  	s5 =	sshll.u32 s28, $0x1;
	[dreg:$0x2] =	wrdreg s3  }
0xa9: {  	[dreg:$0x3] =	wrdreg s5  }
0xaa: {  	[dreg:$0x4] =	wrdreg $0xC0  }
0xab: {  	_ =	task [dreg:s7], $0x5FFFF  }
0xac: {  	[dreg:$0x1] =	wrdreg $0xFFFFFFFF  }
0xad: {  	[dreg:$0x0] =	wrdreg $0x60  }
0xae: {  	[dreg:$0x2] =	wrdreg s2  }
0xaf: {  	[dreg:$0x3] =	wrdreg s24  }
0xb0: {  	[dreg:$0x4] =	wrdreg $0x9  }
0xb1: {  	_ =	task.clear_ibuf [dreg:s7], $0x5FFFF;
	_ =	strace $0x90000052  }
0xb2: {  	s29 =	simm.s32 $0x9;
	_ =	strace $0x80000054  }
0xb3: {  	_ =	swait.ge [sflag:s29], $0x1  }
0xb4: {  	[sflag:s29] =	ssyncadd.s32 $0xFFFFFFFF  }
0xb5: {  	_ =	strace $0x90000054  }
0xb6: {  	_ =	sfence  }
0xb7: {  	s30 =	sld [smem:$0x0];
	_ =	sdelay $0x2  }
0xb8: {  	s31 =	sshll.u32 s1, $0xD;
	s1 =	sshrl.u32 s1, $0x2  }
0xb9: {  	s3 =	sand.u32 $0x4000, s31;
	s1 =	sadd.s32 s1, s30  }
0xba: {  	s0 =	sor.u32 s3, s0;
	s1 =	sshll.u32 s1, $0x11  }
0xbb: {  	s0 =	sor.u32 s1, s0  }
0xbc: {  	s0 =	sadd.s32 $0x8F2B, s0  }
0xbd: {  	[sflag:s0] =	ssyncadd.remote.s32 $0x1  }
0xbe: {  	_ =	sfence.sel $0xFFFF  }
0xbf: {  	[dreg:$0x0] =	wrdreg $0xFFFFFFFF;
	(pc) =	sbr.abs _section_cstart, $3  }
0xc0: {  	[dreg:$0x1] =	wrdreg $0xFFFFFFFF  }
0xc1: {  	_ =	task.clear_ibuf [dreg:s7], $0x2FFFF;
	_ =	strace $0x9FFFFFFF  }
0xc2: {  	(tm) =	ssettm $0x7FFFFFFF  }
0xc3: {  	_ =	shalt  }
tec
execute0_lowered:
.L_overlay_start_1:
0x0: {  	(tag) =	ssettag $0x1  }
0x1: {  	s0 =	srdreg.scid;
	s2 =	rddreg [dreg:$0x0]  }
0x2: {  	s6 =	rddreg [dreg:$0x1];
	s1 =	stileid.u32  }
0x3: {  	s3 =	simm.s32 $0x0;
	s10 =	simm.s32 $0x3;
	s11 =	simm.s32 $0x4E20  }
0x4: {  	s12 =	simm.s32 $0xA0;
	s13 =	simm.s32 $0x9C40;
	s5 =	sand.u32 $0x1, s0  }
0x5: {  	s14 =	simm.s32 $0xC440;
	s15 =	simm.s32 $0x1;
	s4 =	sshll.u32 s5, $0x4  }
0x6: {  	s16 =	simm.s32 $0x2;
	s17 =	simm.s32 $0xEC40;
	s4 =	sor.u32 s1, s4  }
0x7: {  	s0 =	rddreg [dreg:$0x2];
	s7 =	ssub.s32 $0x2, s5;
	s4 =	smul.u32 $0x4E20, s4  }
0x8: {  	s18 =	simm.s32 $0x0;
	[smem:$0x7FF] =	sst s3;
	s9 =	sshrl.u32 s7, $0x1  }
0x9: {  	_ =	strace $0x80000053;
	s9 =	ssub.s32 s7, s9;
	s8 =	sshrl.u32 s4, $0x3  }
0xa: {  	s5 =	sadd.s32 $0x2E600, s6;
	s9 =	smax.u32 s9, $0x1;
	s8 =	sadd.s32 s8, s6  }
0xb: {  	s6 =	sadd.s32 $0x42000, s6;
	s7 =	sadd.s32 $0x1AC00, s8;
	s8 =	sadd.s32 $0x7200, s8  }
.LBB2_1:
0xc: {  	[tilespmem:s3], [sflag:$0x3] =	stream.linear.gather [hbm4b:s7+s3], $0x4E20, $0x38;
	[tilespmem:$0x11440] =	vst v63  }
0xd: {  	_ =	swait.ge [sflag:s10], $0x4E20  }
0xe: {  	[sflag:s10] =	ssyncset.done $0x0  }
0xf: {  	[sflag:s10] =	ssyncadd.s32 $0xFFFFB1E0  }
0x10: {  	[tilespmem:s11], [sflag:$0x3] =	stream.linear.gather [hbm4b:s8+s3], $0x4E20, $0x38;
	[tilespmem:$0x11440] =	vst v63  }
0x11: {  	_ =	swait.ge [sflag:s10], $0x4E20  }
0x12: {  	[sflag:s10] =	ssyncset.done $0x0  }
0x13: {  	s19 =	simm.s32 $0x0;
	[sflag:s10] =	ssyncadd.s32 $0xFFFFB1E0  }
.LBB2_2:
0x14: {  	s20 =	smul.u32 $0xA0, s19;
	_ =	sdelay $0x1  }
0x15: {  	[tilespmem:s13], [sflag:$0x1] =	stream.indirect.gather [hbm4b:s2+s12], $0x40, s20, s12, $0xb8;
	[tilespmem:$0x11440] =	vst v63  }
0x16: {  	s21 =	sadd.s32 $0x4E20, s20  }
0x17: {  	[tilespmem:s14], [sflag:$0x2] =	stream.indirect.gather [hbm4b:s5+s12], $0x40, s21, s12, $0xb8;
	[tilespmem:$0x11440] =	vst v63  }
0x18: {  	_ =	swait.ge [sflag:s15], $0x2800  }
0x19: {  	[sflag:s15] =	ssyncset.done $0x0  }
0x1a: {  	[sflag:s15] =	ssyncadd.s32 $0xFFFFD800  }
0x1b: {  	_ =	swait.ge [sflag:s16], $0x2800  }
0x1c: {  	[sflag:s16] =	ssyncset.done $0x0  }
0x1d: {  	s21 =	simm.s32 $0x0;
	[sflag:s16] =	ssyncadd.s32 $0xFFFFD800  }
0x1e: {  	v0 =	vld [tilespmem:s21+$0x9C70]  }
0x1f: {  	v1 =	vld [tilespmem:s21+$0xC470]  }
0x20: {  	v2 =	vld [tilespmem:s21+$0x9C40]  }
0x21: {  	v3 =	vld [tilespmem:s21+$0xC440]  }
0x22: {  	v4 =	vld [tilespmem:s21+$0x9C50]  }
0x23: {  	v5 =	vld [tilespmem:s21+$0xC450]  }
0x24: {  	v6 =	vld [tilespmem:s21+$0xC460];
	v0 =	vadd.f32 v1, v0  }
0x25: {  	v1 =	vld [tilespmem:s21+$0x9C60]  }
0x26: {  	v14 =	vmax.f32 v0, $-3.000000000e+01;
	v0 =	vadd.f32 v3, v2  }
0x27: {  	v2 =	vsub.f32 $0.0e+00, v14  }
0x28: {  	v3 =	vadd.f32 v5, v4;
	v0 =	vmax.f32 v0, $-3.000000000e+01  }
0x29: {  	v2 =	vmul.f32 $1.442695020e+00, v2;
	v4 =	vsub.f32 $0.0e+00, v0  }
0x2a: {  	v8 =	vmax.f32 v3, $-3.000000000e+01;
	v1 =	vadd.f32 v6, v1  }
0x2b: {  	s22 =	simm.s32 $0x40;
	v3 =	vsub.f32 $0.0e+00, v8;
	(erf) = vpow2.f32 v2;
	v2 =	vmul.f32 $1.442695020e+00, v4  }
0x2c: {  	v9 =	vmax.f32 v1, $-3.000000000e+01;
	v4 =	vld [tilespmem:s22+$0xC470]  }
0x2d: {  	v1 =	vmul.f32 $1.442695020e+00, v3;
	v3 =	vsub.f32 $0.0e+00, v9;
	(erf) = vpow2.f32 v2;
	v2 =	vld [tilespmem:s22+$0x9C70]  }
0x2e: {  	v5 =	vld [tilespmem:s22+$0xC440]  }
0x2f: {  	(erf) = vpow2.f32 v1;
	v1 =	vmul.f32 $1.442695020e+00, v3;
	v3 =	vld [tilespmem:s22+$0x9C40];
	_ =	sdelay $0x1  }
0x30: {  	v6 =	vld [tilespmem:s22+$0xC450]  }
0x31: {  	(erf) = vpow2.f32 v1;
	v1 =	vld [tilespmem:s22+$0x9C50];
	v2 =	vadd.f32 v4, v2;
	_ =	sdelay $0x1  }
0x32: {  	v7 =	vld [tilespmem:s22+$0x9C60];
	v5 =	vadd.f32 v5, v3;
	v4 =	vpop (erf)  }
0x33: {  	v11 =	vld [tilespmem:s22+$0xC460];
	v3 =	vmax.f32 v2, $-3.000000000e+01;
	v4 =	vadd.f32 $1.000000000e+00, v4  }
0x34: {  	v12 =	vsub.f32 $0.0e+00, v3;
	v10 =	vmax.f32 v5, $-3.000000000e+01;
	v2 =	vpop (erf)  }
0x35: {  	v1 =	vadd.f32 v6, v1;
	(erf) = vrcp.f32 v4;
	v5 =	vadd.f32 $1.000000000e+00, v2  }
0x36: {  	v12 =	vmul.f32 $1.442695020e+00, v12  }
0x37: {  	v6 =	vsub.f32 $0.0e+00, v10;
	v2 =	vpop (erf);
	v1 =	vmax.f32 v1, $-3.000000000e+01;
	(erf) = vrcp.f32 v5  }
0x38: {  	v15 =	vadd.f32 $1.000000000e+00, v2;
	v2 =	vadd.f32 v11, v7;
	(erf) = vpow2.f32 v12  }
0x39: {  	s23 =	simm.s32 $0x80;
	v6 =	vmul.f32 $1.442695020e+00, v6;
	v11 =	vsub.f32 $0.0e+00, v1;
	v7 =	vpop (erf)  }
0x3a: {  	v13 =	vld [tilespmem:s23+$0xC470];
	v20 =	vadd.f32 $1.000000000e+00, v7;
	v2 =	vmax.f32 v2, $-3.000000000e+01;
	(erf) = vrcp.f32 v15  }
0x3b: {  	v7 =	vmul.f32 $1.442695020e+00, v11;
	v12 =	vld [tilespmem:s23+$0x9C70];
	(erf) = vpow2.f32 v6;
	v6 =	vsub.f32 $0.0e+00, v2  }
0x3c: {  	v17 =	vld [tilespmem:s23+$0xC440];
	(erf) = vrcp.f32 v20  }
0x3d: {  	(erf) = vpow2.f32 v7;
	v6 =	vmul.f32 $1.442695020e+00, v6;
	v7 =	vld [tilespmem:s23+$0x9C40]  }
0x3e: {  	v18 =	vld [tilespmem:s23+$0xC450];
	v16 =	vpop (erf)  }
0x3f: {  	(erf) = vpow2.f32 v6;
	v6 =	vld [tilespmem:s23+$0x9C50];
	v4 =	vmul.f32 v16, v4  }
0x40: {  	v21 =	vadd.f32 v13, v12;
	v11 =	vpop (erf)  }
0x41: {  	v19 =	vld [tilespmem:s23+$0x9C60];
	v4 =	vsub.f32 $2.000000000e+00, v4;
	v12 =	vpop (erf);
	v24 =	vmul.f32 v11, v5  }
0x42: {  	v5 =	vld [tilespmem:s23+$0xC460];
	v22 =	vadd.f32 v17, v7;
	v7 =	vmax.f32 v21, $-3.000000000e+01;
	v13 =	vadd.f32 $1.000000000e+00, v12  }
0x43: {  	v12 =	vpop (erf);
	v23 =	vsub.f32 $0.0e+00, v7;
	v4 =	vmul.f32 v4, v16  }
0x44: {  	v21 =	vpop (erf);
	v17 =	vmul.f32 v12, v15;
	v6 =	vadd.f32 v18, v6;
	(erf) = vrcp.f32 v13  }
0x45: {  	v16 =	vpop (erf);
	v15 =	vadd.f32 $1.000000000e+00, v21;
	v25 =	vmul.f32 v4, v14;
	v4 =	vmax.f32 v22, $-3.000000000e+01  }
0x46: {  	v21 =	vmul.f32 $1.442695020e+00, v23;
	v14 =	vpop (erf);
	v6 =	vmax.f32 v6, $-3.000000000e+01;
	v18 =	vsub.f32 $0.0e+00, v4  }
0x47: {  	v14 =	vadd.f32 $1.000000000e+00, v14;
	v5 =	vadd.f32 v5, v19;
	(erf) = vrcp.f32 v15  }
0x48: {  	v19 =	vpop (erf);
	(erf) = vpow2.f32 v21;
	v21 =	vsub.f32 $0.0e+00, v6;
	v26 =	vmul.f32 $1.442695020e+00, v18  }
0x49: {  	v5 =	vmax.f32 v5, $-3.000000000e+01;
	v18 =	vadd.f32 $1.000000000e+00, v19;
	(erf) = vrcp.f32 v14  }
0x4a: {  	s24 =	simm.s32 $0xC0;
	[tilespmem:s21+$0xEC70] =	vst v25;
	v22 =	vmul.f32 $1.442695020e+00, v21;
	v23 =	vsub.f32 $0.0e+00, v5;
	(erf) = vpow2.f32 v26  }
0x4b: {  	s25 =	simm.s32 $0x400;
	v20 =	vmul.f32 v16, v20;
	v19 =	vsub.f32 $2.000000000e+00, v24;
	v21 =	vld [tilespmem:s24+$0x9C70];
	(erf) = vrcp.f32 v18  }
.LBB2_3:
0x4c: {  	p0 =	sne.s32 s25, $0x9F00;
	v24 =	vld [tilespmem:s24+$0xC470];
	v23 =	vmul.f32 $1.442695020e+00, v23;
	(erf) = vpow2.f32 v22;
	v17 =	vsub.f32 $2.000000000e+00, v17;
	v25 =	vmovc v18  }
0x4d: {  	v18 =	vld [tilespmem:s24+$0x9C40];
	v22 =	vpop (erf);
	v19 =	vmul.f32 v19, v11;
	v27 =	vsub.f32 $2.000000000e+00, v20  }
0x4e: {  	v20 =	vld [tilespmem:s24+$0xC440];
	(erf) = vpow2.f32 v23;
	v28 =	vmul.f32 v22, v13  }
0x4f: {  	v29 =	vmul.f32 v17, v12;
	v23 =	vld [tilespmem:s24+$0x9C50];
	v16 =	vmul.f32 v27, v16  }
0x50: {  	v19 =	vmul.f32 v19, v0;
	v0 =	vmov v10;
	v26 =	vld [tilespmem:s24+$0xC450];
	v17 =	vsub.f32 $2.000000000e+00, v28;
	v11 =	vpop (erf)  }
0x51: {  	v8 =	vmul.f32 v29, v8;
	v10 =	vld [tilespmem:s24+$0x9C60];
	v21 =	vadd.f32 v24, v21;
	v13 =	vpop (erf);
	v24 =	vmul.f32 v11, v15  }
0x52: {  	v9 =	vmul.f32 v16, v9;
	v27 =	vld [tilespmem:s24+$0xC460];
	v13 =	vadd.f32 $1.000000000e+00, v13;
	v15 =	vmul.f32 v17, v22;
	v12 =	vpop (erf);
	[tilespmem:s21+$0xEC40] =	vst v19  }
0x53: {  	v18 =	vadd.f32 v20, v18;
	v19 =	vmax.f32 v21, $-3.000000000e+01;
	v20 =	vpop (erf);
	v17 =	vmul.f32 v12, v14;
	[tilespmem:s21+$0xEC50] =	vst v8  }
0x54: {  	v8 =	vsub.f32 $0.0e+00, v19;
	(erf) = vrcp.f32 v13;
	v22 =	vmul.f32 v15, v3;
	v16 =	vpop (erf);
	[tilespmem:s21+$0xEC60] =	vst v9;
	s21 =	smov.u32 s22;
	s22 =	smov.u32 s23;
	s23 =	smov.u32 s24  }
0x55: {  	v15 =	vadd.f32 $1.000000000e+00, v20;
	v9 =	vmax.f32 v18, $-3.000000000e+01;
	v18 =	vadd.f32 v26, v23;
	v14 =	vpop (erf)  }
0x56: {  	v3 =	vmovc v7;
	v7 =	vmovc v19;
	v20 =	vsub.f32 $0.0e+00, v9;
	v23 =	vmul.f32 $1.442695020e+00, v8;
	v14 =	vadd.f32 $1.000000000e+00, v14;
	[tilespmem:s21+$0xEC70] =	vst v22  }
.Ltmp0:
0x57: {  	v19 =	vmax.f32 v18, $-3.000000000e+01;
	v18 =	vadd.f32 v27, v10;
	(erf) = vrcp.f32 v15;
	v21 =	vpop (erf);
	(pc) =	sbr.rel @p0 .LBB2_3-.Ltmp0, $4  }
0x58: {  	v10 =	vmovc v4;
	v4 =	vmovc v9;
	v20 =	vmul.f32 $1.442695020e+00, v20;
	v22 =	vsub.f32 $0.0e+00, v19;
	(erf) = vpow2.f32 v23  }
0x59: {  	v8 =	vmovc v1;
	v1 =	vmovc v6;
	v26 =	vmax.f32 v18, $-3.000000000e+01;
	v18 =	vadd.f32 $1.000000000e+00, v21;
	(erf) = vrcp.f32 v14  }
0x5a: {  	s24 =	sshra.s32 s25, $0x2;
	v6 =	vmovc v19;
	v9 =	vmovc v2;
	v22 =	vmul.f32 $1.442695020e+00, v22;
	v23 =	vsub.f32 $0.0e+00, v26;
	(erf) = vpow2.f32 v20  }
0x5b: {  	s25 =	sadd.s32 $0x100, s25;
	v19 =	vsub.f32 $2.000000000e+00, v24;
	v2 =	vmovc v5;
	v20 =	vmul.f32 v16, v25;
	v5 =	vmovc v26;
	v21 =	vld [tilespmem:s24+$0x9C70];
	(erf) = vrcp.f32 v18  }
0x5c: {  	v24 =	vld [tilespmem:s24+$0xC470]  }
0x5d: {  	v46 =	vld [tilespmem:s24+$0x9C40]  }
0x5e: {  	v25 =	vld [tilespmem:s24+$0xC440]  }
0x5f: {  	v26 =	vld [tilespmem:s24+$0x9C50]  }
0x60: {  	v47 =	vld [tilespmem:s24+$0xC450]  }
0x61: {  	(erf) = vpow2.f32 v22;
	v23 =	vmul.f32 $1.442695020e+00, v23;
	v29 =	vld [tilespmem:s24+$0x9C60]  }
0x62: {  	v30 =	vld [tilespmem:s24+$0xC460]  }
0x63: {  	(erf) = vpow2.f32 v23  }
0x64: {  	v27 =	vpop (erf)  }
0x65: {  	v28 =	vpop (erf);
	v21 =	vadd.f32 v24, v21  }
0x66: {  	v48 =	vpop (erf);
	v22 =	vadd.f32 v25, v46  }
0x67: {  	v23 =	vadd.f32 v47, v26;
	v29 =	vadd.f32 v30, v29;
	v31 =	vpop (erf);
	v21 =	vmax.f32 v21, $-3.000000000e+01  }
0x68: {  	v24 =	vadd.f32 $1.000000000e+00, v48;
	v49 =	vpop (erf);
	v32 =	vsub.f32 $0.0e+00, v21  }
0x69: {  	v22 =	vmax.f32 v22, $-3.000000000e+01;
	v23 =	vmax.f32 v23, $-3.000000000e+01;
	v33 =	vpop (erf);
	v25 =	vadd.f32 $1.000000000e+00, v49  }
0x6a: {  	(erf) = vrcp.f32 v24;
	v34 =	vsub.f32 $0.0e+00, v22;
	v50 =	vpop (erf);
	v32 =	vmul.f32 $1.442695020e+00, v32  }
0x6b: {  	v29 =	vmax.f32 v29, $-3.000000000e+01;
	v26 =	vadd.f32 $1.000000000e+00, v50;
	(erf) = vrcp.f32 v25  }
0x6c: {  	v35 =	vsub.f32 $0.0e+00, v23;
	v51 =	vmul.f32 $1.442695020e+00, v34;
	v52 =	vpop (erf);
	(erf) = vpow2.f32 v32  }
0x6d: {  	v54 =	vsub.f32 $0.0e+00, v29;
	v53 =	vadd.f32 $1.000000000e+00, v52;
	(erf) = vrcp.f32 v26  }
0x6e: {  	v55 =	vmul.f32 $1.442695020e+00, v35;
	(erf) = vpow2.f32 v51  }
0x6f: {  	v34 =	vmul.f32 $1.442695020e+00, v54;
	(erf) = vrcp.f32 v53  }
0x70: {  	(erf) = vpow2.f32 v55  }
0x71: {  	(erf) = vpow2.f32 v34;
	_ =	sdelay $0x1  }
0x72: {  	v56 =	vpop (erf)  }
0x73: {  	v58 =	vsub.f32 $2.000000000e+00, v20;
	v57 =	vpop (erf)  }
0x74: {  	v17 =	vsub.f32 $2.000000000e+00, v17;
	v11 =	vmul.f32 v19, v11;
	v13 =	vmul.f32 v27, v13;
	v59 =	vpop (erf)  }
0x75: {  	v16 =	vmul.f32 v58, v16;
	v60 =	vpop (erf)  }
0x76: {  	v12 =	vmul.f32 v17, v12;
	v0 =	vmul.f32 v11, v0;
	v13 =	vsub.f32 $2.000000000e+00, v13;
	v61 =	vpop (erf)  }
0x77: {  	v15 =	vmul.f32 v28, v15;
	v9 =	vmul.f32 v16, v9;
	v62 =	vadd.f32 $1.000000000e+00, v59;
	v63 =	vpop (erf)  }
0x78: {  	v13 =	vmul.f32 v13, v27;
	v14 =	vmul.f32 v31, v14;
	v11 =	vadd.f32 $1.000000000e+00, v61;
	v20 =	vpop (erf)  }
0x79: {  	v15 =	vsub.f32 $2.000000000e+00, v15;
	(erf) = vrcp.f32 v62;
	v16 =	vadd.f32 $1.000000000e+00, v20;
	v27 =	vpop (erf)  }
0x7a: {  	v18 =	vmul.f32 v33, v18;
	(erf) = vrcp.f32 v11;
	v20 =	vadd.f32 $1.000000000e+00, v27  }
0x7b: {  	v8 =	vmul.f32 v12, v8;
	v14 =	vsub.f32 $2.000000000e+00, v14;
	(erf) = vrcp.f32 v16  }
0x7c: {  	v28 =	vmul.f32 v15, v28;
	v18 =	vsub.f32 $2.000000000e+00, v18;
	(erf) = vrcp.f32 v20  }
0x7d: {  	v14 =	vmul.f32 v14, v31;
	v24 =	vmul.f32 v56, v24  }
0x7e: {  	v33 =	vmul.f32 v18, v33;
	v36 =	vmul.f32 v57, v25  }
0x7f: {  	v3 =	vmul.f32 v13, v3;
	v10 =	vmul.f32 v28, v10;
	v35 =	vsub.f32 $2.000000000e+00, v24  }
0x80: {  	[tilespmem:s21+$0xEC40] =	vst v0;
	v1 =	vmul.f32 v14, v1;
	v2 =	vmul.f32 v33, v2;
	v39 =	vsub.f32 $2.000000000e+00, v36  }
0x81: {  	[tilespmem:s21+$0xEC50] =	vst v8;
	v37 =	vmul.f32 v35, v56;
	v38 =	vmul.f32 v60, v26  }
0x82: {  	[tilespmem:s21+$0xEC60] =	vst v9;
	v43 =	vmul.f32 v39, v57;
	v40 =	vmul.f32 v63, v53;
	v42 =	vpop (erf)  }
0x83: {  	[tilespmem:s22+$0xEC70] =	vst v3;
	v0 =	vmul.f32 v37, v7;
	v41 =	vsub.f32 $2.000000000e+00, v38;
	v12 =	vmul.f32 v42, v62;
	v45 =	vpop (erf)  }
0x84: {  	[tilespmem:s22+$0xEC40] =	vst v10;
	v52 =	vmul.f32 v43, v4;
	v44 =	vsub.f32 $2.000000000e+00, v40;
	v46 =	vmul.f32 v45, v11;
	v47 =	vpop (erf)  }
0x85: {  	[tilespmem:s22+$0xEC50] =	vst v1;
	v7 =	vmul.f32 v41, v60;
	v49 =	vsub.f32 $2.000000000e+00, v12;
	v50 =	vmul.f32 v47, v16;
	v51 =	vpop (erf)  }
0x86: {  	[tilespmem:s22+$0xEC60] =	vst v2;
	v48 =	vmul.f32 v44, v63;
	v53 =	vsub.f32 $2.000000000e+00, v46;
	v54 =	vmul.f32 v51, v20  }
0x87: {  	[tilespmem:s23+$0xEC70] =	vst v0;
	v55 =	vmul.f32 v7, v6;
	v56 =	vmul.f32 v49, v42;
	v57 =	vsub.f32 $2.000000000e+00, v50  }
0x88: {  	[tilespmem:s23+$0xEC40] =	vst v52;
	v1 =	vmul.f32 v48, v5;
	v58 =	vmul.f32 v53, v45;
	v59 =	vsub.f32 $2.000000000e+00, v54  }
0x89: {  	[tilespmem:s23+$0xEC50] =	vst v55;
	v60 =	vmul.f32 v56, v21;
	v61 =	vmul.f32 v57, v47  }
0x8a: {  	[tilespmem:s23+$0xEC60] =	vst v1;
	v2 =	vmul.f32 v58, v22;
	v62 =	vmul.f32 v59, v51  }
0x8b: {  	[tilespmem:s24+$0xEC70] =	vst v60;
	v63 =	vmul.f32 v61, v23  }
0x8c: {  	s20 =	sadd.s32 s4, s20;
	s19 =	sadd.s32 $0x1, s19;
	[tilespmem:s24+$0xEC40] =	vst v2;
	v1 =	vmul.f32 v62, v29  }
0x8d: {  	s20 =	sshll.u32 s20, $0x3;
	p0 =	sne.s32 s19, $0x7D;
	[tilespmem:s24+$0xEC50] =	vst v63  }
.Ltmp1:
0x8e: {  	s20 =	sadd.s32 s6, s20;
	[tilespmem:s24+$0xEC60] =	vst v1;
	(pc) =	sbr.rel @p0 .LBB2_2-.Ltmp1, $4  }
0x8f: {  	[hbm4b:s20+s3] =	stream.linear.scatter [tilespmem:s17], [sflag:$0x3], $0x2800, $0x38;
	[tilespmem:$0x11440] =	vst v63  }
0x90: {  	_ =	swait.ge [sflag:s10], $0x2800  }
0x91: {  	[sflag:s10] =	ssyncset.done $0x0  }
0x92: {  	[sflag:s10] =	ssyncadd.s32 $0xFFFFD800  }
0x93: {  	s18 =	sadd.s32 $0x1, s18  }
0x94: {  	p0 =	sne.s32 s18, s9  }
.Ltmp2:
0x95: {  	_ = 	snop;
	(pc) =	sbr.rel @p0 .LBB2_1-.Ltmp2, $1  }
0x96: {  	_ =	sdelay $0x3  }
0x97: {  	_ =	sfence.sel $0x180000  }
0x98: {  	[bflag:$0x0] =	sbarrier.arrive $0xFFFF  }
0x99: {  	p0 =	sne.s32 s1, $0x0;
	_ =	strace $0x90000053  }
0x9a: {  	s0 =	sadd.s32 @!p0 $0x100000, s0;
	[bflag:$0x2] =	sbarrier.arrive $0xFFFF  }
0x9b: {  	[sflag:s0] =	ssyncadd.tile.s32 @!p0 $0x1;
	_ =	shalt  }
.Lfunc_end2:
_tile_overlayer_lowered:
.L_overlay_start_2:
0x9c: {  	(tag) =	ssettag $0x2  }
0x9d: {  	s0 =	rddreg [dreg:$0x0];
	s2 =	stileid.u32  }
0x9e: {  	s1 =	rddreg [dreg:$0x1];
	p0 =	sne.s32 s2, $0x0  }
0x9f: {  	s3 =	rddreg [dreg:$0x2];
	[bflag:$0x3] =	sbarrier.arrive $0xFFFF;
	s2 =	simm.s32 @!p0 $0x1C03  }
0xa0: {  	[timem:s3], [sflag:s2] =	dma.local @!p0 [hbm:s0], s1  }
0xa1: {  	s0 =	simm.s32 @!p0 $0x3  }
0xa2: {  	_ =	swait.ge @!p0 [sflag:s0], s1  }
0xa3: {  	s1 =	ssub.s32 @!p0 $0x0, s1;
	[sflag:s0] =	ssyncset.done @!p0 $0x0  }
0xa4: {  	[sflag:s0] =	ssyncadd.s32 @!p0 s1  }
0xa5: {  	[bflag:$0x3] =	sbarrier.arrive $0xFFFF  }
0xa6: {  	_ =	shalt  }

// kernel: kernel.30.cloned.1.call-start
scs
__scs_entry_jumppad:
0x0: {  	(pc) =	sbr.rel $0x88, $3  }
0x1: {  	(tag) =	ssettag $0x0;
	lr =	simm.s32 $0x1  }
0x2: {  	[smem:$0x3F89] =	sst lr;
	_ =	strace $0xD0000000  }
0x3: {  	_ = 	snop  }
0x4: {  	_ = 	snop  }
0x5: {  	_ = 	snop  }
0x6: {  	_ = 	snop  }
0x7: {  	_ = 	snop  }
__scs_overlays_trampoline_lowered:
0x8: {  	[smem:$0x3F98] =	sst s0  }
0x9: {  	[smem:$0x3F99] =	sst s1  }
0xa: {  	[smem:$0x3F9A] =	sst s2  }
0xb: {  	[smem:$0x3F9B] =	sst s3  }
0xc: {  	[smem:$0x3F9C] =	sst s4  }
0xd: {  	[smem:$0x3F9D] =	sst s5  }
0xe: {  	[smem:$0x3F9E] =	sst s6  }
0xf: {  	[smem:$0x3F9F] =	sst s7  }
0x10: {  	[smem:$0x3FA0] =	sst s8  }
0x11: {  	[smem:$0x3FA1] =	sst s9;
	s0 =	simm.s32 @!p0 $0x0  }
0x12: {  	s1 =	sld [smem:$0x3F87];
	s0 =	simm.s32 @p0 $0x1  }
0x13: {  	[smem:$0x3FA2] =	sst s0;
	s0 =	simm.s32 @!p1 $0x0  }
0x14: {  	s2 =	sld [smem:$0x3F86];
	s0 =	simm.s32 @p1 $0x1  }
0x15: {  	[smem:$0x3FA3] =	sst s0;
	s0 =	simm.s32 @!p2 $0x0  }
0x16: {  	s3 =	sld [smem:$0x3FDB];
	s0 =	simm.s32 @p2 $0x1  }
0x17: {  	s4 =	simm.s32 $0x1BF5;
	[smem:$0x3FA5] =	sst s0  }
0x18: {  	s0 =	sld [smem:$0x3F88];
	_ =	swait.ge [sflag:s4], $0x0  }
0x19: {  	s7 =	sld [smem:$0x3F89]  }
0x1a: {  	s8 =	sadd.s32 $0xFFFFE003, lr  }
0x1b: {  	s9 =	sadd.s32 $0xFFFFFEF7, lr;
	s5 =	simm.s32 $0xFFFFFFFF;
	p2 =	slt.u32 s8, $0xFFFFF086  }
0x1c: {  	p1 =	slt.u32 s9, $0xF7A;
	s5 =	simm.s32 @!p2 $0x0  }
0x1d: {  	s5 =	simm.s32 @p1 $0x1;
	p0 =	seq.s32 s7, s2  }
0x1e: {  	s7 =	smul.u32 @!p0 $0xF7A, s2;
	p2 =	seq.s32 @!p0 s5, $0x0  }
0x1f: {  	s9 =	smul.u32 $0xF7A, s1;
	s8 =	simm.s32 @!p0 $0x1BF5;
	p2 =	por !p2, p0  }
0x20: {  	[sflag:s8] =	ssyncset.s32 @!p0 $0xFFFFF086;
	s6 =	sadd.s32 @!p0 s3, s7;
	s7 =	simm.s32 @!p0 $0x108  }
0x21: {  	s3 =	sadd.s32 s3, s9;
	s6 =	sadd.s32 @!p0 $0x88, s6;
	s7 =	simm.s32 @p2 $0x1082  }
0x22: {  	[simem:s7], [sflag:s8] =	dma.local @!p0 [hbm:s6], $0xF7A  }
0x23: {  	s9 =	sor.u32 $0xD0000000, s2;
	s6 =	simm.s32 $0x108;
	_ =	swait.ge @!p0 [sflag:s8], $0x0  }
0x24: {  	s3 =	sadd.s32 $0x88, s3;
	s6 =	simm.s32 @!p1 $0x1082;
	[sflag:s4] =	ssyncset.s32 $0xFFFFF086  }
0x25: {  	[simem:s6], [sflag:s4] =	dma.local [hbm:s3], $0xF7A  }
0x26: {  	[smem:$0x3F89] =	sst s1;
	(tag) =	ssettag s2;
	_ =	strace s9  }
0x27: {  	s1 =	sld [smem:$0x3F99]  }
0x28: {  	s2 =	sld [smem:$0x3F9A]  }
0x29: {  	s4 =	sld [smem:$0x3F9C]  }
0x2a: {  	p0 =	seq.s32 s5, $0x0;
	s5 =	sld [smem:$0x3F9D]  }
0x2b: {  	s6 =	sld [smem:$0x3F9E]  }
0x2c: {  	s7 =	sld [smem:$0x3F9F]  }
0x2d: {  	s3 =	simm.s32 $0x108;
	s8 =	sld [smem:$0x3FA0]  }
0x2e: {  	s3 =	simm.s32 @!p0 $0x1082;
	s9 =	sld [smem:$0x3FA1]  }
0x2f: {  	lr =	sadd.s32 s0, s3;
	s0 =	sld [smem:$0x3F98]  }
0x30: {  	s3 =	sld [smem:$0x3F9B]  }
0x31: {  	[smem:$0x3FA4] =	sst s10  }
0x32: {  	s10 =	sld [smem:$0x3FA2];
	_ =	sdelay $0x3  }
0x33: {  	p0 =	seq.s32 s10, $0x1;
	s10 =	sld [smem:$0x3FA4];
	_ =	sdelay $0x3  }
0x34: {  	[smem:$0x3FA4] =	sst s10  }
0x35: {  	s10 =	sld [smem:$0x3FA3];
	_ =	sdelay $0x3  }
0x36: {  	p1 =	seq.s32 s10, $0x1;
	s10 =	sld [smem:$0x3FA4];
	_ =	sdelay $0x3  }
0x37: {  	[smem:$0x3FA4] =	sst s10  }
0x38: {  	s10 =	sld [smem:$0x3FA5]  }
0x39: {  	_ = 	snop;
	(pc) =	sbr.ind lr, $3  }
0x3a: {  	_ = 	snop  }
0x3b: {  	_ = 	snop  }
0x3c: {  	p2 =	seq.s32 s10, $0x1;
	s10 =	sld [smem:$0x3FA4]  }
0x3d: {  	_ =	shalt  }
0x3e: {  	_ =	shalt  }
0x3f: {  	_ =	shalt  }
0x40: {  	_ =	shalt  }
0x41: {  	_ =	shalt  }
0x42: {  	_ =	shalt  }
0x43: {  	_ =	shalt  }
0x44: {  	_ =	shalt  }
0x45: {  	_ =	shalt  }
0x46: {  	_ =	shalt  }
0x47: {  	_ =	shalt  }
0x48: {  	_ =	shalt  }
0x49: {  	_ =	shalt  }
0x4a: {  	_ =	shalt  }
0x4b: {  	_ =	shalt  }
0x4c: {  	_ =	shalt  }
0x4d: {  	_ =	shalt  }
0x4e: {  	_ =	shalt  }
0x4f: {  	_ =	shalt  }
0x50: {  	_ =	shalt  }
0x51: {  	_ =	shalt  }
0x52: {  	_ =	shalt  }
0x53: {  	_ =	shalt  }
0x54: {  	_ =	shalt  }
0x55: {  	_ =	shalt  }
0x56: {  	_ =	shalt  }
0x57: {  	_ =	shalt  }
0x58: {  	_ =	shalt  }
0x59: {  	_ =	shalt  }
0x5a: {  	_ =	shalt  }
0x5b: {  	_ =	shalt  }
0x5c: {  	_ =	shalt  }
0x5d: {  	_ =	shalt  }
0x5e: {  	_ =	shalt  }
0x5f: {  	_ =	shalt  }
0x60: {  	_ =	shalt  }
0x61: {  	_ =	shalt  }
0x62: {  	_ =	shalt  }
0x63: {  	_ =	shalt  }
0x64: {  	_ =	shalt  }
0x65: {  	_ =	shalt  }
0x66: {  	_ =	shalt  }
0x67: {  	_ =	shalt  }
0x68: {  	_ =	shalt  }
0x69: {  	_ =	shalt  }
0x6a: {  	_ =	shalt  }
0x6b: {  	_ =	shalt  }
0x6c: {  	_ =	shalt  }
0x6d: {  	_ =	shalt  }
0x6e: {  	_ =	shalt  }
0x6f: {  	_ =	shalt  }
0x70: {  	_ =	shalt  }
0x71: {  	_ =	shalt  }
0x72: {  	_ =	shalt  }
0x73: {  	_ =	shalt  }
0x74: {  	_ =	shalt  }
0x75: {  	_ =	shalt  }
0x76: {  	_ =	shalt  }
0x77: {  	_ =	shalt  }
0x78: {  	_ =	shalt  }
0x79: {  	_ =	shalt  }
0x7a: {  	_ =	shalt  }
0x7b: {  	_ =	shalt  }
0x7c: {  	_ =	shalt  }
0x7d: {  	_ =	shalt  }
0x7e: {  	_ =	shalt  }
0x7f: {  	_ =	shalt  }
0x80: {  	_ =	shalt  }
0x81: {  	_ =	shalt  }
0x82: {  	_ =	shalt  }
0x83: {  	_ =	shalt  }
0x84: {  	_ =	shalt  }
0x85: {  	_ =	shalt  }
0x86: {  	_ =	shalt  }
0x87: {  	_ =	shalt  }
.Lfunc_end0:
.L_simem_size_0:
called_computation.5_lowered:
.L_overlay_start_0:
0x88: {  	s2 =	sld [smem:$0x3FD9]  }
0x89: {  	s3 =	sld [smem:$0x3FFE];
	_ =	sdelay $0x1  }
0x8a: {  	s1 =	srdreg.scid  }
0x8b: {  	s0 =	sand.u32 $0x1, s1  }
0x8c: {  	s17 =	sshll.u32 s0, $0xA;
	s2 =	sadd.s32 s3, s2  }
0x8d: {  	s2 =	sadd.s32 s2, s17  }
0x8e: {  	[smem:$0x3FB0] =	sst s2  }
0x8f: {  	_ = 	snop  }
0x90: {  	s2 =	sld [smem:$0x3FD0];
	(tm) =	ssettm $0x1  }
0x91: {  	s18 =	sld [smem:$0x3FFB];
	_ =	sdelay $0x3  }
0x92: {  	_ =	strace s18  }
0x93: {  	s3 =	sld [smem:$0x3FFC];
	_ =	sdelay $0x3  }
0x94: {  	_ =	strace s3  }
0x95: {  	s3 =	sld [smem:$0x3FFD];
	_ =	sdelay $0x3  }
0x96: {  	_ =	strace s3  }
0x97: {  	_ =	strace $0x8FFFFFFF  }
0x98: {  	s19 =	sld [smem:$0x3FDB];
	_ =	sdelay $0x1  }
0x99: {  	s4 =	simm.s32 $_scs_section_size  }
0x9a: {  	s5 =	simm.s32 $_size__tile_overlayer_lowered;
	s6 =	simm.s32 $_tile_overlayer_lowered  }
0x9b: {  	s22 =	simm.s32 $0x1BFF;
	s21 =	sshll.u32 s6, $0x1;
	s3 =	sadd.s32 s4, s19  }
0x9c: {  	s7 =	simm.s32 $0x0;
	s20 =	sshll.u32 s5, $0x1;
	s5 =	sadd.s32 s21, s3  }
0x9d: {  	[timem:s7], [sflag:s22] =	dma.local [hbm:s5], s20  }
0x9e: {  	_ =	swait.ge [sflag:s22], s20  }
0x9f: {  	s4 =	ssub.s32 $0x0, s20;
	[sflag:s22] =	ssyncset.done $0x0  }
0xa0: {  	[sflag:s22] =	ssyncadd.s32 s4;
	_ =	sdelay $0x1  }
0xa1: {  	s23 =	simm.s32 $0x1B8B  }
0xa2: {  	_ =	swait.ge [sflag:s23], $0x1  }
0xa3: {  	[sflag:s23] =	ssyncset.done $0x0  }
0xa4: {  	s25 =	simm.s32 $0x1B8E;
	s24 =	sld [smem:$0x3FFE];
	[sflag:s23] =	ssyncadd.s32 $0xFFFFFFFF  }
0xa5: {  	s26 =	simm.s32 $execute0_lowered;
	[smem:$0x3FD2] =	sst s25  }
0xa6: {  	s5 =	sshll.u32 s26, $0x1;
	_ =	strace $0x80000055;
	[dreg:$0x1] =	wrdreg $0xFFFFFFFF  }
0xa7: {  	s28 =	simm.s32 $_size_execute0_lowered;
	s3 =	sadd.s32 s3, s5;
	[dreg:$0x0] =	wrdreg $0x0  }
0xa8: {  	s5 =	sshll.u32 s28, $0x1;
	[dreg:$0x2] =	wrdreg s3  }
0xa9: {  	[dreg:$0x3] =	wrdreg s5  }
0xaa: {  	[dreg:$0x4] =	wrdreg $0xC0  }
0xab: {  	_ =	task [dreg:s7], $0x5FFFF  }
0xac: {  	[dreg:$0x1] =	wrdreg $0xFFFFFFFF  }
0xad: {  	[dreg:$0x0] =	wrdreg $0x60  }
0xae: {  	[dreg:$0x2] =	wrdreg s24  }
0xaf: {  	[dreg:$0x3] =	wrdreg s2  }
0xb0: {  	[dreg:$0x4] =	wrdreg $0x9  }
0xb1: {  	_ =	task.clear_ibuf [dreg:s7], $0x5FFFF;
	_ =	strace $0x90000055  }
0xb2: {  	s29 =	simm.s32 $0x9;
	_ =	strace $0x80000057  }
0xb3: {  	_ =	swait.ge [sflag:s29], $0x1  }
0xb4: {  	[sflag:s29] =	ssyncadd.s32 $0xFFFFFFFF  }
0xb5: {  	_ =	strace $0x90000057  }
0xb6: {  	_ =	sfence  }
0xb7: {  	s30 =	sld [smem:$0x0];
	_ =	sdelay $0x2  }
0xb8: {  	s31 =	sshll.u32 s1, $0xD;
	s1 =	sshrl.u32 s1, $0x2  }
0xb9: {  	s3 =	sand.u32 $0x4000, s31;
	s1 =	sadd.s32 s1, s30  }
0xba: {  	s0 =	sor.u32 s3, s0;
	s1 =	sshll.u32 s1, $0x11  }
0xbb: {  	s0 =	sor.u32 s1, s0  }
0xbc: {  	s0 =	sadd.s32 $0x8F2B, s0  }
0xbd: {  	[sflag:s0] =	ssyncadd.remote.s32 $0x1  }
0xbe: {  	_ =	sfence.sel $0xFFFF  }
0xbf: {  	[dreg:$0x0] =	wrdreg $0xFFFFFFFF;
	(pc) =	sbr.abs _section_cstart, $3  }
0xc0: {  	[dreg:$0x1] =	wrdreg $0xFFFFFFFF  }
0xc1: {  	_ =	task.clear_ibuf [dreg:s7], $0x2FFFF;
	_ =	strace $0x9FFFFFFF  }
0xc2: {  	(tm) =	ssettm $0x7FFFFFFF  }
0xc3: {  	_ =	shalt  }
tec
execute0_lowered:
.L_overlay_start_1:
0x0: {  	(tag) =	ssettag $0x1  }
0x1: {  	s0 =	rddreg [dreg:$0x0]  }
0x2: {  	s1 =	rddreg [dreg:$0x1];
	s2 =	simm.s32 $0x0;
	s3 =	srdreg.scid  }
0x3: {  	s9 =	stileid.u32;
	s16 =	simm.s32 $0xEBA0;
	s17 =	simm.s32 $0x1  }
0x4: {  	s18 =	simm.s32 $0x2;
	s19 =	simm.s32 $0x3;
	s20 =	simm.s32 $0x4  }
0x5: {  	s21 =	simm.s32 $0x5;
	s22 =	simm.s32 $0x6;
	s28 =	simm.s32 $0xEB00  }
0x6: {  	s29 =	simm.s32 $0x0;
	[smem:$0x7FF] =	sst s2;
	s7 =	sadd.s32 $0x1AC00, s0  }
0x7: {  	s3 =	sand.u32 $0x1, s3;
	s8 =	sadd.s32 $0x7200, s0;
	s5 =	smul.u32 $0x9C40, s9  }
0x8: {  	s0 =	sadd.s32 $0x2E600, s0;
	s9 =	smul.u32 $0x2FAF08, s9;
	s4 =	ssub.s32 $0x2, s3  }
0x9: {  	_ =	strace $0x80000056;
	s6 =	sshrl.u32 s4, $0x1;
	s23 =	sshrl.u32 s5, $0x3  }
0xa: {  	s3 =	smul.u32 $0x2FAF080, s3;
	s10 =	ssub.s32 s4, s6;
	s24 =	sadd.s32 s7, s23  }
0xb: {  	s5 =	sadd.s32 s8, s23;
	s11 =	sadd.s32 $0x9C4, s23;
	s6 =	sadd.s32 s0, s23  }
0xc: {  	s3 =	sadd.s32 s9, s3;
	s23 =	simm.s32 $0x4E20;
	[dreg:$0x3] =	wrdreg s24  }
0xd: {  	s7 =	sadd.s32 s7, s11;
	s8 =	sadd.s32 s8, s11;
	s9 =	sadd.s32 s0, s11  }
0xe: {  	s25 =	sadd.s32 $0x186A0, s3;
	s10 =	smax.u32 s10, $0x1;
	s26 =	sshrl.u32 s3, $0x3  }
0xf: {  	s30 =	sadd.s32 $0x124F8, s3;
	s14 =	sadd.s32 $0xC350, s3;
	s3 =	sadd.s32 $0x61A8, s3  }
0x10: {  	s24 =	simm.s32 $0x9C40;
	s0 =	sshrl.u32 s25, $0x3;
	s11 =	sadd.s32 s26, s1  }
0x11: {  	s31 =	sshrl.u32 s14, $0x3;
	s3 =	sshrl.u32 s3, $0x3;
	s25 =	simm.s32 $0xA0  }
0x12: {  	s26 =	simm.s32 $0xEA60;
	s12 =	sadd.s32 s0, s1;
	s0 =	sshrl.u32 s30, $0x3  }
0x13: {  	v0 =	vimm.f32 $0.0e+00;
	s14 =	sadd.s32 s31, s1;
	s15 =	sadd.s32 s3, s1;
	s13 =	sadd.s32 s0, s1  }
.LBB2_1:
0x14: {  	s0 =	simm.s32 $0x40;
	s3 =	simm.s32 $0x0  }
.LBB2_2:
0x15: {  	p0 =	sne.s32 s0, $0x18640;
	[tilespmem:s3+$0xEBA0] =	vst v0;
	s3 =	smov.u32 s0;
	s0 =	sadd.s32 $0x40, s0  }
.Ltmp0:
0x16: {  	(pc) =	sbr.rel @p0 .LBB2_2-.Ltmp0, $2  }
0x17: {  	_ =	sdelay $0x2  }
0x18: {  	s3 =	sshra.s32 s3, $0x2  }
0x19: {  	[tilespmem:s3+$0xEBA0] =	vst v0  }
0x1a: {  	s0 =	sadd.s32 $0x0, s11;
	[tilespmem:$0x14D38] =	vst v0  }
0x1b: {  	[hbm4b:s0+s2] =	stream.linear.scatter [tilespmem:s16], [sflag:$0x1], $0x61A8, $0x38;
	[tilespmem:$0x14D48] =	vst v63  }
0x1c: {  	s31 =	sadd.s32 $0x0, s15  }
0x1d: {  	[hbm4b:s31+s2] =	stream.linear.scatter [tilespmem:s16], [sflag:$0x2], $0x61A8, $0x38;
	[tilespmem:$0x14D48] =	vst v63  }
0x1e: {  	s3 =	sadd.s32 $0x0, s14  }
0x1f: {  	[hbm4b:s3+s2] =	stream.linear.scatter [tilespmem:s16], [sflag:$0x3], $0x61A8, $0x38;
	[tilespmem:$0x14D48] =	vst v63  }
0x20: {  	s4 =	sadd.s32 $0x0, s13  }
0x21: {  	[hbm4b:s4+s2] =	stream.linear.scatter [tilespmem:s16], [sflag:$0x4], $0x61A8, $0x38;
	[tilespmem:$0x14D48] =	vst v63  }
0x22: {  	s31 =	sadd.s32 $0x0, s12  }
0x23: {  	[hbm4b:s31+s2] =	stream.linear.scatter [tilespmem:s16], [sflag:$0x5], $0x61A8, $0x38;
	[tilespmem:$0x14D48] =	vst v63  }
0x24: {  	_ =	swait.ge [sflag:s17], $0x61A8  }
0x25: {  	[sflag:s17] =	ssyncset.done $0x0  }
0x26: {  	[sflag:s17] =	ssyncadd.s32 $0xFFFF9E58  }
0x27: {  	_ =	swait.ge [sflag:s18], $0x61A8  }
0x28: {  	[sflag:s18] =	ssyncset.done $0x0  }
0x29: {  	[sflag:s18] =	ssyncadd.s32 $0xFFFF9E58  }
0x2a: {  	_ =	swait.ge [sflag:s19], $0x61A8  }
0x2b: {  	[sflag:s19] =	ssyncset.done $0x0  }
0x2c: {  	[sflag:s19] =	ssyncadd.s32 $0xFFFF9E58  }
0x2d: {  	_ =	swait.ge [sflag:s20], $0x61A8  }
0x2e: {  	[sflag:s20] =	ssyncset.done $0x0  }
0x2f: {  	[sflag:s20] =	ssyncadd.s32 $0xFFFF9E58  }
0x30: {  	_ =	swait.ge [sflag:s21], $0x61A8  }
0x31: {  	s30 =	simm.s32 $0x7A12;
	s0 =	simm.s32 $0x3D09;
	[sflag:s21] =	ssyncset.done $0x0  }
.LBB2_4:
0x32: {  	s3 =	sadd.s32 s0, s11  }
0x33: {  	[sflag:s21] =	ssyncadd.s32 $0xFFFF9E58;
	s31 =	smov.u32 s30;
	s4 =	sadd.s32 $0x3D09, s30  }
0x34: {  	[hbm4b:s3+s2] =	stream.linear.scatter [tilespmem:s16], [sflag:$0x1], $0x61A8, $0x38;
	[tilespmem:$0x14D48] =	vst v63  }
0x35: {  	p0 =	sne.s32 s30, $0x5B8D8;
	s3 =	sadd.s32 s0, s15  }
0x36: {  	[hbm4b:s3+s2] =	stream.linear.scatter [tilespmem:s16], [sflag:$0x2], $0x61A8, $0x38;
	[tilespmem:$0x14D48] =	vst v63  }
0x37: {  	s3 =	sadd.s32 s0, s14  }
0x38: {  	[hbm4b:s3+s2] =	stream.linear.scatter [tilespmem:s16], [sflag:$0x3], $0x61A8, $0x38;
	[tilespmem:$0x14D48] =	vst v63  }
0x39: {  	s3 =	sadd.s32 s0, s13  }
0x3a: {  	[hbm4b:s3+s2] =	stream.linear.scatter [tilespmem:s16], [sflag:$0x4], $0x61A8, $0x38;
	[tilespmem:$0x14D48] =	vst v63  }
0x3b: {  	s3 =	sadd.s32 s0, s12;
	s0 =	smov.u32 s31  }
0x3c: {  	[hbm4b:s3+s2] =	stream.linear.scatter [tilespmem:s16], [sflag:$0x5], $0x61A8, $0x38;
	[tilespmem:$0x14D48] =	vst v63  }
0x3d: {  	_ =	swait.ge [sflag:s17], $0x61A8  }
0x3e: {  	[sflag:s17] =	ssyncset.done $0x0  }
0x3f: {  	[sflag:s17] =	ssyncadd.s32 $0xFFFF9E58  }
0x40: {  	_ =	swait.ge [sflag:s18], $0x61A8  }
0x41: {  	[sflag:s18] =	ssyncset.done $0x0  }
0x42: {  	[sflag:s18] =	ssyncadd.s32 $0xFFFF9E58  }
0x43: {  	_ =	swait.ge [sflag:s19], $0x61A8  }
0x44: {  	[sflag:s19] =	ssyncset.done $0x0  }
0x45: {  	[sflag:s19] =	ssyncadd.s32 $0xFFFF9E58  }
.Ltmp1:
0x46: {  	_ =	swait.ge [sflag:s20], $0x61A8;
	(pc) =	sbr.rel @p0 .LBB2_4-.Ltmp1, $4  }
0x47: {  	[sflag:s20] =	ssyncset.done $0x0  }
0x48: {  	[sflag:s20] =	ssyncadd.s32 $0xFFFF9E58  }
0x49: {  	_ =	swait.ge [sflag:s21], $0x61A8  }
0x4a: {  	s30 =	smov.u32 s4;
	[sflag:s21] =	ssyncset.done $0x0  }
0x4b: {  	s3 =	sadd.s32 s0, s11;
	[sflag:s21] =	ssyncadd.s32 $0xFFFF9E58  }
0x4c: {  	[hbm4b:s3+s2] =	stream.linear.scatter [tilespmem:s16], [sflag:$0x1], $0x61A8, $0x38;
	[tilespmem:$0x14D48] =	vst v63  }
0x4d: {  	s4 =	sadd.s32 s0, s15  }
0x4e: {  	[hbm4b:s4+s2] =	stream.linear.scatter [tilespmem:s16], [sflag:$0x2], $0x61A8, $0x38;
	[tilespmem:$0x14D48] =	vst v63  }
0x4f: {  	s4 =	sadd.s32 s0, s14  }
0x50: {  	[hbm4b:s4+s2] =	stream.linear.scatter [tilespmem:s16], [sflag:$0x3], $0x61A8, $0x38;
	[tilespmem:$0x14D48] =	vst v63  }
0x51: {  	s4 =	sadd.s32 s0, s13  }
0x52: {  	[hbm4b:s4+s2] =	stream.linear.scatter [tilespmem:s16], [sflag:$0x4], $0x61A8, $0x38;
	[tilespmem:$0x14D48] =	vst v63  }
0x53: {  	s3 =	sadd.s32 s0, s12  }
0x54: {  	[hbm4b:s3+s2] =	stream.linear.scatter [tilespmem:s16], [sflag:$0x5], $0x61A8, $0x38;
	[tilespmem:$0x14D48] =	vst v63  }
0x55: {  	_ =	swait.ge [sflag:s17], $0x61A8  }
0x56: {  	[sflag:s17] =	ssyncset.done $0x0  }
0x57: {  	[sflag:s17] =	ssyncadd.s32 $0xFFFF9E58  }
0x58: {  	_ =	swait.ge [sflag:s18], $0x61A8  }
0x59: {  	[sflag:s18] =	ssyncset.done $0x0  }
0x5a: {  	[sflag:s18] =	ssyncadd.s32 $0xFFFF9E58  }
0x5b: {  	_ =	swait.ge [sflag:s19], $0x61A8  }
0x5c: {  	[sflag:s19] =	ssyncset.done $0x0  }
0x5d: {  	[sflag:s19] =	ssyncadd.s32 $0xFFFF9E58  }
0x5e: {  	_ =	swait.ge [sflag:s20], $0x61A8  }
0x5f: {  	[sflag:s20] =	ssyncset.done $0x0  }
0x60: {  	[sflag:s20] =	ssyncadd.s32 $0xFFFF9E58  }
0x61: {  	_ =	swait.ge [sflag:s21], $0x61A8  }
0x62: {  	[sflag:s21] =	ssyncset.done $0x0  }
0x63: {  	[sflag:s21] =	ssyncadd.s32 $0xFFFF9E58  }
0x64: {  	[bflag:$0x0] =	sbarrier.arrive $0xFFFF  }
0x65: {  	s0 =	simm.s32 $0x0;
	s4 =	rddreg [dreg:$0x3]  }
0x66: {  	[tilespmem:s0], [sflag:$0x6] =	stream.linear.gather [hbm4b:s4+s0], $0x4E20, $0x38;
	[tilespmem:$0x14D48] =	vst v63  }
0x67: {  	_ =	swait.ge [sflag:s22], $0x4E20  }
0x68: {  	[sflag:s22] =	ssyncset.done $0x0  }
0x69: {  	[sflag:s22] =	ssyncadd.s32 $0xFFFFB1E0  }
0x6a: {  	[tilespmem:s23], [sflag:$0x6] =	stream.linear.gather [hbm4b:s5+s0], $0x4E20, $0x38;
	[tilespmem:$0x14D48] =	vst v63  }
0x6b: {  	_ =	swait.ge [sflag:s22], $0x4E20  }
0x6c: {  	[sflag:s22] =	ssyncset.done $0x0  }
0x6d: {  	[sflag:s22] =	ssyncadd.s32 $0xFFFFB1E0  }
0x6e: {  	[tilespmem:s24], [sflag:$0x6] =	stream.linear.gather [hbm4b:s6+s0], $0x4E20, $0x38;
	[tilespmem:$0x14D48] =	vst v63  }
0x6f: {  	_ =	swait.ge [sflag:s22], $0x4E20  }
0x70: {  	[sflag:s22] =	ssyncset.done $0x0  }
0x71: {  	s0 =	simm.s32 $0x0;
	[sflag:s22] =	ssyncadd.s32 $0xFFFFB1E0  }
0x72: {  	v1 =	vld [tilespmem:s0+$0x0];
	_ =	sdelay $0x1  }
0x73: {  	v2 =	vld [tilespmem:s0+$0x4E20];
	_ =	sdelay $0x2  }
0x74: {  	v1 =	vmul.u32 $0x2710, v1;
	_ =	sdelay $0x1  }
0x75: {  	v1 =	vadd.s32 v2, v1  }
0x76: {  	[tilespmem:$0xEA60] =	vst v1  }
0x77: {  	v1 =	vld [tilespmem:s0+$0x10];
	_ =	sdelay $0x1  }
0x78: {  	v2 =	vld [tilespmem:s0+$0x4E30];
	_ =	sdelay $0x2  }
0x79: {  	v1 =	vmul.u32 $0x2710, v1;
	_ =	sdelay $0x1  }
0x7a: {  	v1 =	vadd.s32 v2, v1  }
0x7b: {  	[tilespmem:$0xEA70] =	vst v1  }
0x7c: {  	v1 =	vld [tilespmem:s0+$0x20];
	_ =	sdelay $0x1  }
0x7d: {  	v2 =	vld [tilespmem:s0+$0x4E40];
	_ =	sdelay $0x2  }
0x7e: {  	v1 =	vmul.u32 $0x2710, v1;
	_ =	sdelay $0x1  }
0x7f: {  	v1 =	vadd.s32 v2, v1  }
0x80: {  	[tilespmem:$0xEA80] =	vst v1  }
0x81: {  	v1 =	vld [tilespmem:s0+$0x30];
	_ =	sdelay $0x1  }
0x82: {  	v2 =	vld [tilespmem:s0+$0x4E50];
	_ =	sdelay $0x2  }
0x83: {  	v1 =	vmul.u32 $0x2710, v1;
	_ =	sdelay $0x1  }
0x84: {  	v1 =	vadd.s32 v2, v1  }
0x85: {  	[tilespmem:$0xEA90] =	vst v1  }
0x86: {  	v1 =	vld [tilespmem:s0+$0x40];
	_ =	sdelay $0x1  }
0x87: {  	v2 =	vld [tilespmem:s0+$0x4E60];
	_ =	sdelay $0x2  }
0x88: {  	v1 =	vmul.u32 $0x2710, v1;
	_ =	sdelay $0x1  }
0x89: {  	v1 =	vadd.s32 v2, v1  }
0x8a: {  	[tilespmem:$0xEAA0] =	vst v1  }
0x8b: {  	v1 =	vld [tilespmem:s0+$0x50];
	_ =	sdelay $0x1  }
0x8c: {  	v2 =	vld [tilespmem:s0+$0x4E70];
	_ =	sdelay $0x2  }
0x8d: {  	v1 =	vmul.u32 $0x2710, v1;
	_ =	sdelay $0x1  }
0x8e: {  	v1 =	vadd.s32 v2, v1  }
0x8f: {  	[tilespmem:$0xEAB0] =	vst v1  }
0x90: {  	v1 =	vld [tilespmem:s0+$0x60];
	_ =	sdelay $0x1  }
0x91: {  	v2 =	vld [tilespmem:s0+$0x4E80];
	_ =	sdelay $0x2  }
0x92: {  	v1 =	vmul.u32 $0x2710, v1;
	_ =	sdelay $0x1  }
0x93: {  	v1 =	vadd.s32 v2, v1  }
0x94: {  	[tilespmem:$0xEAC0] =	vst v1  }
0x95: {  	v1 =	vld [tilespmem:s0+$0x70];
	_ =	sdelay $0x1  }
0x96: {  	v2 =	vld [tilespmem:s0+$0x4E90];
	_ =	sdelay $0x2  }
0x97: {  	v1 =	vmul.u32 $0x2710, v1;
	_ =	sdelay $0x1  }
0x98: {  	v1 =	vadd.s32 v2, v1  }
0x99: {  	[tilespmem:$0xEAD0] =	vst v1  }
0x9a: {  	v1 =	vld [tilespmem:s0+$0x80];
	_ =	sdelay $0x1  }
0x9b: {  	v2 =	vld [tilespmem:s0+$0x4EA0];
	_ =	sdelay $0x2  }
0x9c: {  	v1 =	vmul.u32 $0x2710, v1;
	_ =	sdelay $0x1  }
0x9d: {  	v1 =	vadd.s32 v2, v1  }
0x9e: {  	[tilespmem:$0xEAE0] =	vst v1  }
0x9f: {  	v1 =	vld [tilespmem:s0+$0x90];
	_ =	sdelay $0x1  }
0xa0: {  	v2 =	vld [tilespmem:s0+$0x4EB0];
	_ =	sdelay $0x2  }
0xa1: {  	v1 =	vmul.u32 $0x2710, v1;
	_ =	sdelay $0x1  }
0xa2: {  	v1 =	vadd.s32 v2, v1  }
0xa3: {  	s4 =	simm.s32 $0x9C40;
	[tilespmem:$0xEAF0] =	vst v1  }
0xa4: {  	[hbm4b:s1+s25] =	stream.indirect.scatter [tilespmem:s4], [sflag:$0x1], $0x1, s26, s25, $0xb8;
	[tilespmem:$0x14D48] =	vst v63  }
0xa5: {  	v1 =	vld [tilespmem:s0+$0xA0];
	_ =	sdelay $0x1  }
0xa6: {  	v2 =	vld [tilespmem:s0+$0x4EC0];
	_ =	sdelay $0x2  }
0xa7: {  	v1 =	vmul.u32 $0x2710, v1;
	_ =	sdelay $0x1  }
0xa8: {  	v1 =	vadd.s32 v2, v1  }
0xa9: {  	[tilespmem:$0xEB00] =	vst v1  }
0xaa: {  	v1 =	vld [tilespmem:s0+$0xB0];
	_ =	sdelay $0x1  }
0xab: {  	v2 =	vld [tilespmem:s0+$0x4ED0];
	_ =	sdelay $0x2  }
0xac: {  	v1 =	vmul.u32 $0x2710, v1;
	_ =	sdelay $0x1  }
0xad: {  	v1 =	vadd.s32 v2, v1  }
0xae: {  	[tilespmem:$0xEB10] =	vst v1  }
0xaf: {  	v1 =	vld [tilespmem:s0+$0xC0];
	_ =	sdelay $0x1  }
0xb0: {  	v2 =	vld [tilespmem:s0+$0x4EE0];
	_ =	sdelay $0x2  }
0xb1: {  	v1 =	vmul.u32 $0x2710, v1;
	_ =	sdelay $0x1  }
0xb2: {  	v1 =	vadd.s32 v2, v1  }
0xb3: {  	[tilespmem:$0xEB20] =	vst v1  }
0xb4: {  	v1 =	vld [tilespmem:s0+$0xD0];
	_ =	sdelay $0x1  }
0xb5: {  	v2 =	vld [tilespmem:s0+$0x4EF0];
	_ =	sdelay $0x2  }
0xb6: {  	v1 =	vmul.u32 $0x2710, v1;
	_ =	sdelay $0x1  }
0xb7: {  	v1 =	vadd.s32 v2, v1  }
0xb8: {  	[tilespmem:$0xEB30] =	vst v1  }
0xb9: {  	v1 =	vld [tilespmem:s0+$0xE0];
	_ =	sdelay $0x1  }
0xba: {  	v2 =	vld [tilespmem:s0+$0x4F00];
	_ =	sdelay $0x2  }
0xbb: {  	v1 =	vmul.u32 $0x2710, v1;
	_ =	sdelay $0x1  }
0xbc: {  	v1 =	vadd.s32 v2, v1  }
0xbd: {  	[tilespmem:$0xEB40] =	vst v1  }
0xbe: {  	v1 =	vld [tilespmem:s0+$0xF0];
	_ =	sdelay $0x1  }
0xbf: {  	v2 =	vld [tilespmem:s0+$0x4F10];
	_ =	sdelay $0x2  }
0xc0: {  	v1 =	vmul.u32 $0x2710, v1;
	_ =	sdelay $0x1  }
0xc1: {  	v1 =	vadd.s32 v2, v1  }
0xc2: {  	[tilespmem:$0xEB50] =	vst v1  }
0xc3: {  	v1 =	vld [tilespmem:s0+$0x100];
	_ =	sdelay $0x1  }
0xc4: {  	v2 =	vld [tilespmem:s0+$0x4F20];
	_ =	sdelay $0x2  }
0xc5: {  	v1 =	vmul.u32 $0x2710, v1;
	_ =	sdelay $0x1  }
0xc6: {  	v1 =	vadd.s32 v2, v1  }
0xc7: {  	[tilespmem:$0xEB60] =	vst v1  }
0xc8: {  	v1 =	vld [tilespmem:s0+$0x110];
	_ =	sdelay $0x1  }
0xc9: {  	v2 =	vld [tilespmem:s0+$0x4F30];
	_ =	sdelay $0x2  }
0xca: {  	v1 =	vmul.u32 $0x2710, v1;
	_ =	sdelay $0x1  }
0xcb: {  	v1 =	vadd.s32 v2, v1  }
0xcc: {  	[tilespmem:$0xEB70] =	vst v1  }
0xcd: {  	v1 =	vld [tilespmem:s0+$0x120];
	_ =	sdelay $0x1  }
0xce: {  	v2 =	vld [tilespmem:s0+$0x4F40];
	_ =	sdelay $0x2  }
0xcf: {  	v1 =	vmul.u32 $0x2710, v1;
	_ =	sdelay $0x1  }
0xd0: {  	v1 =	vadd.s32 v2, v1  }
0xd1: {  	[tilespmem:$0xEB80] =	vst v1  }
0xd2: {  	v1 =	vld [tilespmem:s0+$0x130];
	_ =	sdelay $0x1  }
0xd3: {  	v2 =	vld [tilespmem:s0+$0x4F50];
	_ =	sdelay $0x2  }
0xd4: {  	v1 =	vmul.u32 $0x2710, v1;
	_ =	sdelay $0x1  }
0xd5: {  	v1 =	vadd.s32 v2, v1  }
0xd6: {  	s4 =	simm.s32 $0x9CE0;
	[tilespmem:$0xEB90] =	vst v1  }
0xd7: {  	[hbm4b:s1+s25] =	stream.indirect.scatter [tilespmem:s4], [sflag:$0x2], $0x1, s28, s25, $0xb8;
	[tilespmem:$0x14D48] =	vst v63  }
0xd8: {  	_ =	swait.ge [sflag:s17], $0xA0  }
0xd9: {  	[sflag:s17] =	ssyncset.done $0x0  }
0xda: {  	[sflag:s17] =	ssyncadd.s32 $0xFFFFFF60  }
0xdb: {  	_ =	swait.ge [sflag:s18], $0xA0  }
0xdc: {  	s30 =	simm.s32 $0x500;
	s31 =	simm.s32 $0xA00;
	[sflag:s18] =	ssyncset.done $0x0  }
.LBB2_6:
0xdd: {  	s0 =	sshra.s32 s30, $0x2  }
0xde: {  	[sflag:s18] =	ssyncadd.s32 $0xFFFFFF60;
	s30 =	smov.u32 s31;
	s3 =	sadd.s32 $0x500, s31  }
0xdf: {  	p0 =	sne.s32 s31, $0x13100;
	v1 =	vld [tilespmem:s0+$0x0];
	_ =	sdelay $0x1  }
0xe0: {  	v2 =	vld [tilespmem:s0+$0x4E20];
	_ =	sdelay $0x2  }
0xe1: {  	v1 =	vmul.u32 $0x2710, v1;
	_ =	sdelay $0x1  }
0xe2: {  	v1 =	vadd.s32 v2, v1  }
0xe3: {  	[tilespmem:$0xEA60] =	vst v1  }
0xe4: {  	v1 =	vld [tilespmem:s0+$0x10];
	_ =	sdelay $0x1  }
0xe5: {  	v2 =	vld [tilespmem:s0+$0x4E30];
	_ =	sdelay $0x2  }
0xe6: {  	v1 =	vmul.u32 $0x2710, v1;
	_ =	sdelay $0x1  }
0xe7: {  	v1 =	vadd.s32 v2, v1  }
0xe8: {  	[tilespmem:$0xEA70] =	vst v1  }
0xe9: {  	v1 =	vld [tilespmem:s0+$0x20];
	_ =	sdelay $0x1  }
0xea: {  	v2 =	vld [tilespmem:s0+$0x4E40];
	_ =	sdelay $0x2  }
0xeb: {  	v1 =	vmul.u32 $0x2710, v1;
	_ =	sdelay $0x1  }
0xec: {  	v1 =	vadd.s32 v2, v1  }
0xed: {  	[tilespmem:$0xEA80] =	vst v1  }
0xee: {  	v1 =	vld [tilespmem:s0+$0x30];
	_ =	sdelay $0x1  }
0xef: {  	v2 =	vld [tilespmem:s0+$0x4E50];
	_ =	sdelay $0x2  }
0xf0: {  	v1 =	vmul.u32 $0x2710, v1;
	_ =	sdelay $0x1  }
0xf1: {  	v1 =	vadd.s32 v2, v1  }
0xf2: {  	[tilespmem:$0xEA90] =	vst v1  }
0xf3: {  	v1 =	vld [tilespmem:s0+$0x40];
	_ =	sdelay $0x1  }
0xf4: {  	v2 =	vld [tilespmem:s0+$0x4E60];
	_ =	sdelay $0x2  }
0xf5: {  	v1 =	vmul.u32 $0x2710, v1;
	_ =	sdelay $0x1  }
0xf6: {  	v1 =	vadd.s32 v2, v1  }
0xf7: {  	[tilespmem:$0xEAA0] =	vst v1  }
0xf8: {  	v1 =	vld [tilespmem:s0+$0x50];
	_ =	sdelay $0x1  }
0xf9: {  	v2 =	vld [tilespmem:s0+$0x4E70];
	_ =	sdelay $0x2  }
0xfa: {  	v1 =	vmul.u32 $0x2710, v1;
	_ =	sdelay $0x1  }
0xfb: {  	v1 =	vadd.s32 v2, v1  }
0xfc: {  	[tilespmem:$0xEAB0] =	vst v1  }
0xfd: {  	v1 =	vld [tilespmem:s0+$0x60];
	_ =	sdelay $0x1  }
0xfe: {  	v2 =	vld [tilespmem:s0+$0x4E80];
	_ =	sdelay $0x2  }
0xff: {  	v1 =	vmul.u32 $0x2710, v1;
	_ =	sdelay $0x1  }
0x100: {  	v1 =	vadd.s32 v2, v1  }
0x101: {  	[tilespmem:$0xEAC0] =	vst v1  }
0x102: {  	v1 =	vld [tilespmem:s0+$0x70];
	_ =	sdelay $0x1  }
0x103: {  	v2 =	vld [tilespmem:s0+$0x4E90];
	_ =	sdelay $0x2  }
0x104: {  	v1 =	vmul.u32 $0x2710, v1;
	_ =	sdelay $0x1  }
0x105: {  	v1 =	vadd.s32 v2, v1  }
0x106: {  	[tilespmem:$0xEAD0] =	vst v1  }
0x107: {  	v1 =	vld [tilespmem:s0+$0x80];
	_ =	sdelay $0x1  }
0x108: {  	v2 =	vld [tilespmem:s0+$0x4EA0];
	_ =	sdelay $0x2  }
0x109: {  	v1 =	vmul.u32 $0x2710, v1;
	_ =	sdelay $0x1  }
0x10a: {  	v1 =	vadd.s32 v2, v1  }
0x10b: {  	[tilespmem:$0xEAE0] =	vst v1  }
0x10c: {  	v1 =	vld [tilespmem:s0+$0x90];
	_ =	sdelay $0x1  }
0x10d: {  	v2 =	vld [tilespmem:s0+$0x4EB0];
	_ =	sdelay $0x2  }
0x10e: {  	v1 =	vmul.u32 $0x2710, v1;
	_ =	sdelay $0x1  }
0x10f: {  	v1 =	vadd.s32 v2, v1  }
0x110: {  	s4 =	sadd.s32 $0x9C40, s0;
	[tilespmem:$0xEAF0] =	vst v1  }
0x111: {  	[hbm4b:s1+s25] =	stream.indirect.scatter [tilespmem:s4], [sflag:$0x1], $0x1, s26, s25, $0xb8;
	[tilespmem:$0x14D48] =	vst v63  }
0x112: {  	v1 =	vld [tilespmem:s0+$0xA0];
	_ =	sdelay $0x1  }
0x113: {  	v2 =	vld [tilespmem:s0+$0x4EC0];
	_ =	sdelay $0x2  }
0x114: {  	v1 =	vmul.u32 $0x2710, v1;
	_ =	sdelay $0x1  }
0x115: {  	v1 =	vadd.s32 v2, v1  }
0x116: {  	[tilespmem:$0xEB00] =	vst v1  }
0x117: {  	v1 =	vld [tilespmem:s0+$0xB0]  }
0x118: {  	v2 =	vld [tilespmem:s0+$0x4ED0];
	_ =	sdelay $0x3  }
0x119: {  	v1 =	vmul.u32 $0x2710, v1;
	_ =	sdelay $0x1  }
0x11a: {  	v1 =	vadd.s32 v2, v1  }
0x11b: {  	[tilespmem:$0xEB10] =	vst v1  }
0x11c: {  	v1 =	vld [tilespmem:s0+$0xC0]  }
0x11d: {  	v2 =	vld [tilespmem:s0+$0x4EE0];
	_ =	sdelay $0x3  }
0x11e: {  	v1 =	vmul.u32 $0x2710, v1;
	_ =	sdelay $0x1  }
0x11f: {  	v1 =	vadd.s32 v2, v1  }
0x120: {  	[tilespmem:$0xEB20] =	vst v1  }
0x121: {  	v1 =	vld [tilespmem:s0+$0xD0]  }
0x122: {  	v2 =	vld [tilespmem:s0+$0x4EF0];
	_ =	sdelay $0x3  }
0x123: {  	v1 =	vmul.u32 $0x2710, v1;
	_ =	sdelay $0x1  }
0x124: {  	v1 =	vadd.s32 v2, v1  }
0x125: {  	[tilespmem:$0xEB30] =	vst v1  }
0x126: {  	v1 =	vld [tilespmem:s0+$0xE0]  }
0x127: {  	v2 =	vld [tilespmem:s0+$0x4F00];
	_ =	sdelay $0x3  }
0x128: {  	v1 =	vmul.u32 $0x2710, v1;
	_ =	sdelay $0x1  }
0x129: {  	v1 =	vadd.s32 v2, v1  }
0x12a: {  	[tilespmem:$0xEB40] =	vst v1  }
0x12b: {  	v1 =	vld [tilespmem:s0+$0xF0]  }
0x12c: {  	v2 =	vld [tilespmem:s0+$0x4F10];
	_ =	sdelay $0x3  }
0x12d: {  	v1 =	vmul.u32 $0x2710, v1;
	_ =	sdelay $0x1  }
0x12e: {  	v1 =	vadd.s32 v2, v1  }
0x12f: {  	[tilespmem:$0xEB50] =	vst v1  }
0x130: {  	v1 =	vld [tilespmem:s0+$0x100]  }
0x131: {  	v2 =	vld [tilespmem:s0+$0x4F20];
	_ =	sdelay $0x3  }
0x132: {  	v1 =	vmul.u32 $0x2710, v1;
	_ =	sdelay $0x1  }
0x133: {  	v1 =	vadd.s32 v2, v1  }
0x134: {  	[tilespmem:$0xEB60] =	vst v1  }
0x135: {  	v1 =	vld [tilespmem:s0+$0x110]  }
0x136: {  	v2 =	vld [tilespmem:s0+$0x4F30];
	_ =	sdelay $0x3  }
0x137: {  	v1 =	vmul.u32 $0x2710, v1;
	_ =	sdelay $0x1  }
0x138: {  	v1 =	vadd.s32 v2, v1  }
0x139: {  	[tilespmem:$0xEB70] =	vst v1  }
0x13a: {  	v1 =	vld [tilespmem:s0+$0x120]  }
0x13b: {  	v2 =	vld [tilespmem:s0+$0x4F40];
	_ =	sdelay $0x3  }
0x13c: {  	v1 =	vmul.u32 $0x2710, v1;
	_ =	sdelay $0x1  }
0x13d: {  	v1 =	vadd.s32 v2, v1  }
0x13e: {  	[tilespmem:$0xEB80] =	vst v1  }
0x13f: {  	v1 =	vld [tilespmem:s0+$0x130]  }
0x140: {  	v2 =	vld [tilespmem:s0+$0x4F50];
	_ =	sdelay $0x3  }
0x141: {  	v1 =	vmul.u32 $0x2710, v1;
	_ =	sdelay $0x1  }
0x142: {  	v1 =	vadd.s32 v2, v1  }
0x143: {  	s0 =	sadd.s32 $0x9CE0, s0;
	[tilespmem:$0xEB90] =	vst v1  }
0x144: {  	[hbm4b:s1+s25] =	stream.indirect.scatter [tilespmem:s0], [sflag:$0x2], $0x1, s28, s25, $0xb8;
	[tilespmem:$0x14D48] =	vst v63  }
.Ltmp2:
0x145: {  	_ =	swait.ge [sflag:s17], $0xA0;
	(pc) =	sbr.rel @p0 .LBB2_6-.Ltmp2, $4  }
0x146: {  	[sflag:s17] =	ssyncset.done $0x0  }
0x147: {  	[sflag:s17] =	ssyncadd.s32 $0xFFFFFF60  }
0x148: {  	_ =	swait.ge [sflag:s18], $0xA0  }
0x149: {  	s31 =	smov.u32 s3;
	[sflag:s18] =	ssyncset.done $0x0  }
0x14a: {  	s0 =	sshra.s32 s30, $0x2;
	[sflag:s18] =	ssyncadd.s32 $0xFFFFFF60  }
0x14b: {  	v1 =	vld [tilespmem:s0+$0x0];
	_ =	sdelay $0x1  }
0x14c: {  	v2 =	vld [tilespmem:s0+$0x4E20];
	_ =	sdelay $0x2  }
0x14d: {  	v1 =	vmul.u32 $0x2710, v1;
	_ =	sdelay $0x1  }
0x14e: {  	v1 =	vadd.s32 v2, v1  }
0x14f: {  	[tilespmem:$0xEA60] =	vst v1  }
0x150: {  	v1 =	vld [tilespmem:s0+$0x10];
	_ =	sdelay $0x1  }
0x151: {  	v2 =	vld [tilespmem:s0+$0x4E30];
	_ =	sdelay $0x2  }
0x152: {  	v1 =	vmul.u32 $0x2710, v1;
	_ =	sdelay $0x1  }
0x153: {  	v1 =	vadd.s32 v2, v1  }
0x154: {  	[tilespmem:$0xEA70] =	vst v1  }
0x155: {  	v1 =	vld [tilespmem:s0+$0x20];
	_ =	sdelay $0x1  }
0x156: {  	v2 =	vld [tilespmem:s0+$0x4E40];
	_ =	sdelay $0x2  }
0x157: {  	v1 =	vmul.u32 $0x2710, v1;
	_ =	sdelay $0x1  }
0x158: {  	v1 =	vadd.s32 v2, v1  }
0x159: {  	[tilespmem:$0xEA80] =	vst v1  }
0x15a: {  	v1 =	vld [tilespmem:s0+$0x30];
	_ =	sdelay $0x1  }
0x15b: {  	v2 =	vld [tilespmem:s0+$0x4E50];
	_ =	sdelay $0x2  }
0x15c: {  	v1 =	vmul.u32 $0x2710, v1;
	_ =	sdelay $0x1  }
0x15d: {  	v1 =	vadd.s32 v2, v1  }
0x15e: {  	[tilespmem:$0xEA90] =	vst v1  }
0x15f: {  	v1 =	vld [tilespmem:s0+$0x40];
	_ =	sdelay $0x1  }
0x160: {  	v2 =	vld [tilespmem:s0+$0x4E60];
	_ =	sdelay $0x2  }
0x161: {  	v1 =	vmul.u32 $0x2710, v1;
	_ =	sdelay $0x1  }
0x162: {  	v1 =	vadd.s32 v2, v1  }
0x163: {  	[tilespmem:$0xEAA0] =	vst v1  }
0x164: {  	v1 =	vld [tilespmem:s0+$0x50];
	_ =	sdelay $0x1  }
0x165: {  	v2 =	vld [tilespmem:s0+$0x4E70];
	_ =	sdelay $0x2  }
0x166: {  	v1 =	vmul.u32 $0x2710, v1;
	_ =	sdelay $0x1  }
0x167: {  	v1 =	vadd.s32 v2, v1  }
0x168: {  	[tilespmem:$0xEAB0] =	vst v1  }
0x169: {  	v1 =	vld [tilespmem:s0+$0x60];
	_ =	sdelay $0x1  }
0x16a: {  	v2 =	vld [tilespmem:s0+$0x4E80];
	_ =	sdelay $0x2  }
0x16b: {  	v1 =	vmul.u32 $0x2710, v1;
	_ =	sdelay $0x1  }
0x16c: {  	v1 =	vadd.s32 v2, v1  }
0x16d: {  	[tilespmem:$0xEAC0] =	vst v1  }
0x16e: {  	v1 =	vld [tilespmem:s0+$0x70];
	_ =	sdelay $0x1  }
0x16f: {  	v2 =	vld [tilespmem:s0+$0x4E90];
	_ =	sdelay $0x2  }
0x170: {  	v1 =	vmul.u32 $0x2710, v1;
	_ =	sdelay $0x1  }
0x171: {  	v1 =	vadd.s32 v2, v1  }
0x172: {  	[tilespmem:$0xEAD0] =	vst v1  }
0x173: {  	v1 =	vld [tilespmem:s0+$0x80];
	_ =	sdelay $0x1  }
0x174: {  	v2 =	vld [tilespmem:s0+$0x4EA0];
	_ =	sdelay $0x2  }
0x175: {  	v1 =	vmul.u32 $0x2710, v1;
	_ =	sdelay $0x1  }
0x176: {  	v1 =	vadd.s32 v2, v1  }
0x177: {  	[tilespmem:$0xEAE0] =	vst v1  }
0x178: {  	v1 =	vld [tilespmem:s0+$0x90];
	_ =	sdelay $0x1  }
0x179: {  	v2 =	vld [tilespmem:s0+$0x4EB0];
	_ =	sdelay $0x2  }
0x17a: {  	v1 =	vmul.u32 $0x2710, v1;
	_ =	sdelay $0x1  }
0x17b: {  	v1 =	vadd.s32 v2, v1  }
0x17c: {  	s3 =	sadd.s32 $0x9C40, s0;
	[tilespmem:$0xEAF0] =	vst v1  }
0x17d: {  	[hbm4b:s1+s25] =	stream.indirect.scatter [tilespmem:s3], [sflag:$0x1], $0x1, s26, s25, $0xb8;
	[tilespmem:$0x14D48] =	vst v63  }
0x17e: {  	v1 =	vld [tilespmem:s0+$0xA0];
	_ =	sdelay $0x1  }
0x17f: {  	v2 =	vld [tilespmem:s0+$0x4EC0];
	_ =	sdelay $0x2  }
0x180: {  	v1 =	vmul.u32 $0x2710, v1;
	_ =	sdelay $0x1  }
0x181: {  	v1 =	vadd.s32 v2, v1  }
0x182: {  	[tilespmem:$0xEB00] =	vst v1  }
0x183: {  	v1 =	vld [tilespmem:s0+$0xB0];
	_ =	sdelay $0x1  }
0x184: {  	v2 =	vld [tilespmem:s0+$0x4ED0];
	_ =	sdelay $0x2  }
0x185: {  	v1 =	vmul.u32 $0x2710, v1;
	_ =	sdelay $0x1  }
0x186: {  	v1 =	vadd.s32 v2, v1  }
0x187: {  	[tilespmem:$0xEB10] =	vst v1  }
0x188: {  	v1 =	vld [tilespmem:s0+$0xC0];
	_ =	sdelay $0x1  }
0x189: {  	v2 =	vld [tilespmem:s0+$0x4EE0];
	_ =	sdelay $0x2  }
0x18a: {  	v1 =	vmul.u32 $0x2710, v1;
	_ =	sdelay $0x1  }
0x18b: {  	v1 =	vadd.s32 v2, v1  }
0x18c: {  	[tilespmem:$0xEB20] =	vst v1  }
0x18d: {  	v1 =	vld [tilespmem:s0+$0xD0];
	_ =	sdelay $0x1  }
0x18e: {  	v2 =	vld [tilespmem:s0+$0x4EF0];
	_ =	sdelay $0x2  }
0x18f: {  	v1 =	vmul.u32 $0x2710, v1;
	_ =	sdelay $0x1  }
0x190: {  	v1 =	vadd.s32 v2, v1  }
0x191: {  	[tilespmem:$0xEB30] =	vst v1  }
0x192: {  	v1 =	vld [tilespmem:s0+$0xE0];
	_ =	sdelay $0x1  }
0x193: {  	v2 =	vld [tilespmem:s0+$0x4F00];
	_ =	sdelay $0x2  }
0x194: {  	v1 =	vmul.u32 $0x2710, v1;
	_ =	sdelay $0x1  }
0x195: {  	v1 =	vadd.s32 v2, v1  }
0x196: {  	[tilespmem:$0xEB40] =	vst v1  }
0x197: {  	v1 =	vld [tilespmem:s0+$0xF0];
	_ =	sdelay $0x1  }
0x198: {  	v2 =	vld [tilespmem:s0+$0x4F10];
	_ =	sdelay $0x2  }
0x199: {  	v1 =	vmul.u32 $0x2710, v1;
	_ =	sdelay $0x1  }
0x19a: {  	v1 =	vadd.s32 v2, v1  }
0x19b: {  	[tilespmem:$0xEB50] =	vst v1  }
0x19c: {  	v1 =	vld [tilespmem:s0+$0x100];
	_ =	sdelay $0x1  }
0x19d: {  	v2 =	vld [tilespmem:s0+$0x4F20];
	_ =	sdelay $0x2  }
0x19e: {  	v1 =	vmul.u32 $0x2710, v1;
	_ =	sdelay $0x1  }
0x19f: {  	v1 =	vadd.s32 v2, v1  }
0x1a0: {  	[tilespmem:$0xEB60] =	vst v1  }
0x1a1: {  	v1 =	vld [tilespmem:s0+$0x110];
	_ =	sdelay $0x1  }
0x1a2: {  	v2 =	vld [tilespmem:s0+$0x4F30];
	_ =	sdelay $0x2  }
0x1a3: {  	v1 =	vmul.u32 $0x2710, v1;
	_ =	sdelay $0x1  }
0x1a4: {  	v1 =	vadd.s32 v2, v1  }
0x1a5: {  	[tilespmem:$0xEB70] =	vst v1  }
0x1a6: {  	v1 =	vld [tilespmem:s0+$0x120];
	_ =	sdelay $0x1  }
0x1a7: {  	v2 =	vld [tilespmem:s0+$0x4F40];
	_ =	sdelay $0x2  }
0x1a8: {  	v1 =	vmul.u32 $0x2710, v1;
	_ =	sdelay $0x1  }
0x1a9: {  	v1 =	vadd.s32 v2, v1  }
0x1aa: {  	[tilespmem:$0xEB80] =	vst v1  }
0x1ab: {  	v1 =	vld [tilespmem:s0+$0x130];
	_ =	sdelay $0x1  }
0x1ac: {  	v2 =	vld [tilespmem:s0+$0x4F50];
	_ =	sdelay $0x2  }
0x1ad: {  	v1 =	vmul.u32 $0x2710, v1;
	_ =	sdelay $0x1  }
0x1ae: {  	v1 =	vadd.s32 v2, v1  }
0x1af: {  	s0 =	sadd.s32 $0x9CE0, s0;
	[tilespmem:$0xEB90] =	vst v1  }
0x1b0: {  	[hbm4b:s1+s25] =	stream.indirect.scatter [tilespmem:s0], [sflag:$0x2], $0x1, s28, s25, $0xb8;
	[tilespmem:$0x14D48] =	vst v63  }
0x1b1: {  	_ =	swait.ge [sflag:s17], $0xA0  }
0x1b2: {  	[sflag:s17] =	ssyncset.done $0x0  }
0x1b3: {  	[sflag:s17] =	ssyncadd.s32 $0xFFFFFF60  }
0x1b4: {  	_ =	swait.ge [sflag:s18], $0xA0  }
0x1b5: {  	[sflag:s18] =	ssyncset.done $0x0  }
0x1b6: {  	s4 =	simm.s32 $0x0;
	[sflag:s18] =	ssyncadd.s32 $0xFFFFFF60  }
0x1b7: {  	[tilespmem:s4], [sflag:$0x6] =	stream.linear.gather [hbm4b:s7+s4], $0x4E20, $0x38;
	[tilespmem:$0x14D48] =	vst v63  }
0x1b8: {  	_ =	swait.ge [sflag:s22], $0x4E20  }
0x1b9: {  	[sflag:s22] =	ssyncset.done $0x0  }
0x1ba: {  	[sflag:s22] =	ssyncadd.s32 $0xFFFFB1E0  }
0x1bb: {  	[tilespmem:s23], [sflag:$0x6] =	stream.linear.gather [hbm4b:s8+s4], $0x4E20, $0x38;
	[tilespmem:$0x14D48] =	vst v63  }
0x1bc: {  	_ =	swait.ge [sflag:s22], $0x4E20  }
0x1bd: {  	[sflag:s22] =	ssyncset.done $0x0  }
0x1be: {  	[sflag:s22] =	ssyncadd.s32 $0xFFFFB1E0  }
0x1bf: {  	[tilespmem:s24], [sflag:$0x6] =	stream.linear.gather [hbm4b:s9+s4], $0x4E20, $0x38;
	[tilespmem:$0x14D48] =	vst v63  }
0x1c0: {  	_ =	swait.ge [sflag:s22], $0x4E20  }
0x1c1: {  	[sflag:s22] =	ssyncset.done $0x0  }
0x1c2: {  	s31 =	simm.s32 $0x0;
	[sflag:s22] =	ssyncadd.s32 $0xFFFFB1E0  }
0x1c3: {  	v1 =	vld [tilespmem:s31+$0x0];
	_ =	sdelay $0x1  }
0x1c4: {  	v2 =	vld [tilespmem:s31+$0x4E20];
	_ =	sdelay $0x2  }
0x1c5: {  	v1 =	vmul.u32 $0x2710, v1;
	_ =	sdelay $0x1  }
0x1c6: {  	v1 =	vadd.s32 v2, v1  }
0x1c7: {  	[tilespmem:$0xEA60] =	vst v1  }
0x1c8: {  	v1 =	vld [tilespmem:s31+$0x10];
	_ =	sdelay $0x1  }
0x1c9: {  	v2 =	vld [tilespmem:s31+$0x4E30];
	_ =	sdelay $0x2  }
0x1ca: {  	v1 =	vmul.u32 $0x2710, v1;
	_ =	sdelay $0x1  }
0x1cb: {  	v1 =	vadd.s32 v2, v1  }
0x1cc: {  	[tilespmem:$0xEA70] =	vst v1  }
0x1cd: {  	v1 =	vld [tilespmem:s31+$0x20];
	_ =	sdelay $0x1  }
0x1ce: {  	v2 =	vld [tilespmem:s31+$0x4E40];
	_ =	sdelay $0x2  }
0x1cf: {  	v1 =	vmul.u32 $0x2710, v1;
	_ =	sdelay $0x1  }
0x1d0: {  	v1 =	vadd.s32 v2, v1  }
0x1d1: {  	[tilespmem:$0xEA80] =	vst v1  }
0x1d2: {  	v1 =	vld [tilespmem:s31+$0x30];
	_ =	sdelay $0x1  }
0x1d3: {  	v2 =	vld [tilespmem:s31+$0x4E50];
	_ =	sdelay $0x2  }
0x1d4: {  	v1 =	vmul.u32 $0x2710, v1;
	_ =	sdelay $0x1  }
0x1d5: {  	v1 =	vadd.s32 v2, v1  }
0x1d6: {  	[tilespmem:$0xEA90] =	vst v1  }
0x1d7: {  	v1 =	vld [tilespmem:s31+$0x40];
	_ =	sdelay $0x1  }
0x1d8: {  	v2 =	vld [tilespmem:s31+$0x4E60];
	_ =	sdelay $0x2  }
0x1d9: {  	v1 =	vmul.u32 $0x2710, v1;
	_ =	sdelay $0x1  }
0x1da: {  	v1 =	vadd.s32 v2, v1  }
0x1db: {  	[tilespmem:$0xEAA0] =	vst v1  }
0x1dc: {  	v1 =	vld [tilespmem:s31+$0x50];
	_ =	sdelay $0x1  }
0x1dd: {  	v2 =	vld [tilespmem:s31+$0x4E70];
	_ =	sdelay $0x2  }
0x1de: {  	v1 =	vmul.u32 $0x2710, v1;
	_ =	sdelay $0x1  }
0x1df: {  	v1 =	vadd.s32 v2, v1  }
0x1e0: {  	[tilespmem:$0xEAB0] =	vst v1  }
0x1e1: {  	v1 =	vld [tilespmem:s31+$0x60];
	_ =	sdelay $0x1  }
0x1e2: {  	v2 =	vld [tilespmem:s31+$0x4E80];
	_ =	sdelay $0x2  }
0x1e3: {  	v1 =	vmul.u32 $0x2710, v1;
	_ =	sdelay $0x1  }
0x1e4: {  	v1 =	vadd.s32 v2, v1  }
0x1e5: {  	[tilespmem:$0xEAC0] =	vst v1  }
0x1e6: {  	v1 =	vld [tilespmem:s31+$0x70];
	_ =	sdelay $0x1  }
0x1e7: {  	v2 =	vld [tilespmem:s31+$0x4E90];
	_ =	sdelay $0x2  }
0x1e8: {  	v1 =	vmul.u32 $0x2710, v1;
	_ =	sdelay $0x1  }
0x1e9: {  	v1 =	vadd.s32 v2, v1  }
0x1ea: {  	[tilespmem:$0xEAD0] =	vst v1  }
0x1eb: {  	v1 =	vld [tilespmem:s31+$0x80];
	_ =	sdelay $0x1  }
0x1ec: {  	v2 =	vld [tilespmem:s31+$0x4EA0];
	_ =	sdelay $0x2  }
0x1ed: {  	v1 =	vmul.u32 $0x2710, v1;
	_ =	sdelay $0x1  }
0x1ee: {  	v1 =	vadd.s32 v2, v1  }
0x1ef: {  	[tilespmem:$0xEAE0] =	vst v1  }
0x1f0: {  	v1 =	vld [tilespmem:s31+$0x90];
	_ =	sdelay $0x1  }
0x1f1: {  	v2 =	vld [tilespmem:s31+$0x4EB0];
	_ =	sdelay $0x2  }
0x1f2: {  	v1 =	vmul.u32 $0x2710, v1;
	_ =	sdelay $0x1  }
0x1f3: {  	v1 =	vadd.s32 v2, v1  }
0x1f4: {  	s4 =	simm.s32 $0x9C40;
	[tilespmem:$0xEAF0] =	vst v1  }
0x1f5: {  	[hbm4b:s1+s25] =	stream.indirect.scatter [tilespmem:s4], [sflag:$0x1], $0x1, s26, s25, $0xb8;
	[tilespmem:$0x14D48] =	vst v63  }
0x1f6: {  	v1 =	vld [tilespmem:s31+$0xA0];
	_ =	sdelay $0x1  }
0x1f7: {  	v2 =	vld [tilespmem:s31+$0x4EC0];
	_ =	sdelay $0x2  }
0x1f8: {  	v1 =	vmul.u32 $0x2710, v1;
	_ =	sdelay $0x1  }
0x1f9: {  	v1 =	vadd.s32 v2, v1  }
0x1fa: {  	[tilespmem:$0xEB00] =	vst v1  }
0x1fb: {  	v1 =	vld [tilespmem:s31+$0xB0];
	_ =	sdelay $0x1  }
0x1fc: {  	v2 =	vld [tilespmem:s31+$0x4ED0];
	_ =	sdelay $0x2  }
0x1fd: {  	v1 =	vmul.u32 $0x2710, v1;
	_ =	sdelay $0x1  }
0x1fe: {  	v1 =	vadd.s32 v2, v1  }
0x1ff: {  	[tilespmem:$0xEB10] =	vst v1  }
0x200: {  	v1 =	vld [tilespmem:s31+$0xC0];
	_ =	sdelay $0x1  }
0x201: {  	v2 =	vld [tilespmem:s31+$0x4EE0];
	_ =	sdelay $0x2  }
0x202: {  	v1 =	vmul.u32 $0x2710, v1;
	_ =	sdelay $0x1  }
0x203: {  	v1 =	vadd.s32 v2, v1  }
0x204: {  	[tilespmem:$0xEB20] =	vst v1  }
0x205: {  	v1 =	vld [tilespmem:s31+$0xD0];
	_ =	sdelay $0x1  }
0x206: {  	v2 =	vld [tilespmem:s31+$0x4EF0];
	_ =	sdelay $0x2  }
0x207: {  	v1 =	vmul.u32 $0x2710, v1;
	_ =	sdelay $0x1  }
0x208: {  	v1 =	vadd.s32 v2, v1  }
0x209: {  	[tilespmem:$0xEB30] =	vst v1  }
0x20a: {  	v1 =	vld [tilespmem:s31+$0xE0];
	_ =	sdelay $0x1  }
0x20b: {  	v2 =	vld [tilespmem:s31+$0x4F00];
	_ =	sdelay $0x2  }
0x20c: {  	v1 =	vmul.u32 $0x2710, v1;
	_ =	sdelay $0x1  }
0x20d: {  	v1 =	vadd.s32 v2, v1  }
0x20e: {  	[tilespmem:$0xEB40] =	vst v1  }
0x20f: {  	v1 =	vld [tilespmem:s31+$0xF0];
	_ =	sdelay $0x1  }
0x210: {  	v2 =	vld [tilespmem:s31+$0x4F10];
	_ =	sdelay $0x2  }
0x211: {  	v1 =	vmul.u32 $0x2710, v1;
	_ =	sdelay $0x1  }
0x212: {  	v1 =	vadd.s32 v2, v1  }
0x213: {  	[tilespmem:$0xEB50] =	vst v1  }
0x214: {  	v1 =	vld [tilespmem:s31+$0x100];
	_ =	sdelay $0x1  }
0x215: {  	v2 =	vld [tilespmem:s31+$0x4F20];
	_ =	sdelay $0x2  }
0x216: {  	v1 =	vmul.u32 $0x2710, v1;
	_ =	sdelay $0x1  }
0x217: {  	v1 =	vadd.s32 v2, v1  }
0x218: {  	[tilespmem:$0xEB60] =	vst v1  }
0x219: {  	v1 =	vld [tilespmem:s31+$0x110];
	_ =	sdelay $0x1  }
0x21a: {  	v2 =	vld [tilespmem:s31+$0x4F30];
	_ =	sdelay $0x2  }
0x21b: {  	v1 =	vmul.u32 $0x2710, v1;
	_ =	sdelay $0x1  }
0x21c: {  	v1 =	vadd.s32 v2, v1  }
0x21d: {  	[tilespmem:$0xEB70] =	vst v1  }
0x21e: {  	v1 =	vld [tilespmem:s31+$0x120];
	_ =	sdelay $0x1  }
0x21f: {  	v2 =	vld [tilespmem:s31+$0x4F40];
	_ =	sdelay $0x2  }
0x220: {  	v1 =	vmul.u32 $0x2710, v1;
	_ =	sdelay $0x1  }
0x221: {  	v1 =	vadd.s32 v2, v1  }
0x222: {  	[tilespmem:$0xEB80] =	vst v1  }
0x223: {  	v1 =	vld [tilespmem:s31+$0x130];
	_ =	sdelay $0x1  }
0x224: {  	v2 =	vld [tilespmem:s31+$0x4F50];
	_ =	sdelay $0x2  }
0x225: {  	v1 =	vmul.u32 $0x2710, v1;
	_ =	sdelay $0x1  }
0x226: {  	v1 =	vadd.s32 v2, v1  }
0x227: {  	s31 =	simm.s32 $0x9CE0;
	[tilespmem:$0xEB90] =	vst v1  }
0x228: {  	[hbm4b:s1+s25] =	stream.indirect.scatter [tilespmem:s31], [sflag:$0x2], $0x1, s28, s25, $0xb8;
	[tilespmem:$0x14D48] =	vst v63  }
0x229: {  	_ =	swait.ge [sflag:s17], $0xA0  }
0x22a: {  	[sflag:s17] =	ssyncset.done $0x0  }
0x22b: {  	[sflag:s17] =	ssyncadd.s32 $0xFFFFFF60  }
0x22c: {  	_ =	swait.ge [sflag:s18], $0xA0  }
0x22d: {  	s30 =	simm.s32 $0x500;
	s3 =	simm.s32 $0xA00;
	[sflag:s18] =	ssyncset.done $0x0  }
.LBB2_8:
0x22e: {  	s0 =	sshra.s32 s30, $0x2  }
0x22f: {  	[sflag:s18] =	ssyncadd.s32 $0xFFFFFF60;
	s30 =	smov.u32 s3;
	s31 =	sadd.s32 $0x500, s3  }
0x230: {  	p0 =	sne.s32 s3, $0x13100;
	v1 =	vld [tilespmem:s0+$0x0];
	_ =	sdelay $0x1  }
0x231: {  	v2 =	vld [tilespmem:s0+$0x4E20];
	_ =	sdelay $0x2  }
0x232: {  	v1 =	vmul.u32 $0x2710, v1;
	_ =	sdelay $0x1  }
0x233: {  	v1 =	vadd.s32 v2, v1  }
0x234: {  	[tilespmem:$0xEA60] =	vst v1  }
0x235: {  	v1 =	vld [tilespmem:s0+$0x10];
	_ =	sdelay $0x1  }
0x236: {  	v2 =	vld [tilespmem:s0+$0x4E30];
	_ =	sdelay $0x2  }
0x237: {  	v1 =	vmul.u32 $0x2710, v1;
	_ =	sdelay $0x1  }
0x238: {  	v1 =	vadd.s32 v2, v1  }
0x239: {  	[tilespmem:$0xEA70] =	vst v1  }
0x23a: {  	v1 =	vld [tilespmem:s0+$0x20];
	_ =	sdelay $0x1  }
0x23b: {  	v2 =	vld [tilespmem:s0+$0x4E40];
	_ =	sdelay $0x2  }
0x23c: {  	v1 =	vmul.u32 $0x2710, v1;
	_ =	sdelay $0x1  }
0x23d: {  	v1 =	vadd.s32 v2, v1  }
0x23e: {  	[tilespmem:$0xEA80] =	vst v1  }
0x23f: {  	v1 =	vld [tilespmem:s0+$0x30];
	_ =	sdelay $0x1  }
0x240: {  	v2 =	vld [tilespmem:s0+$0x4E50];
	_ =	sdelay $0x2  }
0x241: {  	v1 =	vmul.u32 $0x2710, v1;
	_ =	sdelay $0x1  }
0x242: {  	v1 =	vadd.s32 v2, v1  }
0x243: {  	[tilespmem:$0xEA90] =	vst v1  }
0x244: {  	v1 =	vld [tilespmem:s0+$0x40];
	_ =	sdelay $0x1  }
0x245: {  	v2 =	vld [tilespmem:s0+$0x4E60];
	_ =	sdelay $0x2  }
0x246: {  	v1 =	vmul.u32 $0x2710, v1;
	_ =	sdelay $0x1  }
0x247: {  	v1 =	vadd.s32 v2, v1  }
0x248: {  	[tilespmem:$0xEAA0] =	vst v1  }
0x249: {  	v1 =	vld [tilespmem:s0+$0x50];
	_ =	sdelay $0x1  }
0x24a: {  	v2 =	vld [tilespmem:s0+$0x4E70];
	_ =	sdelay $0x2  }
0x24b: {  	v1 =	vmul.u32 $0x2710, v1;
	_ =	sdelay $0x1  }
0x24c: {  	v1 =	vadd.s32 v2, v1  }
0x24d: {  	[tilespmem:$0xEAB0] =	vst v1  }
0x24e: {  	v1 =	vld [tilespmem:s0+$0x60];
	_ =	sdelay $0x1  }
0x24f: {  	v2 =	vld [tilespmem:s0+$0x4E80];
	_ =	sdelay $0x2  }
0x250: {  	v1 =	vmul.u32 $0x2710, v1;
	_ =	sdelay $0x1  }
0x251: {  	v1 =	vadd.s32 v2, v1  }
0x252: {  	[tilespmem:$0xEAC0] =	vst v1  }
0x253: {  	v1 =	vld [tilespmem:s0+$0x70];
	_ =	sdelay $0x1  }
0x254: {  	v2 =	vld [tilespmem:s0+$0x4E90];
	_ =	sdelay $0x2  }
0x255: {  	v1 =	vmul.u32 $0x2710, v1;
	_ =	sdelay $0x1  }
0x256: {  	v1 =	vadd.s32 v2, v1  }
0x257: {  	[tilespmem:$0xEAD0] =	vst v1  }
0x258: {  	v1 =	vld [tilespmem:s0+$0x80];
	_ =	sdelay $0x1  }
0x259: {  	v2 =	vld [tilespmem:s0+$0x4EA0];
	_ =	sdelay $0x2  }
0x25a: {  	v1 =	vmul.u32 $0x2710, v1;
	_ =	sdelay $0x1  }
0x25b: {  	v1 =	vadd.s32 v2, v1  }
0x25c: {  	[tilespmem:$0xEAE0] =	vst v1  }
0x25d: {  	v1 =	vld [tilespmem:s0+$0x90];
	_ =	sdelay $0x1  }
0x25e: {  	v2 =	vld [tilespmem:s0+$0x4EB0];
	_ =	sdelay $0x2  }
0x25f: {  	v1 =	vmul.u32 $0x2710, v1;
	_ =	sdelay $0x1  }
0x260: {  	v1 =	vadd.s32 v2, v1  }
0x261: {  	s3 =	sadd.s32 $0x9C40, s0;
	[tilespmem:$0xEAF0] =	vst v1  }
0x262: {  	[hbm4b:s1+s25] =	stream.indirect.scatter [tilespmem:s3], [sflag:$0x1], $0x1, s26, s25, $0xb8;
	[tilespmem:$0x14D48] =	vst v63  }
0x263: {  	v1 =	vld [tilespmem:s0+$0xA0];
	_ =	sdelay $0x1  }
0x264: {  	v2 =	vld [tilespmem:s0+$0x4EC0];
	_ =	sdelay $0x2  }
0x265: {  	v1 =	vmul.u32 $0x2710, v1;
	_ =	sdelay $0x1  }
0x266: {  	v1 =	vadd.s32 v2, v1  }
0x267: {  	[tilespmem:$0xEB00] =	vst v1  }
0x268: {  	v1 =	vld [tilespmem:s0+$0xB0]  }
0x269: {  	v2 =	vld [tilespmem:s0+$0x4ED0];
	_ =	sdelay $0x3  }
0x26a: {  	v1 =	vmul.u32 $0x2710, v1;
	_ =	sdelay $0x1  }
0x26b: {  	v1 =	vadd.s32 v2, v1  }
0x26c: {  	[tilespmem:$0xEB10] =	vst v1  }
0x26d: {  	v1 =	vld [tilespmem:s0+$0xC0]  }
0x26e: {  	v2 =	vld [tilespmem:s0+$0x4EE0];
	_ =	sdelay $0x3  }
0x26f: {  	v1 =	vmul.u32 $0x2710, v1;
	_ =	sdelay $0x1  }
0x270: {  	v1 =	vadd.s32 v2, v1  }
0x271: {  	[tilespmem:$0xEB20] =	vst v1  }
0x272: {  	v1 =	vld [tilespmem:s0+$0xD0]  }
0x273: {  	v2 =	vld [tilespmem:s0+$0x4EF0];
	_ =	sdelay $0x3  }
0x274: {  	v1 =	vmul.u32 $0x2710, v1;
	_ =	sdelay $0x1  }
0x275: {  	v1 =	vadd.s32 v2, v1  }
0x276: {  	[tilespmem:$0xEB30] =	vst v1  }
0x277: {  	v1 =	vld [tilespmem:s0+$0xE0]  }
0x278: {  	v2 =	vld [tilespmem:s0+$0x4F00];
	_ =	sdelay $0x3  }
0x279: {  	v1 =	vmul.u32 $0x2710, v1;
	_ =	sdelay $0x1  }
0x27a: {  	v1 =	vadd.s32 v2, v1  }
0x27b: {  	[tilespmem:$0xEB40] =	vst v1  }
0x27c: {  	v1 =	vld [tilespmem:s0+$0xF0]  }
0x27d: {  	v2 =	vld [tilespmem:s0+$0x4F10];
	_ =	sdelay $0x3  }
0x27e: {  	v1 =	vmul.u32 $0x2710, v1;
	_ =	sdelay $0x1  }
0x27f: {  	v1 =	vadd.s32 v2, v1  }
0x280: {  	[tilespmem:$0xEB50] =	vst v1  }
0x281: {  	v1 =	vld [tilespmem:s0+$0x100]  }
0x282: {  	v2 =	vld [tilespmem:s0+$0x4F20];
	_ =	sdelay $0x3  }
0x283: {  	v1 =	vmul.u32 $0x2710, v1;
	_ =	sdelay $0x1  }
0x284: {  	v1 =	vadd.s32 v2, v1  }
0x285: {  	[tilespmem:$0xEB60] =	vst v1  }
0x286: {  	v1 =	vld [tilespmem:s0+$0x110]  }
0x287: {  	v2 =	vld [tilespmem:s0+$0x4F30];
	_ =	sdelay $0x3  }
0x288: {  	v1 =	vmul.u32 $0x2710, v1;
	_ =	sdelay $0x1  }
0x289: {  	v1 =	vadd.s32 v2, v1  }
0x28a: {  	[tilespmem:$0xEB70] =	vst v1  }
0x28b: {  	v1 =	vld [tilespmem:s0+$0x120]  }
0x28c: {  	v2 =	vld [tilespmem:s0+$0x4F40];
	_ =	sdelay $0x3  }
0x28d: {  	v1 =	vmul.u32 $0x2710, v1;
	_ =	sdelay $0x1  }
0x28e: {  	v1 =	vadd.s32 v2, v1  }
0x28f: {  	[tilespmem:$0xEB80] =	vst v1  }
0x290: {  	v1 =	vld [tilespmem:s0+$0x130]  }
0x291: {  	v2 =	vld [tilespmem:s0+$0x4F50];
	_ =	sdelay $0x3  }
0x292: {  	v1 =	vmul.u32 $0x2710, v1;
	_ =	sdelay $0x1  }
0x293: {  	v1 =	vadd.s32 v2, v1  }
0x294: {  	s0 =	sadd.s32 $0x9CE0, s0;
	[tilespmem:$0xEB90] =	vst v1  }
0x295: {  	[hbm4b:s1+s25] =	stream.indirect.scatter [tilespmem:s0], [sflag:$0x2], $0x1, s28, s25, $0xb8;
	[tilespmem:$0x14D48] =	vst v63  }
.Ltmp3:
0x296: {  	_ =	swait.ge [sflag:s17], $0xA0;
	(pc) =	sbr.rel @p0 .LBB2_8-.Ltmp3, $4  }
0x297: {  	[sflag:s17] =	ssyncset.done $0x0  }
0x298: {  	[sflag:s17] =	ssyncadd.s32 $0xFFFFFF60  }
0x299: {  	_ =	swait.ge [sflag:s18], $0xA0  }
0x29a: {  	s3 =	smov.u32 s31;
	[sflag:s18] =	ssyncset.done $0x0  }
0x29b: {  	s0 =	sshra.s32 s30, $0x2;
	[sflag:s18] =	ssyncadd.s32 $0xFFFFFF60  }
0x29c: {  	v1 =	vld [tilespmem:s0+$0x0];
	_ =	sdelay $0x1  }
0x29d: {  	v2 =	vld [tilespmem:s0+$0x4E20];
	_ =	sdelay $0x2  }
0x29e: {  	v1 =	vmul.u32 $0x2710, v1;
	_ =	sdelay $0x1  }
0x29f: {  	v1 =	vadd.s32 v2, v1  }
0x2a0: {  	[tilespmem:$0xEA60] =	vst v1  }
0x2a1: {  	v1 =	vld [tilespmem:s0+$0x10];
	_ =	sdelay $0x1  }
0x2a2: {  	v2 =	vld [tilespmem:s0+$0x4E30];
	_ =	sdelay $0x2  }
0x2a3: {  	v1 =	vmul.u32 $0x2710, v1;
	_ =	sdelay $0x1  }
0x2a4: {  	v1 =	vadd.s32 v2, v1  }
0x2a5: {  	[tilespmem:$0xEA70] =	vst v1  }
0x2a6: {  	v1 =	vld [tilespmem:s0+$0x20];
	_ =	sdelay $0x1  }
0x2a7: {  	v2 =	vld [tilespmem:s0+$0x4E40];
	_ =	sdelay $0x2  }
0x2a8: {  	v1 =	vmul.u32 $0x2710, v1;
	_ =	sdelay $0x1  }
0x2a9: {  	v1 =	vadd.s32 v2, v1  }
0x2aa: {  	[tilespmem:$0xEA80] =	vst v1  }
0x2ab: {  	v1 =	vld [tilespmem:s0+$0x30];
	_ =	sdelay $0x1  }
0x2ac: {  	v2 =	vld [tilespmem:s0+$0x4E50];
	_ =	sdelay $0x2  }
0x2ad: {  	v1 =	vmul.u32 $0x2710, v1;
	_ =	sdelay $0x1  }
0x2ae: {  	v1 =	vadd.s32 v2, v1  }
0x2af: {  	[tilespmem:$0xEA90] =	vst v1  }
0x2b0: {  	v1 =	vld [tilespmem:s0+$0x40];
	_ =	sdelay $0x1  }
0x2b1: {  	v2 =	vld [tilespmem:s0+$0x4E60];
	_ =	sdelay $0x2  }
0x2b2: {  	v1 =	vmul.u32 $0x2710, v1;
	_ =	sdelay $0x1  }
0x2b3: {  	v1 =	vadd.s32 v2, v1  }
0x2b4: {  	[tilespmem:$0xEAA0] =	vst v1  }
0x2b5: {  	v1 =	vld [tilespmem:s0+$0x50];
	_ =	sdelay $0x1  }
0x2b6: {  	v2 =	vld [tilespmem:s0+$0x4E70];
	_ =	sdelay $0x2  }
0x2b7: {  	v1 =	vmul.u32 $0x2710, v1;
	_ =	sdelay $0x1  }
0x2b8: {  	v1 =	vadd.s32 v2, v1  }
0x2b9: {  	[tilespmem:$0xEAB0] =	vst v1  }
0x2ba: {  	v1 =	vld [tilespmem:s0+$0x60];
	_ =	sdelay $0x1  }
0x2bb: {  	v2 =	vld [tilespmem:s0+$0x4E80];
	_ =	sdelay $0x2  }
0x2bc: {  	v1 =	vmul.u32 $0x2710, v1;
	_ =	sdelay $0x1  }
0x2bd: {  	v1 =	vadd.s32 v2, v1  }
0x2be: {  	[tilespmem:$0xEAC0] =	vst v1  }
0x2bf: {  	v1 =	vld [tilespmem:s0+$0x70];
	_ =	sdelay $0x1  }
0x2c0: {  	v2 =	vld [tilespmem:s0+$0x4E90];
	_ =	sdelay $0x2  }
0x2c1: {  	v1 =	vmul.u32 $0x2710, v1;
	_ =	sdelay $0x1  }
0x2c2: {  	v1 =	vadd.s32 v2, v1  }
0x2c3: {  	[tilespmem:$0xEAD0] =	vst v1  }
0x2c4: {  	v1 =	vld [tilespmem:s0+$0x80];
	_ =	sdelay $0x1  }
0x2c5: {  	v2 =	vld [tilespmem:s0+$0x4EA0];
	_ =	sdelay $0x2  }
0x2c6: {  	v1 =	vmul.u32 $0x2710, v1;
	_ =	sdelay $0x1  }
0x2c7: {  	v1 =	vadd.s32 v2, v1  }
0x2c8: {  	[tilespmem:$0xEAE0] =	vst v1  }
0x2c9: {  	v1 =	vld [tilespmem:s0+$0x90];
	_ =	sdelay $0x1  }
0x2ca: {  	v2 =	vld [tilespmem:s0+$0x4EB0];
	_ =	sdelay $0x2  }
0x2cb: {  	v1 =	vmul.u32 $0x2710, v1;
	_ =	sdelay $0x1  }
0x2cc: {  	v1 =	vadd.s32 v2, v1  }
0x2cd: {  	s3 =	sadd.s32 $0x9C40, s0;
	[tilespmem:$0xEAF0] =	vst v1  }
0x2ce: {  	[hbm4b:s1+s25] =	stream.indirect.scatter [tilespmem:s3], [sflag:$0x1], $0x1, s26, s25, $0xb8;
	[tilespmem:$0x14D48] =	vst v63  }
0x2cf: {  	v1 =	vld [tilespmem:s0+$0xA0];
	_ =	sdelay $0x1  }
0x2d0: {  	v2 =	vld [tilespmem:s0+$0x4EC0];
	_ =	sdelay $0x2  }
0x2d1: {  	v1 =	vmul.u32 $0x2710, v1;
	_ =	sdelay $0x1  }
0x2d2: {  	v1 =	vadd.s32 v2, v1  }
0x2d3: {  	[tilespmem:$0xEB00] =	vst v1  }
0x2d4: {  	v1 =	vld [tilespmem:s0+$0xB0];
	_ =	sdelay $0x1  }
0x2d5: {  	v2 =	vld [tilespmem:s0+$0x4ED0];
	_ =	sdelay $0x2  }
0x2d6: {  	v1 =	vmul.u32 $0x2710, v1;
	_ =	sdelay $0x1  }
0x2d7: {  	v1 =	vadd.s32 v2, v1  }
0x2d8: {  	[tilespmem:$0xEB10] =	vst v1  }
0x2d9: {  	v1 =	vld [tilespmem:s0+$0xC0];
	_ =	sdelay $0x1  }
0x2da: {  	v2 =	vld [tilespmem:s0+$0x4EE0];
	_ =	sdelay $0x2  }
0x2db: {  	v1 =	vmul.u32 $0x2710, v1;
	_ =	sdelay $0x1  }
0x2dc: {  	v1 =	vadd.s32 v2, v1  }
0x2dd: {  	[tilespmem:$0xEB20] =	vst v1  }
0x2de: {  	v1 =	vld [tilespmem:s0+$0xD0];
	_ =	sdelay $0x1  }
0x2df: {  	v2 =	vld [tilespmem:s0+$0x4EF0];
	_ =	sdelay $0x2  }
0x2e0: {  	v1 =	vmul.u32 $0x2710, v1;
	_ =	sdelay $0x1  }
0x2e1: {  	v1 =	vadd.s32 v2, v1  }
0x2e2: {  	[tilespmem:$0xEB30] =	vst v1  }
0x2e3: {  	v1 =	vld [tilespmem:s0+$0xE0];
	_ =	sdelay $0x1  }
0x2e4: {  	v2 =	vld [tilespmem:s0+$0x4F00];
	_ =	sdelay $0x2  }
0x2e5: {  	v1 =	vmul.u32 $0x2710, v1;
	_ =	sdelay $0x1  }
0x2e6: {  	v1 =	vadd.s32 v2, v1  }
0x2e7: {  	[tilespmem:$0xEB40] =	vst v1  }
0x2e8: {  	v1 =	vld [tilespmem:s0+$0xF0];
	_ =	sdelay $0x1  }
0x2e9: {  	v2 =	vld [tilespmem:s0+$0x4F10];
	_ =	sdelay $0x2  }
0x2ea: {  	v1 =	vmul.u32 $0x2710, v1;
	_ =	sdelay $0x1  }
0x2eb: {  	v1 =	vadd.s32 v2, v1  }
0x2ec: {  	[tilespmem:$0xEB50] =	vst v1  }
0x2ed: {  	v1 =	vld [tilespmem:s0+$0x100];
	_ =	sdelay $0x1  }
0x2ee: {  	v2 =	vld [tilespmem:s0+$0x4F20];
	_ =	sdelay $0x2  }
0x2ef: {  	v1 =	vmul.u32 $0x2710, v1;
	_ =	sdelay $0x1  }
0x2f0: {  	v1 =	vadd.s32 v2, v1  }
0x2f1: {  	[tilespmem:$0xEB60] =	vst v1  }
0x2f2: {  	v1 =	vld [tilespmem:s0+$0x110];
	_ =	sdelay $0x1  }
0x2f3: {  	v2 =	vld [tilespmem:s0+$0x4F30];
	_ =	sdelay $0x2  }
0x2f4: {  	v1 =	vmul.u32 $0x2710, v1;
	_ =	sdelay $0x1  }
0x2f5: {  	v1 =	vadd.s32 v2, v1  }
0x2f6: {  	[tilespmem:$0xEB70] =	vst v1  }
0x2f7: {  	v1 =	vld [tilespmem:s0+$0x120];
	_ =	sdelay $0x1  }
0x2f8: {  	v2 =	vld [tilespmem:s0+$0x4F40];
	_ =	sdelay $0x2  }
0x2f9: {  	v1 =	vmul.u32 $0x2710, v1;
	_ =	sdelay $0x1  }
0x2fa: {  	v1 =	vadd.s32 v2, v1  }
0x2fb: {  	[tilespmem:$0xEB80] =	vst v1  }
0x2fc: {  	v1 =	vld [tilespmem:s0+$0x130];
	_ =	sdelay $0x1  }
0x2fd: {  	v2 =	vld [tilespmem:s0+$0x4F50];
	_ =	sdelay $0x2  }
0x2fe: {  	v1 =	vmul.u32 $0x2710, v1;
	_ =	sdelay $0x1  }
0x2ff: {  	v1 =	vadd.s32 v2, v1  }
0x300: {  	s29 =	sadd.s32 $0x1, s29;
	s0 =	sadd.s32 $0x9CE0, s0;
	[tilespmem:$0xEB90] =	vst v1  }
0x301: {  	[hbm4b:s1+s25] =	stream.indirect.scatter [tilespmem:s0], [sflag:$0x2], $0x1, s28, s25, $0xb8;
	[tilespmem:$0x14D48] =	vst v63  }
0x302: {  	p0 =	sne.s32 s29, s10;
	_ =	swait.ge [sflag:s17], $0xA0  }
.Ltmp4:
0x303: {  	[sflag:s17] =	ssyncset.done $0x0;
	(pc) =	sbr.rel @p0 .LBB2_1-.Ltmp4, $4  }
0x304: {  	[sflag:s17] =	ssyncadd.s32 $0xFFFFFF60  }
0x305: {  	_ =	swait.ge [sflag:s18], $0xA0  }
0x306: {  	[sflag:s18] =	ssyncset.done $0x0  }
0x307: {  	[sflag:s18] =	ssyncadd.s32 $0xFFFFFF60  }
0x308: {  	_ =	sfence.sel $0x180000  }
0x309: {  	[bflag:$0x0] =	sbarrier.arrive $0xFFFF  }
0x30a: {  	_ =	strace $0x90000056  }
0x30b: {  	s0 =	stileid.u32;
	[bflag:$0x2] =	sbarrier.arrive $0xFFFF  }
0x30c: {  	p0 =	sne.s32 s0, $0x0;
	s0 =	rddreg [dreg:$0x2]  }
0x30d: {  	s0 =	sadd.s32 @!p0 $0x100000, s0  }
0x30e: {  	[sflag:s0] =	ssyncadd.tile.s32 @!p0 $0x1;
	_ =	shalt  }
.Lfunc_end2:
_tile_overlayer_lowered:
.L_overlay_start_2:
0x30f: {  	(tag) =	ssettag $0x2  }
0x310: {  	s0 =	rddreg [dreg:$0x0];
	s2 =	stileid.u32  }
0x311: {  	s1 =	rddreg [dreg:$0x1];
	p0 =	sne.s32 s2, $0x0  }
0x312: {  	s3 =	rddreg [dreg:$0x2];
	[bflag:$0x3] =	sbarrier.arrive $0xFFFF;
	s2 =	simm.s32 @!p0 $0x1C06  }
0x313: {  	[timem:s3], [sflag:s2] =	dma.local @!p0 [hbm:s0], s1  }
0x314: {  	s0 =	simm.s32 @!p0 $0x6  }
0x315: {  	_ =	swait.ge @!p0 [sflag:s0], s1  }
0x316: {  	s1 =	ssub.s32 @!p0 $0x0, s1;
	[sflag:s0] =	ssyncset.done @!p0 $0x0  }
0x317: {  	[sflag:s0] =	ssyncadd.s32 @!p0 s1  }
0x318: {  	[bflag:$0x3] =	sbarrier.arrive $0xFFFF  }
0x319: {  	_ =	shalt  }

</sc_bundles>
